<compile_context>
chip_gen: v7x
topology: tpu7x:2x2x1
jax: 0.10.2.dev20260603
libtpu: 0.0.44.dev20260713+nightly
codegen_flags: <defaults>
</compile_context>

<pallas_src>
import jax
import jax.numpy as jnp
from jax import lax
from jax.experimental import pallas as pl
from jax.experimental.pallas import tpu as pltpu
from jax.experimental.pallas import tpu_sc as plsc

N = 10000
D = 128
G = 256
NC, NS = 2, 16
NW = NC * NS
K = 128
NPAD = 10112
RPT = NPAD // NS
ZCH = (RPT - 1) // K + 1
BM = 1000
GRID = N // BM

_MESH = dict(core_axis_name="c", subcore_axis_name="s", num_cores=NC,
             num_subcores=NS)



def _agg_body(y_hbm, src_hbm, dst_hbm, zrows_hbm, outp_hbm, sidx_v, didx_v,
              rows_v, acc_sh, sem):
    c = lax.axis_index("c")
    s = lax.axis_index("s")
    wid = c * NS + s
    r0 = s * RPT
    cpw = src_hbm.shape[1]
    pltpu.sync_copy(zrows_hbm, rows_v)
    for t in range(ZCH):
        n = min(K, RPT - t * K)
        pltpu.sync_copy(rows_v.at[pl.ds(0, n)],
                        acc_sh.at[pl.ds(r0 + t * K, n)])
    plsc.subcore_barrier()

    def step(j, carry):
        pltpu.sync_copy(src_hbm.at[wid, j], sidx_v)
        gather = pltpu.async_copy(y_hbm.at[sidx_v], rows_v, sem)
        pltpu.sync_copy(dst_hbm.at[wid, j], didx_v)
        gather.wait()
        pltpu.sync_copy(rows_v, acc_sh.at[didx_v], add=True)
        return carry

    lax.fori_loop(0, cpw, step, 0)
    plsc.subcore_barrier()
    for t in range(ZCH):
        n = min(K, RPT - t * K)
        pltpu.sync_copy(acc_sh.at[pl.ds(r0 + t * K, n)],
                        rows_v.at[pl.ds(0, n)])
        pltpu.sync_copy(rows_v.at[pl.ds(0, n)],
                        outp_hbm.at[c, pl.ds(r0 + t * K, n)])


def _make_agg(cpw):
    return pl.kernel(
        _agg_body,
        out_type=jax.ShapeDtypeStruct((NC, NPAD, D), jnp.float32),
        mesh=plsc.VectorSubcoreMesh(**_MESH),
        scratch_types=[
            pltpu.VMEM((K,), jnp.int32),
            pltpu.VMEM((K,), jnp.int32),
            pltpu.VMEM((K, D), jnp.float32),
            pltpu.VMEM_SHARED((NPAD, D), jnp.float32),
            pltpu.SemaphoreType.DMA,
        ],
    )



def _dinv(degp_ref):
    dg = degp_ref[0, :, 0:1] + degp_ref[1, :, 0:1] + 1.0
    return lax.rsqrt(dg)


def _mm1_body(x_ref, w_ref, degp_ref, y_ref):
    y_ref[...] = _dinv(degp_ref) * jnp.dot(
        x_ref[...], w_ref[...], preferred_element_type=jnp.float32)


def _ep_body(accp_ref, yprev_ref, b_ref, degp_ref, w_ref, ynext_ref):
    dinv = _dinv(degp_ref)
    s = accp_ref[0] + accp_ref[1]
    h = jnp.maximum(dinv * (s + yprev_ref[...]) + b_ref[...], 0.0)
    ynext_ref[...] = dinv * jnp.dot(
        h, w_ref[...], preferred_element_type=jnp.float32)


def _pool_body(accp_ref, y_ref, b_ref, degp_ref, batch_ref, out_ref, sums,
               cnts):
    i = pl.program_id(0)
    dinv = _dinv(degp_ref)
    s = accp_ref[0] + accp_ref[1]
    h = jnp.maximum(dinv * (s + y_ref[...]) + b_ref[...], 0.0)
    bvec = batch_ref[0]
    gid = lax.broadcasted_iota(jnp.int32, (G, BM), 0)
    oh = (bvec == gid).astype(jnp.float32)

    @pl.when(i == 0)
    def _():
        sums[...] = jnp.zeros_like(sums)
        cnts[...] = jnp.zeros_like(cnts)

    sums[...] += jnp.dot(oh, h, preferred_element_type=jnp.float32)
    cnts[...] = cnts[...] + jnp.sum(oh, axis=1, keepdims=True)

    @pl.when(i == GRID - 1)
    def _():
        out_ref[...] = sums[...] / jnp.maximum(cnts[...], 1.0)


_spec_rows = pl.BlockSpec((BM, D), lambda i: (i, 0))
_spec_w = pl.BlockSpec((D, D), lambda i: (0, 0))
_spec_b = pl.BlockSpec((1, D), lambda i: (0, 0))
_spec_degp = pl.BlockSpec((NC, BM, D), lambda i: (0, i, 0))
_spec_accp = pl.BlockSpec((NC, BM, D), lambda i: (0, i, 0))

_mm1 = pl.pallas_call(
    _mm1_body,
    grid=(GRID,),
    in_specs=[_spec_rows, _spec_w, _spec_degp],
    out_specs=_spec_rows,
    out_shape=jax.ShapeDtypeStruct((N, D), jnp.float32),
)

_ep = pl.pallas_call(
    _ep_body,
    grid=(GRID,),
    in_specs=[_spec_accp, _spec_rows, _spec_b, _spec_degp, _spec_w],
    out_specs=_spec_rows,
    out_shape=jax.ShapeDtypeStruct((N, D), jnp.float32),
)

_pool = pl.pallas_call(
    _pool_body,
    grid=(GRID,),
    in_specs=[_spec_accp, _spec_rows, _spec_b, _spec_degp,
              pl.BlockSpec((1, 1, BM), lambda i: (i, 0, 0))],
    out_specs=pl.BlockSpec((G, D), lambda i: (0, 0)),
    out_shape=jax.ShapeDtypeStruct((G, D), jnp.float32),
    scratch_shapes=[pltpu.VMEM((G, D), jnp.float32),
                    pltpu.VMEM((G, D), jnp.float32)],
)



def kernel(x, edge_index, batch, W1, b1, W2, b2, W3, b3, W4, b4):
    src = edge_index[0].astype(jnp.int32)
    dst = edge_index[1].astype(jnp.int32)
    e = src.shape[0]
    cpw = -(-e // (NW * K))
    epad = NW * K * cpw
    src3 = jnp.pad(src, (0, epad - e)).reshape(NW, cpw, K)
    dst3 = jnp.pad(dst, (0, epad - e),
                   constant_values=N).reshape(NW, cpw, K)
    ones_tbl = jnp.ones((NPAD, D), jnp.float32)
    zrows = jnp.zeros((K, D), jnp.float32)
    batch3 = batch.astype(jnp.int32).reshape(GRID, 1, BM)

    agg_k = _make_agg(cpw)

    degp = agg_k(ones_tbl, dst3, dst3, zrows)
    b1r, b2r, b3r, b4r = (b.reshape(1, D) for b in (b1, b2, b3, b4))

    y = _mm1(x, W1, degp)
    accp = agg_k(y, src3, dst3, zrows)
    y = _ep(accp, y, b1r, degp, W2)
    accp = agg_k(y, src3, dst3, zrows)
    y = _ep(accp, y, b2r, degp, W3)
    accp = agg_k(y, src3, dst3, zrows)
    y = _ep(accp, y, b3r, degp, W4)
    accp = agg_k(y, src3, dst3, zrows)
    return _pool(accp, y, b4r, degp, batch3)

# --- scband reference (transcript-rebuilt; emitter-appended) ---
"""Pipeline reference for scband-gcn-16655883174243 (READ-ONLY COPY).

The authoritative reference and input builder live on the scoring server;
editing this copy changes nothing except your own understanding.
"""

import jax, jax.numpy as jnp
import numpy as np

N_NODES = 10000
N_EDGES = 320000
D_IN = 128
D_H = 128
N_GRAPHS = 256


def _gcn_conv(x, src, dst, W, b, num_nodes):
    # add self loops
    loop = jnp.arange(num_nodes, dtype=src.dtype)
    src_sl = jnp.concatenate([src, loop])
    dst_sl = jnp.concatenate([dst, loop])
    # symmetric normalization D^{-1/2} (A+I) D^{-1/2}
    deg = jax.ops.segment_sum(jnp.ones_like(dst_sl, dtype=x.dtype), dst_sl, num_segments=num_nodes)
    dinv = jnp.where(deg > 0, jax.lax.rsqrt(jnp.maximum(deg, 1e-12)), 0.0)
    norm = dinv[src_sl] * dinv[dst_sl]
    xw = x @ W
    msg = jnp.take(xw, src_sl, axis=0) * norm[:, None]
    out = jax.ops.segment_sum(msg, dst_sl, num_segments=num_nodes)
    return out + b


def setup_inputs(seed: int = 0) -> dict:
    key = jax.random.key(seed)
    ks = jax.random.split(key, 12)
    x = jax.random.normal(ks[0], (N_NODES, D_IN), dtype=jnp.float32)
    edge_index = jax.random.randint(ks[1], (2, N_EDGES), 0, N_NODES, dtype=jnp.int64)
    batch = jnp.sort(jax.random.randint(ks[2], (N_NODES,), 0, N_GRAPHS, dtype=jnp.int64))
    def glorot(k, fan_in, fan_out):
        lim = np.sqrt(6.0 / (fan_in + fan_out))
        return jax.random.uniform(k, (fan_in, fan_out), dtype=jnp.float32, minval=-lim, maxval=lim)
    W1 = glorot(ks[3], D_IN, D_H)
    b1 = jnp.zeros((D_H,), dtype=jnp.float32)
    W2 = glorot(ks[4], D_H, D_H)
    b2 = jnp.zeros((D_H,), dtype=jnp.float32)
    W3 = glorot(ks[5], D_H, D_H)
    b3 = jnp.zeros((D_H,), dtype=jnp.float32)
    W4 = glorot(ks[6], D_H, D_H)
    b4 = jnp.zeros((D_H,), dtype=jnp.float32)
    return {"x": x, "edge_index": edge_index, "batch": batch,
            "W1": W1, "b1": b1, "W2": W2, "b2": b2,
            "W3": W3, "b3": b3, "W4": W4, "b4": b4}


def reference(x, edge_index, batch, W1, b1, W2, b2, W3, b3, W4, b4):
    src, dst = edge_index[0], edge_index[1]
    h = _gcn_conv(x, src, dst, W1, b1, N_NODES)
    h = jax.nn.relu(h)  # dropout is identity in eval mode
    h = _gcn_conv(h, src, dst, W2, b2, N_NODES)
    h = jax.nn.relu(h)
    h = _gcn_conv(h, src, dst, W3, b3, N_NODES)
    h = jax.nn.relu(h)
    h = _gcn_conv(h, src, dst, W4, b4, N_NODES)
    h = jax.nn.relu(h)
    # global mean pool over batch assignment
    sums = jax.ops.segment_sum(h, batch, num_segments=N_GRAPHS)
    cnts = jax.ops.segment_sum(jnp.ones((N_NODES,), dtype=h.dtype), batch, num_segments=N_GRAPHS)
    out = sums / jnp.maximum(cnts, 1.0)[:, None]
    return out

if __name__ == "__main__":
    import jax
    _d = setup_inputs()
    print(jax.jit(kernel)(*tuple(_d.values())))

</pallas_src>

<mosaic_0001>
#map = affine_map<(d0, d1) -> (0, 0)>
#map1 = affine_map<(d0, d1) -> (0, 0, 0)>
module attributes {stable_mosaic.version = 14 : i64} {
  func.func @_agg_body(%arg0: i32, %arg1: i32, %arg2: memref<10000x128xf32, #tpu.memory_space<hbm>>, %arg3: memref<32x79x128xi32, #tpu.memory_space<hbm>>, %arg4: memref<32x79x128xi32, #tpu.memory_space<hbm>>, %arg5: memref<128x128xf32, #tpu.memory_space<hbm>>, %arg6: memref<2x10112x128xf32, #tpu.memory_space<hbm>>, %arg7: memref<128xi32, #tpu.memory_space<vmem>>, %arg8: memref<128xi32, #tpu.memory_space<vmem>>, %arg9: memref<128x128xf32, #tpu.memory_space<vmem>>, %arg10: memref<10112x128xf32, #tpu.memory_space<vmem_shared>>, %arg11: memref<!tpu.dma_semaphore, #tpu.memory_space<semaphore_mem>>) attributes {dimension_semantics = [#tpu.dimension_semantics<core_parallel>, #tpu.dimension_semantics<subcore_parallel>], iteration_bounds = array<i64: 2, 16>, scalar_prefetch = 0 : i64, scratch_operands = 5 : i64, tpu.core_type = #tpu.core_type<sc_vector_subcore>, window_params = [{transform_indices = #map}, {transform_indices = #map1}, {transform_indices = #map1}, {transform_indices = #map}, {transform_indices = #map1}]} {
    %mul3A = arith.constant 16 : i32
    %mul3A_0 = arith.muli %arg0, %mul3A : i32
    %add3A = arith.addi %mul3A_0, %arg1 : i32
    %mul3A_1 = arith.constant 632 : i32
    %mul3A_2 = arith.muli %arg1, %mul3A_1 : i32
    "tpu.region"() ({
      %run_scoped3A = tpu.sem_alloc : memref<!tpu.dma_semaphore, #tpu.memory_space<semaphore_mem>>
      tpu.enqueue_dma source(%arg5 : memref<128x128xf32, #tpu.memory_space<hbm>>) target(%arg9 : memref<128x128xf32, #tpu.memory_space<vmem>>) target_semaphore(%run_scoped3A : memref<!tpu.dma_semaphore, #tpu.memory_space<semaphore_mem>>)
      tpu.wait_dma2 semaphore(%run_scoped3A : memref<!tpu.dma_semaphore, #tpu.memory_space<semaphore_mem>>) src(%arg5 : memref<128x128xf32, #tpu.memory_space<hbm>>) dst(%arg9 : memref<128x128xf32, #tpu.memory_space<vmem>>)
      tpu.yield
    }) : () -> ()
    %add3A_3 = arith.constant 0 : i32
    %add3A_4 = arith.addi %mul3A_2, %add3A_3 : i32
    "tpu.region"() ({
      %run_scoped3A = tpu.sem_alloc : memref<!tpu.dma_semaphore, #tpu.memory_space<semaphore_mem>>
      %dma_start3A = arith.constant 0 : i32
      %dma_start3A_39 = arith.constant 0 : i32
      %dma_start3A_40 = tpu.memref_slice %arg9[%dma_start3A, %dma_start3A_39] : memref<128x128xf32, #tpu.memory_space<vmem>> -> memref<128x128xf32, #tpu.memory_space<vmem>>
      %dma_start3A_41 = arith.constant 0 : i32
      %dma_start3A_42 = tpu.memref_slice %arg10[%add3A_4, %dma_start3A_41] : memref<10112x128xf32, #tpu.memory_space<vmem_shared>> -> memref<128x128xf32, #tpu.memory_space<vmem_shared>>
      %dma_start3A_43 = arith.constant 0 : i32
      %dma_start3A_44 = tpu.memref_slice %arg10[%add3A_4, %dma_start3A_43] : memref<10112x128xf32, #tpu.memory_space<vmem_shared>> -> memref<128x128xf32, #tpu.memory_space<vmem_shared>>
      %dma_start3A_45 = arith.constant 0 : i32
      %dma_start3A_46 = arith.constant 0 : i32
      %dma_start3A_47 = tpu.memref_slice %arg9[%dma_start3A_45, %dma_start3A_46] : memref<128x128xf32, #tpu.memory_space<vmem>> -> memref<128x128xf32, #tpu.memory_space<vmem>>
      tpu.enqueue_dma source(%dma_start3A_47 : memref<128x128xf32, #tpu.memory_space<vmem>>) target(%dma_start3A_44 : memref<128x128xf32, #tpu.memory_space<vmem_shared>>) target_semaphore(%run_scoped3A : memref<!tpu.dma_semaphore, #tpu.memory_space<semaphore_mem>>)
      %dma_wait3A = arith.constant 0 : i32
      %dma_wait3A_48 = arith.constant 0 : i32
      %dma_wait3A_49 = tpu.memref_slice %arg9[%dma_wait3A, %dma_wait3A_48] : memref<128x128xf32, #tpu.memory_space<vmem>> -> memref<128x128xf32, #tpu.memory_space<vmem>>
      %dma_wait3A_50 = arith.constant 0 : i32
      %dma_wait3A_51 = tpu.memref_slice %arg10[%add3A_4, %dma_wait3A_50] : memref<10112x128xf32, #tpu.memory_space<vmem_shared>> -> memref<128x128xf32, #tpu.memory_space<vmem_shared>>
      %dma_wait3A_52 = arith.constant 0 : i32
      %dma_wait3A_53 = tpu.memref_slice %arg10[%add3A_4, %dma_wait3A_52] : memref<10112x128xf32, #tpu.memory_space<vmem_shared>> -> memref<128x128xf32, #tpu.memory_space<vmem_shared>>
      %dma_wait3A_54 = arith.constant 0 : i32
      %dma_wait3A_55 = arith.constant 0 : i32
      %dma_wait3A_56 = tpu.memref_slice %arg9[%dma_wait3A_54, %dma_wait3A_55] : memref<128x128xf32, #tpu.memory_space<vmem>> -> memref<128x128xf32, #tpu.memory_space<vmem>>
      tpu.wait_dma2 semaphore(%run_scoped3A : memref<!tpu.dma_semaphore, #tpu.memory_space<semaphore_mem>>) src(%dma_wait3A_56 : memref<128x128xf32, #tpu.memory_space<vmem>>) dst(%dma_wait3A_53 : memref<128x128xf32, #tpu.memory_space<vmem_shared>>)
      tpu.yield
    }) : () -> ()
    %add3A_5 = arith.constant 128 : i32
    %add3A_6 = arith.addi %mul3A_2, %add3A_5 : i32
    "tpu.region"() ({
      %run_scoped3A = tpu.sem_alloc : memref<!tpu.dma_semaphore, #tpu.memory_space<semaphore_mem>>
      %dma_start3A = arith.constant 0 : i32
      %dma_start3A_39 = arith.constant 0 : i32
      %dma_start3A_40 = tpu.memref_slice %arg9[%dma_start3A, %dma_start3A_39] : memref<128x128xf32, #tpu.memory_space<vmem>> -> memref<128x128xf32, #tpu.memory_space<vmem>>
      %dma_start3A_41 = arith.constant 0 : i32
      %dma_start3A_42 = tpu.memref_slice %arg10[%add3A_6, %dma_start3A_41] : memref<10112x128xf32, #tpu.memory_space<vmem_shared>> -> memref<128x128xf32, #tpu.memory_space<vmem_shared>>
      %dma_start3A_43 = arith.constant 0 : i32
      %dma_start3A_44 = tpu.memref_slice %arg10[%add3A_6, %dma_start3A_43] : memref<10112x128xf32, #tpu.memory_space<vmem_shared>> -> memref<128x128xf32, #tpu.memory_space<vmem_shared>>
      %dma_start3A_45 = arith.constant 0 : i32
      %dma_start3A_46 = arith.constant 0 : i32
      %dma_start3A_47 = tpu.memref_slice %arg9[%dma_start3A_45, %dma_start3A_46] : memref<128x128xf32, #tpu.memory_space<vmem>> -> memref<128x128xf32, #tpu.memory_space<vmem>>
      tpu.enqueue_dma source(%dma_start3A_47 : memref<128x128xf32, #tpu.memory_space<vmem>>) target(%dma_start3A_44 : memref<128x128xf32, #tpu.memory_space<vmem_shared>>) target_semaphore(%run_scoped3A : memref<!tpu.dma_semaphore, #tpu.memory_space<semaphore_mem>>)
      %dma_wait3A = arith.constant 0 : i32
      %dma_wait3A_48 = arith.constant 0 : i32
      %dma_wait3A_49 = tpu.memref_slice %arg9[%dma_wait3A, %dma_wait3A_48] : memref<128x128xf32, #tpu.memory_space<vmem>> -> memref<128x128xf32, #tpu.memory_space<vmem>>
      %dma_wait3A_50 = arith.constant 0 : i32
      %dma_wait3A_51 = tpu.memref_slice %arg10[%add3A_6, %dma_wait3A_50] : memref<10112x128xf32, #tpu.memory_space<vmem_shared>> -> memref<128x128xf32, #tpu.memory_space<vmem_shared>>
      %dma_wait3A_52 = arith.constant 0 : i32
      %dma_wait3A_53 = tpu.memref_slice %arg10[%add3A_6, %dma_wait3A_52] : memref<10112x128xf32, #tpu.memory_space<vmem_shared>> -> memref<128x128xf32, #tpu.memory_space<vmem_shared>>
      %dma_wait3A_54 = arith.constant 0 : i32
      %dma_wait3A_55 = arith.constant 0 : i32
      %dma_wait3A_56 = tpu.memref_slice %arg9[%dma_wait3A_54, %dma_wait3A_55] : memref<128x128xf32, #tpu.memory_space<vmem>> -> memref<128x128xf32, #tpu.memory_space<vmem>>
      tpu.wait_dma2 semaphore(%run_scoped3A : memref<!tpu.dma_semaphore, #tpu.memory_space<semaphore_mem>>) src(%dma_wait3A_56 : memref<128x128xf32, #tpu.memory_space<vmem>>) dst(%dma_wait3A_53 : memref<128x128xf32, #tpu.memory_space<vmem_shared>>)
      tpu.yield
    }) : () -> ()
    %add3A_7 = arith.constant 256 : i32
    %add3A_8 = arith.addi %mul3A_2, %add3A_7 : i32
    "tpu.region"() ({
      %run_scoped3A = tpu.sem_alloc : memref<!tpu.dma_semaphore, #tpu.memory_space<semaphore_mem>>
      %dma_start3A = arith.constant 0 : i32
      %dma_start3A_39 = arith.constant 0 : i32
      %dma_start3A_40 = tpu.memref_slice %arg9[%dma_start3A, %dma_start3A_39] : memref<128x128xf32, #tpu.memory_space<vmem>> -> memref<128x128xf32, #tpu.memory_space<vmem>>
      %dma_start3A_41 = arith.constant 0 : i32
      %dma_start3A_42 = tpu.memref_slice %arg10[%add3A_8, %dma_start3A_41] : memref<10112x128xf32, #tpu.memory_space<vmem_shared>> -> memref<128x128xf32, #tpu.memory_space<vmem_shared>>
      %dma_start3A_43 = arith.constant 0 : i32
      %dma_start3A_44 = tpu.memref_slice %arg10[%add3A_8, %dma_start3A_43] : memref<10112x128xf32, #tpu.memory_space<vmem_shared>> -> memref<128x128xf32, #tpu.memory_space<vmem_shared>>
      %dma_start3A_45 = arith.constant 0 : i32
      %dma_start3A_46 = arith.constant 0 : i32
      %dma_start3A_47 = tpu.memref_slice %arg9[%dma_start3A_45, %dma_start3A_46] : memref<128x128xf32, #tpu.memory_space<vmem>> -> memref<128x128xf32, #tpu.memory_space<vmem>>
      tpu.enqueue_dma source(%dma_start3A_47 : memref<128x128xf32, #tpu.memory_space<vmem>>) target(%dma_start3A_44 : memref<128x128xf32, #tpu.memory_space<vmem_shared>>) target_semaphore(%run_scoped3A : memref<!tpu.dma_semaphore, #tpu.memory_space<semaphore_mem>>)
      %dma_wait3A = arith.constant 0 : i32
      %dma_wait3A_48 = arith.constant 0 : i32
      %dma_wait3A_49 = tpu.memref_slice %arg9[%dma_wait3A, %dma_wait3A_48] : memref<128x128xf32, #tpu.memory_space<vmem>> -> memref<128x128xf32, #tpu.memory_space<vmem>>
      %dma_wait3A_50 = arith.constant 0 : i32
      %dma_wait3A_51 = tpu.memref_slice %arg10[%add3A_8, %dma_wait3A_50] : memref<10112x128xf32, #tpu.memory_space<vmem_shared>> -> memref<128x128xf32, #tpu.memory_space<vmem_shared>>
      %dma_wait3A_52 = arith.constant 0 : i32
      %dma_wait3A_53 = tpu.memref_slice %arg10[%add3A_8, %dma_wait3A_52] : memref<10112x128xf32, #tpu.memory_space<vmem_shared>> -> memref<128x128xf32, #tpu.memory_space<vmem_shared>>
      %dma_wait3A_54 = arith.constant 0 : i32
      %dma_wait3A_55 = arith.constant 0 : i32
      %dma_wait3A_56 = tpu.memref_slice %arg9[%dma_wait3A_54, %dma_wait3A_55] : memref<128x128xf32, #tpu.memory_space<vmem>> -> memref<128x128xf32, #tpu.memory_space<vmem>>
      tpu.wait_dma2 semaphore(%run_scoped3A : memref<!tpu.dma_semaphore, #tpu.memory_space<semaphore_mem>>) src(%dma_wait3A_56 : memref<128x128xf32, #tpu.memory_space<vmem>>) dst(%dma_wait3A_53 : memref<128x128xf32, #tpu.memory_space<vmem_shared>>)
      tpu.yield
    }) : () -> ()
    %add3A_9 = arith.constant 384 : i32
    %add3A_10 = arith.addi %mul3A_2, %add3A_9 : i32
    "tpu.region"() ({
      %run_scoped3A = tpu.sem_alloc : memref<!tpu.dma_semaphore, #tpu.memory_space<semaphore_mem>>
      %dma_start3A = arith.constant 0 : i32
      %dma_start3A_39 = arith.constant 0 : i32
      %dma_start3A_40 = tpu.memref_slice %arg9[%dma_start3A, %dma_start3A_39] : memref<128x128xf32, #tpu.memory_space<vmem>> -> memref<128x128xf32, #tpu.memory_space<vmem>>
      %dma_start3A_41 = arith.constant 0 : i32
      %dma_start3A_42 = tpu.memref_slice %arg10[%add3A_10, %dma_start3A_41] : memref<10112x128xf32, #tpu.memory_space<vmem_shared>> -> memref<128x128xf32, #tpu.memory_space<vmem_shared>>
      %dma_start3A_43 = arith.constant 0 : i32
      %dma_start3A_44 = tpu.memref_slice %arg10[%add3A_10, %dma_start3A_43] : memref<10112x128xf32, #tpu.memory_space<vmem_shared>> -> memref<128x128xf32, #tpu.memory_space<vmem_shared>>
      %dma_start3A_45 = arith.constant 0 : i32
      %dma_start3A_46 = arith.constant 0 : i32
      %dma_start3A_47 = tpu.memref_slice %arg9[%dma_start3A_45, %dma_start3A_46] : memref<128x128xf32, #tpu.memory_space<vmem>> -> memref<128x128xf32, #tpu.memory_space<vmem>>
      tpu.enqueue_dma source(%dma_start3A_47 : memref<128x128xf32, #tpu.memory_space<vmem>>) target(%dma_start3A_44 : memref<128x128xf32, #tpu.memory_space<vmem_shared>>) target_semaphore(%run_scoped3A : memref<!tpu.dma_semaphore, #tpu.memory_space<semaphore_mem>>)
      %dma_wait3A = arith.constant 0 : i32
      %dma_wait3A_48 = arith.constant 0 : i32
      %dma_wait3A_49 = tpu.memref_slice %arg9[%dma_wait3A, %dma_wait3A_48] : memref<128x128xf32, #tpu.memory_space<vmem>> -> memref<128x128xf32, #tpu.memory_space<vmem>>
      %dma_wait3A_50 = arith.constant 0 : i32
      %dma_wait3A_51 = tpu.memref_slice %arg10[%add3A_10, %dma_wait3A_50] : memref<10112x128xf32, #tpu.memory_space<vmem_shared>> -> memref<128x128xf32, #tpu.memory_space<vmem_shared>>
      %dma_wait3A_52 = arith.constant 0 : i32
      %dma_wait3A_53 = tpu.memref_slice %arg10[%add3A_10, %dma_wait3A_52] : memref<10112x128xf32, #tpu.memory_space<vmem_shared>> -> memref<128x128xf32, #tpu.memory_space<vmem_shared>>
      %dma_wait3A_54 = arith.constant 0 : i32
      %dma_wait3A_55 = arith.constant 0 : i32
      %dma_wait3A_56 = tpu.memref_slice %arg9[%dma_wait3A_54, %dma_wait3A_55] : memref<128x128xf32, #tpu.memory_space<vmem>> -> memref<128x128xf32, #tpu.memory_space<vmem>>
      tpu.wait_dma2 semaphore(%run_scoped3A : memref<!tpu.dma_semaphore, #tpu.memory_space<semaphore_mem>>) src(%dma_wait3A_56 : memref<128x128xf32, #tpu.memory_space<vmem>>) dst(%dma_wait3A_53 : memref<128x128xf32, #tpu.memory_space<vmem_shared>>)
      tpu.yield
    }) : () -> ()
    %add3A_11 = arith.constant 512 : i32
    %add3A_12 = arith.addi %mul3A_2, %add3A_11 : i32
    "tpu.region"() ({
      %run_scoped3A = tpu.sem_alloc : memref<!tpu.dma_semaphore, #tpu.memory_space<semaphore_mem>>
      %dma_start3A = arith.constant 0 : i32
      %dma_start3A_39 = arith.constant 0 : i32
      %dma_start3A_40 = tpu.memref_slice %arg9[%dma_start3A, %dma_start3A_39] : memref<128x128xf32, #tpu.memory_space<vmem>> -> memref<120x128xf32, #tpu.memory_space<vmem>>
      %dma_start3A_41 = arith.constant 0 : i32
      %dma_start3A_42 = tpu.memref_slice %arg10[%add3A_12, %dma_start3A_41] : memref<10112x128xf32, #tpu.memory_space<vmem_shared>> -> memref<120x128xf32, #tpu.memory_space<vmem_shared>>
      %dma_start3A_43 = arith.constant 0 : i32
      %dma_start3A_44 = tpu.memref_slice %arg10[%add3A_12, %dma_start3A_43] : memref<10112x128xf32, #tpu.memory_space<vmem_shared>> -> memref<120x128xf32, #tpu.memory_space<vmem_shared>>
      %dma_start3A_45 = arith.constant 0 : i32
      %dma_start3A_46 = arith.constant 0 : i32
      %dma_start3A_47 = tpu.memref_slice %arg9[%dma_start3A_45, %dma_start3A_46] : memref<128x128xf32, #tpu.memory_space<vmem>> -> memref<120x128xf32, #tpu.memory_space<vmem>>
      tpu.enqueue_dma source(%dma_start3A_47 : memref<120x128xf32, #tpu.memory_space<vmem>>) target(%dma_start3A_44 : memref<120x128xf32, #tpu.memory_space<vmem_shared>>) target_semaphore(%run_scoped3A : memref<!tpu.dma_semaphore, #tpu.memory_space<semaphore_mem>>)
      %dma_wait3A = arith.constant 0 : i32
      %dma_wait3A_48 = arith.constant 0 : i32
      %dma_wait3A_49 = tpu.memref_slice %arg9[%dma_wait3A, %dma_wait3A_48] : memref<128x128xf32, #tpu.memory_space<vmem>> -> memref<120x128xf32, #tpu.memory_space<vmem>>
      %dma_wait3A_50 = arith.constant 0 : i32
      %dma_wait3A_51 = tpu.memref_slice %arg10[%add3A_12, %dma_wait3A_50] : memref<10112x128xf32, #tpu.memory_space<vmem_shared>> -> memref<120x128xf32, #tpu.memory_space<vmem_shared>>
      %dma_wait3A_52 = arith.constant 0 : i32
      %dma_wait3A_53 = tpu.memref_slice %arg10[%add3A_12, %dma_wait3A_52] : memref<10112x128xf32, #tpu.memory_space<vmem_shared>> -> memref<120x128xf32, #tpu.memory_space<vmem_shared>>
      %dma_wait3A_54 = arith.constant 0 : i32
      %dma_wait3A_55 = arith.constant 0 : i32
      %dma_wait3A_56 = tpu.memref_slice %arg9[%dma_wait3A_54, %dma_wait3A_55] : memref<128x128xf32, #tpu.memory_space<vmem>> -> memref<120x128xf32, #tpu.memory_space<vmem>>
      tpu.wait_dma2 semaphore(%run_scoped3A : memref<!tpu.dma_semaphore, #tpu.memory_space<semaphore_mem>>) src(%dma_wait3A_56 : memref<120x128xf32, #tpu.memory_space<vmem>>) dst(%dma_wait3A_53 : memref<120x128xf32, #tpu.memory_space<vmem_shared>>)
      tpu.yield
    }) : () -> ()
    %barrier3A = arith.constant 0 : index
    tpu.barrier barrier_id(%barrier3A)
    %scan3A = arith.constant 0 : i32
    %scan3A_13 = arith.constant 0 : i32
    %scan3A_14 = arith.constant 79 : i32
    %scan3A_15 = arith.addi %scan3A_13, %scan3A_14 : i32
    %scan3A_16 = arith.constant 1 : i32
    scf.for %scan3A_39 = %scan3A_13 to %scan3A_15 step %scan3A_16  : i32 {
      "tpu.region"() ({
        %run_scoped3A = tpu.sem_alloc : memref<!tpu.dma_semaphore, #tpu.memory_space<semaphore_mem>>
        %dma_start3A_44 = arith.constant 0 : i32
        %dma_start3A_45 = tpu.memref_slice %arg3[%add3A, %scan3A_39, %dma_start3A_44] : memref<32x79x128xi32, #tpu.memory_space<hbm>> -> memref<1x1x128xi32, #tpu.memory_space<hbm>>
        %dma_start3A_46 = tpu.memref_squeeze %dma_start3A_45 : memref<1x1x128xi32, #tpu.memory_space<hbm>> -> memref<128xi32, #tpu.memory_space<hbm>>
        %dma_start3A_47 = arith.constant 0 : i32
        %dma_start3A_48 = tpu.memref_slice %arg3[%add3A, %scan3A_39, %dma_start3A_47] : memref<32x79x128xi32, #tpu.memory_space<hbm>> -> memref<1x1x128xi32, #tpu.memory_space<hbm>>
        %dma_start3A_49 = tpu.memref_squeeze %dma_start3A_48 : memref<1x1x128xi32, #tpu.memory_space<hbm>> -> memref<128xi32, #tpu.memory_space<hbm>>
        tpu.enqueue_dma source(%dma_start3A_49 : memref<128xi32, #tpu.memory_space<hbm>>) target(%arg7 : memref<128xi32, #tpu.memory_space<vmem>>) target_semaphore(%run_scoped3A : memref<!tpu.dma_semaphore, #tpu.memory_space<semaphore_mem>>)
        %dma_wait3A_50 = arith.constant 0 : i32
        %dma_wait3A_51 = tpu.memref_slice %arg3[%add3A, %scan3A_39, %dma_wait3A_50] : memref<32x79x128xi32, #tpu.memory_space<hbm>> -> memref<1x1x128xi32, #tpu.memory_space<hbm>>
        %dma_wait3A_52 = tpu.memref_squeeze %dma_wait3A_51 : memref<1x1x128xi32, #tpu.memory_space<hbm>> -> memref<128xi32, #tpu.memory_space<hbm>>
        %dma_wait3A_53 = arith.constant 0 : i32
        %dma_wait3A_54 = tpu.memref_slice %arg3[%add3A, %scan3A_39, %dma_wait3A_53] : memref<32x79x128xi32, #tpu.memory_space<hbm>> -> memref<1x1x128xi32, #tpu.memory_space<hbm>>
        %dma_wait3A_55 = tpu.memref_squeeze %dma_wait3A_54 : memref<1x1x128xi32, #tpu.memory_space<hbm>> -> memref<128xi32, #tpu.memory_space<hbm>>
        tpu.wait_dma2 semaphore(%run_scoped3A : memref<!tpu.dma_semaphore, #tpu.memory_space<semaphore_mem>>) src(%dma_wait3A_55 : memref<128xi32, #tpu.memory_space<hbm>>) dst(%arg7 : memref<128xi32, #tpu.memory_space<vmem>>)
        tpu.yield
      }) : () -> ()
      %dma_start3A = arith.constant 0 : i32
      %dma_start3A_40 = arith.constant 0 : i32
      %dma_start3A_41 = tpu.memref_slice %arg2[%dma_start3A, %dma_start3A_40] : memref<10000x128xf32, #tpu.memory_space<hbm>> -> memref<10000x128xf32, #tpu.memory_space<hbm>>
      tpu.enqueue_indirect_dma source(%dma_start3A_41 : memref<10000x128xf32, #tpu.memory_space<hbm>>) target(%arg9 : memref<128x128xf32, #tpu.memory_space<vmem>>) offsets(%arg7 : memref<128xi32, #tpu.memory_space<vmem>>) semaphore(%arg11 : memref<!tpu.dma_semaphore, #tpu.memory_space<semaphore_mem>>)
      "tpu.region"() ({
        %run_scoped3A = tpu.sem_alloc : memref<!tpu.dma_semaphore, #tpu.memory_space<semaphore_mem>>
        %dma_start3A_44 = arith.constant 0 : i32
        %dma_start3A_45 = tpu.memref_slice %arg4[%add3A, %scan3A_39, %dma_start3A_44] : memref<32x79x128xi32, #tpu.memory_space<hbm>> -> memref<1x1x128xi32, #tpu.memory_space<hbm>>
        %dma_start3A_46 = tpu.memref_squeeze %dma_start3A_45 : memref<1x1x128xi32, #tpu.memory_space<hbm>> -> memref<128xi32, #tpu.memory_space<hbm>>
        %dma_start3A_47 = arith.constant 0 : i32
        %dma_start3A_48 = tpu.memref_slice %arg4[%add3A, %scan3A_39, %dma_start3A_47] : memref<32x79x128xi32, #tpu.memory_space<hbm>> -> memref<1x1x128xi32, #tpu.memory_space<hbm>>
        %dma_start3A_49 = tpu.memref_squeeze %dma_start3A_48 : memref<1x1x128xi32, #tpu.memory_space<hbm>> -> memref<128xi32, #tpu.memory_space<hbm>>
        tpu.enqueue_dma source(%dma_start3A_49 : memref<128xi32, #tpu.memory_space<hbm>>) target(%arg8 : memref<128xi32, #tpu.memory_space<vmem>>) target_semaphore(%run_scoped3A : memref<!tpu.dma_semaphore, #tpu.memory_space<semaphore_mem>>)
        %dma_wait3A_50 = arith.constant 0 : i32
        %dma_wait3A_51 = tpu.memref_slice %arg4[%add3A, %scan3A_39, %dma_wait3A_50] : memref<32x79x128xi32, #tpu.memory_space<hbm>> -> memref<1x1x128xi32, #tpu.memory_space<hbm>>
        %dma_wait3A_52 = tpu.memref_squeeze %dma_wait3A_51 : memref<1x1x128xi32, #tpu.memory_space<hbm>> -> memref<128xi32, #tpu.memory_space<hbm>>
        %dma_wait3A_53 = arith.constant 0 : i32
        %dma_wait3A_54 = tpu.memref_slice %arg4[%add3A, %scan3A_39, %dma_wait3A_53] : memref<32x79x128xi32, #tpu.memory_space<hbm>> -> memref<1x1x128xi32, #tpu.memory_space<hbm>>
        %dma_wait3A_55 = tpu.memref_squeeze %dma_wait3A_54 : memref<1x1x128xi32, #tpu.memory_space<hbm>> -> memref<128xi32, #tpu.memory_space<hbm>>
        tpu.wait_dma2 semaphore(%run_scoped3A : memref<!tpu.dma_semaphore, #tpu.memory_space<semaphore_mem>>) src(%dma_wait3A_55 : memref<128xi32, #tpu.memory_space<hbm>>) dst(%arg8 : memref<128xi32, #tpu.memory_space<vmem>>)
        tpu.yield
      }) : () -> ()
      %dma_wait3A = arith.constant 0 : i32
      %dma_wait3A_42 = arith.constant 0 : i32
      %dma_wait3A_43 = tpu.memref_slice %arg2[%dma_wait3A, %dma_wait3A_42] : memref<10000x128xf32, #tpu.memory_space<hbm>> -> memref<10000x128xf32, #tpu.memory_space<hbm>>
      tpu.wait_indirect_dma semaphore(%arg11 : memref<!tpu.dma_semaphore, #tpu.memory_space<semaphore_mem>>) src(%dma_wait3A_43 : memref<10000x128xf32, #tpu.memory_space<hbm>>) dst(%arg9 : memref<128x128xf32, #tpu.memory_space<vmem>>)
      "tpu.region"() ({
        %run_scoped3A = tpu.sem_alloc : memref<!tpu.dma_semaphore, #tpu.memory_space<semaphore_mem>>
        %dma_start3A_44 = arith.constant 0 : i32
        %dma_start3A_45 = arith.constant 0 : i32
        %dma_start3A_46 = tpu.memref_slice %arg10[%dma_start3A_44, %dma_start3A_45] : memref<10112x128xf32, #tpu.memory_space<vmem_shared>> -> memref<10112x128xf32, #tpu.memory_space<vmem_shared>>
        tpu.enqueue_indirect_dma source(%arg9 : memref<128x128xf32, #tpu.memory_space<vmem>>) target(%dma_start3A_46 : memref<10112x128xf32, #tpu.memory_space<vmem_shared>>) offsets(%arg8 : memref<128xi32, #tpu.memory_space<vmem>>) semaphore(%run_scoped3A : memref<!tpu.dma_semaphore, #tpu.memory_space<semaphore_mem>>) {add = true}
        %dma_wait3A_47 = arith.constant 0 : i32
        %dma_wait3A_48 = arith.constant 0 : i32
        %dma_wait3A_49 = tpu.memref_slice %arg10[%dma_wait3A_47, %dma_wait3A_48] : memref<10112x128xf32, #tpu.memory_space<vmem_shared>> -> memref<10112x128xf32, #tpu.memory_space<vmem_shared>>
        tpu.wait_indirect_dma semaphore(%run_scoped3A : memref<!tpu.dma_semaphore, #tpu.memory_space<semaphore_mem>>) src(%arg9 : memref<128x128xf32, #tpu.memory_space<vmem>>) dst(%dma_wait3A_49 : memref<10112x128xf32, #tpu.memory_space<vmem_shared>>)
        tpu.yield
      }) : () -> ()
    }
    %scan3A_17 = arith.constant 79 : i32
    %barrier3A_18 = arith.constant 0 : index
    tpu.barrier barrier_id(%barrier3A_18)
    %add3A_19 = arith.constant 0 : i32
    %add3A_20 = arith.addi %mul3A_2, %add3A_19 : i32
    "tpu.region"() ({
      %run_scoped3A = tpu.sem_alloc : memref<!tpu.dma_semaphore, #tpu.memory_space<semaphore_mem>>
      %dma_start3A = arith.constant 0 : i32
      %dma_start3A_39 = arith.constant 0 : i32
      %dma_start3A_40 = tpu.memref_slice %arg9[%dma_start3A, %dma_start3A_39] : memref<128x128xf32, #tpu.memory_space<vmem>> -> memref<128x128xf32, #tpu.memory_space<vmem>>
      %dma_start3A_41 = arith.constant 0 : i32
      %dma_start3A_42 = tpu.memref_slice %arg10[%add3A_20, %dma_start3A_41] : memref<10112x128xf32, #tpu.memory_space<vmem_shared>> -> memref<128x128xf32, #tpu.memory_space<vmem_shared>>
      %dma_start3A_43 = arith.constant 0 : i32
      %dma_start3A_44 = arith.constant 0 : i32
      %dma_start3A_45 = tpu.memref_slice %arg9[%dma_start3A_43, %dma_start3A_44] : memref<128x128xf32, #tpu.memory_space<vmem>> -> memref<128x128xf32, #tpu.memory_space<vmem>>
      %dma_start3A_46 = arith.constant 0 : i32
      %dma_start3A_47 = tpu.memref_slice %arg10[%add3A_20, %dma_start3A_46] : memref<10112x128xf32, #tpu.memory_space<vmem_shared>> -> memref<128x128xf32, #tpu.memory_space<vmem_shared>>
      tpu.enqueue_dma source(%dma_start3A_47 : memref<128x128xf32, #tpu.memory_space<vmem_shared>>) target(%dma_start3A_45 : memref<128x128xf32, #tpu.memory_space<vmem>>) target_semaphore(%run_scoped3A : memref<!tpu.dma_semaphore, #tpu.memory_space<semaphore_mem>>)
      %dma_wait3A = arith.constant 0 : i32
      %dma_wait3A_48 = arith.constant 0 : i32
      %dma_wait3A_49 = tpu.memref_slice %arg9[%dma_wait3A, %dma_wait3A_48] : memref<128x128xf32, #tpu.memory_space<vmem>> -> memref<128x128xf32, #tpu.memory_space<vmem>>
      %dma_wait3A_50 = arith.constant 0 : i32
      %dma_wait3A_51 = tpu.memref_slice %arg10[%add3A_20, %dma_wait3A_50] : memref<10112x128xf32, #tpu.memory_space<vmem_shared>> -> memref<128x128xf32, #tpu.memory_space<vmem_shared>>
      %dma_wait3A_52 = arith.constant 0 : i32
      %dma_wait3A_53 = arith.constant 0 : i32
      %dma_wait3A_54 = tpu.memref_slice %arg9[%dma_wait3A_52, %dma_wait3A_53] : memref<128x128xf32, #tpu.memory_space<vmem>> -> memref<128x128xf32, #tpu.memory_space<vmem>>
      %dma_wait3A_55 = arith.constant 0 : i32
      %dma_wait3A_56 = tpu.memref_slice %arg10[%add3A_20, %dma_wait3A_55] : memref<10112x128xf32, #tpu.memory_space<vmem_shared>> -> memref<128x128xf32, #tpu.memory_space<vmem_shared>>
      tpu.wait_dma2 semaphore(%run_scoped3A : memref<!tpu.dma_semaphore, #tpu.memory_space<semaphore_mem>>) src(%dma_wait3A_56 : memref<128x128xf32, #tpu.memory_space<vmem_shared>>) dst(%dma_wait3A_54 : memref<128x128xf32, #tpu.memory_space<vmem>>)
      tpu.yield
    }) : () -> ()
    %add3A_21 = arith.constant 0 : i32
    %add3A_22 = arith.addi %mul3A_2, %add3A_21 : i32
    "tpu.region"() ({
      %run_scoped3A = tpu.sem_alloc : memref<!tpu.dma_semaphore, #tpu.memory_space<semaphore_mem>>
      %dma_start3A = arith.constant 0 : i32
      %dma_start3A_39 = arith.constant 0 : i32
      %dma_start3A_40 = tpu.memref_slice %arg9[%dma_start3A, %dma_start3A_39] : memref<128x128xf32, #tpu.memory_space<vmem>> -> memref<128x128xf32, #tpu.memory_space<vmem>>
      %dma_start3A_41 = arith.constant 0 : i32
      %dma_start3A_42 = tpu.memref_slice %arg6[%arg0, %add3A_22, %dma_start3A_41] : memref<2x10112x128xf32, #tpu.memory_space<hbm>> -> memref<1x128x128xf32, #tpu.memory_space<hbm>>
      %dma_start3A_43 = tpu.memref_squeeze %dma_start3A_42 : memref<1x128x128xf32, #tpu.memory_space<hbm>> -> memref<128x128xf32, #tpu.memory_space<hbm>>
      %dma_start3A_44 = arith.constant 0 : i32
      %dma_start3A_45 = tpu.memref_slice %arg6[%arg0, %add3A_22, %dma_start3A_44] : memref<2x10112x128xf32, #tpu.memory_space<hbm>> -> memref<1x128x128xf32, #tpu.memory_space<hbm>>
      %dma_start3A_46 = tpu.memref_squeeze %dma_start3A_45 : memref<1x128x128xf32, #tpu.memory_space<hbm>> -> memref<128x128xf32, #tpu.memory_space<hbm>>
      %dma_start3A_47 = arith.constant 0 : i32
      %dma_start3A_48 = arith.constant 0 : i32
      %dma_start3A_49 = tpu.memref_slice %arg9[%dma_start3A_47, %dma_start3A_48] : memref<128x128xf32, #tpu.memory_space<vmem>> -> memref<128x128xf32, #tpu.memory_space<vmem>>
      tpu.enqueue_dma source(%dma_start3A_49 : memref<128x128xf32, #tpu.memory_space<vmem>>) target(%dma_start3A_46 : memref<128x128xf32, #tpu.memory_space<hbm>>) target_semaphore(%run_scoped3A : memref<!tpu.dma_semaphore, #tpu.memory_space<semaphore_mem>>)
      %dma_wait3A = arith.constant 0 : i32
      %dma_wait3A_50 = arith.constant 0 : i32
      %dma_wait3A_51 = tpu.memref_slice %arg9[%dma_wait3A, %dma_wait3A_50] : memref<128x128xf32, #tpu.memory_space<vmem>> -> memref<128x128xf32, #tpu.memory_space<vmem>>
      %dma_wait3A_52 = arith.constant 0 : i32
      %dma_wait3A_53 = tpu.memref_slice %arg6[%arg0, %add3A_22, %dma_wait3A_52] : memref<2x10112x128xf32, #tpu.memory_space<hbm>> -> memref<1x128x128xf32, #tpu.memory_space<hbm>>
      %dma_wait3A_54 = tpu.memref_squeeze %dma_wait3A_53 : memref<1x128x128xf32, #tpu.memory_space<hbm>> -> memref<128x128xf32, #tpu.memory_space<hbm>>
      %dma_wait3A_55 = arith.constant 0 : i32
      %dma_wait3A_56 = tpu.memref_slice %arg6[%arg0, %add3A_22, %dma_wait3A_55] : memref<2x10112x128xf32, #tpu.memory_space<hbm>> -> memref<1x128x128xf32, #tpu.memory_space<hbm>>
      %dma_wait3A_57 = tpu.memref_squeeze %dma_wait3A_56 : memref<1x128x128xf32, #tpu.memory_space<hbm>> -> memref<128x128xf32, #tpu.memory_space<hbm>>
      %dma_wait3A_58 = arith.constant 0 : i32
      %dma_wait3A_59 = arith.constant 0 : i32
      %dma_wait3A_60 = tpu.memref_slice %arg9[%dma_wait3A_58, %dma_wait3A_59] : memref<128x128xf32, #tpu.memory_space<vmem>> -> memref<128x128xf32, #tpu.memory_space<vmem>>
      tpu.wait_dma2 semaphore(%run_scoped3A : memref<!tpu.dma_semaphore, #tpu.memory_space<semaphore_mem>>) src(%dma_wait3A_60 : memref<128x128xf32, #tpu.memory_space<vmem>>) dst(%dma_wait3A_57 : memref<128x128xf32, #tpu.memory_space<hbm>>)
      tpu.yield
    }) : () -> ()
    %add3A_23 = arith.constant 128 : i32
    %add3A_24 = arith.addi %mul3A_2, %add3A_23 : i32
    "tpu.region"() ({
      %run_scoped3A = tpu.sem_alloc : memref<!tpu.dma_semaphore, #tpu.memory_space<semaphore_mem>>
      %dma_start3A = arith.constant 0 : i32
      %dma_start3A_39 = arith.constant 0 : i32
      %dma_start3A_40 = tpu.memref_slice %arg9[%dma_start3A, %dma_start3A_39] : memref<128x128xf32, #tpu.memory_space<vmem>> -> memref<128x128xf32, #tpu.memory_space<vmem>>
      %dma_start3A_41 = arith.constant 0 : i32
      %dma_start3A_42 = tpu.memref_slice %arg10[%add3A_24, %dma_start3A_41] : memref<10112x128xf32, #tpu.memory_space<vmem_shared>> -> memref<128x128xf32, #tpu.memory_space<vmem_shared>>
      %dma_start3A_43 = arith.constant 0 : i32
      %dma_start3A_44 = arith.constant 0 : i32
      %dma_start3A_45 = tpu.memref_slice %arg9[%dma_start3A_43, %dma_start3A_44] : memref<128x128xf32, #tpu.memory_space<vmem>> -> memref<128x128xf32, #tpu.memory_space<vmem>>
      %dma_start3A_46 = arith.constant 0 : i32
      %dma_start3A_47 = tpu.memref_slice %arg10[%add3A_24, %dma_start3A_46] : memref<10112x128xf32, #tpu.memory_space<vmem_shared>> -> memref<128x128xf32, #tpu.memory_space<vmem_shared>>
      tpu.enqueue_dma source(%dma_start3A_47 : memref<128x128xf32, #tpu.memory_space<vmem_shared>>) target(%dma_start3A_45 : memref<128x128xf32, #tpu.memory_space<vmem>>) target_semaphore(%run_scoped3A : memref<!tpu.dma_semaphore, #tpu.memory_space<semaphore_mem>>)
      %dma_wait3A = arith.constant 0 : i32
      %dma_wait3A_48 = arith.constant 0 : i32
      %dma_wait3A_49 = tpu.memref_slice %arg9[%dma_wait3A, %dma_wait3A_48] : memref<128x128xf32, #tpu.memory_space<vmem>> -> memref<128x128xf32, #tpu.memory_space<vmem>>
      %dma_wait3A_50 = arith.constant 0 : i32
      %dma_wait3A_51 = tpu.memref_slice %arg10[%add3A_24, %dma_wait3A_50] : memref<10112x128xf32, #tpu.memory_space<vmem_shared>> -> memref<128x128xf32, #tpu.memory_space<vmem_shared>>
      %dma_wait3A_52 = arith.constant 0 : i32
      %dma_wait3A_53 = arith.constant 0 : i32
      %dma_wait3A_54 = tpu.memref_slice %arg9[%dma_wait3A_52, %dma_wait3A_53] : memref<128x128xf32, #tpu.memory_space<vmem>> -> memref<128x128xf32, #tpu.memory_space<vmem>>
      %dma_wait3A_55 = arith.constant 0 : i32
      %dma_wait3A_56 = tpu.memref_slice %arg10[%add3A_24, %dma_wait3A_55] : memref<10112x128xf32, #tpu.memory_space<vmem_shared>> -> memref<128x128xf32, #tpu.memory_space<vmem_shared>>
      tpu.wait_dma2 semaphore(%run_scoped3A : memref<!tpu.dma_semaphore, #tpu.memory_space<semaphore_mem>>) src(%dma_wait3A_56 : memref<128x128xf32, #tpu.memory_space<vmem_shared>>) dst(%dma_wait3A_54 : memref<128x128xf32, #tpu.memory_space<vmem>>)
      tpu.yield
    }) : () -> ()
    %add3A_25 = arith.constant 128 : i32
    %add3A_26 = arith.addi %mul3A_2, %add3A_25 : i32
    "tpu.region"() ({
      %run_scoped3A = tpu.sem_alloc : memref<!tpu.dma_semaphore, #tpu.memory_space<semaphore_mem>>
      %dma_start3A = arith.constant 0 : i32
      %dma_start3A_39 = arith.constant 0 : i32
      %dma_start3A_40 = tpu.memref_slice %arg9[%dma_start3A, %dma_start3A_39] : memref<128x128xf32, #tpu.memory_space<vmem>> -> memref<128x128xf32, #tpu.memory_space<vmem>>
      %dma_start3A_41 = arith.constant 0 : i32
      %dma_start3A_42 = tpu.memref_slice %arg6[%arg0, %add3A_26, %dma_start3A_41] : memref<2x10112x128xf32, #tpu.memory_space<hbm>> -> memref<1x128x128xf32, #tpu.memory_space<hbm>>
      %dma_start3A_43 = tpu.memref_squeeze %dma_start3A_42 : memref<1x128x128xf32, #tpu.memory_space<hbm>> -> memref<128x128xf32, #tpu.memory_space<hbm>>
      %dma_start3A_44 = arith.constant 0 : i32
      %dma_start3A_45 = tpu.memref_slice %arg6[%arg0, %add3A_26, %dma_start3A_44] : memref<2x10112x128xf32, #tpu.memory_space<hbm>> -> memref<1x128x128xf32, #tpu.memory_space<hbm>>
      %dma_start3A_46 = tpu.memref_squeeze %dma_start3A_45 : memref<1x128x128xf32, #tpu.memory_space<hbm>> -> memref<128x128xf32, #tpu.memory_space<hbm>>
      %dma_start3A_47 = arith.constant 0 : i32
      %dma_start3A_48 = arith.constant 0 : i32
      %dma_start3A_49 = tpu.memref_slice %arg9[%dma_start3A_47, %dma_start3A_48] : memref<128x128xf32, #tpu.memory_space<vmem>> -> memref<128x128xf32, #tpu.memory_space<vmem>>
      tpu.enqueue_dma source(%dma_start3A_49 : memref<128x128xf32, #tpu.memory_space<vmem>>) target(%dma_start3A_46 : memref<128x128xf32, #tpu.memory_space<hbm>>) target_semaphore(%run_scoped3A : memref<!tpu.dma_semaphore, #tpu.memory_space<semaphore_mem>>)
      %dma_wait3A = arith.constant 0 : i32
      %dma_wait3A_50 = arith.constant 0 : i32
      %dma_wait3A_51 = tpu.memref_slice %arg9[%dma_wait3A, %dma_wait3A_50] : memref<128x128xf32, #tpu.memory_space<vmem>> -> memref<128x128xf32, #tpu.memory_space<vmem>>
      %dma_wait3A_52 = arith.constant 0 : i32
      %dma_wait3A_53 = tpu.memref_slice %arg6[%arg0, %add3A_26, %dma_wait3A_52] : memref<2x10112x128xf32, #tpu.memory_space<hbm>> -> memref<1x128x128xf32, #tpu.memory_space<hbm>>
      %dma_wait3A_54 = tpu.memref_squeeze %dma_wait3A_53 : memref<1x128x128xf32, #tpu.memory_space<hbm>> -> memref<128x128xf32, #tpu.memory_space<hbm>>
      %dma_wait3A_55 = arith.constant 0 : i32
      %dma_wait3A_56 = tpu.memref_slice %arg6[%arg0, %add3A_26, %dma_wait3A_55] : memref<2x10112x128xf32, #tpu.memory_space<hbm>> -> memref<1x128x128xf32, #tpu.memory_space<hbm>>
      %dma_wait3A_57 = tpu.memref_squeeze %dma_wait3A_56 : memref<1x128x128xf32, #tpu.memory_space<hbm>> -> memref<128x128xf32, #tpu.memory_space<hbm>>
      %dma_wait3A_58 = arith.constant 0 : i32
      %dma_wait3A_59 = arith.constant 0 : i32
      %dma_wait3A_60 = tpu.memref_slice %arg9[%dma_wait3A_58, %dma_wait3A_59] : memref<128x128xf32, #tpu.memory_space<vmem>> -> memref<128x128xf32, #tpu.memory_space<vmem>>
      tpu.wait_dma2 semaphore(%run_scoped3A : memref<!tpu.dma_semaphore, #tpu.memory_space<semaphore_mem>>) src(%dma_wait3A_60 : memref<128x128xf32, #tpu.memory_space<vmem>>) dst(%dma_wait3A_57 : memref<128x128xf32, #tpu.memory_space<hbm>>)
      tpu.yield
    }) : () -> ()
    %add3A_27 = arith.constant 256 : i32
    %add3A_28 = arith.addi %mul3A_2, %add3A_27 : i32
    "tpu.region"() ({
      %run_scoped3A = tpu.sem_alloc : memref<!tpu.dma_semaphore, #tpu.memory_space<semaphore_mem>>
      %dma_start3A = arith.constant 0 : i32
      %dma_start3A_39 = arith.constant 0 : i32
      %dma_start3A_40 = tpu.memref_slice %arg9[%dma_start3A, %dma_start3A_39] : memref<128x128xf32, #tpu.memory_space<vmem>> -> memref<128x128xf32, #tpu.memory_space<vmem>>
      %dma_start3A_41 = arith.constant 0 : i32
      %dma_start3A_42 = tpu.memref_slice %arg10[%add3A_28, %dma_start3A_41] : memref<10112x128xf32, #tpu.memory_space<vmem_shared>> -> memref<128x128xf32, #tpu.memory_space<vmem_shared>>
      %dma_start3A_43 = arith.constant 0 : i32
      %dma_start3A_44 = arith.constant 0 : i32
      %dma_start3A_45 = tpu.memref_slice %arg9[%dma_start3A_43, %dma_start3A_44] : memref<128x128xf32, #tpu.memory_space<vmem>> -> memref<128x128xf32, #tpu.memory_space<vmem>>
      %dma_start3A_46 = arith.constant 0 : i32
      %dma_start3A_47 = tpu.memref_slice %arg10[%add3A_28, %dma_start3A_46] : memref<10112x128xf32, #tpu.memory_space<vmem_shared>> -> memref<128x128xf32, #tpu.memory_space<vmem_shared>>
      tpu.enqueue_dma source(%dma_start3A_47 : memref<128x128xf32, #tpu.memory_space<vmem_shared>>) target(%dma_start3A_45 : memref<128x128xf32, #tpu.memory_space<vmem>>) target_semaphore(%run_scoped3A : memref<!tpu.dma_semaphore, #tpu.memory_space<semaphore_mem>>)
      %dma_wait3A = arith.constant 0 : i32
      %dma_wait3A_48 = arith.constant 0 : i32
      %dma_wait3A_49 = tpu.memref_slice %arg9[%dma_wait3A, %dma_wait3A_48] : memref<128x128xf32, #tpu.memory_space<vmem>> -> memref<128x128xf32, #tpu.memory_space<vmem>>
      %dma_wait3A_50 = arith.constant 0 : i32
      %dma_wait3A_51 = tpu.memref_slice %arg10[%add3A_28, %dma_wait3A_50] : memref<10112x128xf32, #tpu.memory_space<vmem_shared>> -> memref<128x128xf32, #tpu.memory_space<vmem_shared>>
      %dma_wait3A_52 = arith.constant 0 : i32
      %dma_wait3A_53 = arith.constant 0 : i32
      %dma_wait3A_54 = tpu.memref_slice %arg9[%dma_wait3A_52, %dma_wait3A_53] : memref<128x128xf32, #tpu.memory_space<vmem>> -> memref<128x128xf32, #tpu.memory_space<vmem>>
      %dma_wait3A_55 = arith.constant 0 : i32
      %dma_wait3A_56 = tpu.memref_slice %arg10[%add3A_28, %dma_wait3A_55] : memref<10112x128xf32, #tpu.memory_space<vmem_shared>> -> memref<128x128xf32, #tpu.memory_space<vmem_shared>>
      tpu.wait_dma2 semaphore(%run_scoped3A : memref<!tpu.dma_semaphore, #tpu.memory_space<semaphore_mem>>) src(%dma_wait3A_56 : memref<128x128xf32, #tpu.memory_space<vmem_shared>>) dst(%dma_wait3A_54 : memref<128x128xf32, #tpu.memory_space<vmem>>)
      tpu.yield
    }) : () -> ()
    %add3A_29 = arith.constant 256 : i32
    %add3A_30 = arith.addi %mul3A_2, %add3A_29 : i32
    "tpu.region"() ({
      %run_scoped3A = tpu.sem_alloc : memref<!tpu.dma_semaphore, #tpu.memory_space<semaphore_mem>>
      %dma_start3A = arith.constant 0 : i32
      %dma_start3A_39 = arith.constant 0 : i32
      %dma_start3A_40 = tpu.memref_slice %arg9[%dma_start3A, %dma_start3A_39] : memref<128x128xf32, #tpu.memory_space<vmem>> -> memref<128x128xf32, #tpu.memory_space<vmem>>
      %dma_start3A_41 = arith.constant 0 : i32
      %dma_start3A_42 = tpu.memref_slice %arg6[%arg0, %add3A_30, %dma_start3A_41] : memref<2x10112x128xf32, #tpu.memory_space<hbm>> -> memref<1x128x128xf32, #tpu.memory_space<hbm>>
      %dma_start3A_43 = tpu.memref_squeeze %dma_start3A_42 : memref<1x128x128xf32, #tpu.memory_space<hbm>> -> memref<128x128xf32, #tpu.memory_space<hbm>>
      %dma_start3A_44 = arith.constant 0 : i32
      %dma_start3A_45 = tpu.memref_slice %arg6[%arg0, %add3A_30, %dma_start3A_44] : memref<2x10112x128xf32, #tpu.memory_space<hbm>> -> memref<1x128x128xf32, #tpu.memory_space<hbm>>
      %dma_start3A_46 = tpu.memref_squeeze %dma_start3A_45 : memref<1x128x128xf32, #tpu.memory_space<hbm>> -> memref<128x128xf32, #tpu.memory_space<hbm>>
      %dma_start3A_47 = arith.constant 0 : i32
      %dma_start3A_48 = arith.constant 0 : i32
      %dma_start3A_49 = tpu.memref_slice %arg9[%dma_start3A_47, %dma_start3A_48] : memref<128x128xf32, #tpu.memory_space<vmem>> -> memref<128x128xf32, #tpu.memory_space<vmem>>
      tpu.enqueue_dma source(%dma_start3A_49 : memref<128x128xf32, #tpu.memory_space<vmem>>) target(%dma_start3A_46 : memref<128x128xf32, #tpu.memory_space<hbm>>) target_semaphore(%run_scoped3A : memref<!tpu.dma_semaphore, #tpu.memory_space<semaphore_mem>>)
      %dma_wait3A = arith.constant 0 : i32
      %dma_wait3A_50 = arith.constant 0 : i32
      %dma_wait3A_51 = tpu.memref_slice %arg9[%dma_wait3A, %dma_wait3A_50] : memref<128x128xf32, #tpu.memory_space<vmem>> -> memref<128x128xf32, #tpu.memory_space<vmem>>
      %dma_wait3A_52 = arith.constant 0 : i32
      %dma_wait3A_53 = tpu.memref_slice %arg6[%arg0, %add3A_30, %dma_wait3A_52] : memref<2x10112x128xf32, #tpu.memory_space<hbm>> -> memref<1x128x128xf32, #tpu.memory_space<hbm>>
      %dma_wait3A_54 = tpu.memref_squeeze %dma_wait3A_53 : memref<1x128x128xf32, #tpu.memory_space<hbm>> -> memref<128x128xf32, #tpu.memory_space<hbm>>
      %dma_wait3A_55 = arith.constant 0 : i32
      %dma_wait3A_56 = tpu.memref_slice %arg6[%arg0, %add3A_30, %dma_wait3A_55] : memref<2x10112x128xf32, #tpu.memory_space<hbm>> -> memref<1x128x128xf32, #tpu.memory_space<hbm>>
      %dma_wait3A_57 = tpu.memref_squeeze %dma_wait3A_56 : memref<1x128x128xf32, #tpu.memory_space<hbm>> -> memref<128x128xf32, #tpu.memory_space<hbm>>
      %dma_wait3A_58 = arith.constant 0 : i32
      %dma_wait3A_59 = arith.constant 0 : i32
      %dma_wait3A_60 = tpu.memref_slice %arg9[%dma_wait3A_58, %dma_wait3A_59] : memref<128x128xf32, #tpu.memory_space<vmem>> -> memref<128x128xf32, #tpu.memory_space<vmem>>
      tpu.wait_dma2 semaphore(%run_scoped3A : memref<!tpu.dma_semaphore, #tpu.memory_space<semaphore_mem>>) src(%dma_wait3A_60 : memref<128x128xf32, #tpu.memory_space<vmem>>) dst(%dma_wait3A_57 : memref<128x128xf32, #tpu.memory_space<hbm>>)
      tpu.yield
    }) : () -> ()
    %add3A_31 = arith.constant 384 : i32
    %add3A_32 = arith.addi %mul3A_2, %add3A_31 : i32
    "tpu.region"() ({
      %run_scoped3A = tpu.sem_alloc : memref<!tpu.dma_semaphore, #tpu.memory_space<semaphore_mem>>
      %dma_start3A = arith.constant 0 : i32
      %dma_start3A_39 = arith.constant 0 : i32
      %dma_start3A_40 = tpu.memref_slice %arg9[%dma_start3A, %dma_start3A_39] : memref<128x128xf32, #tpu.memory_space<vmem>> -> memref<128x128xf32, #tpu.memory_space<vmem>>
      %dma_start3A_41 = arith.constant 0 : i32
      %dma_start3A_42 = tpu.memref_slice %arg10[%add3A_32, %dma_start3A_41] : memref<10112x128xf32, #tpu.memory_space<vmem_shared>> -> memref<128x128xf32, #tpu.memory_space<vmem_shared>>
      %dma_start3A_43 = arith.constant 0 : i32
      %dma_start3A_44 = arith.constant 0 : i32
      %dma_start3A_45 = tpu.memref_slice %arg9[%dma_start3A_43, %dma_start3A_44] : memref<128x128xf32, #tpu.memory_space<vmem>> -> memref<128x128xf32, #tpu.memory_space<vmem>>
      %dma_start3A_46 = arith.constant 0 : i32
      %dma_start3A_47 = tpu.memref_slice %arg10[%add3A_32, %dma_start3A_46] : memref<10112x128xf32, #tpu.memory_space<vmem_shared>> -> memref<128x128xf32, #tpu.memory_space<vmem_shared>>
      tpu.enqueue_dma source(%dma_start3A_47 : memref<128x128xf32, #tpu.memory_space<vmem_shared>>) target(%dma_start3A_45 : memref<128x128xf32, #tpu.memory_space<vmem>>) target_semaphore(%run_scoped3A : memref<!tpu.dma_semaphore, #tpu.memory_space<semaphore_mem>>)
      %dma_wait3A = arith.constant 0 : i32
      %dma_wait3A_48 = arith.constant 0 : i32
      %dma_wait3A_49 = tpu.memref_slice %arg9[%dma_wait3A, %dma_wait3A_48] : memref<128x128xf32, #tpu.memory_space<vmem>> -> memref<128x128xf32, #tpu.memory_space<vmem>>
      %dma_wait3A_50 = arith.constant 0 : i32
      %dma_wait3A_51 = tpu.memref_slice %arg10[%add3A_32, %dma_wait3A_50] : memref<10112x128xf32, #tpu.memory_space<vmem_shared>> -> memref<128x128xf32, #tpu.memory_space<vmem_shared>>
      %dma_wait3A_52 = arith.constant 0 : i32
      %dma_wait3A_53 = arith.constant 0 : i32
      %dma_wait3A_54 = tpu.memref_slice %arg9[%dma_wait3A_52, %dma_wait3A_53] : memref<128x128xf32, #tpu.memory_space<vmem>> -> memref<128x128xf32, #tpu.memory_space<vmem>>
      %dma_wait3A_55 = arith.constant 0 : i32
      %dma_wait3A_56 = tpu.memref_slice %arg10[%add3A_32, %dma_wait3A_55] : memref<10112x128xf32, #tpu.memory_space<vmem_shared>> -> memref<128x128xf32, #tpu.memory_space<vmem_shared>>
      tpu.wait_dma2 semaphore(%run_scoped3A : memref<!tpu.dma_semaphore, #tpu.memory_space<semaphore_mem>>) src(%dma_wait3A_56 : memref<128x128xf32, #tpu.memory_space<vmem_shared>>) dst(%dma_wait3A_54 : memref<128x128xf32, #tpu.memory_space<vmem>>)
      tpu.yield
    }) : () -> ()
    %add3A_33 = arith.constant 384 : i32
    %add3A_34 = arith.addi %mul3A_2, %add3A_33 : i32
    "tpu.region"() ({
      %run_scoped3A = tpu.sem_alloc : memref<!tpu.dma_semaphore, #tpu.memory_space<semaphore_mem>>
      %dma_start3A = arith.constant 0 : i32
      %dma_start3A_39 = arith.constant 0 : i32
      %dma_start3A_40 = tpu.memref_slice %arg9[%dma_start3A, %dma_start3A_39] : memref<128x128xf32, #tpu.memory_space<vmem>> -> memref<128x128xf32, #tpu.memory_space<vmem>>
      %dma_start3A_41 = arith.constant 0 : i32
      %dma_start3A_42 = tpu.memref_slice %arg6[%arg0, %add3A_34, %dma_start3A_41] : memref<2x10112x128xf32, #tpu.memory_space<hbm>> -> memref<1x128x128xf32, #tpu.memory_space<hbm>>
      %dma_start3A_43 = tpu.memref_squeeze %dma_start3A_42 : memref<1x128x128xf32, #tpu.memory_space<hbm>> -> memref<128x128xf32, #tpu.memory_space<hbm>>
      %dma_start3A_44 = arith.constant 0 : i32
      %dma_start3A_45 = tpu.memref_slice %arg6[%arg0, %add3A_34, %dma_start3A_44] : memref<2x10112x128xf32, #tpu.memory_space<hbm>> -> memref<1x128x128xf32, #tpu.memory_space<hbm>>
      %dma_start3A_46 = tpu.memref_squeeze %dma_start3A_45 : memref<1x128x128xf32, #tpu.memory_space<hbm>> -> memref<128x128xf32, #tpu.memory_space<hbm>>
      %dma_start3A_47 = arith.constant 0 : i32
      %dma_start3A_48 = arith.constant 0 : i32
      %dma_start3A_49 = tpu.memref_slice %arg9[%dma_start3A_47, %dma_start3A_48] : memref<128x128xf32, #tpu.memory_space<vmem>> -> memref<128x128xf32, #tpu.memory_space<vmem>>
      tpu.enqueue_dma source(%dma_start3A_49 : memref<128x128xf32, #tpu.memory_space<vmem>>) target(%dma_start3A_46 : memref<128x128xf32, #tpu.memory_space<hbm>>) target_semaphore(%run_scoped3A : memref<!tpu.dma_semaphore, #tpu.memory_space<semaphore_mem>>)
      %dma_wait3A = arith.constant 0 : i32
      %dma_wait3A_50 = arith.constant 0 : i32
      %dma_wait3A_51 = tpu.memref_slice %arg9[%dma_wait3A, %dma_wait3A_50] : memref<128x128xf32, #tpu.memory_space<vmem>> -> memref<128x128xf32, #tpu.memory_space<vmem>>
      %dma_wait3A_52 = arith.constant 0 : i32
      %dma_wait3A_53 = tpu.memref_slice %arg6[%arg0, %add3A_34, %dma_wait3A_52] : memref<2x10112x128xf32, #tpu.memory_space<hbm>> -> memref<1x128x128xf32, #tpu.memory_space<hbm>>
      %dma_wait3A_54 = tpu.memref_squeeze %dma_wait3A_53 : memref<1x128x128xf32, #tpu.memory_space<hbm>> -> memref<128x128xf32, #tpu.memory_space<hbm>>
      %dma_wait3A_55 = arith.constant 0 : i32
      %dma_wait3A_56 = tpu.memref_slice %arg6[%arg0, %add3A_34, %dma_wait3A_55] : memref<2x10112x128xf32, #tpu.memory_space<hbm>> -> memref<1x128x128xf32, #tpu.memory_space<hbm>>
      %dma_wait3A_57 = tpu.memref_squeeze %dma_wait3A_56 : memref<1x128x128xf32, #tpu.memory_space<hbm>> -> memref<128x128xf32, #tpu.memory_space<hbm>>
      %dma_wait3A_58 = arith.constant 0 : i32
      %dma_wait3A_59 = arith.constant 0 : i32
      %dma_wait3A_60 = tpu.memref_slice %arg9[%dma_wait3A_58, %dma_wait3A_59] : memref<128x128xf32, #tpu.memory_space<vmem>> -> memref<128x128xf32, #tpu.memory_space<vmem>>
      tpu.wait_dma2 semaphore(%run_scoped3A : memref<!tpu.dma_semaphore, #tpu.memory_space<semaphore_mem>>) src(%dma_wait3A_60 : memref<128x128xf32, #tpu.memory_space<vmem>>) dst(%dma_wait3A_57 : memref<128x128xf32, #tpu.memory_space<hbm>>)
      tpu.yield
    }) : () -> ()
    %add3A_35 = arith.constant 512 : i32
    %add3A_36 = arith.addi %mul3A_2, %add3A_35 : i32
    "tpu.region"() ({
      %run_scoped3A = tpu.sem_alloc : memref<!tpu.dma_semaphore, #tpu.memory_space<semaphore_mem>>
      %dma_start3A = arith.constant 0 : i32
      %dma_start3A_39 = arith.constant 0 : i32
      %dma_start3A_40 = tpu.memref_slice %arg9[%dma_start3A, %dma_start3A_39] : memref<128x128xf32, #tpu.memory_space<vmem>> -> memref<120x128xf32, #tpu.memory_space<vmem>>
      %dma_start3A_41 = arith.constant 0 : i32
      %dma_start3A_42 = tpu.memref_slice %arg10[%add3A_36, %dma_start3A_41] : memref<10112x128xf32, #tpu.memory_space<vmem_shared>> -> memref<120x128xf32, #tpu.memory_space<vmem_shared>>
      %dma_start3A_43 = arith.constant 0 : i32
      %dma_start3A_44 = arith.constant 0 : i32
      %dma_start3A_45 = tpu.memref_slice %arg9[%dma_start3A_43, %dma_start3A_44] : memref<128x128xf32, #tpu.memory_space<vmem>> -> memref<120x128xf32, #tpu.memory_space<vmem>>
      %dma_start3A_46 = arith.constant 0 : i32
      %dma_start3A_47 = tpu.memref_slice %arg10[%add3A_36, %dma_start3A_46] : memref<10112x128xf32, #tpu.memory_space<vmem_shared>> -> memref<120x128xf32, #tpu.memory_space<vmem_shared>>
      tpu.enqueue_dma source(%dma_start3A_47 : memref<120x128xf32, #tpu.memory_space<vmem_shared>>) target(%dma_start3A_45 : memref<120x128xf32, #tpu.memory_space<vmem>>) target_semaphore(%run_scoped3A : memref<!tpu.dma_semaphore, #tpu.memory_space<semaphore_mem>>)
      %dma_wait3A = arith.constant 0 : i32
      %dma_wait3A_48 = arith.constant 0 : i32
      %dma_wait3A_49 = tpu.memref_slice %arg9[%dma_wait3A, %dma_wait3A_48] : memref<128x128xf32, #tpu.memory_space<vmem>> -> memref<120x128xf32, #tpu.memory_space<vmem>>
      %dma_wait3A_50 = arith.constant 0 : i32
      %dma_wait3A_51 = tpu.memref_slice %arg10[%add3A_36, %dma_wait3A_50] : memref<10112x128xf32, #tpu.memory_space<vmem_shared>> -> memref<120x128xf32, #tpu.memory_space<vmem_shared>>
      %dma_wait3A_52 = arith.constant 0 : i32
      %dma_wait3A_53 = arith.constant 0 : i32
      %dma_wait3A_54 = tpu.memref_slice %arg9[%dma_wait3A_52, %dma_wait3A_53] : memref<128x128xf32, #tpu.memory_space<vmem>> -> memref<120x128xf32, #tpu.memory_space<vmem>>
      %dma_wait3A_55 = arith.constant 0 : i32
      %dma_wait3A_56 = tpu.memref_slice %arg10[%add3A_36, %dma_wait3A_55] : memref<10112x128xf32, #tpu.memory_space<vmem_shared>> -> memref<120x128xf32, #tpu.memory_space<vmem_shared>>
      tpu.wait_dma2 semaphore(%run_scoped3A : memref<!tpu.dma_semaphore, #tpu.memory_space<semaphore_mem>>) src(%dma_wait3A_56 : memref<120x128xf32, #tpu.memory_space<vmem_shared>>) dst(%dma_wait3A_54 : memref<120x128xf32, #tpu.memory_space<vmem>>)
      tpu.yield
    }) : () -> ()
    %add3A_37 = arith.constant 512 : i32
    %add3A_38 = arith.addi %mul3A_2, %add3A_37 : i32
    "tpu.region"() ({
      %run_scoped3A = tpu.sem_alloc : memref<!tpu.dma_semaphore, #tpu.memory_space<semaphore_mem>>
      %dma_start3A = arith.constant 0 : i32
      %dma_start3A_39 = arith.constant 0 : i32
      %dma_start3A_40 = tpu.memref_slice %arg9[%dma_start3A, %dma_start3A_39] : memref<128x128xf32, #tpu.memory_space<vmem>> -> memref<120x128xf32, #tpu.memory_space<vmem>>
      %dma_start3A_41 = arith.constant 0 : i32
      %dma_start3A_42 = tpu.memref_slice %arg6[%arg0, %add3A_38, %dma_start3A_41] : memref<2x10112x128xf32, #tpu.memory_space<hbm>> -> memref<1x120x128xf32, #tpu.memory_space<hbm>>
      %dma_start3A_43 = tpu.memref_squeeze %dma_start3A_42 : memref<1x120x128xf32, #tpu.memory_space<hbm>> -> memref<120x128xf32, #tpu.memory_space<hbm>>
      %dma_start3A_44 = arith.constant 0 : i32
      %dma_start3A_45 = tpu.memref_slice %arg6[%arg0, %add3A_38, %dma_start3A_44] : memref<2x10112x128xf32, #tpu.memory_space<hbm>> -> memref<1x120x128xf32, #tpu.memory_space<hbm>>
      %dma_start3A_46 = tpu.memref_squeeze %dma_start3A_45 : memref<1x120x128xf32, #tpu.memory_space<hbm>> -> memref<120x128xf32, #tpu.memory_space<hbm>>
      %dma_start3A_47 = arith.constant 0 : i32
      %dma_start3A_48 = arith.constant 0 : i32
      %dma_start3A_49 = tpu.memref_slice %arg9[%dma_start3A_47, %dma_start3A_48] : memref<128x128xf32, #tpu.memory_space<vmem>> -> memref<120x128xf32, #tpu.memory_space<vmem>>
      tpu.enqueue_dma source(%dma_start3A_49 : memref<120x128xf32, #tpu.memory_space<vmem>>) target(%dma_start3A_46 : memref<120x128xf32, #tpu.memory_space<hbm>>) target_semaphore(%run_scoped3A : memref<!tpu.dma_semaphore, #tpu.memory_space<semaphore_mem>>)
      %dma_wait3A = arith.constant 0 : i32
      %dma_wait3A_50 = arith.constant 0 : i32
      %dma_wait3A_51 = tpu.memref_slice %arg9[%dma_wait3A, %dma_wait3A_50] : memref<128x128xf32, #tpu.memory_space<vmem>> -> memref<120x128xf32, #tpu.memory_space<vmem>>
      %dma_wait3A_52 = arith.constant 0 : i32
      %dma_wait3A_53 = tpu.memref_slice %arg6[%arg0, %add3A_38, %dma_wait3A_52] : memref<2x10112x128xf32, #tpu.memory_space<hbm>> -> memref<1x120x128xf32, #tpu.memory_space<hbm>>
      %dma_wait3A_54 = tpu.memref_squeeze %dma_wait3A_53 : memref<1x120x128xf32, #tpu.memory_space<hbm>> -> memref<120x128xf32, #tpu.memory_space<hbm>>
      %dma_wait3A_55 = arith.constant 0 : i32
      %dma_wait3A_56 = tpu.memref_slice %arg6[%arg0, %add3A_38, %dma_wait3A_55] : memref<2x10112x128xf32, #tpu.memory_space<hbm>> -> memref<1x120x128xf32, #tpu.memory_space<hbm>>
      %dma_wait3A_57 = tpu.memref_squeeze %dma_wait3A_56 : memref<1x120x128xf32, #tpu.memory_space<hbm>> -> memref<120x128xf32, #tpu.memory_space<hbm>>
      %dma_wait3A_58 = arith.constant 0 : i32
      %dma_wait3A_59 = arith.constant 0 : i32
      %dma_wait3A_60 = tpu.memref_slice %arg9[%dma_wait3A_58, %dma_wait3A_59] : memref<128x128xf32, #tpu.memory_space<vmem>> -> memref<120x128xf32, #tpu.memory_space<vmem>>
      tpu.wait_dma2 semaphore(%run_scoped3A : memref<!tpu.dma_semaphore, #tpu.memory_space<semaphore_mem>>) src(%dma_wait3A_60 : memref<120x128xf32, #tpu.memory_space<vmem>>) dst(%dma_wait3A_57 : memref<120x128xf32, #tpu.memory_space<hbm>>)
      tpu.yield
    }) : () -> ()
    return
  }
}

#map = affine_map<(d0, d1) -> (0, 0)>
#map1 = affine_map<(d0, d1) -> (0, 0, 0)>
module attributes {stable_mosaic.version = 14 : i64} {
  func.func @_agg_body(%arg0: i32, %arg1: i32, %arg2: memref<10112x128xf32, #tpu.memory_space<hbm>>, %arg3: memref<32x79x128xi32, #tpu.memory_space<hbm>>, %arg4: memref<32x79x128xi32, #tpu.memory_space<hbm>>, %arg5: memref<128x128xf32, #tpu.memory_space<hbm>>, %arg6: memref<2x10112x128xf32, #tpu.memory_space<hbm>>, %arg7: memref<128xi32, #tpu.memory_space<vmem>>, %arg8: memref<128xi32, #tpu.memory_space<vmem>>, %arg9: memref<128x128xf32, #tpu.memory_space<vmem>>, %arg10: memref<10112x128xf32, #tpu.memory_space<vmem_shared>>, %arg11: memref<!tpu.dma_semaphore, #tpu.memory_space<semaphore_mem>>) attributes {dimension_semantics = [#tpu.dimension_semantics<core_parallel>, #tpu.dimension_semantics<subcore_parallel>], iteration_bounds = array<i64: 2, 16>, scalar_prefetch = 0 : i64, scratch_operands = 5 : i64, tpu.core_type = #tpu.core_type<sc_vector_subcore>, window_params = [{transform_indices = #map}, {transform_indices = #map1}, {transform_indices = #map1}, {transform_indices = #map}, {transform_indices = #map1}]} {
    %mul3A = arith.constant 16 : i32
    %mul3A_0 = arith.muli %arg0, %mul3A : i32
    %add3A = arith.addi %mul3A_0, %arg1 : i32
    %mul3A_1 = arith.constant 632 : i32
    %mul3A_2 = arith.muli %arg1, %mul3A_1 : i32
    "tpu.region"() ({
      %run_scoped3A = tpu.sem_alloc : memref<!tpu.dma_semaphore, #tpu.memory_space<semaphore_mem>>
      tpu.enqueue_dma source(%arg5 : memref<128x128xf32, #tpu.memory_space<hbm>>) target(%arg9 : memref<128x128xf32, #tpu.memory_space<vmem>>) target_semaphore(%run_scoped3A : memref<!tpu.dma_semaphore, #tpu.memory_space<semaphore_mem>>)
      tpu.wait_dma2 semaphore(%run_scoped3A : memref<!tpu.dma_semaphore, #tpu.memory_space<semaphore_mem>>) src(%arg5 : memref<128x128xf32, #tpu.memory_space<hbm>>) dst(%arg9 : memref<128x128xf32, #tpu.memory_space<vmem>>)
      tpu.yield
    }) : () -> ()
    %add3A_3 = arith.constant 0 : i32
    %add3A_4 = arith.addi %mul3A_2, %add3A_3 : i32
    "tpu.region"() ({
      %run_scoped3A = tpu.sem_alloc : memref<!tpu.dma_semaphore, #tpu.memory_space<semaphore_mem>>
      %dma_start3A = arith.constant 0 : i32
      %dma_start3A_39 = arith.constant 0 : i32
      %dma_start3A_40 = tpu.memref_slice %arg9[%dma_start3A, %dma_start3A_39] : memref<128x128xf32, #tpu.memory_space<vmem>> -> memref<128x128xf32, #tpu.memory_space<vmem>>
      %dma_start3A_41 = arith.constant 0 : i32
      %dma_start3A_42 = tpu.memref_slice %arg10[%add3A_4, %dma_start3A_41] : memref<10112x128xf32, #tpu.memory_space<vmem_shared>> -> memref<128x128xf32, #tpu.memory_space<vmem_shared>>
      %dma_start3A_43 = arith.constant 0 : i32
      %dma_start3A_44 = tpu.memref_slice %arg10[%add3A_4, %dma_start3A_43] : memref<10112x128xf32, #tpu.memory_space<vmem_shared>> -> memref<128x128xf32, #tpu.memory_space<vmem_shared>>
      %dma_start3A_45 = arith.constant 0 : i32
      %dma_start3A_46 = arith.constant 0 : i32
      %dma_start3A_47 = tpu.memref_slice %arg9[%dma_start3A_45, %dma_start3A_46] : memref<128x128xf32, #tpu.memory_space<vmem>> -> memref<128x128xf32, #tpu.memory_space<vmem>>
      tpu.enqueue_dma source(%dma_start3A_47 : memref<128x128xf32, #tpu.memory_space<vmem>>) target(%dma_start3A_44 : memref<128x128xf32, #tpu.memory_space<vmem_shared>>) target_semaphore(%run_scoped3A : memref<!tpu.dma_semaphore, #tpu.memory_space<semaphore_mem>>)
      %dma_wait3A = arith.constant 0 : i32
      %dma_wait3A_48 = arith.constant 0 : i32
      %dma_wait3A_49 = tpu.memref_slice %arg9[%dma_wait3A, %dma_wait3A_48] : memref<128x128xf32, #tpu.memory_space<vmem>> -> memref<128x128xf32, #tpu.memory_space<vmem>>
      %dma_wait3A_50 = arith.constant 0 : i32
      %dma_wait3A_51 = tpu.memref_slice %arg10[%add3A_4, %dma_wait3A_50] : memref<10112x128xf32, #tpu.memory_space<vmem_shared>> -> memref<128x128xf32, #tpu.memory_space<vmem_shared>>
      %dma_wait3A_52 = arith.constant 0 : i32
      %dma_wait3A_53 = tpu.memref_slice %arg10[%add3A_4, %dma_wait3A_52] : memref<10112x128xf32, #tpu.memory_space<vmem_shared>> -> memref<128x128xf32, #tpu.memory_space<vmem_shared>>
      %dma_wait3A_54 = arith.constant 0 : i32
      %dma_wait3A_55 = arith.constant 0 : i32
      %dma_wait3A_56 = tpu.memref_slice %arg9[%dma_wait3A_54, %dma_wait3A_55] : memref<128x128xf32, #tpu.memory_space<vmem>> -> memref<128x128xf32, #tpu.memory_space<vmem>>
      tpu.wait_dma2 semaphore(%run_scoped3A : memref<!tpu.dma_semaphore, #tpu.memory_space<semaphore_mem>>) src(%dma_wait3A_56 : memref<128x128xf32, #tpu.memory_space<vmem>>) dst(%dma_wait3A_53 : memref<128x128xf32, #tpu.memory_space<vmem_shared>>)
      tpu.yield
    }) : () -> ()
    %add3A_5 = arith.constant 128 : i32
    %add3A_6 = arith.addi %mul3A_2, %add3A_5 : i32
    "tpu.region"() ({
      %run_scoped3A = tpu.sem_alloc : memref<!tpu.dma_semaphore, #tpu.memory_space<semaphore_mem>>
      %dma_start3A = arith.constant 0 : i32
      %dma_start3A_39 = arith.constant 0 : i32
      %dma_start3A_40 = tpu.memref_slice %arg9[%dma_start3A, %dma_start3A_39] : memref<128x128xf32, #tpu.memory_space<vmem>> -> memref<128x128xf32, #tpu.memory_space<vmem>>
      %dma_start3A_41 = arith.constant 0 : i32
      %dma_start3A_42 = tpu.memref_slice %arg10[%add3A_6, %dma_start3A_41] : memref<10112x128xf32, #tpu.memory_space<vmem_shared>> -> memref<128x128xf32, #tpu.memory_space<vmem_shared>>
      %dma_start3A_43 = arith.constant 0 : i32
      %dma_start3A_44 = tpu.memref_slice %arg10[%add3A_6, %dma_start3A_43] : memref<10112x128xf32, #tpu.memory_space<vmem_shared>> -> memref<128x128xf32, #tpu.memory_space<vmem_shared>>
      %dma_start3A_45 = arith.constant 0 : i32
      %dma_start3A_46 = arith.constant 0 : i32
      %dma_start3A_47 = tpu.memref_slice %arg9[%dma_start3A_45, %dma_start3A_46] : memref<128x128xf32, #tpu.memory_space<vmem>> -> memref<128x128xf32, #tpu.memory_space<vmem>>
      tpu.enqueue_dma source(%dma_start3A_47 : memref<128x128xf32, #tpu.memory_space<vmem>>) target(%dma_start3A_44 : memref<128x128xf32, #tpu.memory_space<vmem_shared>>) target_semaphore(%run_scoped3A : memref<!tpu.dma_semaphore, #tpu.memory_space<semaphore_mem>>)
      %dma_wait3A = arith.constant 0 : i32
      %dma_wait3A_48 = arith.constant 0 : i32
      %dma_wait3A_49 = tpu.memref_slice %arg9[%dma_wait3A, %dma_wait3A_48] : memref<128x128xf32, #tpu.memory_space<vmem>> -> memref<128x128xf32, #tpu.memory_space<vmem>>
      %dma_wait3A_50 = arith.constant 0 : i32
      %dma_wait3A_51 = tpu.memref_slice %arg10[%add3A_6, %dma_wait3A_50] : memref<10112x128xf32, #tpu.memory_space<vmem_shared>> -> memref<128x128xf32, #tpu.memory_space<vmem_shared>>
      %dma_wait3A_52 = arith.constant 0 : i32
      %dma_wait3A_53 = tpu.memref_slice %arg10[%add3A_6, %dma_wait3A_52] : memref<10112x128xf32, #tpu.memory_space<vmem_shared>> -> memref<128x128xf32, #tpu.memory_space<vmem_shared>>
      %dma_wait3A_54 = arith.constant 0 : i32
      %dma_wait3A_55 = arith.constant 0 : i32
      %dma_wait3A_56 = tpu.memref_slice %arg9[%dma_wait3A_54, %dma_wait3A_55] : memref<128x128xf32, #tpu.memory_space<vmem>> -> memref<128x128xf32, #tpu.memory_space<vmem>>
      tpu.wait_dma2 semaphore(%run_scoped3A : memref<!tpu.dma_semaphore, #tpu.memory_space<semaphore_mem>>) src(%dma_wait3A_56 : memref<128x128xf32, #tpu.memory_space<vmem>>) dst(%dma_wait3A_53 : memref<128x128xf32, #tpu.memory_space<vmem_shared>>)
      tpu.yield
    }) : () -> ()
    %add3A_7 = arith.constant 256 : i32
    %add3A_8 = arith.addi %mul3A_2, %add3A_7 : i32
    "tpu.region"() ({
      %run_scoped3A = tpu.sem_alloc : memref<!tpu.dma_semaphore, #tpu.memory_space<semaphore_mem>>
      %dma_start3A = arith.constant 0 : i32
      %dma_start3A_39 = arith.constant 0 : i32
      %dma_start3A_40 = tpu.memref_slice %arg9[%dma_start3A, %dma_start3A_39] : memref<128x128xf32, #tpu.memory_space<vmem>> -> memref<128x128xf32, #tpu.memory_space<vmem>>
      %dma_start3A_41 = arith.constant 0 : i32
      %dma_start3A_42 = tpu.memref_slice %arg10[%add3A_8, %dma_start3A_41] : memref<10112x128xf32, #tpu.memory_space<vmem_shared>> -> memref<128x128xf32, #tpu.memory_space<vmem_shared>>
      %dma_start3A_43 = arith.constant 0 : i32
      %dma_start3A_44 = tpu.memref_slice %arg10[%add3A_8, %dma_start3A_43] : memref<10112x128xf32, #tpu.memory_space<vmem_shared>> -> memref<128x128xf32, #tpu.memory_space<vmem_shared>>
      %dma_start3A_45 = arith.constant 0 : i32
      %dma_start3A_46 = arith.constant 0 : i32
      %dma_start3A_47 = tpu.memref_slice %arg9[%dma_start3A_45, %dma_start3A_46] : memref<128x128xf32, #tpu.memory_space<vmem>> -> memref<128x128xf32, #tpu.memory_space<vmem>>
      tpu.enqueue_dma source(%dma_start3A_47 : memref<128x128xf32, #tpu.memory_space<vmem>>) target(%dma_start3A_44 : memref<128x128xf32, #tpu.memory_space<vmem_shared>>) target_semaphore(%run_scoped3A : memref<!tpu.dma_semaphore, #tpu.memory_space<semaphore_mem>>)
      %dma_wait3A = arith.constant 0 : i32
      %dma_wait3A_48 = arith.constant 0 : i32
      %dma_wait3A_49 = tpu.memref_slice %arg9[%dma_wait3A, %dma_wait3A_48] : memref<128x128xf32, #tpu.memory_space<vmem>> -> memref<128x128xf32, #tpu.memory_space<vmem>>
      %dma_wait3A_50 = arith.constant 0 : i32
      %dma_wait3A_51 = tpu.memref_slice %arg10[%add3A_8, %dma_wait3A_50] : memref<10112x128xf32, #tpu.memory_space<vmem_shared>> -> memref<128x128xf32, #tpu.memory_space<vmem_shared>>
      %dma_wait3A_52 = arith.constant 0 : i32
      %dma_wait3A_53 = tpu.memref_slice %arg10[%add3A_8, %dma_wait3A_52] : memref<10112x128xf32, #tpu.memory_space<vmem_shared>> -> memref<128x128xf32, #tpu.memory_space<vmem_shared>>
      %dma_wait3A_54 = arith.constant 0 : i32
      %dma_wait3A_55 = arith.constant 0 : i32
      %dma_wait3A_56 = tpu.memref_slice %arg9[%dma_wait3A_54, %dma_wait3A_55] : memref<128x128xf32, #tpu.memory_space<vmem>> -> memref<128x128xf32, #tpu.memory_space<vmem>>
      tpu.wait_dma2 semaphore(%run_scoped3A : memref<!tpu.dma_semaphore, #tpu.memory_space<semaphore_mem>>) src(%dma_wait3A_56 : memref<128x128xf32, #tpu.memory_space<vmem>>) dst(%dma_wait3A_53 : memref<128x128xf32, #tpu.memory_space<vmem_shared>>)
      tpu.yield
    }) : () -> ()
    %add3A_9 = arith.constant 384 : i32
    %add3A_10 = arith.addi %mul3A_2, %add3A_9 : i32
    "tpu.region"() ({
      %run_scoped3A = tpu.sem_alloc : memref<!tpu.dma_semaphore, #tpu.memory_space<semaphore_mem>>
      %dma_start3A = arith.constant 0 : i32
      %dma_start3A_39 = arith.constant 0 : i32
      %dma_start3A_40 = tpu.memref_slice %arg9[%dma_start3A, %dma_start3A_39] : memref<128x128xf32, #tpu.memory_space<vmem>> -> memref<128x128xf32, #tpu.memory_space<vmem>>
      %dma_start3A_41 = arith.constant 0 : i32
      %dma_start3A_42 = tpu.memref_slice %arg10[%add3A_10, %dma_start3A_41] : memref<10112x128xf32, #tpu.memory_space<vmem_shared>> -> memref<128x128xf32, #tpu.memory_space<vmem_shared>>
      %dma_start3A_43 = arith.constant 0 : i32
      %dma_start3A_44 = tpu.memref_slice %arg10[%add3A_10, %dma_start3A_43] : memref<10112x128xf32, #tpu.memory_space<vmem_shared>> -> memref<128x128xf32, #tpu.memory_space<vmem_shared>>
      %dma_start3A_45 = arith.constant 0 : i32
      %dma_start3A_46 = arith.constant 0 : i32
      %dma_start3A_47 = tpu.memref_slice %arg9[%dma_start3A_45, %dma_start3A_46] : memref<128x128xf32, #tpu.memory_space<vmem>> -> memref<128x128xf32, #tpu.memory_space<vmem>>
      tpu.enqueue_dma source(%dma_start3A_47 : memref<128x128xf32, #tpu.memory_space<vmem>>) target(%dma_start3A_44 : memref<128x128xf32, #tpu.memory_space<vmem_shared>>) target_semaphore(%run_scoped3A : memref<!tpu.dma_semaphore, #tpu.memory_space<semaphore_mem>>)
      %dma_wait3A = arith.constant 0 : i32
      %dma_wait3A_48 = arith.constant 0 : i32
      %dma_wait3A_49 = tpu.memref_slice %arg9[%dma_wait3A, %dma_wait3A_48] : memref<128x128xf32, #tpu.memory_space<vmem>> -> memref<128x128xf32, #tpu.memory_space<vmem>>
      %dma_wait3A_50 = arith.constant 0 : i32
      %dma_wait3A_51 = tpu.memref_slice %arg10[%add3A_10, %dma_wait3A_50] : memref<10112x128xf32, #tpu.memory_space<vmem_shared>> -> memref<128x128xf32, #tpu.memory_space<vmem_shared>>
      %dma_wait3A_52 = arith.constant 0 : i32
      %dma_wait3A_53 = tpu.memref_slice %arg10[%add3A_10, %dma_wait3A_52] : memref<10112x128xf32, #tpu.memory_space<vmem_shared>> -> memref<128x128xf32, #tpu.memory_space<vmem_shared>>
      %dma_wait3A_54 = arith.constant 0 : i32
      %dma_wait3A_55 = arith.constant 0 : i32
      %dma_wait3A_56 = tpu.memref_slice %arg9[%dma_wait3A_54, %dma_wait3A_55] : memref<128x128xf32, #tpu.memory_space<vmem>> -> memref<128x128xf32, #tpu.memory_space<vmem>>
      tpu.wait_dma2 semaphore(%run_scoped3A : memref<!tpu.dma_semaphore, #tpu.memory_space<semaphore_mem>>) src(%dma_wait3A_56 : memref<128x128xf32, #tpu.memory_space<vmem>>) dst(%dma_wait3A_53 : memref<128x128xf32, #tpu.memory_space<vmem_shared>>)
      tpu.yield
    }) : () -> ()
    %add3A_11 = arith.constant 512 : i32
    %add3A_12 = arith.addi %mul3A_2, %add3A_11 : i32
    "tpu.region"() ({
      %run_scoped3A = tpu.sem_alloc : memref<!tpu.dma_semaphore, #tpu.memory_space<semaphore_mem>>
      %dma_start3A = arith.constant 0 : i32
      %dma_start3A_39 = arith.constant 0 : i32
      %dma_start3A_40 = tpu.memref_slice %arg9[%dma_start3A, %dma_start3A_39] : memref<128x128xf32, #tpu.memory_space<vmem>> -> memref<120x128xf32, #tpu.memory_space<vmem>>
      %dma_start3A_41 = arith.constant 0 : i32
      %dma_start3A_42 = tpu.memref_slice %arg10[%add3A_12, %dma_start3A_41] : memref<10112x128xf32, #tpu.memory_space<vmem_shared>> -> memref<120x128xf32, #tpu.memory_space<vmem_shared>>
      %dma_start3A_43 = arith.constant 0 : i32
      %dma_start3A_44 = tpu.memref_slice %arg10[%add3A_12, %dma_start3A_43] : memref<10112x128xf32, #tpu.memory_space<vmem_shared>> -> memref<120x128xf32, #tpu.memory_space<vmem_shared>>
      %dma_start3A_45 = arith.constant 0 : i32
      %dma_start3A_46 = arith.constant 0 : i32
      %dma_start3A_47 = tpu.memref_slice %arg9[%dma_start3A_45, %dma_start3A_46] : memref<128x128xf32, #tpu.memory_space<vmem>> -> memref<120x128xf32, #tpu.memory_space<vmem>>
      tpu.enqueue_dma source(%dma_start3A_47 : memref<120x128xf32, #tpu.memory_space<vmem>>) target(%dma_start3A_44 : memref<120x128xf32, #tpu.memory_space<vmem_shared>>) target_semaphore(%run_scoped3A : memref<!tpu.dma_semaphore, #tpu.memory_space<semaphore_mem>>)
      %dma_wait3A = arith.constant 0 : i32
      %dma_wait3A_48 = arith.constant 0 : i32
      %dma_wait3A_49 = tpu.memref_slice %arg9[%dma_wait3A, %dma_wait3A_48] : memref<128x128xf32, #tpu.memory_space<vmem>> -> memref<120x128xf32, #tpu.memory_space<vmem>>
      %dma_wait3A_50 = arith.constant 0 : i32
      %dma_wait3A_51 = tpu.memref_slice %arg10[%add3A_12, %dma_wait3A_50] : memref<10112x128xf32, #tpu.memory_space<vmem_shared>> -> memref<120x128xf32, #tpu.memory_space<vmem_shared>>
      %dma_wait3A_52 = arith.constant 0 : i32
      %dma_wait3A_53 = tpu.memref_slice %arg10[%add3A_12, %dma_wait3A_52] : memref<10112x128xf32, #tpu.memory_space<vmem_shared>> -> memref<120x128xf32, #tpu.memory_space<vmem_shared>>
      %dma_wait3A_54 = arith.constant 0 : i32
      %dma_wait3A_55 = arith.constant 0 : i32
      %dma_wait3A_56 = tpu.memref_slice %arg9[%dma_wait3A_54, %dma_wait3A_55] : memref<128x128xf32, #tpu.memory_space<vmem>> -> memref<120x128xf32, #tpu.memory_space<vmem>>
      tpu.wait_dma2 semaphore(%run_scoped3A : memref<!tpu.dma_semaphore, #tpu.memory_space<semaphore_mem>>) src(%dma_wait3A_56 : memref<120x128xf32, #tpu.memory_space<vmem>>) dst(%dma_wait3A_53 : memref<120x128xf32, #tpu.memory_space<vmem_shared>>)
      tpu.yield
    }) : () -> ()
    %barrier3A = arith.constant 0 : index
    tpu.barrier barrier_id(%barrier3A)
    %scan3A = arith.constant 0 : i32
    %scan3A_13 = arith.constant 0 : i32
    %scan3A_14 = arith.constant 79 : i32
    %scan3A_15 = arith.addi %scan3A_13, %scan3A_14 : i32
    %scan3A_16 = arith.constant 1 : i32
    scf.for %scan3A_39 = %scan3A_13 to %scan3A_15 step %scan3A_16  : i32 {
      "tpu.region"() ({
        %run_scoped3A = tpu.sem_alloc : memref<!tpu.dma_semaphore, #tpu.memory_space<semaphore_mem>>
        %dma_start3A_44 = arith.constant 0 : i32
        %dma_start3A_45 = tpu.memref_slice %arg3[%add3A, %scan3A_39, %dma_start3A_44] : memref<32x79x128xi32, #tpu.memory_space<hbm>> -> memref<1x1x128xi32, #tpu.memory_space<hbm>>
        %dma_start3A_46 = tpu.memref_squeeze %dma_start3A_45 : memref<1x1x128xi32, #tpu.memory_space<hbm>> -> memref<128xi32, #tpu.memory_space<hbm>>
        %dma_start3A_47 = arith.constant 0 : i32
        %dma_start3A_48 = tpu.memref_slice %arg3[%add3A, %scan3A_39, %dma_start3A_47] : memref<32x79x128xi32, #tpu.memory_space<hbm>> -> memref<1x1x128xi32, #tpu.memory_space<hbm>>
        %dma_start3A_49 = tpu.memref_squeeze %dma_start3A_48 : memref<1x1x128xi32, #tpu.memory_space<hbm>> -> memref<128xi32, #tpu.memory_space<hbm>>
        tpu.enqueue_dma source(%dma_start3A_49 : memref<128xi32, #tpu.memory_space<hbm>>) target(%arg7 : memref<128xi32, #tpu.memory_space<vmem>>) target_semaphore(%run_scoped3A : memref<!tpu.dma_semaphore, #tpu.memory_space<semaphore_mem>>)
        %dma_wait3A_50 = arith.constant 0 : i32
        %dma_wait3A_51 = tpu.memref_slice %arg3[%add3A, %scan3A_39, %dma_wait3A_50] : memref<32x79x128xi32, #tpu.memory_space<hbm>> -> memref<1x1x128xi32, #tpu.memory_space<hbm>>
        %dma_wait3A_52 = tpu.memref_squeeze %dma_wait3A_51 : memref<1x1x128xi32, #tpu.memory_space<hbm>> -> memref<128xi32, #tpu.memory_space<hbm>>
        %dma_wait3A_53 = arith.constant 0 : i32
        %dma_wait3A_54 = tpu.memref_slice %arg3[%add3A, %scan3A_39, %dma_wait3A_53] : memref<32x79x128xi32, #tpu.memory_space<hbm>> -> memref<1x1x128xi32, #tpu.memory_space<hbm>>
        %dma_wait3A_55 = tpu.memref_squeeze %dma_wait3A_54 : memref<1x1x128xi32, #tpu.memory_space<hbm>> -> memref<128xi32, #tpu.memory_space<hbm>>
        tpu.wait_dma2 semaphore(%run_scoped3A : memref<!tpu.dma_semaphore, #tpu.memory_space<semaphore_mem>>) src(%dma_wait3A_55 : memref<128xi32, #tpu.memory_space<hbm>>) dst(%arg7 : memref<128xi32, #tpu.memory_space<vmem>>)
        tpu.yield
      }) : () -> ()
      %dma_start3A = arith.constant 0 : i32
      %dma_start3A_40 = arith.constant 0 : i32
      %dma_start3A_41 = tpu.memref_slice %arg2[%dma_start3A, %dma_start3A_40] : memref<10112x128xf32, #tpu.memory_space<hbm>> -> memref<10112x128xf32, #tpu.memory_space<hbm>>
      tpu.enqueue_indirect_dma source(%dma_start3A_41 : memref<10112x128xf32, #tpu.memory_space<hbm>>) target(%arg9 : memref<128x128xf32, #tpu.memory_space<vmem>>) offsets(%arg7 : memref<128xi32, #tpu.memory_space<vmem>>) semaphore(%arg11 : memref<!tpu.dma_semaphore, #tpu.memory_space<semaphore_mem>>)
      "tpu.region"() ({
        %run_scoped3A = tpu.sem_alloc : memref<!tpu.dma_semaphore, #tpu.memory_space<semaphore_mem>>
        %dma_start3A_44 = arith.constant 0 : i32
        %dma_start3A_45 = tpu.memref_slice %arg4[%add3A, %scan3A_39, %dma_start3A_44] : memref<32x79x128xi32, #tpu.memory_space<hbm>> -> memref<1x1x128xi32, #tpu.memory_space<hbm>>
        %dma_start3A_46 = tpu.memref_squeeze %dma_start3A_45 : memref<1x1x128xi32, #tpu.memory_space<hbm>> -> memref<128xi32, #tpu.memory_space<hbm>>
        %dma_start3A_47 = arith.constant 0 : i32
        %dma_start3A_48 = tpu.memref_slice %arg4[%add3A, %scan3A_39, %dma_start3A_47] : memref<32x79x128xi32, #tpu.memory_space<hbm>> -> memref<1x1x128xi32, #tpu.memory_space<hbm>>
        %dma_start3A_49 = tpu.memref_squeeze %dma_start3A_48 : memref<1x1x128xi32, #tpu.memory_space<hbm>> -> memref<128xi32, #tpu.memory_space<hbm>>
        tpu.enqueue_dma source(%dma_start3A_49 : memref<128xi32, #tpu.memory_space<hbm>>) target(%arg8 : memref<128xi32, #tpu.memory_space<vmem>>) target_semaphore(%run_scoped3A : memref<!tpu.dma_semaphore, #tpu.memory_space<semaphore_mem>>)
        %dma_wait3A_50 = arith.constant 0 : i32
        %dma_wait3A_51 = tpu.memref_slice %arg4[%add3A, %scan3A_39, %dma_wait3A_50] : memref<32x79x128xi32, #tpu.memory_space<hbm>> -> memref<1x1x128xi32, #tpu.memory_space<hbm>>
        %dma_wait3A_52 = tpu.memref_squeeze %dma_wait3A_51 : memref<1x1x128xi32, #tpu.memory_space<hbm>> -> memref<128xi32, #tpu.memory_space<hbm>>
        %dma_wait3A_53 = arith.constant 0 : i32
        %dma_wait3A_54 = tpu.memref_slice %arg4[%add3A, %scan3A_39, %dma_wait3A_53] : memref<32x79x128xi32, #tpu.memory_space<hbm>> -> memref<1x1x128xi32, #tpu.memory_space<hbm>>
        %dma_wait3A_55 = tpu.memref_squeeze %dma_wait3A_54 : memref<1x1x128xi32, #tpu.memory_space<hbm>> -> memref<128xi32, #tpu.memory_space<hbm>>
        tpu.wait_dma2 semaphore(%run_scoped3A : memref<!tpu.dma_semaphore, #tpu.memory_space<semaphore_mem>>) src(%dma_wait3A_55 : memref<128xi32, #tpu.memory_space<hbm>>) dst(%arg8 : memref<128xi32, #tpu.memory_space<vmem>>)
        tpu.yield
      }) : () -> ()
      %dma_wait3A = arith.constant 0 : i32
      %dma_wait3A_42 = arith.constant 0 : i32
      %dma_wait3A_43 = tpu.memref_slice %arg2[%dma_wait3A, %dma_wait3A_42] : memref<10112x128xf32, #tpu.memory_space<hbm>> -> memref<10112x128xf32, #tpu.memory_space<hbm>>
      tpu.wait_indirect_dma semaphore(%arg11 : memref<!tpu.dma_semaphore, #tpu.memory_space<semaphore_mem>>) src(%dma_wait3A_43 : memref<10112x128xf32, #tpu.memory_space<hbm>>) dst(%arg9 : memref<128x128xf32, #tpu.memory_space<vmem>>)
      "tpu.region"() ({
        %run_scoped3A = tpu.sem_alloc : memref<!tpu.dma_semaphore, #tpu.memory_space<semaphore_mem>>
        %dma_start3A_44 = arith.constant 0 : i32
        %dma_start3A_45 = arith.constant 0 : i32
        %dma_start3A_46 = tpu.memref_slice %arg10[%dma_start3A_44, %dma_start3A_45] : memref<10112x128xf32, #tpu.memory_space<vmem_shared>> -> memref<10112x128xf32, #tpu.memory_space<vmem_shared>>
        tpu.enqueue_indirect_dma source(%arg9 : memref<128x128xf32, #tpu.memory_space<vmem>>) target(%dma_start3A_46 : memref<10112x128xf32, #tpu.memory_space<vmem_shared>>) offsets(%arg8 : memref<128xi32, #tpu.memory_space<vmem>>) semaphore(%run_scoped3A : memref<!tpu.dma_semaphore, #tpu.memory_space<semaphore_mem>>) {add = true}
        %dma_wait3A_47 = arith.constant 0 : i32
        %dma_wait3A_48 = arith.constant 0 : i32
        %dma_wait3A_49 = tpu.memref_slice %arg10[%dma_wait3A_47, %dma_wait3A_48] : memref<10112x128xf32, #tpu.memory_space<vmem_shared>> -> memref<10112x128xf32, #tpu.memory_space<vmem_shared>>
        tpu.wait_indirect_dma semaphore(%run_scoped3A : memref<!tpu.dma_semaphore, #tpu.memory_space<semaphore_mem>>) src(%arg9 : memref<128x128xf32, #tpu.memory_space<vmem>>) dst(%dma_wait3A_49 : memref<10112x128xf32, #tpu.memory_space<vmem_shared>>)
        tpu.yield
      }) : () -> ()
    }
    %scan3A_17 = arith.constant 79 : i32
    %barrier3A_18 = arith.constant 0 : index
    tpu.barrier barrier_id(%barrier3A_18)
    %add3A_19 = arith.constant 0 : i32
    %add3A_20 = arith.addi %mul3A_2, %add3A_19 : i32
    "tpu.region"() ({
      %run_scoped3A = tpu.sem_alloc : memref<!tpu.dma_semaphore, #tpu.memory_space<semaphore_mem>>
      %dma_start3A = arith.constant 0 : i32
      %dma_start3A_39 = arith.constant 0 : i32
      %dma_start3A_40 = tpu.memref_slice %arg9[%dma_start3A, %dma_start3A_39] : memref<128x128xf32, #tpu.memory_space<vmem>> -> memref<128x128xf32, #tpu.memory_space<vmem>>
      %dma_start3A_41 = arith.constant 0 : i32
      %dma_start3A_42 = tpu.memref_slice %arg10[%add3A_20, %dma_start3A_41] : memref<10112x128xf32, #tpu.memory_space<vmem_shared>> -> memref<128x128xf32, #tpu.memory_space<vmem_shared>>
      %dma_start3A_43 = arith.constant 0 : i32
      %dma_start3A_44 = arith.constant 0 : i32
      %dma_start3A_45 = tpu.memref_slice %arg9[%dma_start3A_43, %dma_start3A_44] : memref<128x128xf32, #tpu.memory_space<vmem>> -> memref<128x128xf32, #tpu.memory_space<vmem>>
      %dma_start3A_46 = arith.constant 0 : i32
      %dma_start3A_47 = tpu.memref_slice %arg10[%add3A_20, %dma_start3A_46] : memref<10112x128xf32, #tpu.memory_space<vmem_shared>> -> memref<128x128xf32, #tpu.memory_space<vmem_shared>>
      tpu.enqueue_dma source(%dma_start3A_47 : memref<128x128xf32, #tpu.memory_space<vmem_shared>>) target(%dma_start3A_45 : memref<128x128xf32, #tpu.memory_space<vmem>>) target_semaphore(%run_scoped3A : memref<!tpu.dma_semaphore, #tpu.memory_space<semaphore_mem>>)
      %dma_wait3A = arith.constant 0 : i32
      %dma_wait3A_48 = arith.constant 0 : i32
      %dma_wait3A_49 = tpu.memref_slice %arg9[%dma_wait3A, %dma_wait3A_48] : memref<128x128xf32, #tpu.memory_space<vmem>> -> memref<128x128xf32, #tpu.memory_space<vmem>>
      %dma_wait3A_50 = arith.constant 0 : i32
      %dma_wait3A_51 = tpu.memref_slice %arg10[%add3A_20, %dma_wait3A_50] : memref<10112x128xf32, #tpu.memory_space<vmem_shared>> -> memref<128x128xf32, #tpu.memory_space<vmem_shared>>
      %dma_wait3A_52 = arith.constant 0 : i32
      %dma_wait3A_53 = arith.constant 0 : i32
      %dma_wait3A_54 = tpu.memref_slice %arg9[%dma_wait3A_52, %dma_wait3A_53] : memref<128x128xf32, #tpu.memory_space<vmem>> -> memref<128x128xf32, #tpu.memory_space<vmem>>
      %dma_wait3A_55 = arith.constant 0 : i32
      %dma_wait3A_56 = tpu.memref_slice %arg10[%add3A_20, %dma_wait3A_55] : memref<10112x128xf32, #tpu.memory_space<vmem_shared>> -> memref<128x128xf32, #tpu.memory_space<vmem_shared>>
      tpu.wait_dma2 semaphore(%run_scoped3A : memref<!tpu.dma_semaphore, #tpu.memory_space<semaphore_mem>>) src(%dma_wait3A_56 : memref<128x128xf32, #tpu.memory_space<vmem_shared>>) dst(%dma_wait3A_54 : memref<128x128xf32, #tpu.memory_space<vmem>>)
      tpu.yield
    }) : () -> ()
    %add3A_21 = arith.constant 0 : i32
    %add3A_22 = arith.addi %mul3A_2, %add3A_21 : i32
    "tpu.region"() ({
      %run_scoped3A = tpu.sem_alloc : memref<!tpu.dma_semaphore, #tpu.memory_space<semaphore_mem>>
      %dma_start3A = arith.constant 0 : i32
      %dma_start3A_39 = arith.constant 0 : i32
      %dma_start3A_40 = tpu.memref_slice %arg9[%dma_start3A, %dma_start3A_39] : memref<128x128xf32, #tpu.memory_space<vmem>> -> memref<128x128xf32, #tpu.memory_space<vmem>>
      %dma_start3A_41 = arith.constant 0 : i32
      %dma_start3A_42 = tpu.memref_slice %arg6[%arg0, %add3A_22, %dma_start3A_41] : memref<2x10112x128xf32, #tpu.memory_space<hbm>> -> memref<1x128x128xf32, #tpu.memory_space<hbm>>
      %dma_start3A_43 = tpu.memref_squeeze %dma_start3A_42 : memref<1x128x128xf32, #tpu.memory_space<hbm>> -> memref<128x128xf32, #tpu.memory_space<hbm>>
      %dma_start3A_44 = arith.constant 0 : i32
      %dma_start3A_45 = tpu.memref_slice %arg6[%arg0, %add3A_22, %dma_start3A_44] : memref<2x10112x128xf32, #tpu.memory_space<hbm>> -> memref<1x128x128xf32, #tpu.memory_space<hbm>>
      %dma_start3A_46 = tpu.memref_squeeze %dma_start3A_45 : memref<1x128x128xf32, #tpu.memory_space<hbm>> -> memref<128x128xf32, #tpu.memory_space<hbm>>
      %dma_start3A_47 = arith.constant 0 : i32
      %dma_start3A_48 = arith.constant 0 : i32
      %dma_start3A_49 = tpu.memref_slice %arg9[%dma_start3A_47, %dma_start3A_48] : memref<128x128xf32, #tpu.memory_space<vmem>> -> memref<128x128xf32, #tpu.memory_space<vmem>>
      tpu.enqueue_dma source(%dma_start3A_49 : memref<128x128xf32, #tpu.memory_space<vmem>>) target(%dma_start3A_46 : memref<128x128xf32, #tpu.memory_space<hbm>>) target_semaphore(%run_scoped3A : memref<!tpu.dma_semaphore, #tpu.memory_space<semaphore_mem>>)
      %dma_wait3A = arith.constant 0 : i32
      %dma_wait3A_50 = arith.constant 0 : i32
      %dma_wait3A_51 = tpu.memref_slice %arg9[%dma_wait3A, %dma_wait3A_50] : memref<128x128xf32, #tpu.memory_space<vmem>> -> memref<128x128xf32, #tpu.memory_space<vmem>>
      %dma_wait3A_52 = arith.constant 0 : i32
      %dma_wait3A_53 = tpu.memref_slice %arg6[%arg0, %add3A_22, %dma_wait3A_52] : memref<2x10112x128xf32, #tpu.memory_space<hbm>> -> memref<1x128x128xf32, #tpu.memory_space<hbm>>
      %dma_wait3A_54 = tpu.memref_squeeze %dma_wait3A_53 : memref<1x128x128xf32, #tpu.memory_space<hbm>> -> memref<128x128xf32, #tpu.memory_space<hbm>>
      %dma_wait3A_55 = arith.constant 0 : i32
      %dma_wait3A_56 = tpu.memref_slice %arg6[%arg0, %add3A_22, %dma_wait3A_55] : memref<2x10112x128xf32, #tpu.memory_space<hbm>> -> memref<1x128x128xf32, #tpu.memory_space<hbm>>
      %dma_wait3A_57 = tpu.memref_squeeze %dma_wait3A_56 : memref<1x128x128xf32, #tpu.memory_space<hbm>> -> memref<128x128xf32, #tpu.memory_space<hbm>>
      %dma_wait3A_58 = arith.constant 0 : i32
      %dma_wait3A_59 = arith.constant 0 : i32
      %dma_wait3A_60 = tpu.memref_slice %arg9[%dma_wait3A_58, %dma_wait3A_59] : memref<128x128xf32, #tpu.memory_space<vmem>> -> memref<128x128xf32, #tpu.memory_space<vmem>>
      tpu.wait_dma2 semaphore(%run_scoped3A : memref<!tpu.dma_semaphore, #tpu.memory_space<semaphore_mem>>) src(%dma_wait3A_60 : memref<128x128xf32, #tpu.memory_space<vmem>>) dst(%dma_wait3A_57 : memref<128x128xf32, #tpu.memory_space<hbm>>)
      tpu.yield
    }) : () -> ()
    %add3A_23 = arith.constant 128 : i32
    %add3A_24 = arith.addi %mul3A_2, %add3A_23 : i32
    "tpu.region"() ({
      %run_scoped3A = tpu.sem_alloc : memref<!tpu.dma_semaphore, #tpu.memory_space<semaphore_mem>>
      %dma_start3A = arith.constant 0 : i32
      %dma_start3A_39 = arith.constant 0 : i32
      %dma_start3A_40 = tpu.memref_slice %arg9[%dma_start3A, %dma_start3A_39] : memref<128x128xf32, #tpu.memory_space<vmem>> -> memref<128x128xf32, #tpu.memory_space<vmem>>
      %dma_start3A_41 = arith.constant 0 : i32
      %dma_start3A_42 = tpu.memref_slice %arg10[%add3A_24, %dma_start3A_41] : memref<10112x128xf32, #tpu.memory_space<vmem_shared>> -> memref<128x128xf32, #tpu.memory_space<vmem_shared>>
      %dma_start3A_43 = arith.constant 0 : i32
      %dma_start3A_44 = arith.constant 0 : i32
      %dma_start3A_45 = tpu.memref_slice %arg9[%dma_start3A_43, %dma_start3A_44] : memref<128x128xf32, #tpu.memory_space<vmem>> -> memref<128x128xf32, #tpu.memory_space<vmem>>
      %dma_start3A_46 = arith.constant 0 : i32
      %dma_start3A_47 = tpu.memref_slice %arg10[%add3A_24, %dma_start3A_46] : memref<10112x128xf32, #tpu.memory_space<vmem_shared>> -> memref<128x128xf32, #tpu.memory_space<vmem_shared>>
      tpu.enqueue_dma source(%dma_start3A_47 : memref<128x128xf32, #tpu.memory_space<vmem_shared>>) target(%dma_start3A_45 : memref<128x128xf32, #tpu.memory_space<vmem>>) target_semaphore(%run_scoped3A : memref<!tpu.dma_semaphore, #tpu.memory_space<semaphore_mem>>)
      %dma_wait3A = arith.constant 0 : i32
      %dma_wait3A_48 = arith.constant 0 : i32
      %dma_wait3A_49 = tpu.memref_slice %arg9[%dma_wait3A, %dma_wait3A_48] : memref<128x128xf32, #tpu.memory_space<vmem>> -> memref<128x128xf32, #tpu.memory_space<vmem>>
      %dma_wait3A_50 = arith.constant 0 : i32
      %dma_wait3A_51 = tpu.memref_slice %arg10[%add3A_24, %dma_wait3A_50] : memref<10112x128xf32, #tpu.memory_space<vmem_shared>> -> memref<128x128xf32, #tpu.memory_space<vmem_shared>>
      %dma_wait3A_52 = arith.constant 0 : i32
      %dma_wait3A_53 = arith.constant 0 : i32
      %dma_wait3A_54 = tpu.memref_slice %arg9[%dma_wait3A_52, %dma_wait3A_53] : memref<128x128xf32, #tpu.memory_space<vmem>> -> memref<128x128xf32, #tpu.memory_space<vmem>>
      %dma_wait3A_55 = arith.constant 0 : i32
      %dma_wait3A_56 = tpu.memref_slice %arg10[%add3A_24, %dma_wait3A_55] : memref<10112x128xf32, #tpu.memory_space<vmem_shared>> -> memref<128x128xf32, #tpu.memory_space<vmem_shared>>
      tpu.wait_dma2 semaphore(%run_scoped3A : memref<!tpu.dma_semaphore, #tpu.memory_space<semaphore_mem>>) src(%dma_wait3A_56 : memref<128x128xf32, #tpu.memory_space<vmem_shared>>) dst(%dma_wait3A_54 : memref<128x128xf32, #tpu.memory_space<vmem>>)
      tpu.yield
    }) : () -> ()
    %add3A_25 = arith.constant 128 : i32
    %add3A_26 = arith.addi %mul3A_2, %add3A_25 : i32
    "tpu.region"() ({
      %run_scoped3A = tpu.sem_alloc : memref<!tpu.dma_semaphore, #tpu.memory_space<semaphore_mem>>
      %dma_start3A = arith.constant 0 : i32
      %dma_start3A_39 = arith.constant 0 : i32
      %dma_start3A_40 = tpu.memref_slice %arg9[%dma_start3A, %dma_start3A_39] : memref<128x128xf32, #tpu.memory_space<vmem>> -> memref<128x128xf32, #tpu.memory_space<vmem>>
      %dma_start3A_41 = arith.constant 0 : i32
      %dma_start3A_42 = tpu.memref_slice %arg6[%arg0, %add3A_26, %dma_start3A_41] : memref<2x10112x128xf32, #tpu.memory_space<hbm>> -> memref<1x128x128xf32, #tpu.memory_space<hbm>>
      %dma_start3A_43 = tpu.memref_squeeze %dma_start3A_42 : memref<1x128x128xf32, #tpu.memory_space<hbm>> -> memref<128x128xf32, #tpu.memory_space<hbm>>
      %dma_start3A_44 = arith.constant 0 : i32
      %dma_start3A_45 = tpu.memref_slice %arg6[%arg0, %add3A_26, %dma_start3A_44] : memref<2x10112x128xf32, #tpu.memory_space<hbm>> -> memref<1x128x128xf32, #tpu.memory_space<hbm>>
      %dma_start3A_46 = tpu.memref_squeeze %dma_start3A_45 : memref<1x128x128xf32, #tpu.memory_space<hbm>> -> memref<128x128xf32, #tpu.memory_space<hbm>>
      %dma_start3A_47 = arith.constant 0 : i32
      %dma_start3A_48 = arith.constant 0 : i32
      %dma_start3A_49 = tpu.memref_slice %arg9[%dma_start3A_47, %dma_start3A_48] : memref<128x128xf32, #tpu.memory_space<vmem>> -> memref<128x128xf32, #tpu.memory_space<vmem>>
      tpu.enqueue_dma source(%dma_start3A_49 : memref<128x128xf32, #tpu.memory_space<vmem>>) target(%dma_start3A_46 : memref<128x128xf32, #tpu.memory_space<hbm>>) target_semaphore(%run_scoped3A : memref<!tpu.dma_semaphore, #tpu.memory_space<semaphore_mem>>)
      %dma_wait3A = arith.constant 0 : i32
      %dma_wait3A_50 = arith.constant 0 : i32
      %dma_wait3A_51 = tpu.memref_slice %arg9[%dma_wait3A, %dma_wait3A_50] : memref<128x128xf32, #tpu.memory_space<vmem>> -> memref<128x128xf32, #tpu.memory_space<vmem>>
      %dma_wait3A_52 = arith.constant 0 : i32
      %dma_wait3A_53 = tpu.memref_slice %arg6[%arg0, %add3A_26, %dma_wait3A_52] : memref<2x10112x128xf32, #tpu.memory_space<hbm>> -> memref<1x128x128xf32, #tpu.memory_space<hbm>>
      %dma_wait3A_54 = tpu.memref_squeeze %dma_wait3A_53 : memref<1x128x128xf32, #tpu.memory_space<hbm>> -> memref<128x128xf32, #tpu.memory_space<hbm>>
      %dma_wait3A_55 = arith.constant 0 : i32
      %dma_wait3A_56 = tpu.memref_slice %arg6[%arg0, %add3A_26, %dma_wait3A_55] : memref<2x10112x128xf32, #tpu.memory_space<hbm>> -> memref<1x128x128xf32, #tpu.memory_space<hbm>>
      %dma_wait3A_57 = tpu.memref_squeeze %dma_wait3A_56 : memref<1x128x128xf32, #tpu.memory_space<hbm>> -> memref<128x128xf32, #tpu.memory_space<hbm>>
      %dma_wait3A_58 = arith.constant 0 : i32
      %dma_wait3A_59 = arith.constant 0 : i32
      %dma_wait3A_60 = tpu.memref_slice %arg9[%dma_wait3A_58, %dma_wait3A_59] : memref<128x128xf32, #tpu.memory_space<vmem>> -> memref<128x128xf32, #tpu.memory_space<vmem>>
      tpu.wait_dma2 semaphore(%run_scoped3A : memref<!tpu.dma_semaphore, #tpu.memory_space<semaphore_mem>>) src(%dma_wait3A_60 : memref<128x128xf32, #tpu.memory_space<vmem>>) dst(%dma_wait3A_57 : memref<128x128xf32, #tpu.memory_space<hbm>>)
      tpu.yield
    }) : () -> ()
    %add3A_27 = arith.constant 256 : i32
    %add3A_28 = arith.addi %mul3A_2, %add3A_27 : i32
    "tpu.region"() ({
      %run_scoped3A = tpu.sem_alloc : memref<!tpu.dma_semaphore, #tpu.memory_space<semaphore_mem>>
      %dma_start3A = arith.constant 0 : i32
      %dma_start3A_39 = arith.constant 0 : i32
      %dma_start3A_40 = tpu.memref_slice %arg9[%dma_start3A, %dma_start3A_39] : memref<128x128xf32, #tpu.memory_space<vmem>> -> memref<128x128xf32, #tpu.memory_space<vmem>>
      %dma_start3A_41 = arith.constant 0 : i32
      %dma_start3A_42 = tpu.memref_slice %arg10[%add3A_28, %dma_start3A_41] : memref<10112x128xf32, #tpu.memory_space<vmem_shared>> -> memref<128x128xf32, #tpu.memory_space<vmem_shared>>
      %dma_start3A_43 = arith.constant 0 : i32
      %dma_start3A_44 = arith.constant 0 : i32
      %dma_start3A_45 = tpu.memref_slice %arg9[%dma_start3A_43, %dma_start3A_44] : memref<128x128xf32, #tpu.memory_space<vmem>> -> memref<128x128xf32, #tpu.memory_space<vmem>>
      %dma_start3A_46 = arith.constant 0 : i32
      %dma_start3A_47 = tpu.memref_slice %arg10[%add3A_28, %dma_start3A_46] : memref<10112x128xf32, #tpu.memory_space<vmem_shared>> -> memref<128x128xf32, #tpu.memory_space<vmem_shared>>
      tpu.enqueue_dma source(%dma_start3A_47 : memref<128x128xf32, #tpu.memory_space<vmem_shared>>) target(%dma_start3A_45 : memref<128x128xf32, #tpu.memory_space<vmem>>) target_semaphore(%run_scoped3A : memref<!tpu.dma_semaphore, #tpu.memory_space<semaphore_mem>>)
      %dma_wait3A = arith.constant 0 : i32
      %dma_wait3A_48 = arith.constant 0 : i32
      %dma_wait3A_49 = tpu.memref_slice %arg9[%dma_wait3A, %dma_wait3A_48] : memref<128x128xf32, #tpu.memory_space<vmem>> -> memref<128x128xf32, #tpu.memory_space<vmem>>
      %dma_wait3A_50 = arith.constant 0 : i32
      %dma_wait3A_51 = tpu.memref_slice %arg10[%add3A_28, %dma_wait3A_50] : memref<10112x128xf32, #tpu.memory_space<vmem_shared>> -> memref<128x128xf32, #tpu.memory_space<vmem_shared>>
      %dma_wait3A_52 = arith.constant 0 : i32
      %dma_wait3A_53 = arith.constant 0 : i32
      %dma_wait3A_54 = tpu.memref_slice %arg9[%dma_wait3A_52, %dma_wait3A_53] : memref<128x128xf32, #tpu.memory_space<vmem>> -> memref<128x128xf32, #tpu.memory_space<vmem>>
      %dma_wait3A_55 = arith.constant 0 : i32
      %dma_wait3A_56 = tpu.memref_slice %arg10[%add3A_28, %dma_wait3A_55] : memref<10112x128xf32, #tpu.memory_space<vmem_shared>> -> memref<128x128xf32, #tpu.memory_space<vmem_shared>>
      tpu.wait_dma2 semaphore(%run_scoped3A : memref<!tpu.dma_semaphore, #tpu.memory_space<semaphore_mem>>) src(%dma_wait3A_56 : memref<128x128xf32, #tpu.memory_space<vmem_shared>>) dst(%dma_wait3A_54 : memref<128x128xf32, #tpu.memory_space<vmem>>)
      tpu.yield
    }) : () -> ()
    %add3A_29 = arith.constant 256 : i32
    %add3A_30 = arith.addi %mul3A_2, %add3A_29 : i32
    "tpu.region"() ({
      %run_scoped3A = tpu.sem_alloc : memref<!tpu.dma_semaphore, #tpu.memory_space<semaphore_mem>>
      %dma_start3A = arith.constant 0 : i32
      %dma_start3A_39 = arith.constant 0 : i32
      %dma_start3A_40 = tpu.memref_slice %arg9[%dma_start3A, %dma_start3A_39] : memref<128x128xf32, #tpu.memory_space<vmem>> -> memref<128x128xf32, #tpu.memory_space<vmem>>
      %dma_start3A_41 = arith.constant 0 : i32
      %dma_start3A_42 = tpu.memref_slice %arg6[%arg0, %add3A_30, %dma_start3A_41] : memref<2x10112x128xf32, #tpu.memory_space<hbm>> -> memref<1x128x128xf32, #tpu.memory_space<hbm>>
      %dma_start3A_43 = tpu.memref_squeeze %dma_start3A_42 : memref<1x128x128xf32, #tpu.memory_space<hbm>> -> memref<128x128xf32, #tpu.memory_space<hbm>>
      %dma_start3A_44 = arith.constant 0 : i32
      %dma_start3A_45 = tpu.memref_slice %arg6[%arg0, %add3A_30, %dma_start3A_44] : memref<2x10112x128xf32, #tpu.memory_space<hbm>> -> memref<1x128x128xf32, #tpu.memory_space<hbm>>
      %dma_start3A_46 = tpu.memref_squeeze %dma_start3A_45 : memref<1x128x128xf32, #tpu.memory_space<hbm>> -> memref<128x128xf32, #tpu.memory_space<hbm>>
      %dma_start3A_47 = arith.constant 0 : i32
      %dma_start3A_48 = arith.constant 0 : i32
      %dma_start3A_49 = tpu.memref_slice %arg9[%dma_start3A_47, %dma_start3A_48] : memref<128x128xf32, #tpu.memory_space<vmem>> -> memref<128x128xf32, #tpu.memory_space<vmem>>
      tpu.enqueue_dma source(%dma_start3A_49 : memref<128x128xf32, #tpu.memory_space<vmem>>) target(%dma_start3A_46 : memref<128x128xf32, #tpu.memory_space<hbm>>) target_semaphore(%run_scoped3A : memref<!tpu.dma_semaphore, #tpu.memory_space<semaphore_mem>>)
      %dma_wait3A = arith.constant 0 : i32
      %dma_wait3A_50 = arith.constant 0 : i32
      %dma_wait3A_51 = tpu.memref_slice %arg9[%dma_wait3A, %dma_wait3A_50] : memref<128x128xf32, #tpu.memory_space<vmem>> -> memref<128x128xf32, #tpu.memory_space<vmem>>
      %dma_wait3A_52 = arith.constant 0 : i32
      %dma_wait3A_53 = tpu.memref_slice %arg6[%arg0, %add3A_30, %dma_wait3A_52] : memref<2x10112x128xf32, #tpu.memory_space<hbm>> -> memref<1x128x128xf32, #tpu.memory_space<hbm>>
      %dma_wait3A_54 = tpu.memref_squeeze %dma_wait3A_53 : memref<1x128x128xf32, #tpu.memory_space<hbm>> -> memref<128x128xf32, #tpu.memory_space<hbm>>
      %dma_wait3A_55 = arith.constant 0 : i32
      %dma_wait3A_56 = tpu.memref_slice %arg6[%arg0, %add3A_30, %dma_wait3A_55] : memref<2x10112x128xf32, #tpu.memory_space<hbm>> -> memref<1x128x128xf32, #tpu.memory_space<hbm>>
      %dma_wait3A_57 = tpu.memref_squeeze %dma_wait3A_56 : memref<1x128x128xf32, #tpu.memory_space<hbm>> -> memref<128x128xf32, #tpu.memory_space<hbm>>
      %dma_wait3A_58 = arith.constant 0 : i32
      %dma_wait3A_59 = arith.constant 0 : i32
      %dma_wait3A_60 = tpu.memref_slice %arg9[%dma_wait3A_58, %dma_wait3A_59] : memref<128x128xf32, #tpu.memory_space<vmem>> -> memref<128x128xf32, #tpu.memory_space<vmem>>
      tpu.wait_dma2 semaphore(%run_scoped3A : memref<!tpu.dma_semaphore, #tpu.memory_space<semaphore_mem>>) src(%dma_wait3A_60 : memref<128x128xf32, #tpu.memory_space<vmem>>) dst(%dma_wait3A_57 : memref<128x128xf32, #tpu.memory_space<hbm>>)
      tpu.yield
    }) : () -> ()
    %add3A_31 = arith.constant 384 : i32
    %add3A_32 = arith.addi %mul3A_2, %add3A_31 : i32
    "tpu.region"() ({
      %run_scoped3A = tpu.sem_alloc : memref<!tpu.dma_semaphore, #tpu.memory_space<semaphore_mem>>
      %dma_start3A = arith.constant 0 : i32
      %dma_start3A_39 = arith.constant 0 : i32
      %dma_start3A_40 = tpu.memref_slice %arg9[%dma_start3A, %dma_start3A_39] : memref<128x128xf32, #tpu.memory_space<vmem>> -> memref<128x128xf32, #tpu.memory_space<vmem>>
      %dma_start3A_41 = arith.constant 0 : i32
      %dma_start3A_42 = tpu.memref_slice %arg10[%add3A_32, %dma_start3A_41] : memref<10112x128xf32, #tpu.memory_space<vmem_shared>> -> memref<128x128xf32, #tpu.memory_space<vmem_shared>>
      %dma_start3A_43 = arith.constant 0 : i32
      %dma_start3A_44 = arith.constant 0 : i32
      %dma_start3A_45 = tpu.memref_slice %arg9[%dma_start3A_43, %dma_start3A_44] : memref<128x128xf32, #tpu.memory_space<vmem>> -> memref<128x128xf32, #tpu.memory_space<vmem>>
      %dma_start3A_46 = arith.constant 0 : i32
      %dma_start3A_47 = tpu.memref_slice %arg10[%add3A_32, %dma_start3A_46] : memref<10112x128xf32, #tpu.memory_space<vmem_shared>> -> memref<128x128xf32, #tpu.memory_space<vmem_shared>>
      tpu.enqueue_dma source(%dma_start3A_47 : memref<128x128xf32, #tpu.memory_space<vmem_shared>>) target(%dma_start3A_45 : memref<128x128xf32, #tpu.memory_space<vmem>>) target_semaphore(%run_scoped3A : memref<!tpu.dma_semaphore, #tpu.memory_space<semaphore_mem>>)
      %dma_wait3A = arith.constant 0 : i32
      %dma_wait3A_48 = arith.constant 0 : i32
      %dma_wait3A_49 = tpu.memref_slice %arg9[%dma_wait3A, %dma_wait3A_48] : memref<128x128xf32, #tpu.memory_space<vmem>> -> memref<128x128xf32, #tpu.memory_space<vmem>>
      %dma_wait3A_50 = arith.constant 0 : i32
      %dma_wait3A_51 = tpu.memref_slice %arg10[%add3A_32, %dma_wait3A_50] : memref<10112x128xf32, #tpu.memory_space<vmem_shared>> -> memref<128x128xf32, #tpu.memory_space<vmem_shared>>
      %dma_wait3A_52 = arith.constant 0 : i32
      %dma_wait3A_53 = arith.constant 0 : i32
      %dma_wait3A_54 = tpu.memref_slice %arg9[%dma_wait3A_52, %dma_wait3A_53] : memref<128x128xf32, #tpu.memory_space<vmem>> -> memref<128x128xf32, #tpu.memory_space<vmem>>
      %dma_wait3A_55 = arith.constant 0 : i32
      %dma_wait3A_56 = tpu.memref_slice %arg10[%add3A_32, %dma_wait3A_55] : memref<10112x128xf32, #tpu.memory_space<vmem_shared>> -> memref<128x128xf32, #tpu.memory_space<vmem_shared>>
      tpu.wait_dma2 semaphore(%run_scoped3A : memref<!tpu.dma_semaphore, #tpu.memory_space<semaphore_mem>>) src(%dma_wait3A_56 : memref<128x128xf32, #tpu.memory_space<vmem_shared>>) dst(%dma_wait3A_54 : memref<128x128xf32, #tpu.memory_space<vmem>>)
      tpu.yield
    }) : () -> ()
    %add3A_33 = arith.constant 384 : i32
    %add3A_34 = arith.addi %mul3A_2, %add3A_33 : i32
    "tpu.region"() ({
      %run_scoped3A = tpu.sem_alloc : memref<!tpu.dma_semaphore, #tpu.memory_space<semaphore_mem>>
      %dma_start3A = arith.constant 0 : i32
      %dma_start3A_39 = arith.constant 0 : i32
      %dma_start3A_40 = tpu.memref_slice %arg9[%dma_start3A, %dma_start3A_39] : memref<128x128xf32, #tpu.memory_space<vmem>> -> memref<128x128xf32, #tpu.memory_space<vmem>>
      %dma_start3A_41 = arith.constant 0 : i32
      %dma_start3A_42 = tpu.memref_slice %arg6[%arg0, %add3A_34, %dma_start3A_41] : memref<2x10112x128xf32, #tpu.memory_space<hbm>> -> memref<1x128x128xf32, #tpu.memory_space<hbm>>
      %dma_start3A_43 = tpu.memref_squeeze %dma_start3A_42 : memref<1x128x128xf32, #tpu.memory_space<hbm>> -> memref<128x128xf32, #tpu.memory_space<hbm>>
      %dma_start3A_44 = arith.constant 0 : i32
      %dma_start3A_45 = tpu.memref_slice %arg6[%arg0, %add3A_34, %dma_start3A_44] : memref<2x10112x128xf32, #tpu.memory_space<hbm>> -> memref<1x128x128xf32, #tpu.memory_space<hbm>>
      %dma_start3A_46 = tpu.memref_squeeze %dma_start3A_45 : memref<1x128x128xf32, #tpu.memory_space<hbm>> -> memref<128x128xf32, #tpu.memory_space<hbm>>
      %dma_start3A_47 = arith.constant 0 : i32
      %dma_start3A_48 = arith.constant 0 : i32
      %dma_start3A_49 = tpu.memref_slice %arg9[%dma_start3A_47, %dma_start3A_48] : memref<128x128xf32, #tpu.memory_space<vmem>> -> memref<128x128xf32, #tpu.memory_space<vmem>>
      tpu.enqueue_dma source(%dma_start3A_49 : memref<128x128xf32, #tpu.memory_space<vmem>>) target(%dma_start3A_46 : memref<128x128xf32, #tpu.memory_space<hbm>>) target_semaphore(%run_scoped3A : memref<!tpu.dma_semaphore, #tpu.memory_space<semaphore_mem>>)
      %dma_wait3A = arith.constant 0 : i32
      %dma_wait3A_50 = arith.constant 0 : i32
      %dma_wait3A_51 = tpu.memref_slice %arg9[%dma_wait3A, %dma_wait3A_50] : memref<128x128xf32, #tpu.memory_space<vmem>> -> memref<128x128xf32, #tpu.memory_space<vmem>>
      %dma_wait3A_52 = arith.constant 0 : i32
      %dma_wait3A_53 = tpu.memref_slice %arg6[%arg0, %add3A_34, %dma_wait3A_52] : memref<2x10112x128xf32, #tpu.memory_space<hbm>> -> memref<1x128x128xf32, #tpu.memory_space<hbm>>
      %dma_wait3A_54 = tpu.memref_squeeze %dma_wait3A_53 : memref<1x128x128xf32, #tpu.memory_space<hbm>> -> memref<128x128xf32, #tpu.memory_space<hbm>>
      %dma_wait3A_55 = arith.constant 0 : i32
      %dma_wait3A_56 = tpu.memref_slice %arg6[%arg0, %add3A_34, %dma_wait3A_55] : memref<2x10112x128xf32, #tpu.memory_space<hbm>> -> memref<1x128x128xf32, #tpu.memory_space<hbm>>
      %dma_wait3A_57 = tpu.memref_squeeze %dma_wait3A_56 : memref<1x128x128xf32, #tpu.memory_space<hbm>> -> memref<128x128xf32, #tpu.memory_space<hbm>>
      %dma_wait3A_58 = arith.constant 0 : i32
      %dma_wait3A_59 = arith.constant 0 : i32
      %dma_wait3A_60 = tpu.memref_slice %arg9[%dma_wait3A_58, %dma_wait3A_59] : memref<128x128xf32, #tpu.memory_space<vmem>> -> memref<128x128xf32, #tpu.memory_space<vmem>>
      tpu.wait_dma2 semaphore(%run_scoped3A : memref<!tpu.dma_semaphore, #tpu.memory_space<semaphore_mem>>) src(%dma_wait3A_60 : memref<128x128xf32, #tpu.memory_space<vmem>>) dst(%dma_wait3A_57 : memref<128x128xf32, #tpu.memory_space<hbm>>)
      tpu.yield
    }) : () -> ()
    %add3A_35 = arith.constant 512 : i32
    %add3A_36 = arith.addi %mul3A_2, %add3A_35 : i32
    "tpu.region"() ({
      %run_scoped3A = tpu.sem_alloc : memref<!tpu.dma_semaphore, #tpu.memory_space<semaphore_mem>>
      %dma_start3A = arith.constant 0 : i32
      %dma_start3A_39 = arith.constant 0 : i32
      %dma_start3A_40 = tpu.memref_slice %arg9[%dma_start3A, %dma_start3A_39] : memref<128x128xf32, #tpu.memory_space<vmem>> -> memref<120x128xf32, #tpu.memory_space<vmem>>
      %dma_start3A_41 = arith.constant 0 : i32
      %dma_start3A_42 = tpu.memref_slice %arg10[%add3A_36, %dma_start3A_41] : memref<10112x128xf32, #tpu.memory_space<vmem_shared>> -> memref<120x128xf32, #tpu.memory_space<vmem_shared>>
      %dma_start3A_43 = arith.constant 0 : i32
      %dma_start3A_44 = arith.constant 0 : i32
      %dma_start3A_45 = tpu.memref_slice %arg9[%dma_start3A_43, %dma_start3A_44] : memref<128x128xf32, #tpu.memory_space<vmem>> -> memref<120x128xf32, #tpu.memory_space<vmem>>
      %dma_start3A_46 = arith.constant 0 : i32
      %dma_start3A_47 = tpu.memref_slice %arg10[%add3A_36, %dma_start3A_46] : memref<10112x128xf32, #tpu.memory_space<vmem_shared>> -> memref<120x128xf32, #tpu.memory_space<vmem_shared>>
      tpu.enqueue_dma source(%dma_start3A_47 : memref<120x128xf32, #tpu.memory_space<vmem_shared>>) target(%dma_start3A_45 : memref<120x128xf32, #tpu.memory_space<vmem>>) target_semaphore(%run_scoped3A : memref<!tpu.dma_semaphore, #tpu.memory_space<semaphore_mem>>)
      %dma_wait3A = arith.constant 0 : i32
      %dma_wait3A_48 = arith.constant 0 : i32
      %dma_wait3A_49 = tpu.memref_slice %arg9[%dma_wait3A, %dma_wait3A_48] : memref<128x128xf32, #tpu.memory_space<vmem>> -> memref<120x128xf32, #tpu.memory_space<vmem>>
      %dma_wait3A_50 = arith.constant 0 : i32
      %dma_wait3A_51 = tpu.memref_slice %arg10[%add3A_36, %dma_wait3A_50] : memref<10112x128xf32, #tpu.memory_space<vmem_shared>> -> memref<120x128xf32, #tpu.memory_space<vmem_shared>>
      %dma_wait3A_52 = arith.constant 0 : i32
      %dma_wait3A_53 = arith.constant 0 : i32
      %dma_wait3A_54 = tpu.memref_slice %arg9[%dma_wait3A_52, %dma_wait3A_53] : memref<128x128xf32, #tpu.memory_space<vmem>> -> memref<120x128xf32, #tpu.memory_space<vmem>>
      %dma_wait3A_55 = arith.constant 0 : i32
      %dma_wait3A_56 = tpu.memref_slice %arg10[%add3A_36, %dma_wait3A_55] : memref<10112x128xf32, #tpu.memory_space<vmem_shared>> -> memref<120x128xf32, #tpu.memory_space<vmem_shared>>
      tpu.wait_dma2 semaphore(%run_scoped3A : memref<!tpu.dma_semaphore, #tpu.memory_space<semaphore_mem>>) src(%dma_wait3A_56 : memref<120x128xf32, #tpu.memory_space<vmem_shared>>) dst(%dma_wait3A_54 : memref<120x128xf32, #tpu.memory_space<vmem>>)
      tpu.yield
    }) : () -> ()
    %add3A_37 = arith.constant 512 : i32
    %add3A_38 = arith.addi %mul3A_2, %add3A_37 : i32
    "tpu.region"() ({
      %run_scoped3A = tpu.sem_alloc : memref<!tpu.dma_semaphore, #tpu.memory_space<semaphore_mem>>
      %dma_start3A = arith.constant 0 : i32
      %dma_start3A_39 = arith.constant 0 : i32
      %dma_start3A_40 = tpu.memref_slice %arg9[%dma_start3A, %dma_start3A_39] : memref<128x128xf32, #tpu.memory_space<vmem>> -> memref<120x128xf32, #tpu.memory_space<vmem>>
      %dma_start3A_41 = arith.constant 0 : i32
      %dma_start3A_42 = tpu.memref_slice %arg6[%arg0, %add3A_38, %dma_start3A_41] : memref<2x10112x128xf32, #tpu.memory_space<hbm>> -> memref<1x120x128xf32, #tpu.memory_space<hbm>>
      %dma_start3A_43 = tpu.memref_squeeze %dma_start3A_42 : memref<1x120x128xf32, #tpu.memory_space<hbm>> -> memref<120x128xf32, #tpu.memory_space<hbm>>
      %dma_start3A_44 = arith.constant 0 : i32
      %dma_start3A_45 = tpu.memref_slice %arg6[%arg0, %add3A_38, %dma_start3A_44] : memref<2x10112x128xf32, #tpu.memory_space<hbm>> -> memref<1x120x128xf32, #tpu.memory_space<hbm>>
      %dma_start3A_46 = tpu.memref_squeeze %dma_start3A_45 : memref<1x120x128xf32, #tpu.memory_space<hbm>> -> memref<120x128xf32, #tpu.memory_space<hbm>>
      %dma_start3A_47 = arith.constant 0 : i32
      %dma_start3A_48 = arith.constant 0 : i32
      %dma_start3A_49 = tpu.memref_slice %arg9[%dma_start3A_47, %dma_start3A_48] : memref<128x128xf32, #tpu.memory_space<vmem>> -> memref<120x128xf32, #tpu.memory_space<vmem>>
      tpu.enqueue_dma source(%dma_start3A_49 : memref<120x128xf32, #tpu.memory_space<vmem>>) target(%dma_start3A_46 : memref<120x128xf32, #tpu.memory_space<hbm>>) target_semaphore(%run_scoped3A : memref<!tpu.dma_semaphore, #tpu.memory_space<semaphore_mem>>)
      %dma_wait3A = arith.constant 0 : i32
      %dma_wait3A_50 = arith.constant 0 : i32
      %dma_wait3A_51 = tpu.memref_slice %arg9[%dma_wait3A, %dma_wait3A_50] : memref<128x128xf32, #tpu.memory_space<vmem>> -> memref<120x128xf32, #tpu.memory_space<vmem>>
      %dma_wait3A_52 = arith.constant 0 : i32
      %dma_wait3A_53 = tpu.memref_slice %arg6[%arg0, %add3A_38, %dma_wait3A_52] : memref<2x10112x128xf32, #tpu.memory_space<hbm>> -> memref<1x120x128xf32, #tpu.memory_space<hbm>>
      %dma_wait3A_54 = tpu.memref_squeeze %dma_wait3A_53 : memref<1x120x128xf32, #tpu.memory_space<hbm>> -> memref<120x128xf32, #tpu.memory_space<hbm>>
      %dma_wait3A_55 = arith.constant 0 : i32
      %dma_wait3A_56 = tpu.memref_slice %arg6[%arg0, %add3A_38, %dma_wait3A_55] : memref<2x10112x128xf32, #tpu.memory_space<hbm>> -> memref<1x120x128xf32, #tpu.memory_space<hbm>>
      %dma_wait3A_57 = tpu.memref_squeeze %dma_wait3A_56 : memref<1x120x128xf32, #tpu.memory_space<hbm>> -> memref<120x128xf32, #tpu.memory_space<hbm>>
      %dma_wait3A_58 = arith.constant 0 : i32
      %dma_wait3A_59 = arith.constant 0 : i32
      %dma_wait3A_60 = tpu.memref_slice %arg9[%dma_wait3A_58, %dma_wait3A_59] : memref<128x128xf32, #tpu.memory_space<vmem>> -> memref<120x128xf32, #tpu.memory_space<vmem>>
      tpu.wait_dma2 semaphore(%run_scoped3A : memref<!tpu.dma_semaphore, #tpu.memory_space<semaphore_mem>>) src(%dma_wait3A_60 : memref<120x128xf32, #tpu.memory_space<vmem>>) dst(%dma_wait3A_57 : memref<120x128xf32, #tpu.memory_space<hbm>>)
      tpu.yield
    }) : () -> ()
    return
  }
}

#map = affine_map<(d0, d1) -> (0, 0)>
#map1 = affine_map<(d0, d1) -> (0, 0, 0)>
module attributes {stable_mosaic.version = 14 : i64} {
  func.func @_agg_body(%arg0: i32, %arg1: i32, %arg2: memref<10000x128xf32, #tpu.memory_space<hbm>>, %arg3: memref<32x79x128xi32, #tpu.memory_space<hbm>>, %arg4: memref<32x79x128xi32, #tpu.memory_space<hbm>>, %arg5: memref<128x128xf32, #tpu.memory_space<hbm>>, %arg6: memref<2x10112x128xf32, #tpu.memory_space<hbm>>, %arg7: memref<128xi32, #tpu.memory_space<vmem>>, %arg8: memref<128xi32, #tpu.memory_space<vmem>>, %arg9: memref<128x128xf32, #tpu.memory_space<vmem>>, %arg10: memref<10112x128xf32, #tpu.memory_space<vmem_shared>>, %arg11: memref<!tpu.dma_semaphore, #tpu.memory_space<semaphore_mem>>) attributes {dimension_semantics = [#tpu.dimension_semantics<core_parallel>, #tpu.dimension_semantics<subcore_parallel>], iteration_bounds = array<i64: 2, 16>, scalar_prefetch = 0 : i64, scratch_operands = 5 : i64, tpu.core_type = #tpu.core_type<sc_vector_subcore>, window_params = [{transform_indices = #map}, {transform_indices = #map1}, {transform_indices = #map1}, {transform_indices = #map}, {transform_indices = #map1}]} {
    %mul3A = arith.constant 16 : i32
    %mul3A_0 = arith.muli %arg0, %mul3A : i32
    %add3A = arith.addi %mul3A_0, %arg1 : i32
    %mul3A_1 = arith.constant 632 : i32
    %mul3A_2 = arith.muli %arg1, %mul3A_1 : i32
    "tpu.region"() ({
      %run_scoped3A = tpu.sem_alloc : memref<!tpu.dma_semaphore, #tpu.memory_space<semaphore_mem>>
      tpu.enqueue_dma source(%arg5 : memref<128x128xf32, #tpu.memory_space<hbm>>) target(%arg9 : memref<128x128xf32, #tpu.memory_space<vmem>>) target_semaphore(%run_scoped3A : memref<!tpu.dma_semaphore, #tpu.memory_space<semaphore_mem>>)
      tpu.wait_dma2 semaphore(%run_scoped3A : memref<!tpu.dma_semaphore, #tpu.memory_space<semaphore_mem>>) src(%arg5 : memref<128x128xf32, #tpu.memory_space<hbm>>) dst(%arg9 : memref<128x128xf32, #tpu.memory_space<vmem>>)
      tpu.yield
    }) : () -> ()
    %add3A_3 = arith.constant 0 : i32
    %add3A_4 = arith.addi %mul3A_2, %add3A_3 : i32
    "tpu.region"() ({
      %run_scoped3A = tpu.sem_alloc : memref<!tpu.dma_semaphore, #tpu.memory_space<semaphore_mem>>
      %dma_start3A = arith.constant 0 : i32
      %dma_start3A_39 = arith.constant 0 : i32
      %dma_start3A_40 = tpu.memref_slice %arg9[%dma_start3A, %dma_start3A_39] : memref<128x128xf32, #tpu.memory_space<vmem>> -> memref<128x128xf32, #tpu.memory_space<vmem>>
      %dma_start3A_41 = arith.constant 0 : i32
      %dma_start3A_42 = tpu.memref_slice %arg10[%add3A_4, %dma_start3A_41] : memref<10112x128xf32, #tpu.memory_space<vmem_shared>> -> memref<128x128xf32, #tpu.memory_space<vmem_shared>>
      %dma_start3A_43 = arith.constant 0 : i32
      %dma_start3A_44 = tpu.memref_slice %arg10[%add3A_4, %dma_start3A_43] : memref<10112x128xf32, #tpu.memory_space<vmem_shared>> -> memref<128x128xf32, #tpu.memory_space<vmem_shared>>
      %dma_start3A_45 = arith.constant 0 : i32
      %dma_start3A_46 = arith.constant 0 : i32
      %dma_start3A_47 = tpu.memref_slice %arg9[%dma_start3A_45, %dma_start3A_46] : memref<128x128xf32, #tpu.memory_space<vmem>> -> memref<128x128xf32, #tpu.memory_space<vmem>>
      tpu.enqueue_dma source(%dma_start3A_47 : memref<128x128xf32, #tpu.memory_space<vmem>>) target(%dma_start3A_44 : memref<128x128xf32, #tpu.memory_space<vmem_shared>>) target_semaphore(%run_scoped3A : memref<!tpu.dma_semaphore, #tpu.memory_space<semaphore_mem>>)
      %dma_wait3A = arith.constant 0 : i32
      %dma_wait3A_48 = arith.constant 0 : i32
      %dma_wait3A_49 = tpu.memref_slice %arg9[%dma_wait3A, %dma_wait3A_48] : memref<128x128xf32, #tpu.memory_space<vmem>> -> memref<128x128xf32, #tpu.memory_space<vmem>>
      %dma_wait3A_50 = arith.constant 0 : i32
      %dma_wait3A_51 = tpu.memref_slice %arg10[%add3A_4, %dma_wait3A_50] : memref<10112x128xf32, #tpu.memory_space<vmem_shared>> -> memref<128x128xf32, #tpu.memory_space<vmem_shared>>
      %dma_wait3A_52 = arith.constant 0 : i32
      %dma_wait3A_53 = tpu.memref_slice %arg10[%add3A_4, %dma_wait3A_52] : memref<10112x128xf32, #tpu.memory_space<vmem_shared>> -> memref<128x128xf32, #tpu.memory_space<vmem_shared>>
      %dma_wait3A_54 = arith.constant 0 : i32
      %dma_wait3A_55 = arith.constant 0 : i32
      %dma_wait3A_56 = tpu.memref_slice %arg9[%dma_wait3A_54, %dma_wait3A_55] : memref<128x128xf32, #tpu.memory_space<vmem>> -> memref<128x128xf32, #tpu.memory_space<vmem>>
      tpu.wait_dma2 semaphore(%run_scoped3A : memref<!tpu.dma_semaphore, #tpu.memory_space<semaphore_mem>>) src(%dma_wait3A_56 : memref<128x128xf32, #tpu.memory_space<vmem>>) dst(%dma_wait3A_53 : memref<128x128xf32, #tpu.memory_space<vmem_shared>>)
      tpu.yield
    }) : () -> ()
    %add3A_5 = arith.constant 128 : i32
    %add3A_6 = arith.addi %mul3A_2, %add3A_5 : i32
    "tpu.region"() ({
      %run_scoped3A = tpu.sem_alloc : memref<!tpu.dma_semaphore, #tpu.memory_space<semaphore_mem>>
      %dma_start3A = arith.constant 0 : i32
      %dma_start3A_39 = arith.constant 0 : i32
      %dma_start3A_40 = tpu.memref_slice %arg9[%dma_start3A, %dma_start3A_39] : memref<128x128xf32, #tpu.memory_space<vmem>> -> memref<128x128xf32, #tpu.memory_space<vmem>>
      %dma_start3A_41 = arith.constant 0 : i32
      %dma_start3A_42 = tpu.memref_slice %arg10[%add3A_6, %dma_start3A_41] : memref<10112x128xf32, #tpu.memory_space<vmem_shared>> -> memref<128x128xf32, #tpu.memory_space<vmem_shared>>
      %dma_start3A_43 = arith.constant 0 : i32
      %dma_start3A_44 = tpu.memref_slice %arg10[%add3A_6, %dma_start3A_43] : memref<10112x128xf32, #tpu.memory_space<vmem_shared>> -> memref<128x128xf32, #tpu.memory_space<vmem_shared>>
      %dma_start3A_45 = arith.constant 0 : i32
      %dma_start3A_46 = arith.constant 0 : i32
      %dma_start3A_47 = tpu.memref_slice %arg9[%dma_start3A_45, %dma_start3A_46] : memref<128x128xf32, #tpu.memory_space<vmem>> -> memref<128x128xf32, #tpu.memory_space<vmem>>
      tpu.enqueue_dma source(%dma_start3A_47 : memref<128x128xf32, #tpu.memory_space<vmem>>) target(%dma_start3A_44 : memref<128x128xf32, #tpu.memory_space<vmem_shared>>) target_semaphore(%run_scoped3A : memref<!tpu.dma_semaphore, #tpu.memory_space<semaphore_mem>>)
      %dma_wait3A = arith.constant 0 : i32
      %dma_wait3A_48 = arith.constant 0 : i32
      %dma_wait3A_49 = tpu.memref_slice %arg9[%dma_wait3A, %dma_wait3A_48] : memref<128x128xf32, #tpu.memory_space<vmem>> -> memref<128x128xf32, #tpu.memory_space<vmem>>
      %dma_wait3A_50 = arith.constant 0 : i32
      %dma_wait3A_51 = tpu.memref_slice %arg10[%add3A_6, %dma_wait3A_50] : memref<10112x128xf32, #tpu.memory_space<vmem_shared>> -> memref<128x128xf32, #tpu.memory_space<vmem_shared>>
      %dma_wait3A_52 = arith.constant 0 : i32
      %dma_wait3A_53 = tpu.memref_slice %arg10[%add3A_6, %dma_wait3A_52] : memref<10112x128xf32, #tpu.memory_space<vmem_shared>> -> memref<128x128xf32, #tpu.memory_space<vmem_shared>>
      %dma_wait3A_54 = arith.constant 0 : i32
      %dma_wait3A_55 = arith.constant 0 : i32
      %dma_wait3A_56 = tpu.memref_slice %arg9[%dma_wait3A_54, %dma_wait3A_55] : memref<128x128xf32, #tpu.memory_space<vmem>> -> memref<128x128xf32, #tpu.memory_space<vmem>>
      tpu.wait_dma2 semaphore(%run_scoped3A : memref<!tpu.dma_semaphore, #tpu.memory_space<semaphore_mem>>) src(%dma_wait3A_56 : memref<128x128xf32, #tpu.memory_space<vmem>>) dst(%dma_wait3A_53 : memref<128x128xf32, #tpu.memory_space<vmem_shared>>)
      tpu.yield
    }) : () -> ()
    %add3A_7 = arith.constant 256 : i32
    %add3A_8 = arith.addi %mul3A_2, %add3A_7 : i32
    "tpu.region"() ({
      %run_scoped3A = tpu.sem_alloc : memref<!tpu.dma_semaphore, #tpu.memory_space<semaphore_mem>>
      %dma_start3A = arith.constant 0 : i32
      %dma_start3A_39 = arith.constant 0 : i32
      %dma_start3A_40 = tpu.memref_slice %arg9[%dma_start3A, %dma_start3A_39] : memref<128x128xf32, #tpu.memory_space<vmem>> -> memref<128x128xf32, #tpu.memory_space<vmem>>
      %dma_start3A_41 = arith.constant 0 : i32
      %dma_start3A_42 = tpu.memref_slice %arg10[%add3A_8, %dma_start3A_41] : memref<10112x128xf32, #tpu.memory_space<vmem_shared>> -> memref<128x128xf32, #tpu.memory_space<vmem_shared>>
      %dma_start3A_43 = arith.constant 0 : i32
      %dma_start3A_44 = tpu.memref_slice %arg10[%add3A_8, %dma_start3A_43] : memref<10112x128xf32, #tpu.memory_space<vmem_shared>> -> memref<128x128xf32, #tpu.memory_space<vmem_shared>>
      %dma_start3A_45 = arith.constant 0 : i32
      %dma_start3A_46 = arith.constant 0 : i32
      %dma_start3A_47 = tpu.memref_slice %arg9[%dma_start3A_45, %dma_start3A_46] : memref<128x128xf32, #tpu.memory_space<vmem>> -> memref<128x128xf32, #tpu.memory_space<vmem>>
      tpu.enqueue_dma source(%dma_start3A_47 : memref<128x128xf32, #tpu.memory_space<vmem>>) target(%dma_start3A_44 : memref<128x128xf32, #tpu.memory_space<vmem_shared>>) target_semaphore(%run_scoped3A : memref<!tpu.dma_semaphore, #tpu.memory_space<semaphore_mem>>)
      %dma_wait3A = arith.constant 0 : i32
      %dma_wait3A_48 = arith.constant 0 : i32
      %dma_wait3A_49 = tpu.memref_slice %arg9[%dma_wait3A, %dma_wait3A_48] : memref<128x128xf32, #tpu.memory_space<vmem>> -> memref<128x128xf32, #tpu.memory_space<vmem>>
      %dma_wait3A_50 = arith.constant 0 : i32
      %dma_wait3A_51 = tpu.memref_slice %arg10[%add3A_8, %dma_wait3A_50] : memref<10112x128xf32, #tpu.memory_space<vmem_shared>> -> memref<128x128xf32, #tpu.memory_space<vmem_shared>>
      %dma_wait3A_52 = arith.constant 0 : i32
      %dma_wait3A_53 = tpu.memref_slice %arg10[%add3A_8, %dma_wait3A_52] : memref<10112x128xf32, #tpu.memory_space<vmem_shared>> -> memref<128x128xf32, #tpu.memory_space<vmem_shared>>
      %dma_wait3A_54 = arith.constant 0 : i32
      %dma_wait3A_55 = arith.constant 0 : i32
      %dma_wait3A_56 = tpu.memref_slice %arg9[%dma_wait3A_54, %dma_wait3A_55] : memref<128x128xf32, #tpu.memory_space<vmem>> -> memref<128x128xf32, #tpu.memory_space<vmem>>
      tpu.wait_dma2 semaphore(%run_scoped3A : memref<!tpu.dma_semaphore, #tpu.memory_space<semaphore_mem>>) src(%dma_wait3A_56 : memref<128x128xf32, #tpu.memory_space<vmem>>) dst(%dma_wait3A_53 : memref<128x128xf32, #tpu.memory_space<vmem_shared>>)
      tpu.yield
    }) : () -> ()
    %add3A_9 = arith.constant 384 : i32
    %add3A_10 = arith.addi %mul3A_2, %add3A_9 : i32
    "tpu.region"() ({
      %run_scoped3A = tpu.sem_alloc : memref<!tpu.dma_semaphore, #tpu.memory_space<semaphore_mem>>
      %dma_start3A = arith.constant 0 : i32
      %dma_start3A_39 = arith.constant 0 : i32
      %dma_start3A_40 = tpu.memref_slice %arg9[%dma_start3A, %dma_start3A_39] : memref<128x128xf32, #tpu.memory_space<vmem>> -> memref<128x128xf32, #tpu.memory_space<vmem>>
      %dma_start3A_41 = arith.constant 0 : i32
      %dma_start3A_42 = tpu.memref_slice %arg10[%add3A_10, %dma_start3A_41] : memref<10112x128xf32, #tpu.memory_space<vmem_shared>> -> memref<128x128xf32, #tpu.memory_space<vmem_shared>>
      %dma_start3A_43 = arith.constant 0 : i32
      %dma_start3A_44 = tpu.memref_slice %arg10[%add3A_10, %dma_start3A_43] : memref<10112x128xf32, #tpu.memory_space<vmem_shared>> -> memref<128x128xf32, #tpu.memory_space<vmem_shared>>
      %dma_start3A_45 = arith.constant 0 : i32
      %dma_start3A_46 = arith.constant 0 : i32
      %dma_start3A_47 = tpu.memref_slice %arg9[%dma_start3A_45, %dma_start3A_46] : memref<128x128xf32, #tpu.memory_space<vmem>> -> memref<128x128xf32, #tpu.memory_space<vmem>>
      tpu.enqueue_dma source(%dma_start3A_47 : memref<128x128xf32, #tpu.memory_space<vmem>>) target(%dma_start3A_44 : memref<128x128xf32, #tpu.memory_space<vmem_shared>>) target_semaphore(%run_scoped3A : memref<!tpu.dma_semaphore, #tpu.memory_space<semaphore_mem>>)
      %dma_wait3A = arith.constant 0 : i32
      %dma_wait3A_48 = arith.constant 0 : i32
      %dma_wait3A_49 = tpu.memref_slice %arg9[%dma_wait3A, %dma_wait3A_48] : memref<128x128xf32, #tpu.memory_space<vmem>> -> memref<128x128xf32, #tpu.memory_space<vmem>>
      %dma_wait3A_50 = arith.constant 0 : i32
      %dma_wait3A_51 = tpu.memref_slice %arg10[%add3A_10, %dma_wait3A_50] : memref<10112x128xf32, #tpu.memory_space<vmem_shared>> -> memref<128x128xf32, #tpu.memory_space<vmem_shared>>
      %dma_wait3A_52 = arith.constant 0 : i32
      %dma_wait3A_53 = tpu.memref_slice %arg10[%add3A_10, %dma_wait3A_52] : memref<10112x128xf32, #tpu.memory_space<vmem_shared>> -> memref<128x128xf32, #tpu.memory_space<vmem_shared>>
      %dma_wait3A_54 = arith.constant 0 : i32
      %dma_wait3A_55 = arith.constant 0 : i32
      %dma_wait3A_56 = tpu.memref_slice %arg9[%dma_wait3A_54, %dma_wait3A_55] : memref<128x128xf32, #tpu.memory_space<vmem>> -> memref<128x128xf32, #tpu.memory_space<vmem>>
      tpu.wait_dma2 semaphore(%run_scoped3A : memref<!tpu.dma_semaphore, #tpu.memory_space<semaphore_mem>>) src(%dma_wait3A_56 : memref<128x128xf32, #tpu.memory_space<vmem>>) dst(%dma_wait3A_53 : memref<128x128xf32, #tpu.memory_space<vmem_shared>>)
      tpu.yield
    }) : () -> ()
    %add3A_11 = arith.constant 512 : i32
    %add3A_12 = arith.addi %mul3A_2, %add3A_11 : i32
    "tpu.region"() ({
      %run_scoped3A = tpu.sem_alloc : memref<!tpu.dma_semaphore, #tpu.memory_space<semaphore_mem>>
      %dma_start3A = arith.constant 0 : i32
      %dma_start3A_39 = arith.constant 0 : i32
      %dma_start3A_40 = tpu.memref_slice %arg9[%dma_start3A, %dma_start3A_39] : memref<128x128xf32, #tpu.memory_space<vmem>> -> memref<120x128xf32, #tpu.memory_space<vmem>>
      %dma_start3A_41 = arith.constant 0 : i32
      %dma_start3A_42 = tpu.memref_slice %arg10[%add3A_12, %dma_start3A_41] : memref<10112x128xf32, #tpu.memory_space<vmem_shared>> -> memref<120x128xf32, #tpu.memory_space<vmem_shared>>
      %dma_start3A_43 = arith.constant 0 : i32
      %dma_start3A_44 = tpu.memref_slice %arg10[%add3A_12, %dma_start3A_43] : memref<10112x128xf32, #tpu.memory_space<vmem_shared>> -> memref<120x128xf32, #tpu.memory_space<vmem_shared>>
      %dma_start3A_45 = arith.constant 0 : i32
      %dma_start3A_46 = arith.constant 0 : i32
      %dma_start3A_47 = tpu.memref_slice %arg9[%dma_start3A_45, %dma_start3A_46] : memref<128x128xf32, #tpu.memory_space<vmem>> -> memref<120x128xf32, #tpu.memory_space<vmem>>
      tpu.enqueue_dma source(%dma_start3A_47 : memref<120x128xf32, #tpu.memory_space<vmem>>) target(%dma_start3A_44 : memref<120x128xf32, #tpu.memory_space<vmem_shared>>) target_semaphore(%run_scoped3A : memref<!tpu.dma_semaphore, #tpu.memory_space<semaphore_mem>>)
      %dma_wait3A = arith.constant 0 : i32
      %dma_wait3A_48 = arith.constant 0 : i32
      %dma_wait3A_49 = tpu.memref_slice %arg9[%dma_wait3A, %dma_wait3A_48] : memref<128x128xf32, #tpu.memory_space<vmem>> -> memref<120x128xf32, #tpu.memory_space<vmem>>
      %dma_wait3A_50 = arith.constant 0 : i32
      %dma_wait3A_51 = tpu.memref_slice %arg10[%add3A_12, %dma_wait3A_50] : memref<10112x128xf32, #tpu.memory_space<vmem_shared>> -> memref<120x128xf32, #tpu.memory_space<vmem_shared>>
      %dma_wait3A_52 = arith.constant 0 : i32
      %dma_wait3A_53 = tpu.memref_slice %arg10[%add3A_12, %dma_wait3A_52] : memref<10112x128xf32, #tpu.memory_space<vmem_shared>> -> memref<120x128xf32, #tpu.memory_space<vmem_shared>>
      %dma_wait3A_54 = arith.constant 0 : i32
      %dma_wait3A_55 = arith.constant 0 : i32
      %dma_wait3A_56 = tpu.memref_slice %arg9[%dma_wait3A_54, %dma_wait3A_55] : memref<128x128xf32, #tpu.memory_space<vmem>> -> memref<120x128xf32, #tpu.memory_space<vmem>>
      tpu.wait_dma2 semaphore(%run_scoped3A : memref<!tpu.dma_semaphore, #tpu.memory_space<semaphore_mem>>) src(%dma_wait3A_56 : memref<120x128xf32, #tpu.memory_space<vmem>>) dst(%dma_wait3A_53 : memref<120x128xf32, #tpu.memory_space<vmem_shared>>)
      tpu.yield
    }) : () -> ()
    %barrier3A = arith.constant 0 : index
    tpu.barrier barrier_id(%barrier3A)
    %scan3A = arith.constant 0 : i32
    %scan3A_13 = arith.constant 0 : i32
    %scan3A_14 = arith.constant 79 : i32
    %scan3A_15 = arith.addi %scan3A_13, %scan3A_14 : i32
    %scan3A_16 = arith.constant 1 : i32
    scf.for %scan3A_39 = %scan3A_13 to %scan3A_15 step %scan3A_16  : i32 {
      "tpu.region"() ({
        %run_scoped3A = tpu.sem_alloc : memref<!tpu.dma_semaphore, #tpu.memory_space<semaphore_mem>>
        %dma_start3A_44 = arith.constant 0 : i32
        %dma_start3A_45 = tpu.memref_slice %arg3[%add3A, %scan3A_39, %dma_start3A_44] : memref<32x79x128xi32, #tpu.memory_space<hbm>> -> memref<1x1x128xi32, #tpu.memory_space<hbm>>
        %dma_start3A_46 = tpu.memref_squeeze %dma_start3A_45 : memref<1x1x128xi32, #tpu.memory_space<hbm>> -> memref<128xi32, #tpu.memory_space<hbm>>
        %dma_start3A_47 = arith.constant 0 : i32
        %dma_start3A_48 = tpu.memref_slice %arg3[%add3A, %scan3A_39, %dma_start3A_47] : memref<32x79x128xi32, #tpu.memory_space<hbm>> -> memref<1x1x128xi32, #tpu.memory_space<hbm>>
        %dma_start3A_49 = tpu.memref_squeeze %dma_start3A_48 : memref<1x1x128xi32, #tpu.memory_space<hbm>> -> memref<128xi32, #tpu.memory_space<hbm>>
        tpu.enqueue_dma source(%dma_start3A_49 : memref<128xi32, #tpu.memory_space<hbm>>) target(%arg7 : memref<128xi32, #tpu.memory_space<vmem>>) target_semaphore(%run_scoped3A : memref<!tpu.dma_semaphore, #tpu.memory_space<semaphore_mem>>)
        %dma_wait3A_50 = arith.constant 0 : i32
        %dma_wait3A_51 = tpu.memref_slice %arg3[%add3A, %scan3A_39, %dma_wait3A_50] : memref<32x79x128xi32, #tpu.memory_space<hbm>> -> memref<1x1x128xi32, #tpu.memory_space<hbm>>
        %dma_wait3A_52 = tpu.memref_squeeze %dma_wait3A_51 : memref<1x1x128xi32, #tpu.memory_space<hbm>> -> memref<128xi32, #tpu.memory_space<hbm>>
        %dma_wait3A_53 = arith.constant 0 : i32
        %dma_wait3A_54 = tpu.memref_slice %arg3[%add3A, %scan3A_39, %dma_wait3A_53] : memref<32x79x128xi32, #tpu.memory_space<hbm>> -> memref<1x1x128xi32, #tpu.memory_space<hbm>>
        %dma_wait3A_55 = tpu.memref_squeeze %dma_wait3A_54 : memref<1x1x128xi32, #tpu.memory_space<hbm>> -> memref<128xi32, #tpu.memory_space<hbm>>
        tpu.wait_dma2 semaphore(%run_scoped3A : memref<!tpu.dma_semaphore, #tpu.memory_space<semaphore_mem>>) src(%dma_wait3A_55 : memref<128xi32, #tpu.memory_space<hbm>>) dst(%arg7 : memref<128xi32, #tpu.memory_space<vmem>>)
        tpu.yield
      }) : () -> ()
      %dma_start3A = arith.constant 0 : i32
      %dma_start3A_40 = arith.constant 0 : i32
      %dma_start3A_41 = tpu.memref_slice %arg2[%dma_start3A, %dma_start3A_40] : memref<10000x128xf32, #tpu.memory_space<hbm>> -> memref<10000x128xf32, #tpu.memory_space<hbm>>
      tpu.enqueue_indirect_dma source(%dma_start3A_41 : memref<10000x128xf32, #tpu.memory_space<hbm>>) target(%arg9 : memref<128x128xf32, #tpu.memory_space<vmem>>) offsets(%arg7 : memref<128xi32, #tpu.memory_space<vmem>>) semaphore(%arg11 : memref<!tpu.dma_semaphore, #tpu.memory_space<semaphore_mem>>)
      "tpu.region"() ({
        %run_scoped3A = tpu.sem_alloc : memref<!tpu.dma_semaphore, #tpu.memory_space<semaphore_mem>>
        %dma_start3A_44 = arith.constant 0 : i32
        %dma_start3A_45 = tpu.memref_slice %arg4[%add3A, %scan3A_39, %dma_start3A_44] : memref<32x79x128xi32, #tpu.memory_space<hbm>> -> memref<1x1x128xi32, #tpu.memory_space<hbm>>
        %dma_start3A_46 = tpu.memref_squeeze %dma_start3A_45 : memref<1x1x128xi32, #tpu.memory_space<hbm>> -> memref<128xi32, #tpu.memory_space<hbm>>
        %dma_start3A_47 = arith.constant 0 : i32
        %dma_start3A_48 = tpu.memref_slice %arg4[%add3A, %scan3A_39, %dma_start3A_47] : memref<32x79x128xi32, #tpu.memory_space<hbm>> -> memref<1x1x128xi32, #tpu.memory_space<hbm>>
        %dma_start3A_49 = tpu.memref_squeeze %dma_start3A_48 : memref<1x1x128xi32, #tpu.memory_space<hbm>> -> memref<128xi32, #tpu.memory_space<hbm>>
        tpu.enqueue_dma source(%dma_start3A_49 : memref<128xi32, #tpu.memory_space<hbm>>) target(%arg8 : memref<128xi32, #tpu.memory_space<vmem>>) target_semaphore(%run_scoped3A : memref<!tpu.dma_semaphore, #tpu.memory_space<semaphore_mem>>)
        %dma_wait3A_50 = arith.constant 0 : i32
        %dma_wait3A_51 = tpu.memref_slice %arg4[%add3A, %scan3A_39, %dma_wait3A_50] : memref<32x79x128xi32, #tpu.memory_space<hbm>> -> memref<1x1x128xi32, #tpu.memory_space<hbm>>
        %dma_wait3A_52 = tpu.memref_squeeze %dma_wait3A_51 : memref<1x1x128xi32, #tpu.memory_space<hbm>> -> memref<128xi32, #tpu.memory_space<hbm>>
        %dma_wait3A_53 = arith.constant 0 : i32
        %dma_wait3A_54 = tpu.memref_slice %arg4[%add3A, %scan3A_39, %dma_wait3A_53] : memref<32x79x128xi32, #tpu.memory_space<hbm>> -> memref<1x1x128xi32, #tpu.memory_space<hbm>>
        %dma_wait3A_55 = tpu.memref_squeeze %dma_wait3A_54 : memref<1x1x128xi32, #tpu.memory_space<hbm>> -> memref<128xi32, #tpu.memory_space<hbm>>
        tpu.wait_dma2 semaphore(%run_scoped3A : memref<!tpu.dma_semaphore, #tpu.memory_space<semaphore_mem>>) src(%dma_wait3A_55 : memref<128xi32, #tpu.memory_space<hbm>>) dst(%arg8 : memref<128xi32, #tpu.memory_space<vmem>>)
        tpu.yield
      }) : () -> ()
      %dma_wait3A = arith.constant 0 : i32
      %dma_wait3A_42 = arith.constant 0 : i32
      %dma_wait3A_43 = tpu.memref_slice %arg2[%dma_wait3A, %dma_wait3A_42] : memref<10000x128xf32, #tpu.memory_space<hbm>> -> memref<10000x128xf32, #tpu.memory_space<hbm>>
      tpu.wait_indirect_dma semaphore(%arg11 : memref<!tpu.dma_semaphore, #tpu.memory_space<semaphore_mem>>) src(%dma_wait3A_43 : memref<10000x128xf32, #tpu.memory_space<hbm>>) dst(%arg9 : memref<128x128xf32, #tpu.memory_space<vmem>>)
      "tpu.region"() ({
        %run_scoped3A = tpu.sem_alloc : memref<!tpu.dma_semaphore, #tpu.memory_space<semaphore_mem>>
        %dma_start3A_44 = arith.constant 0 : i32
        %dma_start3A_45 = arith.constant 0 : i32
        %dma_start3A_46 = tpu.memref_slice %arg10[%dma_start3A_44, %dma_start3A_45] : memref<10112x128xf32, #tpu.memory_space<vmem_shared>> -> memref<10112x128xf32, #tpu.memory_space<vmem_shared>>
        tpu.enqueue_indirect_dma source(%arg9 : memref<128x128xf32, #tpu.memory_space<vmem>>) target(%dma_start3A_46 : memref<10112x128xf32, #tpu.memory_space<vmem_shared>>) offsets(%arg8 : memref<128xi32, #tpu.memory_space<vmem>>) semaphore(%run_scoped3A : memref<!tpu.dma_semaphore, #tpu.memory_space<semaphore_mem>>) {add = true}
        %dma_wait3A_47 = arith.constant 0 : i32
        %dma_wait3A_48 = arith.constant 0 : i32
        %dma_wait3A_49 = tpu.memref_slice %arg10[%dma_wait3A_47, %dma_wait3A_48] : memref<10112x128xf32, #tpu.memory_space<vmem_shared>> -> memref<10112x128xf32, #tpu.memory_space<vmem_shared>>
        tpu.wait_indirect_dma semaphore(%run_scoped3A : memref<!tpu.dma_semaphore, #tpu.memory_space<semaphore_mem>>) src(%arg9 : memref<128x128xf32, #tpu.memory_space<vmem>>) dst(%dma_wait3A_49 : memref<10112x128xf32, #tpu.memory_space<vmem_shared>>)
        tpu.yield
      }) : () -> ()
    }
    %scan3A_17 = arith.constant 79 : i32
    %barrier3A_18 = arith.constant 0 : index
    tpu.barrier barrier_id(%barrier3A_18)
    %add3A_19 = arith.constant 0 : i32
    %add3A_20 = arith.addi %mul3A_2, %add3A_19 : i32
    "tpu.region"() ({
      %run_scoped3A = tpu.sem_alloc : memref<!tpu.dma_semaphore, #tpu.memory_space<semaphore_mem>>
      %dma_start3A = arith.constant 0 : i32
      %dma_start3A_39 = arith.constant 0 : i32
      %dma_start3A_40 = tpu.memref_slice %arg9[%dma_start3A, %dma_start3A_39] : memref<128x128xf32, #tpu.memory_space<vmem>> -> memref<128x128xf32, #tpu.memory_space<vmem>>
      %dma_start3A_41 = arith.constant 0 : i32
      %dma_start3A_42 = tpu.memref_slice %arg10[%add3A_20, %dma_start3A_41] : memref<10112x128xf32, #tpu.memory_space<vmem_shared>> -> memref<128x128xf32, #tpu.memory_space<vmem_shared>>
      %dma_start3A_43 = arith.constant 0 : i32
      %dma_start3A_44 = arith.constant 0 : i32
      %dma_start3A_45 = tpu.memref_slice %arg9[%dma_start3A_43, %dma_start3A_44] : memref<128x128xf32, #tpu.memory_space<vmem>> -> memref<128x128xf32, #tpu.memory_space<vmem>>
      %dma_start3A_46 = arith.constant 0 : i32
      %dma_start3A_47 = tpu.memref_slice %arg10[%add3A_20, %dma_start3A_46] : memref<10112x128xf32, #tpu.memory_space<vmem_shared>> -> memref<128x128xf32, #tpu.memory_space<vmem_shared>>
      tpu.enqueue_dma source(%dma_start3A_47 : memref<128x128xf32, #tpu.memory_space<vmem_shared>>) target(%dma_start3A_45 : memref<128x128xf32, #tpu.memory_space<vmem>>) target_semaphore(%run_scoped3A : memref<!tpu.dma_semaphore, #tpu.memory_space<semaphore_mem>>)
      %dma_wait3A = arith.constant 0 : i32
      %dma_wait3A_48 = arith.constant 0 : i32
      %dma_wait3A_49 = tpu.memref_slice %arg9[%dma_wait3A, %dma_wait3A_48] : memref<128x128xf32, #tpu.memory_space<vmem>> -> memref<128x128xf32, #tpu.memory_space<vmem>>
      %dma_wait3A_50 = arith.constant 0 : i32
      %dma_wait3A_51 = tpu.memref_slice %arg10[%add3A_20, %dma_wait3A_50] : memref<10112x128xf32, #tpu.memory_space<vmem_shared>> -> memref<128x128xf32, #tpu.memory_space<vmem_shared>>
      %dma_wait3A_52 = arith.constant 0 : i32
      %dma_wait3A_53 = arith.constant 0 : i32
      %dma_wait3A_54 = tpu.memref_slice %arg9[%dma_wait3A_52, %dma_wait3A_53] : memref<128x128xf32, #tpu.memory_space<vmem>> -> memref<128x128xf32, #tpu.memory_space<vmem>>
      %dma_wait3A_55 = arith.constant 0 : i32
      %dma_wait3A_56 = tpu.memref_slice %arg10[%add3A_20, %dma_wait3A_55] : memref<10112x128xf32, #tpu.memory_space<vmem_shared>> -> memref<128x128xf32, #tpu.memory_space<vmem_shared>>
      tpu.wait_dma2 semaphore(%run_scoped3A : memref<!tpu.dma_semaphore, #tpu.memory_space<semaphore_mem>>) src(%dma_wait3A_56 : memref<128x128xf32, #tpu.memory_space<vmem_shared>>) dst(%dma_wait3A_54 : memref<128x128xf32, #tpu.memory_space<vmem>>)
      tpu.yield
    }) : () -> ()
    %add3A_21 = arith.constant 0 : i32
    %add3A_22 = arith.addi %mul3A_2, %add3A_21 : i32
    "tpu.region"() ({
      %run_scoped3A = tpu.sem_alloc : memref<!tpu.dma_semaphore, #tpu.memory_space<semaphore_mem>>
      %dma_start3A = arith.constant 0 : i32
      %dma_start3A_39 = arith.constant 0 : i32
      %dma_start3A_40 = tpu.memref_slice %arg9[%dma_start3A, %dma_start3A_39] : memref<128x128xf32, #tpu.memory_space<vmem>> -> memref<128x128xf32, #tpu.memory_space<vmem>>
      %dma_start3A_41 = arith.constant 0 : i32
      %dma_start3A_42 = tpu.memref_slice %arg6[%arg0, %add3A_22, %dma_start3A_41] : memref<2x10112x128xf32, #tpu.memory_space<hbm>> -> memref<1x128x128xf32, #tpu.memory_space<hbm>>
      %dma_start3A_43 = tpu.memref_squeeze %dma_start3A_42 : memref<1x128x128xf32, #tpu.memory_space<hbm>> -> memref<128x128xf32, #tpu.memory_space<hbm>>
      %dma_start3A_44 = arith.constant 0 : i32
      %dma_start3A_45 = tpu.memref_slice %arg6[%arg0, %add3A_22, %dma_start3A_44] : memref<2x10112x128xf32, #tpu.memory_space<hbm>> -> memref<1x128x128xf32, #tpu.memory_space<hbm>>
      %dma_start3A_46 = tpu.memref_squeeze %dma_start3A_45 : memref<1x128x128xf32, #tpu.memory_space<hbm>> -> memref<128x128xf32, #tpu.memory_space<hbm>>
      %dma_start3A_47 = arith.constant 0 : i32
      %dma_start3A_48 = arith.constant 0 : i32
      %dma_start3A_49 = tpu.memref_slice %arg9[%dma_start3A_47, %dma_start3A_48] : memref<128x128xf32, #tpu.memory_space<vmem>> -> memref<128x128xf32, #tpu.memory_space<vmem>>
      tpu.enqueue_dma source(%dma_start3A_49 : memref<128x128xf32, #tpu.memory_space<vmem>>) target(%dma_start3A_46 : memref<128x128xf32, #tpu.memory_space<hbm>>) target_semaphore(%run_scoped3A : memref<!tpu.dma_semaphore, #tpu.memory_space<semaphore_mem>>)
      %dma_wait3A = arith.constant 0 : i32
      %dma_wait3A_50 = arith.constant 0 : i32
      %dma_wait3A_51 = tpu.memref_slice %arg9[%dma_wait3A, %dma_wait3A_50] : memref<128x128xf32, #tpu.memory_space<vmem>> -> memref<128x128xf32, #tpu.memory_space<vmem>>
      %dma_wait3A_52 = arith.constant 0 : i32
      %dma_wait3A_53 = tpu.memref_slice %arg6[%arg0, %add3A_22, %dma_wait3A_52] : memref<2x10112x128xf32, #tpu.memory_space<hbm>> -> memref<1x128x128xf32, #tpu.memory_space<hbm>>
      %dma_wait3A_54 = tpu.memref_squeeze %dma_wait3A_53 : memref<1x128x128xf32, #tpu.memory_space<hbm>> -> memref<128x128xf32, #tpu.memory_space<hbm>>
      %dma_wait3A_55 = arith.constant 0 : i32
      %dma_wait3A_56 = tpu.memref_slice %arg6[%arg0, %add3A_22, %dma_wait3A_55] : memref<2x10112x128xf32, #tpu.memory_space<hbm>> -> memref<1x128x128xf32, #tpu.memory_space<hbm>>
      %dma_wait3A_57 = tpu.memref_squeeze %dma_wait3A_56 : memref<1x128x128xf32, #tpu.memory_space<hbm>> -> memref<128x128xf32, #tpu.memory_space<hbm>>
      %dma_wait3A_58 = arith.constant 0 : i32
      %dma_wait3A_59 = arith.constant 0 : i32
      %dma_wait3A_60 = tpu.memref_slice %arg9[%dma_wait3A_58, %dma_wait3A_59] : memref<128x128xf32, #tpu.memory_space<vmem>> -> memref<128x128xf32, #tpu.memory_space<vmem>>
      tpu.wait_dma2 semaphore(%run_scoped3A : memref<!tpu.dma_semaphore, #tpu.memory_space<semaphore_mem>>) src(%dma_wait3A_60 : memref<128x128xf32, #tpu.memory_space<vmem>>) dst(%dma_wait3A_57 : memref<128x128xf32, #tpu.memory_space<hbm>>)
      tpu.yield
    }) : () -> ()
    %add3A_23 = arith.constant 128 : i32
    %add3A_24 = arith.addi %mul3A_2, %add3A_23 : i32
    "tpu.region"() ({
      %run_scoped3A = tpu.sem_alloc : memref<!tpu.dma_semaphore, #tpu.memory_space<semaphore_mem>>
      %dma_start3A = arith.constant 0 : i32
      %dma_start3A_39 = arith.constant 0 : i32
      %dma_start3A_40 = tpu.memref_slice %arg9[%dma_start3A, %dma_start3A_39] : memref<128x128xf32, #tpu.memory_space<vmem>> -> memref<128x128xf32, #tpu.memory_space<vmem>>
      %dma_start3A_41 = arith.constant 0 : i32
      %dma_start3A_42 = tpu.memref_slice %arg10[%add3A_24, %dma_start3A_41] : memref<10112x128xf32, #tpu.memory_space<vmem_shared>> -> memref<128x128xf32, #tpu.memory_space<vmem_shared>>
      %dma_start3A_43 = arith.constant 0 : i32
      %dma_start3A_44 = arith.constant 0 : i32
      %dma_start3A_45 = tpu.memref_slice %arg9[%dma_start3A_43, %dma_start3A_44] : memref<128x128xf32, #tpu.memory_space<vmem>> -> memref<128x128xf32, #tpu.memory_space<vmem>>
      %dma_start3A_46 = arith.constant 0 : i32
      %dma_start3A_47 = tpu.memref_slice %arg10[%add3A_24, %dma_start3A_46] : memref<10112x128xf32, #tpu.memory_space<vmem_shared>> -> memref<128x128xf32, #tpu.memory_space<vmem_shared>>
      tpu.enqueue_dma source(%dma_start3A_47 : memref<128x128xf32, #tpu.memory_space<vmem_shared>>) target(%dma_start3A_45 : memref<128x128xf32, #tpu.memory_space<vmem>>) target_semaphore(%run_scoped3A : memref<!tpu.dma_semaphore, #tpu.memory_space<semaphore_mem>>)
      %dma_wait3A = arith.constant 0 : i32
      %dma_wait3A_48 = arith.constant 0 : i32
      %dma_wait3A_49 = tpu.memref_slice %arg9[%dma_wait3A, %dma_wait3A_48] : memref<128x128xf32, #tpu.memory_space<vmem>> -> memref<128x128xf32, #tpu.memory_space<vmem>>
      %dma_wait3A_50 = arith.constant 0 : i32
      %dma_wait3A_51 = tpu.memref_slice %arg10[%add3A_24, %dma_wait3A_50] : memref<10112x128xf32, #tpu.memory_space<vmem_shared>> -> memref<128x128xf32, #tpu.memory_space<vmem_shared>>
      %dma_wait3A_52 = arith.constant 0 : i32
      %dma_wait3A_53 = arith.constant 0 : i32
      %dma_wait3A_54 = tpu.memref_slice %arg9[%dma_wait3A_52, %dma_wait3A_53] : memref<128x128xf32, #tpu.memory_space<vmem>> -> memref<128x128xf32, #tpu.memory_space<vmem>>
      %dma_wait3A_55 = arith.constant 0 : i32
      %dma_wait3A_56 = tpu.memref_slice %arg10[%add3A_24, %dma_wait3A_55] : memref<10112x128xf32, #tpu.memory_space<vmem_shared>> -> memref<128x128xf32, #tpu.memory_space<vmem_shared>>
      tpu.wait_dma2 semaphore(%run_scoped3A : memref<!tpu.dma_semaphore, #tpu.memory_space<semaphore_mem>>) src(%dma_wait3A_56 : memref<128x128xf32, #tpu.memory_space<vmem_shared>>) dst(%dma_wait3A_54 : memref<128x128xf32, #tpu.memory_space<vmem>>)
      tpu.yield
    }) : () -> ()
    %add3A_25 = arith.constant 128 : i32
    %add3A_26 = arith.addi %mul3A_2, %add3A_25 : i32
    "tpu.region"() ({
      %run_scoped3A = tpu.sem_alloc : memref<!tpu.dma_semaphore, #tpu.memory_space<semaphore_mem>>
      %dma_start3A = arith.constant 0 : i32
      %dma_start3A_39 = arith.constant 0 : i32
      %dma_start3A_40 = tpu.memref_slice %arg9[%dma_start3A, %dma_start3A_39] : memref<128x128xf32, #tpu.memory_space<vmem>> -> memref<128x128xf32, #tpu.memory_space<vmem>>
      %dma_start3A_41 = arith.constant 0 : i32
      %dma_start3A_42 = tpu.memref_slice %arg6[%arg0, %add3A_26, %dma_start3A_41] : memref<2x10112x128xf32, #tpu.memory_space<hbm>> -> memref<1x128x128xf32, #tpu.memory_space<hbm>>
      %dma_start3A_43 = tpu.memref_squeeze %dma_start3A_42 : memref<1x128x128xf32, #tpu.memory_space<hbm>> -> memref<128x128xf32, #tpu.memory_space<hbm>>
      %dma_start3A_44 = arith.constant 0 : i32
      %dma_start3A_45 = tpu.memref_slice %arg6[%arg0, %add3A_26, %dma_start3A_44] : memref<2x10112x128xf32, #tpu.memory_space<hbm>> -> memref<1x128x128xf32, #tpu.memory_space<hbm>>
      %dma_start3A_46 = tpu.memref_squeeze %dma_start3A_45 : memref<1x128x128xf32, #tpu.memory_space<hbm>> -> memref<128x128xf32, #tpu.memory_space<hbm>>
      %dma_start3A_47 = arith.constant 0 : i32
      %dma_start3A_48 = arith.constant 0 : i32
      %dma_start3A_49 = tpu.memref_slice %arg9[%dma_start3A_47, %dma_start3A_48] : memref<128x128xf32, #tpu.memory_space<vmem>> -> memref<128x128xf32, #tpu.memory_space<vmem>>
      tpu.enqueue_dma source(%dma_start3A_49 : memref<128x128xf32, #tpu.memory_space<vmem>>) target(%dma_start3A_46 : memref<128x128xf32, #tpu.memory_space<hbm>>) target_semaphore(%run_scoped3A : memref<!tpu.dma_semaphore, #tpu.memory_space<semaphore_mem>>)
      %dma_wait3A = arith.constant 0 : i32
      %dma_wait3A_50 = arith.constant 0 : i32
      %dma_wait3A_51 = tpu.memref_slice %arg9[%dma_wait3A, %dma_wait3A_50] : memref<128x128xf32, #tpu.memory_space<vmem>> -> memref<128x128xf32, #tpu.memory_space<vmem>>
      %dma_wait3A_52 = arith.constant 0 : i32
      %dma_wait3A_53 = tpu.memref_slice %arg6[%arg0, %add3A_26, %dma_wait3A_52] : memref<2x10112x128xf32, #tpu.memory_space<hbm>> -> memref<1x128x128xf32, #tpu.memory_space<hbm>>
      %dma_wait3A_54 = tpu.memref_squeeze %dma_wait3A_53 : memref<1x128x128xf32, #tpu.memory_space<hbm>> -> memref<128x128xf32, #tpu.memory_space<hbm>>
      %dma_wait3A_55 = arith.constant 0 : i32
      %dma_wait3A_56 = tpu.memref_slice %arg6[%arg0, %add3A_26, %dma_wait3A_55] : memref<2x10112x128xf32, #tpu.memory_space<hbm>> -> memref<1x128x128xf32, #tpu.memory_space<hbm>>
      %dma_wait3A_57 = tpu.memref_squeeze %dma_wait3A_56 : memref<1x128x128xf32, #tpu.memory_space<hbm>> -> memref<128x128xf32, #tpu.memory_space<hbm>>
      %dma_wait3A_58 = arith.constant 0 : i32
      %dma_wait3A_59 = arith.constant 0 : i32
      %dma_wait3A_60 = tpu.memref_slice %arg9[%dma_wait3A_58, %dma_wait3A_59] : memref<128x128xf32, #tpu.memory_space<vmem>> -> memref<128x128xf32, #tpu.memory_space<vmem>>
      tpu.wait_dma2 semaphore(%run_scoped3A : memref<!tpu.dma_semaphore, #tpu.memory_space<semaphore_mem>>) src(%dma_wait3A_60 : memref<128x128xf32, #tpu.memory_space<vmem>>) dst(%dma_wait3A_57 : memref<128x128xf32, #tpu.memory_space<hbm>>)
      tpu.yield
    }) : () -> ()
    %add3A_27 = arith.constant 256 : i32
    %add3A_28 = arith.addi %mul3A_2, %add3A_27 : i32
    "tpu.region"() ({
      %run_scoped3A = tpu.sem_alloc : memref<!tpu.dma_semaphore, #tpu.memory_space<semaphore_mem>>
      %dma_start3A = arith.constant 0 : i32
      %dma_start3A_39 = arith.constant 0 : i32
      %dma_start3A_40 = tpu.memref_slice %arg9[%dma_start3A, %dma_start3A_39] : memref<128x128xf32, #tpu.memory_space<vmem>> -> memref<128x128xf32, #tpu.memory_space<vmem>>
      %dma_start3A_41 = arith.constant 0 : i32
      %dma_start3A_42 = tpu.memref_slice %arg10[%add3A_28, %dma_start3A_41] : memref<10112x128xf32, #tpu.memory_space<vmem_shared>> -> memref<128x128xf32, #tpu.memory_space<vmem_shared>>
      %dma_start3A_43 = arith.constant 0 : i32
      %dma_start3A_44 = arith.constant 0 : i32
      %dma_start3A_45 = tpu.memref_slice %arg9[%dma_start3A_43, %dma_start3A_44] : memref<128x128xf32, #tpu.memory_space<vmem>> -> memref<128x128xf32, #tpu.memory_space<vmem>>
      %dma_start3A_46 = arith.constant 0 : i32
      %dma_start3A_47 = tpu.memref_slice %arg10[%add3A_28, %dma_start3A_46] : memref<10112x128xf32, #tpu.memory_space<vmem_shared>> -> memref<128x128xf32, #tpu.memory_space<vmem_shared>>
      tpu.enqueue_dma source(%dma_start3A_47 : memref<128x128xf32, #tpu.memory_space<vmem_shared>>) target(%dma_start3A_45 : memref<128x128xf32, #tpu.memory_space<vmem>>) target_semaphore(%run_scoped3A : memref<!tpu.dma_semaphore, #tpu.memory_space<semaphore_mem>>)
      %dma_wait3A = arith.constant 0 : i32
      %dma_wait3A_48 = arith.constant 0 : i32
      %dma_wait3A_49 = tpu.memref_slice %arg9[%dma_wait3A, %dma_wait3A_48] : memref<128x128xf32, #tpu.memory_space<vmem>> -> memref<128x128xf32, #tpu.memory_space<vmem>>
      %dma_wait3A_50 = arith.constant 0 : i32
      %dma_wait3A_51 = tpu.memref_slice %arg10[%add3A_28, %dma_wait3A_50] : memref<10112x128xf32, #tpu.memory_space<vmem_shared>> -> memref<128x128xf32, #tpu.memory_space<vmem_shared>>
      %dma_wait3A_52 = arith.constant 0 : i32
      %dma_wait3A_53 = arith.constant 0 : i32
      %dma_wait3A_54 = tpu.memref_slice %arg9[%dma_wait3A_52, %dma_wait3A_53] : memref<128x128xf32, #tpu.memory_space<vmem>> -> memref<128x128xf32, #tpu.memory_space<vmem>>
      %dma_wait3A_55 = arith.constant 0 : i32
      %dma_wait3A_56 = tpu.memref_slice %arg10[%add3A_28, %dma_wait3A_55] : memref<10112x128xf32, #tpu.memory_space<vmem_shared>> -> memref<128x128xf32, #tpu.memory_space<vmem_shared>>
      tpu.wait_dma2 semaphore(%run_scoped3A : memref<!tpu.dma_semaphore, #tpu.memory_space<semaphore_mem>>) src(%dma_wait3A_56 : memref<128x128xf32, #tpu.memory_space<vmem_shared>>) dst(%dma_wait3A_54 : memref<128x128xf32, #tpu.memory_space<vmem>>)
      tpu.yield
    }) : () -> ()
    %add3A_29 = arith.constant 256 : i32
    %add3A_30 = arith.addi %mul3A_2, %add3A_29 : i32
    "tpu.region"() ({
      %run_scoped3A = tpu.sem_alloc : memref<!tpu.dma_semaphore, #tpu.memory_space<semaphore_mem>>
      %dma_start3A = arith.constant 0 : i32
      %dma_start3A_39 = arith.constant 0 : i32
      %dma_start3A_40 = tpu.memref_slice %arg9[%dma_start3A, %dma_start3A_39] : memref<128x128xf32, #tpu.memory_space<vmem>> -> memref<128x128xf32, #tpu.memory_space<vmem>>
      %dma_start3A_41 = arith.constant 0 : i32
      %dma_start3A_42 = tpu.memref_slice %arg6[%arg0, %add3A_30, %dma_start3A_41] : memref<2x10112x128xf32, #tpu.memory_space<hbm>> -> memref<1x128x128xf32, #tpu.memory_space<hbm>>
      %dma_start3A_43 = tpu.memref_squeeze %dma_start3A_42 : memref<1x128x128xf32, #tpu.memory_space<hbm>> -> memref<128x128xf32, #tpu.memory_space<hbm>>
      %dma_start3A_44 = arith.constant 0 : i32
      %dma_start3A_45 = tpu.memref_slice %arg6[%arg0, %add3A_30, %dma_start3A_44] : memref<2x10112x128xf32, #tpu.memory_space<hbm>> -> memref<1x128x128xf32, #tpu.memory_space<hbm>>
      %dma_start3A_46 = tpu.memref_squeeze %dma_start3A_45 : memref<1x128x128xf32, #tpu.memory_space<hbm>> -> memref<128x128xf32, #tpu.memory_space<hbm>>
      %dma_start3A_47 = arith.constant 0 : i32
      %dma_start3A_48 = arith.constant 0 : i32
      %dma_start3A_49 = tpu.memref_slice %arg9[%dma_start3A_47, %dma_start3A_48] : memref<128x128xf32, #tpu.memory_space<vmem>> -> memref<128x128xf32, #tpu.memory_space<vmem>>
      tpu.enqueue_dma source(%dma_start3A_49 : memref<128x128xf32, #tpu.memory_space<vmem>>) target(%dma_start3A_46 : memref<128x128xf32, #tpu.memory_space<hbm>>) target_semaphore(%run_scoped3A : memref<!tpu.dma_semaphore, #tpu.memory_space<semaphore_mem>>)
      %dma_wait3A = arith.constant 0 : i32
      %dma_wait3A_50 = arith.constant 0 : i32
      %dma_wait3A_51 = tpu.memref_slice %arg9[%dma_wait3A, %dma_wait3A_50] : memref<128x128xf32, #tpu.memory_space<vmem>> -> memref<128x128xf32, #tpu.memory_space<vmem>>
      %dma_wait3A_52 = arith.constant 0 : i32
      %dma_wait3A_53 = tpu.memref_slice %arg6[%arg0, %add3A_30, %dma_wait3A_52] : memref<2x10112x128xf32, #tpu.memory_space<hbm>> -> memref<1x128x128xf32, #tpu.memory_space<hbm>>
      %dma_wait3A_54 = tpu.memref_squeeze %dma_wait3A_53 : memref<1x128x128xf32, #tpu.memory_space<hbm>> -> memref<128x128xf32, #tpu.memory_space<hbm>>
      %dma_wait3A_55 = arith.constant 0 : i32
      %dma_wait3A_56 = tpu.memref_slice %arg6[%arg0, %add3A_30, %dma_wait3A_55] : memref<2x10112x128xf32, #tpu.memory_space<hbm>> -> memref<1x128x128xf32, #tpu.memory_space<hbm>>
      %dma_wait3A_57 = tpu.memref_squeeze %dma_wait3A_56 : memref<1x128x128xf32, #tpu.memory_space<hbm>> -> memref<128x128xf32, #tpu.memory_space<hbm>>
      %dma_wait3A_58 = arith.constant 0 : i32
      %dma_wait3A_59 = arith.constant 0 : i32
      %dma_wait3A_60 = tpu.memref_slice %arg9[%dma_wait3A_58, %dma_wait3A_59] : memref<128x128xf32, #tpu.memory_space<vmem>> -> memref<128x128xf32, #tpu.memory_space<vmem>>
      tpu.wait_dma2 semaphore(%run_scoped3A : memref<!tpu.dma_semaphore, #tpu.memory_space<semaphore_mem>>) src(%dma_wait3A_60 : memref<128x128xf32, #tpu.memory_space<vmem>>) dst(%dma_wait3A_57 : memref<128x128xf32, #tpu.memory_space<hbm>>)
      tpu.yield
    }) : () -> ()
    %add3A_31 = arith.constant 384 : i32
    %add3A_32 = arith.addi %mul3A_2, %add3A_31 : i32
    "tpu.region"() ({
      %run_scoped3A = tpu.sem_alloc : memref<!tpu.dma_semaphore, #tpu.memory_space<semaphore_mem>>
      %dma_start3A = arith.constant 0 : i32
      %dma_start3A_39 = arith.constant 0 : i32
      %dma_start3A_40 = tpu.memref_slice %arg9[%dma_start3A, %dma_start3A_39] : memref<128x128xf32, #tpu.memory_space<vmem>> -> memref<128x128xf32, #tpu.memory_space<vmem>>
      %dma_start3A_41 = arith.constant 0 : i32
      %dma_start3A_42 = tpu.memref_slice %arg10[%add3A_32, %dma_start3A_41] : memref<10112x128xf32, #tpu.memory_space<vmem_shared>> -> memref<128x128xf32, #tpu.memory_space<vmem_shared>>
      %dma_start3A_43 = arith.constant 0 : i32
      %dma_start3A_44 = arith.constant 0 : i32
      %dma_start3A_45 = tpu.memref_slice %arg9[%dma_start3A_43, %dma_start3A_44] : memref<128x128xf32, #tpu.memory_space<vmem>> -> memref<128x128xf32, #tpu.memory_space<vmem>>
      %dma_start3A_46 = arith.constant 0 : i32
      %dma_start3A_47 = tpu.memref_slice %arg10[%add3A_32, %dma_start3A_46] : memref<10112x128xf32, #tpu.memory_space<vmem_shared>> -> memref<128x128xf32, #tpu.memory_space<vmem_shared>>
      tpu.enqueue_dma source(%dma_start3A_47 : memref<128x128xf32, #tpu.memory_space<vmem_shared>>) target(%dma_start3A_45 : memref<128x128xf32, #tpu.memory_space<vmem>>) target_semaphore(%run_scoped3A : memref<!tpu.dma_semaphore, #tpu.memory_space<semaphore_mem>>)
      %dma_wait3A = arith.constant 0 : i32
      %dma_wait3A_48 = arith.constant 0 : i32
      %dma_wait3A_49 = tpu.memref_slice %arg9[%dma_wait3A, %dma_wait3A_48] : memref<128x128xf32, #tpu.memory_space<vmem>> -> memref<128x128xf32, #tpu.memory_space<vmem>>
      %dma_wait3A_50 = arith.constant 0 : i32
      %dma_wait3A_51 = tpu.memref_slice %arg10[%add3A_32, %dma_wait3A_50] : memref<10112x128xf32, #tpu.memory_space<vmem_shared>> -> memref<128x128xf32, #tpu.memory_space<vmem_shared>>
      %dma_wait3A_52 = arith.constant 0 : i32
      %dma_wait3A_53 = arith.constant 0 : i32
      %dma_wait3A_54 = tpu.memref_slice %arg9[%dma_wait3A_52, %dma_wait3A_53] : memref<128x128xf32, #tpu.memory_space<vmem>> -> memref<128x128xf32, #tpu.memory_space<vmem>>
      %dma_wait3A_55 = arith.constant 0 : i32
      %dma_wait3A_56 = tpu.memref_slice %arg10[%add3A_32, %dma_wait3A_55] : memref<10112x128xf32, #tpu.memory_space<vmem_shared>> -> memref<128x128xf32, #tpu.memory_space<vmem_shared>>
      tpu.wait_dma2 semaphore(%run_scoped3A : memref<!tpu.dma_semaphore, #tpu.memory_space<semaphore_mem>>) src(%dma_wait3A_56 : memref<128x128xf32, #tpu.memory_space<vmem_shared>>) dst(%dma_wait3A_54 : memref<128x128xf32, #tpu.memory_space<vmem>>)
      tpu.yield
    }) : () -> ()
    %add3A_33 = arith.constant 384 : i32
    %add3A_34 = arith.addi %mul3A_2, %add3A_33 : i32
    "tpu.region"() ({
      %run_scoped3A = tpu.sem_alloc : memref<!tpu.dma_semaphore, #tpu.memory_space<semaphore_mem>>
      %dma_start3A = arith.constant 0 : i32
      %dma_start3A_39 = arith.constant 0 : i32
      %dma_start3A_40 = tpu.memref_slice %arg9[%dma_start3A, %dma_start3A_39] : memref<128x128xf32, #tpu.memory_space<vmem>> -> memref<128x128xf32, #tpu.memory_space<vmem>>
      %dma_start3A_41 = arith.constant 0 : i32
      %dma_start3A_42 = tpu.memref_slice %arg6[%arg0, %add3A_34, %dma_start3A_41] : memref<2x10112x128xf32, #tpu.memory_space<hbm>> -> memref<1x128x128xf32, #tpu.memory_space<hbm>>
      %dma_start3A_43 = tpu.memref_squeeze %dma_start3A_42 : memref<1x128x128xf32, #tpu.memory_space<hbm>> -> memref<128x128xf32, #tpu.memory_space<hbm>>
      %dma_start3A_44 = arith.constant 0 : i32
      %dma_start3A_45 = tpu.memref_slice %arg6[%arg0, %add3A_34, %dma_start3A_44] : memref<2x10112x128xf32, #tpu.memory_space<hbm>> -> memref<1x128x128xf32, #tpu.memory_space<hbm>>
      %dma_start3A_46 = tpu.memref_squeeze %dma_start3A_45 : memref<1x128x128xf32, #tpu.memory_space<hbm>> -> memref<128x128xf32, #tpu.memory_space<hbm>>
      %dma_start3A_47 = arith.constant 0 : i32
      %dma_start3A_48 = arith.constant 0 : i32
      %dma_start3A_49 = tpu.memref_slice %arg9[%dma_start3A_47, %dma_start3A_48] : memref<128x128xf32, #tpu.memory_space<vmem>> -> memref<128x128xf32, #tpu.memory_space<vmem>>
      tpu.enqueue_dma source(%dma_start3A_49 : memref<128x128xf32, #tpu.memory_space<vmem>>) target(%dma_start3A_46 : memref<128x128xf32, #tpu.memory_space<hbm>>) target_semaphore(%run_scoped3A : memref<!tpu.dma_semaphore, #tpu.memory_space<semaphore_mem>>)
      %dma_wait3A = arith.constant 0 : i32
      %dma_wait3A_50 = arith.constant 0 : i32
      %dma_wait3A_51 = tpu.memref_slice %arg9[%dma_wait3A, %dma_wait3A_50] : memref<128x128xf32, #tpu.memory_space<vmem>> -> memref<128x128xf32, #tpu.memory_space<vmem>>
      %dma_wait3A_52 = arith.constant 0 : i32
      %dma_wait3A_53 = tpu.memref_slice %arg6[%arg0, %add3A_34, %dma_wait3A_52] : memref<2x10112x128xf32, #tpu.memory_space<hbm>> -> memref<1x128x128xf32, #tpu.memory_space<hbm>>
      %dma_wait3A_54 = tpu.memref_squeeze %dma_wait3A_53 : memref<1x128x128xf32, #tpu.memory_space<hbm>> -> memref<128x128xf32, #tpu.memory_space<hbm>>
      %dma_wait3A_55 = arith.constant 0 : i32
      %dma_wait3A_56 = tpu.memref_slice %arg6[%arg0, %add3A_34, %dma_wait3A_55] : memref<2x10112x128xf32, #tpu.memory_space<hbm>> -> memref<1x128x128xf32, #tpu.memory_space<hbm>>
      %dma_wait3A_57 = tpu.memref_squeeze %dma_wait3A_56 : memref<1x128x128xf32, #tpu.memory_space<hbm>> -> memref<128x128xf32, #tpu.memory_space<hbm>>
      %dma_wait3A_58 = arith.constant 0 : i32
      %dma_wait3A_59 = arith.constant 0 : i32
      %dma_wait3A_60 = tpu.memref_slice %arg9[%dma_wait3A_58, %dma_wait3A_59] : memref<128x128xf32, #tpu.memory_space<vmem>> -> memref<128x128xf32, #tpu.memory_space<vmem>>
      tpu.wait_dma2 semaphore(%run_scoped3A : memref<!tpu.dma_semaphore, #tpu.memory_space<semaphore_mem>>) src(%dma_wait3A_60 : memref<128x128xf32, #tpu.memory_space<vmem>>) dst(%dma_wait3A_57 : memref<128x128xf32, #tpu.memory_space<hbm>>)
      tpu.yield
    }) : () -> ()
    %add3A_35 = arith.constant 512 : i32
    %add3A_36 = arith.addi %mul3A_2, %add3A_35 : i32
    "tpu.region"() ({
      %run_scoped3A = tpu.sem_alloc : memref<!tpu.dma_semaphore, #tpu.memory_space<semaphore_mem>>
      %dma_start3A = arith.constant 0 : i32
      %dma_start3A_39 = arith.constant 0 : i32
      %dma_start3A_40 = tpu.memref_slice %arg9[%dma_start3A, %dma_start3A_39] : memref<128x128xf32, #tpu.memory_space<vmem>> -> memref<120x128xf32, #tpu.memory_space<vmem>>
      %dma_start3A_41 = arith.constant 0 : i32
      %dma_start3A_42 = tpu.memref_slice %arg10[%add3A_36, %dma_start3A_41] : memref<10112x128xf32, #tpu.memory_space<vmem_shared>> -> memref<120x128xf32, #tpu.memory_space<vmem_shared>>
      %dma_start3A_43 = arith.constant 0 : i32
      %dma_start3A_44 = arith.constant 0 : i32
      %dma_start3A_45 = tpu.memref_slice %arg9[%dma_start3A_43, %dma_start3A_44] : memref<128x128xf32, #tpu.memory_space<vmem>> -> memref<120x128xf32, #tpu.memory_space<vmem>>
      %dma_start3A_46 = arith.constant 0 : i32
      %dma_start3A_47 = tpu.memref_slice %arg10[%add3A_36, %dma_start3A_46] : memref<10112x128xf32, #tpu.memory_space<vmem_shared>> -> memref<120x128xf32, #tpu.memory_space<vmem_shared>>
      tpu.enqueue_dma source(%dma_start3A_47 : memref<120x128xf32, #tpu.memory_space<vmem_shared>>) target(%dma_start3A_45 : memref<120x128xf32, #tpu.memory_space<vmem>>) target_semaphore(%run_scoped3A : memref<!tpu.dma_semaphore, #tpu.memory_space<semaphore_mem>>)
      %dma_wait3A = arith.constant 0 : i32
      %dma_wait3A_48 = arith.constant 0 : i32
      %dma_wait3A_49 = tpu.memref_slice %arg9[%dma_wait3A, %dma_wait3A_48] : memref<128x128xf32, #tpu.memory_space<vmem>> -> memref<120x128xf32, #tpu.memory_space<vmem>>
      %dma_wait3A_50 = arith.constant 0 : i32
      %dma_wait3A_51 = tpu.memref_slice %arg10[%add3A_36, %dma_wait3A_50] : memref<10112x128xf32, #tpu.memory_space<vmem_shared>> -> memref<120x128xf32, #tpu.memory_space<vmem_shared>>
      %dma_wait3A_52 = arith.constant 0 : i32
      %dma_wait3A_53 = arith.constant 0 : i32
      %dma_wait3A_54 = tpu.memref_slice %arg9[%dma_wait3A_52, %dma_wait3A_53] : memref<128x128xf32, #tpu.memory_space<vmem>> -> memref<120x128xf32, #tpu.memory_space<vmem>>
      %dma_wait3A_55 = arith.constant 0 : i32
      %dma_wait3A_56 = tpu.memref_slice %arg10[%add3A_36, %dma_wait3A_55] : memref<10112x128xf32, #tpu.memory_space<vmem_shared>> -> memref<120x128xf32, #tpu.memory_space<vmem_shared>>
      tpu.wait_dma2 semaphore(%run_scoped3A : memref<!tpu.dma_semaphore, #tpu.memory_space<semaphore_mem>>) src(%dma_wait3A_56 : memref<120x128xf32, #tpu.memory_space<vmem_shared>>) dst(%dma_wait3A_54 : memref<120x128xf32, #tpu.memory_space<vmem>>)
      tpu.yield
    }) : () -> ()
    %add3A_37 = arith.constant 512 : i32
    %add3A_38 = arith.addi %mul3A_2, %add3A_37 : i32
    "tpu.region"() ({
      %run_scoped3A = tpu.sem_alloc : memref<!tpu.dma_semaphore, #tpu.memory_space<semaphore_mem>>
      %dma_start3A = arith.constant 0 : i32
      %dma_start3A_39 = arith.constant 0 : i32
      %dma_start3A_40 = tpu.memref_slice %arg9[%dma_start3A, %dma_start3A_39] : memref<128x128xf32, #tpu.memory_space<vmem>> -> memref<120x128xf32, #tpu.memory_space<vmem>>
      %dma_start3A_41 = arith.constant 0 : i32
      %dma_start3A_42 = tpu.memref_slice %arg6[%arg0, %add3A_38, %dma_start3A_41] : memref<2x10112x128xf32, #tpu.memory_space<hbm>> -> memref<1x120x128xf32, #tpu.memory_space<hbm>>
      %dma_start3A_43 = tpu.memref_squeeze %dma_start3A_42 : memref<1x120x128xf32, #tpu.memory_space<hbm>> -> memref<120x128xf32, #tpu.memory_space<hbm>>
      %dma_start3A_44 = arith.constant 0 : i32
      %dma_start3A_45 = tpu.memref_slice %arg6[%arg0, %add3A_38, %dma_start3A_44] : memref<2x10112x128xf32, #tpu.memory_space<hbm>> -> memref<1x120x128xf32, #tpu.memory_space<hbm>>
      %dma_start3A_46 = tpu.memref_squeeze %dma_start3A_45 : memref<1x120x128xf32, #tpu.memory_space<hbm>> -> memref<120x128xf32, #tpu.memory_space<hbm>>
      %dma_start3A_47 = arith.constant 0 : i32
      %dma_start3A_48 = arith.constant 0 : i32
      %dma_start3A_49 = tpu.memref_slice %arg9[%dma_start3A_47, %dma_start3A_48] : memref<128x128xf32, #tpu.memory_space<vmem>> -> memref<120x128xf32, #tpu.memory_space<vmem>>
      tpu.enqueue_dma source(%dma_start3A_49 : memref<120x128xf32, #tpu.memory_space<vmem>>) target(%dma_start3A_46 : memref<120x128xf32, #tpu.memory_space<hbm>>) target_semaphore(%run_scoped3A : memref<!tpu.dma_semaphore, #tpu.memory_space<semaphore_mem>>)
      %dma_wait3A = arith.constant 0 : i32
      %dma_wait3A_50 = arith.constant 0 : i32
      %dma_wait3A_51 = tpu.memref_slice %arg9[%dma_wait3A, %dma_wait3A_50] : memref<128x128xf32, #tpu.memory_space<vmem>> -> memref<120x128xf32, #tpu.memory_space<vmem>>
      %dma_wait3A_52 = arith.constant 0 : i32
      %dma_wait3A_53 = tpu.memref_slice %arg6[%arg0, %add3A_38, %dma_wait3A_52] : memref<2x10112x128xf32, #tpu.memory_space<hbm>> -> memref<1x120x128xf32, #tpu.memory_space<hbm>>
      %dma_wait3A_54 = tpu.memref_squeeze %dma_wait3A_53 : memref<1x120x128xf32, #tpu.memory_space<hbm>> -> memref<120x128xf32, #tpu.memory_space<hbm>>
      %dma_wait3A_55 = arith.constant 0 : i32
      %dma_wait3A_56 = tpu.memref_slice %arg6[%arg0, %add3A_38, %dma_wait3A_55] : memref<2x10112x128xf32, #tpu.memory_space<hbm>> -> memref<1x120x128xf32, #tpu.memory_space<hbm>>
      %dma_wait3A_57 = tpu.memref_squeeze %dma_wait3A_56 : memref<1x120x128xf32, #tpu.memory_space<hbm>> -> memref<120x128xf32, #tpu.memory_space<hbm>>
      %dma_wait3A_58 = arith.constant 0 : i32
      %dma_wait3A_59 = arith.constant 0 : i32
      %dma_wait3A_60 = tpu.memref_slice %arg9[%dma_wait3A_58, %dma_wait3A_59] : memref<128x128xf32, #tpu.memory_space<vmem>> -> memref<120x128xf32, #tpu.memory_space<vmem>>
      tpu.wait_dma2 semaphore(%run_scoped3A : memref<!tpu.dma_semaphore, #tpu.memory_space<semaphore_mem>>) src(%dma_wait3A_60 : memref<120x128xf32, #tpu.memory_space<vmem>>) dst(%dma_wait3A_57 : memref<120x128xf32, #tpu.memory_space<hbm>>)
      tpu.yield
    }) : () -> ()
    return
  }
}

#map = affine_map<(d0, d1) -> (0, 0)>
#map1 = affine_map<(d0, d1) -> (0, 0, 0)>
module attributes {stable_mosaic.version = 14 : i64} {
  func.func @_agg_body(%arg0: i32, %arg1: i32, %arg2: memref<10000x128xf32, #tpu.memory_space<hbm>>, %arg3: memref<32x79x128xi32, #tpu.memory_space<hbm>>, %arg4: memref<32x79x128xi32, #tpu.memory_space<hbm>>, %arg5: memref<128x128xf32, #tpu.memory_space<hbm>>, %arg6: memref<2x10112x128xf32, #tpu.memory_space<hbm>>, %arg7: memref<128xi32, #tpu.memory_space<vmem>>, %arg8: memref<128xi32, #tpu.memory_space<vmem>>, %arg9: memref<128x128xf32, #tpu.memory_space<vmem>>, %arg10: memref<10112x128xf32, #tpu.memory_space<vmem_shared>>, %arg11: memref<!tpu.dma_semaphore, #tpu.memory_space<semaphore_mem>>) attributes {dimension_semantics = [#tpu.dimension_semantics<core_parallel>, #tpu.dimension_semantics<subcore_parallel>], iteration_bounds = array<i64: 2, 16>, scalar_prefetch = 0 : i64, scratch_operands = 5 : i64, tpu.core_type = #tpu.core_type<sc_vector_subcore>, window_params = [{transform_indices = #map}, {transform_indices = #map1}, {transform_indices = #map1}, {transform_indices = #map}, {transform_indices = #map1}]} {
    %mul3A = arith.constant 16 : i32
    %mul3A_0 = arith.muli %arg0, %mul3A : i32
    %add3A = arith.addi %mul3A_0, %arg1 : i32
    %mul3A_1 = arith.constant 632 : i32
    %mul3A_2 = arith.muli %arg1, %mul3A_1 : i32
    "tpu.region"() ({
      %run_scoped3A = tpu.sem_alloc : memref<!tpu.dma_semaphore, #tpu.memory_space<semaphore_mem>>
      tpu.enqueue_dma source(%arg5 : memref<128x128xf32, #tpu.memory_space<hbm>>) target(%arg9 : memref<128x128xf32, #tpu.memory_space<vmem>>) target_semaphore(%run_scoped3A : memref<!tpu.dma_semaphore, #tpu.memory_space<semaphore_mem>>)
      tpu.wait_dma2 semaphore(%run_scoped3A : memref<!tpu.dma_semaphore, #tpu.memory_space<semaphore_mem>>) src(%arg5 : memref<128x128xf32, #tpu.memory_space<hbm>>) dst(%arg9 : memref<128x128xf32, #tpu.memory_space<vmem>>)
      tpu.yield
    }) : () -> ()
    %add3A_3 = arith.constant 0 : i32
    %add3A_4 = arith.addi %mul3A_2, %add3A_3 : i32
    "tpu.region"() ({
      %run_scoped3A = tpu.sem_alloc : memref<!tpu.dma_semaphore, #tpu.memory_space<semaphore_mem>>
      %dma_start3A = arith.constant 0 : i32
      %dma_start3A_39 = arith.constant 0 : i32
      %dma_start3A_40 = tpu.memref_slice %arg9[%dma_start3A, %dma_start3A_39] : memref<128x128xf32, #tpu.memory_space<vmem>> -> memref<128x128xf32, #tpu.memory_space<vmem>>
      %dma_start3A_41 = arith.constant 0 : i32
      %dma_start3A_42 = tpu.memref_slice %arg10[%add3A_4, %dma_start3A_41] : memref<10112x128xf32, #tpu.memory_space<vmem_shared>> -> memref<128x128xf32, #tpu.memory_space<vmem_shared>>
      %dma_start3A_43 = arith.constant 0 : i32
      %dma_start3A_44 = tpu.memref_slice %arg10[%add3A_4, %dma_start3A_43] : memref<10112x128xf32, #tpu.memory_space<vmem_shared>> -> memref<128x128xf32, #tpu.memory_space<vmem_shared>>
      %dma_start3A_45 = arith.constant 0 : i32
      %dma_start3A_46 = arith.constant 0 : i32
      %dma_start3A_47 = tpu.memref_slice %arg9[%dma_start3A_45, %dma_start3A_46] : memref<128x128xf32, #tpu.memory_space<vmem>> -> memref<128x128xf32, #tpu.memory_space<vmem>>
      tpu.enqueue_dma source(%dma_start3A_47 : memref<128x128xf32, #tpu.memory_space<vmem>>) target(%dma_start3A_44 : memref<128x128xf32, #tpu.memory_space<vmem_shared>>) target_semaphore(%run_scoped3A : memref<!tpu.dma_semaphore, #tpu.memory_space<semaphore_mem>>)
      %dma_wait3A = arith.constant 0 : i32
      %dma_wait3A_48 = arith.constant 0 : i32
      %dma_wait3A_49 = tpu.memref_slice %arg9[%dma_wait3A, %dma_wait3A_48] : memref<128x128xf32, #tpu.memory_space<vmem>> -> memref<128x128xf32, #tpu.memory_space<vmem>>
      %dma_wait3A_50 = arith.constant 0 : i32
      %dma_wait3A_51 = tpu.memref_slice %arg10[%add3A_4, %dma_wait3A_50] : memref<10112x128xf32, #tpu.memory_space<vmem_shared>> -> memref<128x128xf32, #tpu.memory_space<vmem_shared>>
      %dma_wait3A_52 = arith.constant 0 : i32
      %dma_wait3A_53 = tpu.memref_slice %arg10[%add3A_4, %dma_wait3A_52] : memref<10112x128xf32, #tpu.memory_space<vmem_shared>> -> memref<128x128xf32, #tpu.memory_space<vmem_shared>>
      %dma_wait3A_54 = arith.constant 0 : i32
      %dma_wait3A_55 = arith.constant 0 : i32
      %dma_wait3A_56 = tpu.memref_slice %arg9[%dma_wait3A_54, %dma_wait3A_55] : memref<128x128xf32, #tpu.memory_space<vmem>> -> memref<128x128xf32, #tpu.memory_space<vmem>>
      tpu.wait_dma2 semaphore(%run_scoped3A : memref<!tpu.dma_semaphore, #tpu.memory_space<semaphore_mem>>) src(%dma_wait3A_56 : memref<128x128xf32, #tpu.memory_space<vmem>>) dst(%dma_wait3A_53 : memref<128x128xf32, #tpu.memory_space<vmem_shared>>)
      tpu.yield
    }) : () -> ()
    %add3A_5 = arith.constant 128 : i32
    %add3A_6 = arith.addi %mul3A_2, %add3A_5 : i32
    "tpu.region"() ({
      %run_scoped3A = tpu.sem_alloc : memref<!tpu.dma_semaphore, #tpu.memory_space<semaphore_mem>>
      %dma_start3A = arith.constant 0 : i32
      %dma_start3A_39 = arith.constant 0 : i32
      %dma_start3A_40 = tpu.memref_slice %arg9[%dma_start3A, %dma_start3A_39] : memref<128x128xf32, #tpu.memory_space<vmem>> -> memref<128x128xf32, #tpu.memory_space<vmem>>
      %dma_start3A_41 = arith.constant 0 : i32
      %dma_start3A_42 = tpu.memref_slice %arg10[%add3A_6, %dma_start3A_41] : memref<10112x128xf32, #tpu.memory_space<vmem_shared>> -> memref<128x128xf32, #tpu.memory_space<vmem_shared>>
      %dma_start3A_43 = arith.constant 0 : i32
      %dma_start3A_44 = tpu.memref_slice %arg10[%add3A_6, %dma_start3A_43] : memref<10112x128xf32, #tpu.memory_space<vmem_shared>> -> memref<128x128xf32, #tpu.memory_space<vmem_shared>>
      %dma_start3A_45 = arith.constant 0 : i32
      %dma_start3A_46 = arith.constant 0 : i32
      %dma_start3A_47 = tpu.memref_slice %arg9[%dma_start3A_45, %dma_start3A_46] : memref<128x128xf32, #tpu.memory_space<vmem>> -> memref<128x128xf32, #tpu.memory_space<vmem>>
      tpu.enqueue_dma source(%dma_start3A_47 : memref<128x128xf32, #tpu.memory_space<vmem>>) target(%dma_start3A_44 : memref<128x128xf32, #tpu.memory_space<vmem_shared>>) target_semaphore(%run_scoped3A : memref<!tpu.dma_semaphore, #tpu.memory_space<semaphore_mem>>)
      %dma_wait3A = arith.constant 0 : i32
      %dma_wait3A_48 = arith.constant 0 : i32
      %dma_wait3A_49 = tpu.memref_slice %arg9[%dma_wait3A, %dma_wait3A_48] : memref<128x128xf32, #tpu.memory_space<vmem>> -> memref<128x128xf32, #tpu.memory_space<vmem>>
      %dma_wait3A_50 = arith.constant 0 : i32
      %dma_wait3A_51 = tpu.memref_slice %arg10[%add3A_6, %dma_wait3A_50] : memref<10112x128xf32, #tpu.memory_space<vmem_shared>> -> memref<128x128xf32, #tpu.memory_space<vmem_shared>>
      %dma_wait3A_52 = arith.constant 0 : i32
      %dma_wait3A_53 = tpu.memref_slice %arg10[%add3A_6, %dma_wait3A_52] : memref<10112x128xf32, #tpu.memory_space<vmem_shared>> -> memref<128x128xf32, #tpu.memory_space<vmem_shared>>
      %dma_wait3A_54 = arith.constant 0 : i32
      %dma_wait3A_55 = arith.constant 0 : i32
      %dma_wait3A_56 = tpu.memref_slice %arg9[%dma_wait3A_54, %dma_wait3A_55] : memref<128x128xf32, #tpu.memory_space<vmem>> -> memref<128x128xf32, #tpu.memory_space<vmem>>
      tpu.wait_dma2 semaphore(%run_scoped3A : memref<!tpu.dma_semaphore, #tpu.memory_space<semaphore_mem>>) src(%dma_wait3A_56 : memref<128x128xf32, #tpu.memory_space<vmem>>) dst(%dma_wait3A_53 : memref<128x128xf32, #tpu.memory_space<vmem_shared>>)
      tpu.yield
    }) : () -> ()
    %add3A_7 = arith.constant 256 : i32
    %add3A_8 = arith.addi %mul3A_2, %add3A_7 : i32
    "tpu.region"() ({
      %run_scoped3A = tpu.sem_alloc : memref<!tpu.dma_semaphore, #tpu.memory_space<semaphore_mem>>
      %dma_start3A = arith.constant 0 : i32
      %dma_start3A_39 = arith.constant 0 : i32
      %dma_start3A_40 = tpu.memref_slice %arg9[%dma_start3A, %dma_start3A_39] : memref<128x128xf32, #tpu.memory_space<vmem>> -> memref<128x128xf32, #tpu.memory_space<vmem>>
      %dma_start3A_41 = arith.constant 0 : i32
      %dma_start3A_42 = tpu.memref_slice %arg10[%add3A_8, %dma_start3A_41] : memref<10112x128xf32, #tpu.memory_space<vmem_shared>> -> memref<128x128xf32, #tpu.memory_space<vmem_shared>>
      %dma_start3A_43 = arith.constant 0 : i32
      %dma_start3A_44 = tpu.memref_slice %arg10[%add3A_8, %dma_start3A_43] : memref<10112x128xf32, #tpu.memory_space<vmem_shared>> -> memref<128x128xf32, #tpu.memory_space<vmem_shared>>
      %dma_start3A_45 = arith.constant 0 : i32
      %dma_start3A_46 = arith.constant 0 : i32
      %dma_start3A_47 = tpu.memref_slice %arg9[%dma_start3A_45, %dma_start3A_46] : memref<128x128xf32, #tpu.memory_space<vmem>> -> memref<128x128xf32, #tpu.memory_space<vmem>>
      tpu.enqueue_dma source(%dma_start3A_47 : memref<128x128xf32, #tpu.memory_space<vmem>>) target(%dma_start3A_44 : memref<128x128xf32, #tpu.memory_space<vmem_shared>>) target_semaphore(%run_scoped3A : memref<!tpu.dma_semaphore, #tpu.memory_space<semaphore_mem>>)
      %dma_wait3A = arith.constant 0 : i32
      %dma_wait3A_48 = arith.constant 0 : i32
      %dma_wait3A_49 = tpu.memref_slice %arg9[%dma_wait3A, %dma_wait3A_48] : memref<128x128xf32, #tpu.memory_space<vmem>> -> memref<128x128xf32, #tpu.memory_space<vmem>>
      %dma_wait3A_50 = arith.constant 0 : i32
      %dma_wait3A_51 = tpu.memref_slice %arg10[%add3A_8, %dma_wait3A_50] : memref<10112x128xf32, #tpu.memory_space<vmem_shared>> -> memref<128x128xf32, #tpu.memory_space<vmem_shared>>
      %dma_wait3A_52 = arith.constant 0 : i32
      %dma_wait3A_53 = tpu.memref_slice %arg10[%add3A_8, %dma_wait3A_52] : memref<10112x128xf32, #tpu.memory_space<vmem_shared>> -> memref<128x128xf32, #tpu.memory_space<vmem_shared>>
      %dma_wait3A_54 = arith.constant 0 : i32
      %dma_wait3A_55 = arith.constant 0 : i32
      %dma_wait3A_56 = tpu.memref_slice %arg9[%dma_wait3A_54, %dma_wait3A_55] : memref<128x128xf32, #tpu.memory_space<vmem>> -> memref<128x128xf32, #tpu.memory_space<vmem>>
      tpu.wait_dma2 semaphore(%run_scoped3A : memref<!tpu.dma_semaphore, #tpu.memory_space<semaphore_mem>>) src(%dma_wait3A_56 : memref<128x128xf32, #tpu.memory_space<vmem>>) dst(%dma_wait3A_53 : memref<128x128xf32, #tpu.memory_space<vmem_shared>>)
      tpu.yield
    }) : () -> ()
    %add3A_9 = arith.constant 384 : i32
    %add3A_10 = arith.addi %mul3A_2, %add3A_9 : i32
    "tpu.region"() ({
      %run_scoped3A = tpu.sem_alloc : memref<!tpu.dma_semaphore, #tpu.memory_space<semaphore_mem>>
      %dma_start3A = arith.constant 0 : i32
      %dma_start3A_39 = arith.constant 0 : i32
      %dma_start3A_40 = tpu.memref_slice %arg9[%dma_start3A, %dma_start3A_39] : memref<128x128xf32, #tpu.memory_space<vmem>> -> memref<128x128xf32, #tpu.memory_space<vmem>>
      %dma_start3A_41 = arith.constant 0 : i32
      %dma_start3A_42 = tpu.memref_slice %arg10[%add3A_10, %dma_start3A_41] : memref<10112x128xf32, #tpu.memory_space<vmem_shared>> -> memref<128x128xf32, #tpu.memory_space<vmem_shared>>
      %dma_start3A_43 = arith.constant 0 : i32
      %dma_start3A_44 = tpu.memref_slice %arg10[%add3A_10, %dma_start3A_43] : memref<10112x128xf32, #tpu.memory_space<vmem_shared>> -> memref<128x128xf32, #tpu.memory_space<vmem_shared>>
      %dma_start3A_45 = arith.constant 0 : i32
      %dma_start3A_46 = arith.constant 0 : i32
      %dma_start3A_47 = tpu.memref_slice %arg9[%dma_start3A_45, %dma_start3A_46] : memref<128x128xf32, #tpu.memory_space<vmem>> -> memref<128x128xf32, #tpu.memory_space<vmem>>
      tpu.enqueue_dma source(%dma_start3A_47 : memref<128x128xf32, #tpu.memory_space<vmem>>) target(%dma_start3A_44 : memref<128x128xf32, #tpu.memory_space<vmem_shared>>) target_semaphore(%run_scoped3A : memref<!tpu.dma_semaphore, #tpu.memory_space<semaphore_mem>>)
      %dma_wait3A = arith.constant 0 : i32
      %dma_wait3A_48 = arith.constant 0 : i32
      %dma_wait3A_49 = tpu.memref_slice %arg9[%dma_wait3A, %dma_wait3A_48] : memref<128x128xf32, #tpu.memory_space<vmem>> -> memref<128x128xf32, #tpu.memory_space<vmem>>
      %dma_wait3A_50 = arith.constant 0 : i32
      %dma_wait3A_51 = tpu.memref_slice %arg10[%add3A_10, %dma_wait3A_50] : memref<10112x128xf32, #tpu.memory_space<vmem_shared>> -> memref<128x128xf32, #tpu.memory_space<vmem_shared>>
      %dma_wait3A_52 = arith.constant 0 : i32
      %dma_wait3A_53 = tpu.memref_slice %arg10[%add3A_10, %dma_wait3A_52] : memref<10112x128xf32, #tpu.memory_space<vmem_shared>> -> memref<128x128xf32, #tpu.memory_space<vmem_shared>>
      %dma_wait3A_54 = arith.constant 0 : i32
      %dma_wait3A_55 = arith.constant 0 : i32
      %dma_wait3A_56 = tpu.memref_slice %arg9[%dma_wait3A_54, %dma_wait3A_55] : memref<128x128xf32, #tpu.memory_space<vmem>> -> memref<128x128xf32, #tpu.memory_space<vmem>>
      tpu.wait_dma2 semaphore(%run_scoped3A : memref<!tpu.dma_semaphore, #tpu.memory_space<semaphore_mem>>) src(%dma_wait3A_56 : memref<128x128xf32, #tpu.memory_space<vmem>>) dst(%dma_wait3A_53 : memref<128x128xf32, #tpu.memory_space<vmem_shared>>)
      tpu.yield
    }) : () -> ()
    %add3A_11 = arith.constant 512 : i32
    %add3A_12 = arith.addi %mul3A_2, %add3A_11 : i32
    "tpu.region"() ({
      %run_scoped3A = tpu.sem_alloc : memref<!tpu.dma_semaphore, #tpu.memory_space<semaphore_mem>>
      %dma_start3A = arith.constant 0 : i32
      %dma_start3A_39 = arith.constant 0 : i32
      %dma_start3A_40 = tpu.memref_slice %arg9[%dma_start3A, %dma_start3A_39] : memref<128x128xf32, #tpu.memory_space<vmem>> -> memref<120x128xf32, #tpu.memory_space<vmem>>
      %dma_start3A_41 = arith.constant 0 : i32
      %dma_start3A_42 = tpu.memref_slice %arg10[%add3A_12, %dma_start3A_41] : memref<10112x128xf32, #tpu.memory_space<vmem_shared>> -> memref<120x128xf32, #tpu.memory_space<vmem_shared>>
      %dma_start3A_43 = arith.constant 0 : i32
      %dma_start3A_44 = tpu.memref_slice %arg10[%add3A_12, %dma_start3A_43] : memref<10112x128xf32, #tpu.memory_space<vmem_shared>> -> memref<120x128xf32, #tpu.memory_space<vmem_shared>>
      %dma_start3A_45 = arith.constant 0 : i32
      %dma_start3A_46 = arith.constant 0 : i32
      %dma_start3A_47 = tpu.memref_slice %arg9[%dma_start3A_45, %dma_start3A_46] : memref<128x128xf32, #tpu.memory_space<vmem>> -> memref<120x128xf32, #tpu.memory_space<vmem>>
      tpu.enqueue_dma source(%dma_start3A_47 : memref<120x128xf32, #tpu.memory_space<vmem>>) target(%dma_start3A_44 : memref<120x128xf32, #tpu.memory_space<vmem_shared>>) target_semaphore(%run_scoped3A : memref<!tpu.dma_semaphore, #tpu.memory_space<semaphore_mem>>)
      %dma_wait3A = arith.constant 0 : i32
      %dma_wait3A_48 = arith.constant 0 : i32
      %dma_wait3A_49 = tpu.memref_slice %arg9[%dma_wait3A, %dma_wait3A_48] : memref<128x128xf32, #tpu.memory_space<vmem>> -> memref<120x128xf32, #tpu.memory_space<vmem>>
      %dma_wait3A_50 = arith.constant 0 : i32
      %dma_wait3A_51 = tpu.memref_slice %arg10[%add3A_12, %dma_wait3A_50] : memref<10112x128xf32, #tpu.memory_space<vmem_shared>> -> memref<120x128xf32, #tpu.memory_space<vmem_shared>>
      %dma_wait3A_52 = arith.constant 0 : i32
      %dma_wait3A_53 = tpu.memref_slice %arg10[%add3A_12, %dma_wait3A_52] : memref<10112x128xf32, #tpu.memory_space<vmem_shared>> -> memref<120x128xf32, #tpu.memory_space<vmem_shared>>
      %dma_wait3A_54 = arith.constant 0 : i32
      %dma_wait3A_55 = arith.constant 0 : i32
      %dma_wait3A_56 = tpu.memref_slice %arg9[%dma_wait3A_54, %dma_wait3A_55] : memref<128x128xf32, #tpu.memory_space<vmem>> -> memref<120x128xf32, #tpu.memory_space<vmem>>
      tpu.wait_dma2 semaphore(%run_scoped3A : memref<!tpu.dma_semaphore, #tpu.memory_space<semaphore_mem>>) src(%dma_wait3A_56 : memref<120x128xf32, #tpu.memory_space<vmem>>) dst(%dma_wait3A_53 : memref<120x128xf32, #tpu.memory_space<vmem_shared>>)
      tpu.yield
    }) : () -> ()
    %barrier3A = arith.constant 0 : index
    tpu.barrier barrier_id(%barrier3A)
    %scan3A = arith.constant 0 : i32
    %scan3A_13 = arith.constant 0 : i32
    %scan3A_14 = arith.constant 79 : i32
    %scan3A_15 = arith.addi %scan3A_13, %scan3A_14 : i32
    %scan3A_16 = arith.constant 1 : i32
    scf.for %scan3A_39 = %scan3A_13 to %scan3A_15 step %scan3A_16  : i32 {
      "tpu.region"() ({
        %run_scoped3A = tpu.sem_alloc : memref<!tpu.dma_semaphore, #tpu.memory_space<semaphore_mem>>
        %dma_start3A_44 = arith.constant 0 : i32
        %dma_start3A_45 = tpu.memref_slice %arg3[%add3A, %scan3A_39, %dma_start3A_44] : memref<32x79x128xi32, #tpu.memory_space<hbm>> -> memref<1x1x128xi32, #tpu.memory_space<hbm>>
        %dma_start3A_46 = tpu.memref_squeeze %dma_start3A_45 : memref<1x1x128xi32, #tpu.memory_space<hbm>> -> memref<128xi32, #tpu.memory_space<hbm>>
        %dma_start3A_47 = arith.constant 0 : i32
        %dma_start3A_48 = tpu.memref_slice %arg3[%add3A, %scan3A_39, %dma_start3A_47] : memref<32x79x128xi32, #tpu.memory_space<hbm>> -> memref<1x1x128xi32, #tpu.memory_space<hbm>>
        %dma_start3A_49 = tpu.memref_squeeze %dma_start3A_48 : memref<1x1x128xi32, #tpu.memory_space<hbm>> -> memref<128xi32, #tpu.memory_space<hbm>>
        tpu.enqueue_dma source(%dma_start3A_49 : memref<128xi32, #tpu.memory_space<hbm>>) target(%arg7 : memref<128xi32, #tpu.memory_space<vmem>>) target_semaphore(%run_scoped3A : memref<!tpu.dma_semaphore, #tpu.memory_space<semaphore_mem>>)
        %dma_wait3A_50 = arith.constant 0 : i32
        %dma_wait3A_51 = tpu.memref_slice %arg3[%add3A, %scan3A_39, %dma_wait3A_50] : memref<32x79x128xi32, #tpu.memory_space<hbm>> -> memref<1x1x128xi32, #tpu.memory_space<hbm>>
        %dma_wait3A_52 = tpu.memref_squeeze %dma_wait3A_51 : memref<1x1x128xi32, #tpu.memory_space<hbm>> -> memref<128xi32, #tpu.memory_space<hbm>>
        %dma_wait3A_53 = arith.constant 0 : i32
        %dma_wait3A_54 = tpu.memref_slice %arg3[%add3A, %scan3A_39, %dma_wait3A_53] : memref<32x79x128xi32, #tpu.memory_space<hbm>> -> memref<1x1x128xi32, #tpu.memory_space<hbm>>
        %dma_wait3A_55 = tpu.memref_squeeze %dma_wait3A_54 : memref<1x1x128xi32, #tpu.memory_space<hbm>> -> memref<128xi32, #tpu.memory_space<hbm>>
        tpu.wait_dma2 semaphore(%run_scoped3A : memref<!tpu.dma_semaphore, #tpu.memory_space<semaphore_mem>>) src(%dma_wait3A_55 : memref<128xi32, #tpu.memory_space<hbm>>) dst(%arg7 : memref<128xi32, #tpu.memory_space<vmem>>)
        tpu.yield
      }) : () -> ()
      %dma_start3A = arith.constant 0 : i32
      %dma_start3A_40 = arith.constant 0 : i32
      %dma_start3A_41 = tpu.memref_slice %arg2[%dma_start3A, %dma_start3A_40] : memref<10000x128xf32, #tpu.memory_space<hbm>> -> memref<10000x128xf32, #tpu.memory_space<hbm>>
      tpu.enqueue_indirect_dma source(%dma_start3A_41 : memref<10000x128xf32, #tpu.memory_space<hbm>>) target(%arg9 : memref<128x128xf32, #tpu.memory_space<vmem>>) offsets(%arg7 : memref<128xi32, #tpu.memory_space<vmem>>) semaphore(%arg11 : memref<!tpu.dma_semaphore, #tpu.memory_space<semaphore_mem>>)
      "tpu.region"() ({
        %run_scoped3A = tpu.sem_alloc : memref<!tpu.dma_semaphore, #tpu.memory_space<semaphore_mem>>
        %dma_start3A_44 = arith.constant 0 : i32
        %dma_start3A_45 = tpu.memref_slice %arg4[%add3A, %scan3A_39, %dma_start3A_44] : memref<32x79x128xi32, #tpu.memory_space<hbm>> -> memref<1x1x128xi32, #tpu.memory_space<hbm>>
        %dma_start3A_46 = tpu.memref_squeeze %dma_start3A_45 : memref<1x1x128xi32, #tpu.memory_space<hbm>> -> memref<128xi32, #tpu.memory_space<hbm>>
        %dma_start3A_47 = arith.constant 0 : i32
        %dma_start3A_48 = tpu.memref_slice %arg4[%add3A, %scan3A_39, %dma_start3A_47] : memref<32x79x128xi32, #tpu.memory_space<hbm>> -> memref<1x1x128xi32, #tpu.memory_space<hbm>>
        %dma_start3A_49 = tpu.memref_squeeze %dma_start3A_48 : memref<1x1x128xi32, #tpu.memory_space<hbm>> -> memref<128xi32, #tpu.memory_space<hbm>>
        tpu.enqueue_dma source(%dma_start3A_49 : memref<128xi32, #tpu.memory_space<hbm>>) target(%arg8 : memref<128xi32, #tpu.memory_space<vmem>>) target_semaphore(%run_scoped3A : memref<!tpu.dma_semaphore, #tpu.memory_space<semaphore_mem>>)
        %dma_wait3A_50 = arith.constant 0 : i32
        %dma_wait3A_51 = tpu.memref_slice %arg4[%add3A, %scan3A_39, %dma_wait3A_50] : memref<32x79x128xi32, #tpu.memory_space<hbm>> -> memref<1x1x128xi32, #tpu.memory_space<hbm>>
        %dma_wait3A_52 = tpu.memref_squeeze %dma_wait3A_51 : memref<1x1x128xi32, #tpu.memory_space<hbm>> -> memref<128xi32, #tpu.memory_space<hbm>>
        %dma_wait3A_53 = arith.constant 0 : i32
        %dma_wait3A_54 = tpu.memref_slice %arg4[%add3A, %scan3A_39, %dma_wait3A_53] : memref<32x79x128xi32, #tpu.memory_space<hbm>> -> memref<1x1x128xi32, #tpu.memory_space<hbm>>
        %dma_wait3A_55 = tpu.memref_squeeze %dma_wait3A_54 : memref<1x1x128xi32, #tpu.memory_space<hbm>> -> memref<128xi32, #tpu.memory_space<hbm>>
        tpu.wait_dma2 semaphore(%run_scoped3A : memref<!tpu.dma_semaphore, #tpu.memory_space<semaphore_mem>>) src(%dma_wait3A_55 : memref<128xi32, #tpu.memory_space<hbm>>) dst(%arg8 : memref<128xi32, #tpu.memory_space<vmem>>)
        tpu.yield
      }) : () -> ()
      %dma_wait3A = arith.constant 0 : i32
      %dma_wait3A_42 = arith.constant 0 : i32
      %dma_wait3A_43 = tpu.memref_slice %arg2[%dma_wait3A, %dma_wait3A_42] : memref<10000x128xf32, #tpu.memory_space<hbm>> -> memref<10000x128xf32, #tpu.memory_space<hbm>>
      tpu.wait_indirect_dma semaphore(%arg11 : memref<!tpu.dma_semaphore, #tpu.memory_space<semaphore_mem>>) src(%dma_wait3A_43 : memref<10000x128xf32, #tpu.memory_space<hbm>>) dst(%arg9 : memref<128x128xf32, #tpu.memory_space<vmem>>)
      "tpu.region"() ({
        %run_scoped3A = tpu.sem_alloc : memref<!tpu.dma_semaphore, #tpu.memory_space<semaphore_mem>>
        %dma_start3A_44 = arith.constant 0 : i32
        %dma_start3A_45 = arith.constant 0 : i32
        %dma_start3A_46 = tpu.memref_slice %arg10[%dma_start3A_44, %dma_start3A_45] : memref<10112x128xf32, #tpu.memory_space<vmem_shared>> -> memref<10112x128xf32, #tpu.memory_space<vmem_shared>>
        tpu.enqueue_indirect_dma source(%arg9 : memref<128x128xf32, #tpu.memory_space<vmem>>) target(%dma_start3A_46 : memref<10112x128xf32, #tpu.memory_space<vmem_shared>>) offsets(%arg8 : memref<128xi32, #tpu.memory_space<vmem>>) semaphore(%run_scoped3A : memref<!tpu.dma_semaphore, #tpu.memory_space<semaphore_mem>>) {add = true}
        %dma_wait3A_47 = arith.constant 0 : i32
        %dma_wait3A_48 = arith.constant 0 : i32
        %dma_wait3A_49 = tpu.memref_slice %arg10[%dma_wait3A_47, %dma_wait3A_48] : memref<10112x128xf32, #tpu.memory_space<vmem_shared>> -> memref<10112x128xf32, #tpu.memory_space<vmem_shared>>
        tpu.wait_indirect_dma semaphore(%run_scoped3A : memref<!tpu.dma_semaphore, #tpu.memory_space<semaphore_mem>>) src(%arg9 : memref<128x128xf32, #tpu.memory_space<vmem>>) dst(%dma_wait3A_49 : memref<10112x128xf32, #tpu.memory_space<vmem_shared>>)
        tpu.yield
      }) : () -> ()
    }
    %scan3A_17 = arith.constant 79 : i32
    %barrier3A_18 = arith.constant 0 : index
    tpu.barrier barrier_id(%barrier3A_18)
    %add3A_19 = arith.constant 0 : i32
    %add3A_20 = arith.addi %mul3A_2, %add3A_19 : i32
    "tpu.region"() ({
      %run_scoped3A = tpu.sem_alloc : memref<!tpu.dma_semaphore, #tpu.memory_space<semaphore_mem>>
      %dma_start3A = arith.constant 0 : i32
      %dma_start3A_39 = arith.constant 0 : i32
      %dma_start3A_40 = tpu.memref_slice %arg9[%dma_start3A, %dma_start3A_39] : memref<128x128xf32, #tpu.memory_space<vmem>> -> memref<128x128xf32, #tpu.memory_space<vmem>>
      %dma_start3A_41 = arith.constant 0 : i32
      %dma_start3A_42 = tpu.memref_slice %arg10[%add3A_20, %dma_start3A_41] : memref<10112x128xf32, #tpu.memory_space<vmem_shared>> -> memref<128x128xf32, #tpu.memory_space<vmem_shared>>
      %dma_start3A_43 = arith.constant 0 : i32
      %dma_start3A_44 = arith.constant 0 : i32
      %dma_start3A_45 = tpu.memref_slice %arg9[%dma_start3A_43, %dma_start3A_44] : memref<128x128xf32, #tpu.memory_space<vmem>> -> memref<128x128xf32, #tpu.memory_space<vmem>>
      %dma_start3A_46 = arith.constant 0 : i32
      %dma_start3A_47 = tpu.memref_slice %arg10[%add3A_20, %dma_start3A_46] : memref<10112x128xf32, #tpu.memory_space<vmem_shared>> -> memref<128x128xf32, #tpu.memory_space<vmem_shared>>
      tpu.enqueue_dma source(%dma_start3A_47 : memref<128x128xf32, #tpu.memory_space<vmem_shared>>) target(%dma_start3A_45 : memref<128x128xf32, #tpu.memory_space<vmem>>) target_semaphore(%run_scoped3A : memref<!tpu.dma_semaphore, #tpu.memory_space<semaphore_mem>>)
      %dma_wait3A = arith.constant 0 : i32
      %dma_wait3A_48 = arith.constant 0 : i32
      %dma_wait3A_49 = tpu.memref_slice %arg9[%dma_wait3A, %dma_wait3A_48] : memref<128x128xf32, #tpu.memory_space<vmem>> -> memref<128x128xf32, #tpu.memory_space<vmem>>
      %dma_wait3A_50 = arith.constant 0 : i32
      %dma_wait3A_51 = tpu.memref_slice %arg10[%add3A_20, %dma_wait3A_50] : memref<10112x128xf32, #tpu.memory_space<vmem_shared>> -> memref<128x128xf32, #tpu.memory_space<vmem_shared>>
      %dma_wait3A_52 = arith.constant 0 : i32
      %dma_wait3A_53 = arith.constant 0 : i32
      %dma_wait3A_54 = tpu.memref_slice %arg9[%dma_wait3A_52, %dma_wait3A_53] : memref<128x128xf32, #tpu.memory_space<vmem>> -> memref<128x128xf32, #tpu.memory_space<vmem>>
      %dma_wait3A_55 = arith.constant 0 : i32
      %dma_wait3A_56 = tpu.memref_slice %arg10[%add3A_20, %dma_wait3A_55] : memref<10112x128xf32, #tpu.memory_space<vmem_shared>> -> memref<128x128xf32, #tpu.memory_space<vmem_shared>>
      tpu.wait_dma2 semaphore(%run_scoped3A : memref<!tpu.dma_semaphore, #tpu.memory_space<semaphore_mem>>) src(%dma_wait3A_56 : memref<128x128xf32, #tpu.memory_space<vmem_shared>>) dst(%dma_wait3A_54 : memref<128x128xf32, #tpu.memory_space<vmem>>)
      tpu.yield
    }) : () -> ()
    %add3A_21 = arith.constant 0 : i32
    %add3A_22 = arith.addi %mul3A_2, %add3A_21 : i32
    "tpu.region"() ({
      %run_scoped3A = tpu.sem_alloc : memref<!tpu.dma_semaphore, #tpu.memory_space<semaphore_mem>>
      %dma_start3A = arith.constant 0 : i32
      %dma_start3A_39 = arith.constant 0 : i32
      %dma_start3A_40 = tpu.memref_slice %arg9[%dma_start3A, %dma_start3A_39] : memref<128x128xf32, #tpu.memory_space<vmem>> -> memref<128x128xf32, #tpu.memory_space<vmem>>
      %dma_start3A_41 = arith.constant 0 : i32
      %dma_start3A_42 = tpu.memref_slice %arg6[%arg0, %add3A_22, %dma_start3A_41] : memref<2x10112x128xf32, #tpu.memory_space<hbm>> -> memref<1x128x128xf32, #tpu.memory_space<hbm>>
      %dma_start3A_43 = tpu.memref_squeeze %dma_start3A_42 : memref<1x128x128xf32, #tpu.memory_space<hbm>> -> memref<128x128xf32, #tpu.memory_space<hbm>>
      %dma_start3A_44 = arith.constant 0 : i32
      %dma_start3A_45 = tpu.memref_slice %arg6[%arg0, %add3A_22, %dma_start3A_44] : memref<2x10112x128xf32, #tpu.memory_space<hbm>> -> memref<1x128x128xf32, #tpu.memory_space<hbm>>
      %dma_start3A_46 = tpu.memref_squeeze %dma_start3A_45 : memref<1x128x128xf32, #tpu.memory_space<hbm>> -> memref<128x128xf32, #tpu.memory_space<hbm>>
      %dma_start3A_47 = arith.constant 0 : i32
      %dma_start3A_48 = arith.constant 0 : i32
      %dma_start3A_49 = tpu.memref_slice %arg9[%dma_start3A_47, %dma_start3A_48] : memref<128x128xf32, #tpu.memory_space<vmem>> -> memref<128x128xf32, #tpu.memory_space<vmem>>
      tpu.enqueue_dma source(%dma_start3A_49 : memref<128x128xf32, #tpu.memory_space<vmem>>) target(%dma_start3A_46 : memref<128x128xf32, #tpu.memory_space<hbm>>) target_semaphore(%run_scoped3A : memref<!tpu.dma_semaphore, #tpu.memory_space<semaphore_mem>>)
      %dma_wait3A = arith.constant 0 : i32
      %dma_wait3A_50 = arith.constant 0 : i32
      %dma_wait3A_51 = tpu.memref_slice %arg9[%dma_wait3A, %dma_wait3A_50] : memref<128x128xf32, #tpu.memory_space<vmem>> -> memref<128x128xf32, #tpu.memory_space<vmem>>
      %dma_wait3A_52 = arith.constant 0 : i32
      %dma_wait3A_53 = tpu.memref_slice %arg6[%arg0, %add3A_22, %dma_wait3A_52] : memref<2x10112x128xf32, #tpu.memory_space<hbm>> -> memref<1x128x128xf32, #tpu.memory_space<hbm>>
      %dma_wait3A_54 = tpu.memref_squeeze %dma_wait3A_53 : memref<1x128x128xf32, #tpu.memory_space<hbm>> -> memref<128x128xf32, #tpu.memory_space<hbm>>
      %dma_wait3A_55 = arith.constant 0 : i32
      %dma_wait3A_56 = tpu.memref_slice %arg6[%arg0, %add3A_22, %dma_wait3A_55] : memref<2x10112x128xf32, #tpu.memory_space<hbm>> -> memref<1x128x128xf32, #tpu.memory_space<hbm>>
      %dma_wait3A_57 = tpu.memref_squeeze %dma_wait3A_56 : memref<1x128x128xf32, #tpu.memory_space<hbm>> -> memref<128x128xf32, #tpu.memory_space<hbm>>
      %dma_wait3A_58 = arith.constant 0 : i32
      %dma_wait3A_59 = arith.constant 0 : i32
      %dma_wait3A_60 = tpu.memref_slice %arg9[%dma_wait3A_58, %dma_wait3A_59] : memref<128x128xf32, #tpu.memory_space<vmem>> -> memref<128x128xf32, #tpu.memory_space<vmem>>
      tpu.wait_dma2 semaphore(%run_scoped3A : memref<!tpu.dma_semaphore, #tpu.memory_space<semaphore_mem>>) src(%dma_wait3A_60 : memref<128x128xf32, #tpu.memory_space<vmem>>) dst(%dma_wait3A_57 : memref<128x128xf32, #tpu.memory_space<hbm>>)
      tpu.yield
    }) : () -> ()
    %add3A_23 = arith.constant 128 : i32
    %add3A_24 = arith.addi %mul3A_2, %add3A_23 : i32
    "tpu.region"() ({
      %run_scoped3A = tpu.sem_alloc : memref<!tpu.dma_semaphore, #tpu.memory_space<semaphore_mem>>
      %dma_start3A = arith.constant 0 : i32
      %dma_start3A_39 = arith.constant 0 : i32
      %dma_start3A_40 = tpu.memref_slice %arg9[%dma_start3A, %dma_start3A_39] : memref<128x128xf32, #tpu.memory_space<vmem>> -> memref<128x128xf32, #tpu.memory_space<vmem>>
      %dma_start3A_41 = arith.constant 0 : i32
      %dma_start3A_42 = tpu.memref_slice %arg10[%add3A_24, %dma_start3A_41] : memref<10112x128xf32, #tpu.memory_space<vmem_shared>> -> memref<128x128xf32, #tpu.memory_space<vmem_shared>>
      %dma_start3A_43 = arith.constant 0 : i32
      %dma_start3A_44 = arith.constant 0 : i32
      %dma_start3A_45 = tpu.memref_slice %arg9[%dma_start3A_43, %dma_start3A_44] : memref<128x128xf32, #tpu.memory_space<vmem>> -> memref<128x128xf32, #tpu.memory_space<vmem>>
      %dma_start3A_46 = arith.constant 0 : i32
      %dma_start3A_47 = tpu.memref_slice %arg10[%add3A_24, %dma_start3A_46] : memref<10112x128xf32, #tpu.memory_space<vmem_shared>> -> memref<128x128xf32, #tpu.memory_space<vmem_shared>>
      tpu.enqueue_dma source(%dma_start3A_47 : memref<128x128xf32, #tpu.memory_space<vmem_shared>>) target(%dma_start3A_45 : memref<128x128xf32, #tpu.memory_space<vmem>>) target_semaphore(%run_scoped3A : memref<!tpu.dma_semaphore, #tpu.memory_space<semaphore_mem>>)
      %dma_wait3A = arith.constant 0 : i32
      %dma_wait3A_48 = arith.constant 0 : i32
      %dma_wait3A_49 = tpu.memref_slice %arg9[%dma_wait3A, %dma_wait3A_48] : memref<128x128xf32, #tpu.memory_space<vmem>> -> memref<128x128xf32, #tpu.memory_space<vmem>>
      %dma_wait3A_50 = arith.constant 0 : i32
      %dma_wait3A_51 = tpu.memref_slice %arg10[%add3A_24, %dma_wait3A_50] : memref<10112x128xf32, #tpu.memory_space<vmem_shared>> -> memref<128x128xf32, #tpu.memory_space<vmem_shared>>
      %dma_wait3A_52 = arith.constant 0 : i32
      %dma_wait3A_53 = arith.constant 0 : i32
      %dma_wait3A_54 = tpu.memref_slice %arg9[%dma_wait3A_52, %dma_wait3A_53] : memref<128x128xf32, #tpu.memory_space<vmem>> -> memref<128x128xf32, #tpu.memory_space<vmem>>
      %dma_wait3A_55 = arith.constant 0 : i32
      %dma_wait3A_56 = tpu.memref_slice %arg10[%add3A_24, %dma_wait3A_55] : memref<10112x128xf32, #tpu.memory_space<vmem_shared>> -> memref<128x128xf32, #tpu.memory_space<vmem_shared>>
      tpu.wait_dma2 semaphore(%run_scoped3A : memref<!tpu.dma_semaphore, #tpu.memory_space<semaphore_mem>>) src(%dma_wait3A_56 : memref<128x128xf32, #tpu.memory_space<vmem_shared>>) dst(%dma_wait3A_54 : memref<128x128xf32, #tpu.memory_space<vmem>>)
      tpu.yield
    }) : () -> ()
    %add3A_25 = arith.constant 128 : i32
    %add3A_26 = arith.addi %mul3A_2, %add3A_25 : i32
    "tpu.region"() ({
      %run_scoped3A = tpu.sem_alloc : memref<!tpu.dma_semaphore, #tpu.memory_space<semaphore_mem>>
      %dma_start3A = arith.constant 0 : i32
      %dma_start3A_39 = arith.constant 0 : i32
      %dma_start3A_40 = tpu.memref_slice %arg9[%dma_start3A, %dma_start3A_39] : memref<128x128xf32, #tpu.memory_space<vmem>> -> memref<128x128xf32, #tpu.memory_space<vmem>>
      %dma_start3A_41 = arith.constant 0 : i32
      %dma_start3A_42 = tpu.memref_slice %arg6[%arg0, %add3A_26, %dma_start3A_41] : memref<2x10112x128xf32, #tpu.memory_space<hbm>> -> memref<1x128x128xf32, #tpu.memory_space<hbm>>
      %dma_start3A_43 = tpu.memref_squeeze %dma_start3A_42 : memref<1x128x128xf32, #tpu.memory_space<hbm>> -> memref<128x128xf32, #tpu.memory_space<hbm>>
      %dma_start3A_44 = arith.constant 0 : i32
      %dma_start3A_45 = tpu.memref_slice %arg6[%arg0, %add3A_26, %dma_start3A_44] : memref<2x10112x128xf32, #tpu.memory_space<hbm>> -> memref<1x128x128xf32, #tpu.memory_space<hbm>>
      %dma_start3A_46 = tpu.memref_squeeze %dma_start3A_45 : memref<1x128x128xf32, #tpu.memory_space<hbm>> -> memref<128x128xf32, #tpu.memory_space<hbm>>
      %dma_start3A_47 = arith.constant 0 : i32
      %dma_start3A_48 = arith.constant 0 : i32
      %dma_start3A_49 = tpu.memref_slice %arg9[%dma_start3A_47, %dma_start3A_48] : memref<128x128xf32, #tpu.memory_space<vmem>> -> memref<128x128xf32, #tpu.memory_space<vmem>>
      tpu.enqueue_dma source(%dma_start3A_49 : memref<128x128xf32, #tpu.memory_space<vmem>>) target(%dma_start3A_46 : memref<128x128xf32, #tpu.memory_space<hbm>>) target_semaphore(%run_scoped3A : memref<!tpu.dma_semaphore, #tpu.memory_space<semaphore_mem>>)
      %dma_wait3A = arith.constant 0 : i32
      %dma_wait3A_50 = arith.constant 0 : i32
      %dma_wait3A_51 = tpu.memref_slice %arg9[%dma_wait3A, %dma_wait3A_50] : memref<128x128xf32, #tpu.memory_space<vmem>> -> memref<128x128xf32, #tpu.memory_space<vmem>>
      %dma_wait3A_52 = arith.constant 0 : i32
      %dma_wait3A_53 = tpu.memref_slice %arg6[%arg0, %add3A_26, %dma_wait3A_52] : memref<2x10112x128xf32, #tpu.memory_space<hbm>> -> memref<1x128x128xf32, #tpu.memory_space<hbm>>
      %dma_wait3A_54 = tpu.memref_squeeze %dma_wait3A_53 : memref<1x128x128xf32, #tpu.memory_space<hbm>> -> memref<128x128xf32, #tpu.memory_space<hbm>>
      %dma_wait3A_55 = arith.constant 0 : i32
      %dma_wait3A_56 = tpu.memref_slice %arg6[%arg0, %add3A_26, %dma_wait3A_55] : memref<2x10112x128xf32, #tpu.memory_space<hbm>> -> memref<1x128x128xf32, #tpu.memory_space<hbm>>
      %dma_wait3A_57 = tpu.memref_squeeze %dma_wait3A_56 : memref<1x128x128xf32, #tpu.memory_space<hbm>> -> memref<128x128xf32, #tpu.memory_space<hbm>>
      %dma_wait3A_58 = arith.constant 0 : i32
      %dma_wait3A_59 = arith.constant 0 : i32
      %dma_wait3A_60 = tpu.memref_slice %arg9[%dma_wait3A_58, %dma_wait3A_59] : memref<128x128xf32, #tpu.memory_space<vmem>> -> memref<128x128xf32, #tpu.memory_space<vmem>>
      tpu.wait_dma2 semaphore(%run_scoped3A : memref<!tpu.dma_semaphore, #tpu.memory_space<semaphore_mem>>) src(%dma_wait3A_60 : memref<128x128xf32, #tpu.memory_space<vmem>>) dst(%dma_wait3A_57 : memref<128x128xf32, #tpu.memory_space<hbm>>)
      tpu.yield
    }) : () -> ()
    %add3A_27 = arith.constant 256 : i32
    %add3A_28 = arith.addi %mul3A_2, %add3A_27 : i32
    "tpu.region"() ({
      %run_scoped3A = tpu.sem_alloc : memref<!tpu.dma_semaphore, #tpu.memory_space<semaphore_mem>>
      %dma_start3A = arith.constant 0 : i32
      %dma_start3A_39 = arith.constant 0 : i32
      %dma_start3A_40 = tpu.memref_slice %arg9[%dma_start3A, %dma_start3A_39] : memref<128x128xf32, #tpu.memory_space<vmem>> -> memref<128x128xf32, #tpu.memory_space<vmem>>
      %dma_start3A_41 = arith.constant 0 : i32
      %dma_start3A_42 = tpu.memref_slice %arg10[%add3A_28, %dma_start3A_41] : memref<10112x128xf32, #tpu.memory_space<vmem_shared>> -> memref<128x128xf32, #tpu.memory_space<vmem_shared>>
      %dma_start3A_43 = arith.constant 0 : i32
      %dma_start3A_44 = arith.constant 0 : i32
      %dma_start3A_45 = tpu.memref_slice %arg9[%dma_start3A_43, %dma_start3A_44] : memref<128x128xf32, #tpu.memory_space<vmem>> -> memref<128x128xf32, #tpu.memory_space<vmem>>
      %dma_start3A_46 = arith.constant 0 : i32
      %dma_start3A_47 = tpu.memref_slice %arg10[%add3A_28, %dma_start3A_46] : memref<10112x128xf32, #tpu.memory_space<vmem_shared>> -> memref<128x128xf32, #tpu.memory_space<vmem_shared>>
      tpu.enqueue_dma source(%dma_start3A_47 : memref<128x128xf32, #tpu.memory_space<vmem_shared>>) target(%dma_start3A_45 : memref<128x128xf32, #tpu.memory_space<vmem>>) target_semaphore(%run_scoped3A : memref<!tpu.dma_semaphore, #tpu.memory_space<semaphore_mem>>)
      %dma_wait3A = arith.constant 0 : i32
      %dma_wait3A_48 = arith.constant 0 : i32
      %dma_wait3A_49 = tpu.memref_slice %arg9[%dma_wait3A, %dma_wait3A_48] : memref<128x128xf32, #tpu.memory_space<vmem>> -> memref<128x128xf32, #tpu.memory_space<vmem>>
      %dma_wait3A_50 = arith.constant 0 : i32
      %dma_wait3A_51 = tpu.memref_slice %arg10[%add3A_28, %dma_wait3A_50] : memref<10112x128xf32, #tpu.memory_space<vmem_shared>> -> memref<128x128xf32, #tpu.memory_space<vmem_shared>>
      %dma_wait3A_52 = arith.constant 0 : i32
      %dma_wait3A_53 = arith.constant 0 : i32
      %dma_wait3A_54 = tpu.memref_slice %arg9[%dma_wait3A_52, %dma_wait3A_53] : memref<128x128xf32, #tpu.memory_space<vmem>> -> memref<128x128xf32, #tpu.memory_space<vmem>>
      %dma_wait3A_55 = arith.constant 0 : i32
      %dma_wait3A_56 = tpu.memref_slice %arg10[%add3A_28, %dma_wait3A_55] : memref<10112x128xf32, #tpu.memory_space<vmem_shared>> -> memref<128x128xf32, #tpu.memory_space<vmem_shared>>
      tpu.wait_dma2 semaphore(%run_scoped3A : memref<!tpu.dma_semaphore, #tpu.memory_space<semaphore_mem>>) src(%dma_wait3A_56 : memref<128x128xf32, #tpu.memory_space<vmem_shared>>) dst(%dma_wait3A_54 : memref<128x128xf32, #tpu.memory_space<vmem>>)
      tpu.yield
    }) : () -> ()
    %add3A_29 = arith.constant 256 : i32
    %add3A_30 = arith.addi %mul3A_2, %add3A_29 : i32
    "tpu.region"() ({
      %run_scoped3A = tpu.sem_alloc : memref<!tpu.dma_semaphore, #tpu.memory_space<semaphore_mem>>
      %dma_start3A = arith.constant 0 : i32
      %dma_start3A_39 = arith.constant 0 : i32
      %dma_start3A_40 = tpu.memref_slice %arg9[%dma_start3A, %dma_start3A_39] : memref<128x128xf32, #tpu.memory_space<vmem>> -> memref<128x128xf32, #tpu.memory_space<vmem>>
      %dma_start3A_41 = arith.constant 0 : i32
      %dma_start3A_42 = tpu.memref_slice %arg6[%arg0, %add3A_30, %dma_start3A_41] : memref<2x10112x128xf32, #tpu.memory_space<hbm>> -> memref<1x128x128xf32, #tpu.memory_space<hbm>>
      %dma_start3A_43 = tpu.memref_squeeze %dma_start3A_42 : memref<1x128x128xf32, #tpu.memory_space<hbm>> -> memref<128x128xf32, #tpu.memory_space<hbm>>
      %dma_start3A_44 = arith.constant 0 : i32
      %dma_start3A_45 = tpu.memref_slice %arg6[%arg0, %add3A_30, %dma_start3A_44] : memref<2x10112x128xf32, #tpu.memory_space<hbm>> -> memref<1x128x128xf32, #tpu.memory_space<hbm>>
      %dma_start3A_46 = tpu.memref_squeeze %dma_start3A_45 : memref<1x128x128xf32, #tpu.memory_space<hbm>> -> memref<128x128xf32, #tpu.memory_space<hbm>>
      %dma_start3A_47 = arith.constant 0 : i32
      %dma_start3A_48 = arith.constant 0 : i32
      %dma_start3A_49 = tpu.memref_slice %arg9[%dma_start3A_47, %dma_start3A_48] : memref<128x128xf32, #tpu.memory_space<vmem>> -> memref<128x128xf32, #tpu.memory_space<vmem>>
      tpu.enqueue_dma source(%dma_start3A_49 : memref<128x128xf32, #tpu.memory_space<vmem>>) target(%dma_start3A_46 : memref<128x128xf32, #tpu.memory_space<hbm>>) target_semaphore(%run_scoped3A : memref<!tpu.dma_semaphore, #tpu.memory_space<semaphore_mem>>)
      %dma_wait3A = arith.constant 0 : i32
      %dma_wait3A_50 = arith.constant 0 : i32
      %dma_wait3A_51 = tpu.memref_slice %arg9[%dma_wait3A, %dma_wait3A_50] : memref<128x128xf32, #tpu.memory_space<vmem>> -> memref<128x128xf32, #tpu.memory_space<vmem>>
      %dma_wait3A_52 = arith.constant 0 : i32
      %dma_wait3A_53 = tpu.memref_slice %arg6[%arg0, %add3A_30, %dma_wait3A_52] : memref<2x10112x128xf32, #tpu.memory_space<hbm>> -> memref<1x128x128xf32, #tpu.memory_space<hbm>>
      %dma_wait3A_54 = tpu.memref_squeeze %dma_wait3A_53 : memref<1x128x128xf32, #tpu.memory_space<hbm>> -> memref<128x128xf32, #tpu.memory_space<hbm>>
      %dma_wait3A_55 = arith.constant 0 : i32
      %dma_wait3A_56 = tpu.memref_slice %arg6[%arg0, %add3A_30, %dma_wait3A_55] : memref<2x10112x128xf32, #tpu.memory_space<hbm>> -> memref<1x128x128xf32, #tpu.memory_space<hbm>>
      %dma_wait3A_57 = tpu.memref_squeeze %dma_wait3A_56 : memref<1x128x128xf32, #tpu.memory_space<hbm>> -> memref<128x128xf32, #tpu.memory_space<hbm>>
      %dma_wait3A_58 = arith.constant 0 : i32
      %dma_wait3A_59 = arith.constant 0 : i32
      %dma_wait3A_60 = tpu.memref_slice %arg9[%dma_wait3A_58, %dma_wait3A_59] : memref<128x128xf32, #tpu.memory_space<vmem>> -> memref<128x128xf32, #tpu.memory_space<vmem>>
      tpu.wait_dma2 semaphore(%run_scoped3A : memref<!tpu.dma_semaphore, #tpu.memory_space<semaphore_mem>>) src(%dma_wait3A_60 : memref<128x128xf32, #tpu.memory_space<vmem>>) dst(%dma_wait3A_57 : memref<128x128xf32, #tpu.memory_space<hbm>>)
      tpu.yield
    }) : () -> ()
    %add3A_31 = arith.constant 384 : i32
    %add3A_32 = arith.addi %mul3A_2, %add3A_31 : i32
    "tpu.region"() ({
      %run_scoped3A = tpu.sem_alloc : memref<!tpu.dma_semaphore, #tpu.memory_space<semaphore_mem>>
      %dma_start3A = arith.constant 0 : i32
      %dma_start3A_39 = arith.constant 0 : i32
      %dma_start3A_40 = tpu.memref_slice %arg9[%dma_start3A, %dma_start3A_39] : memref<128x128xf32, #tpu.memory_space<vmem>> -> memref<128x128xf32, #tpu.memory_space<vmem>>
      %dma_start3A_41 = arith.constant 0 : i32
      %dma_start3A_42 = tpu.memref_slice %arg10[%add3A_32, %dma_start3A_41] : memref<10112x128xf32, #tpu.memory_space<vmem_shared>> -> memref<128x128xf32, #tpu.memory_space<vmem_shared>>
      %dma_start3A_43 = arith.constant 0 : i32
      %dma_start3A_44 = arith.constant 0 : i32
      %dma_start3A_45 = tpu.memref_slice %arg9[%dma_start3A_43, %dma_start3A_44] : memref<128x128xf32, #tpu.memory_space<vmem>> -> memref<128x128xf32, #tpu.memory_space<vmem>>
      %dma_start3A_46 = arith.constant 0 : i32
      %dma_start3A_47 = tpu.memref_slice %arg10[%add3A_32, %dma_start3A_46] : memref<10112x128xf32, #tpu.memory_space<vmem_shared>> -> memref<128x128xf32, #tpu.memory_space<vmem_shared>>
      tpu.enqueue_dma source(%dma_start3A_47 : memref<128x128xf32, #tpu.memory_space<vmem_shared>>) target(%dma_start3A_45 : memref<128x128xf32, #tpu.memory_space<vmem>>) target_semaphore(%run_scoped3A : memref<!tpu.dma_semaphore, #tpu.memory_space<semaphore_mem>>)
      %dma_wait3A = arith.constant 0 : i32
      %dma_wait3A_48 = arith.constant 0 : i32
      %dma_wait3A_49 = tpu.memref_slice %arg9[%dma_wait3A, %dma_wait3A_48] : memref<128x128xf32, #tpu.memory_space<vmem>> -> memref<128x128xf32, #tpu.memory_space<vmem>>
      %dma_wait3A_50 = arith.constant 0 : i32
      %dma_wait3A_51 = tpu.memref_slice %arg10[%add3A_32, %dma_wait3A_50] : memref<10112x128xf32, #tpu.memory_space<vmem_shared>> -> memref<128x128xf32, #tpu.memory_space<vmem_shared>>
      %dma_wait3A_52 = arith.constant 0 : i32
      %dma_wait3A_53 = arith.constant 0 : i32
      %dma_wait3A_54 = tpu.memref_slice %arg9[%dma_wait3A_52, %dma_wait3A_53] : memref<128x128xf32, #tpu.memory_space<vmem>> -> memref<128x128xf32, #tpu.memory_space<vmem>>
      %dma_wait3A_55 = arith.constant 0 : i32
      %dma_wait3A_56 = tpu.memref_slice %arg10[%add3A_32, %dma_wait3A_55] : memref<10112x128xf32, #tpu.memory_space<vmem_shared>> -> memref<128x128xf32, #tpu.memory_space<vmem_shared>>
      tpu.wait_dma2 semaphore(%run_scoped3A : memref<!tpu.dma_semaphore, #tpu.memory_space<semaphore_mem>>) src(%dma_wait3A_56 : memref<128x128xf32, #tpu.memory_space<vmem_shared>>) dst(%dma_wait3A_54 : memref<128x128xf32, #tpu.memory_space<vmem>>)
      tpu.yield
    }) : () -> ()
    %add3A_33 = arith.constant 384 : i32
    %add3A_34 = arith.addi %mul3A_2, %add3A_33 : i32
    "tpu.region"() ({
      %run_scoped3A = tpu.sem_alloc : memref<!tpu.dma_semaphore, #tpu.memory_space<semaphore_mem>>
      %dma_start3A = arith.constant 0 : i32
      %dma_start3A_39 = arith.constant 0 : i32
      %dma_start3A_40 = tpu.memref_slice %arg9[%dma_start3A, %dma_start3A_39] : memref<128x128xf32, #tpu.memory_space<vmem>> -> memref<128x128xf32, #tpu.memory_space<vmem>>
      %dma_start3A_41 = arith.constant 0 : i32
      %dma_start3A_42 = tpu.memref_slice %arg6[%arg0, %add3A_34, %dma_start3A_41] : memref<2x10112x128xf32, #tpu.memory_space<hbm>> -> memref<1x128x128xf32, #tpu.memory_space<hbm>>
      %dma_start3A_43 = tpu.memref_squeeze %dma_start3A_42 : memref<1x128x128xf32, #tpu.memory_space<hbm>> -> memref<128x128xf32, #tpu.memory_space<hbm>>
      %dma_start3A_44 = arith.constant 0 : i32
      %dma_start3A_45 = tpu.memref_slice %arg6[%arg0, %add3A_34, %dma_start3A_44] : memref<2x10112x128xf32, #tpu.memory_space<hbm>> -> memref<1x128x128xf32, #tpu.memory_space<hbm>>
      %dma_start3A_46 = tpu.memref_squeeze %dma_start3A_45 : memref<1x128x128xf32, #tpu.memory_space<hbm>> -> memref<128x128xf32, #tpu.memory_space<hbm>>
      %dma_start3A_47 = arith.constant 0 : i32
      %dma_start3A_48 = arith.constant 0 : i32
      %dma_start3A_49 = tpu.memref_slice %arg9[%dma_start3A_47, %dma_start3A_48] : memref<128x128xf32, #tpu.memory_space<vmem>> -> memref<128x128xf32, #tpu.memory_space<vmem>>
      tpu.enqueue_dma source(%dma_start3A_49 : memref<128x128xf32, #tpu.memory_space<vmem>>) target(%dma_start3A_46 : memref<128x128xf32, #tpu.memory_space<hbm>>) target_semaphore(%run_scoped3A : memref<!tpu.dma_semaphore, #tpu.memory_space<semaphore_mem>>)
      %dma_wait3A = arith.constant 0 : i32
      %dma_wait3A_50 = arith.constant 0 : i32
      %dma_wait3A_51 = tpu.memref_slice %arg9[%dma_wait3A, %dma_wait3A_50] : memref<128x128xf32, #tpu.memory_space<vmem>> -> memref<128x128xf32, #tpu.memory_space<vmem>>
      %dma_wait3A_52 = arith.constant 0 : i32
      %dma_wait3A_53 = tpu.memref_slice %arg6[%arg0, %add3A_34, %dma_wait3A_52] : memref<2x10112x128xf32, #tpu.memory_space<hbm>> -> memref<1x128x128xf32, #tpu.memory_space<hbm>>
      %dma_wait3A_54 = tpu.memref_squeeze %dma_wait3A_53 : memref<1x128x128xf32, #tpu.memory_space<hbm>> -> memref<128x128xf32, #tpu.memory_space<hbm>>
      %dma_wait3A_55 = arith.constant 0 : i32
      %dma_wait3A_56 = tpu.memref_slice %arg6[%arg0, %add3A_34, %dma_wait3A_55] : memref<2x10112x128xf32, #tpu.memory_space<hbm>> -> memref<1x128x128xf32, #tpu.memory_space<hbm>>
      %dma_wait3A_57 = tpu.memref_squeeze %dma_wait3A_56 : memref<1x128x128xf32, #tpu.memory_space<hbm>> -> memref<128x128xf32, #tpu.memory_space<hbm>>
      %dma_wait3A_58 = arith.constant 0 : i32
      %dma_wait3A_59 = arith.constant 0 : i32
      %dma_wait3A_60 = tpu.memref_slice %arg9[%dma_wait3A_58, %dma_wait3A_59] : memref<128x128xf32, #tpu.memory_space<vmem>> -> memref<128x128xf32, #tpu.memory_space<vmem>>
      tpu.wait_dma2 semaphore(%run_scoped3A : memref<!tpu.dma_semaphore, #tpu.memory_space<semaphore_mem>>) src(%dma_wait3A_60 : memref<128x128xf32, #tpu.memory_space<vmem>>) dst(%dma_wait3A_57 : memref<128x128xf32, #tpu.memory_space<hbm>>)
      tpu.yield
    }) : () -> ()
    %add3A_35 = arith.constant 512 : i32
    %add3A_36 = arith.addi %mul3A_2, %add3A_35 : i32
    "tpu.region"() ({
      %run_scoped3A = tpu.sem_alloc : memref<!tpu.dma_semaphore, #tpu.memory_space<semaphore_mem>>
      %dma_start3A = arith.constant 0 : i32
      %dma_start3A_39 = arith.constant 0 : i32
      %dma_start3A_40 = tpu.memref_slice %arg9[%dma_start3A, %dma_start3A_39] : memref<128x128xf32, #tpu.memory_space<vmem>> -> memref<120x128xf32, #tpu.memory_space<vmem>>
      %dma_start3A_41 = arith.constant 0 : i32
      %dma_start3A_42 = tpu.memref_slice %arg10[%add3A_36, %dma_start3A_41] : memref<10112x128xf32, #tpu.memory_space<vmem_shared>> -> memref<120x128xf32, #tpu.memory_space<vmem_shared>>
      %dma_start3A_43 = arith.constant 0 : i32
      %dma_start3A_44 = arith.constant 0 : i32
      %dma_start3A_45 = tpu.memref_slice %arg9[%dma_start3A_43, %dma_start3A_44] : memref<128x128xf32, #tpu.memory_space<vmem>> -> memref<120x128xf32, #tpu.memory_space<vmem>>
      %dma_start3A_46 = arith.constant 0 : i32
      %dma_start3A_47 = tpu.memref_slice %arg10[%add3A_36, %dma_start3A_46] : memref<10112x128xf32, #tpu.memory_space<vmem_shared>> -> memref<120x128xf32, #tpu.memory_space<vmem_shared>>
      tpu.enqueue_dma source(%dma_start3A_47 : memref<120x128xf32, #tpu.memory_space<vmem_shared>>) target(%dma_start3A_45 : memref<120x128xf32, #tpu.memory_space<vmem>>) target_semaphore(%run_scoped3A : memref<!tpu.dma_semaphore, #tpu.memory_space<semaphore_mem>>)
      %dma_wait3A = arith.constant 0 : i32
      %dma_wait3A_48 = arith.constant 0 : i32
      %dma_wait3A_49 = tpu.memref_slice %arg9[%dma_wait3A, %dma_wait3A_48] : memref<128x128xf32, #tpu.memory_space<vmem>> -> memref<120x128xf32, #tpu.memory_space<vmem>>
      %dma_wait3A_50 = arith.constant 0 : i32
      %dma_wait3A_51 = tpu.memref_slice %arg10[%add3A_36, %dma_wait3A_50] : memref<10112x128xf32, #tpu.memory_space<vmem_shared>> -> memref<120x128xf32, #tpu.memory_space<vmem_shared>>
      %dma_wait3A_52 = arith.constant 0 : i32
      %dma_wait3A_53 = arith.constant 0 : i32
      %dma_wait3A_54 = tpu.memref_slice %arg9[%dma_wait3A_52, %dma_wait3A_53] : memref<128x128xf32, #tpu.memory_space<vmem>> -> memref<120x128xf32, #tpu.memory_space<vmem>>
      %dma_wait3A_55 = arith.constant 0 : i32
      %dma_wait3A_56 = tpu.memref_slice %arg10[%add3A_36, %dma_wait3A_55] : memref<10112x128xf32, #tpu.memory_space<vmem_shared>> -> memref<120x128xf32, #tpu.memory_space<vmem_shared>>
      tpu.wait_dma2 semaphore(%run_scoped3A : memref<!tpu.dma_semaphore, #tpu.memory_space<semaphore_mem>>) src(%dma_wait3A_56 : memref<120x128xf32, #tpu.memory_space<vmem_shared>>) dst(%dma_wait3A_54 : memref<120x128xf32, #tpu.memory_space<vmem>>)
      tpu.yield
    }) : () -> ()
    %add3A_37 = arith.constant 512 : i32
    %add3A_38 = arith.addi %mul3A_2, %add3A_37 : i32
    "tpu.region"() ({
      %run_scoped3A = tpu.sem_alloc : memref<!tpu.dma_semaphore, #tpu.memory_space<semaphore_mem>>
      %dma_start3A = arith.constant 0 : i32
      %dma_start3A_39 = arith.constant 0 : i32
      %dma_start3A_40 = tpu.memref_slice %arg9[%dma_start3A, %dma_start3A_39] : memref<128x128xf32, #tpu.memory_space<vmem>> -> memref<120x128xf32, #tpu.memory_space<vmem>>
      %dma_start3A_41 = arith.constant 0 : i32
      %dma_start3A_42 = tpu.memref_slice %arg6[%arg0, %add3A_38, %dma_start3A_41] : memref<2x10112x128xf32, #tpu.memory_space<hbm>> -> memref<1x120x128xf32, #tpu.memory_space<hbm>>
      %dma_start3A_43 = tpu.memref_squeeze %dma_start3A_42 : memref<1x120x128xf32, #tpu.memory_space<hbm>> -> memref<120x128xf32, #tpu.memory_space<hbm>>
      %dma_start3A_44 = arith.constant 0 : i32
      %dma_start3A_45 = tpu.memref_slice %arg6[%arg0, %add3A_38, %dma_start3A_44] : memref<2x10112x128xf32, #tpu.memory_space<hbm>> -> memref<1x120x128xf32, #tpu.memory_space<hbm>>
      %dma_start3A_46 = tpu.memref_squeeze %dma_start3A_45 : memref<1x120x128xf32, #tpu.memory_space<hbm>> -> memref<120x128xf32, #tpu.memory_space<hbm>>
      %dma_start3A_47 = arith.constant 0 : i32
      %dma_start3A_48 = arith.constant 0 : i32
      %dma_start3A_49 = tpu.memref_slice %arg9[%dma_start3A_47, %dma_start3A_48] : memref<128x128xf32, #tpu.memory_space<vmem>> -> memref<120x128xf32, #tpu.memory_space<vmem>>
      tpu.enqueue_dma source(%dma_start3A_49 : memref<120x128xf32, #tpu.memory_space<vmem>>) target(%dma_start3A_46 : memref<120x128xf32, #tpu.memory_space<hbm>>) target_semaphore(%run_scoped3A : memref<!tpu.dma_semaphore, #tpu.memory_space<semaphore_mem>>)
      %dma_wait3A = arith.constant 0 : i32
      %dma_wait3A_50 = arith.constant 0 : i32
      %dma_wait3A_51 = tpu.memref_slice %arg9[%dma_wait3A, %dma_wait3A_50] : memref<128x128xf32, #tpu.memory_space<vmem>> -> memref<120x128xf32, #tpu.memory_space<vmem>>
      %dma_wait3A_52 = arith.constant 0 : i32
      %dma_wait3A_53 = tpu.memref_slice %arg6[%arg0, %add3A_38, %dma_wait3A_52] : memref<2x10112x128xf32, #tpu.memory_space<hbm>> -> memref<1x120x128xf32, #tpu.memory_space<hbm>>
      %dma_wait3A_54 = tpu.memref_squeeze %dma_wait3A_53 : memref<1x120x128xf32, #tpu.memory_space<hbm>> -> memref<120x128xf32, #tpu.memory_space<hbm>>
      %dma_wait3A_55 = arith.constant 0 : i32
      %dma_wait3A_56 = tpu.memref_slice %arg6[%arg0, %add3A_38, %dma_wait3A_55] : memref<2x10112x128xf32, #tpu.memory_space<hbm>> -> memref<1x120x128xf32, #tpu.memory_space<hbm>>
      %dma_wait3A_57 = tpu.memref_squeeze %dma_wait3A_56 : memref<1x120x128xf32, #tpu.memory_space<hbm>> -> memref<120x128xf32, #tpu.memory_space<hbm>>
      %dma_wait3A_58 = arith.constant 0 : i32
      %dma_wait3A_59 = arith.constant 0 : i32
      %dma_wait3A_60 = tpu.memref_slice %arg9[%dma_wait3A_58, %dma_wait3A_59] : memref<128x128xf32, #tpu.memory_space<vmem>> -> memref<120x128xf32, #tpu.memory_space<vmem>>
      tpu.wait_dma2 semaphore(%run_scoped3A : memref<!tpu.dma_semaphore, #tpu.memory_space<semaphore_mem>>) src(%dma_wait3A_60 : memref<120x128xf32, #tpu.memory_space<vmem>>) dst(%dma_wait3A_57 : memref<120x128xf32, #tpu.memory_space<hbm>>)
      tpu.yield
    }) : () -> ()
    return
  }
}

#map = affine_map<(d0, d1) -> (0, 0)>
#map1 = affine_map<(d0, d1) -> (0, 0, 0)>
module attributes {stable_mosaic.version = 14 : i64} {
  func.func @_agg_body(%arg0: i32, %arg1: i32, %arg2: memref<10000x128xf32, #tpu.memory_space<hbm>>, %arg3: memref<32x79x128xi32, #tpu.memory_space<hbm>>, %arg4: memref<32x79x128xi32, #tpu.memory_space<hbm>>, %arg5: memref<128x128xf32, #tpu.memory_space<hbm>>, %arg6: memref<2x10112x128xf32, #tpu.memory_space<hbm>>, %arg7: memref<128xi32, #tpu.memory_space<vmem>>, %arg8: memref<128xi32, #tpu.memory_space<vmem>>, %arg9: memref<128x128xf32, #tpu.memory_space<vmem>>, %arg10: memref<10112x128xf32, #tpu.memory_space<vmem_shared>>, %arg11: memref<!tpu.dma_semaphore, #tpu.memory_space<semaphore_mem>>) attributes {dimension_semantics = [#tpu.dimension_semantics<core_parallel>, #tpu.dimension_semantics<subcore_parallel>], iteration_bounds = array<i64: 2, 16>, scalar_prefetch = 0 : i64, scratch_operands = 5 : i64, tpu.core_type = #tpu.core_type<sc_vector_subcore>, window_params = [{transform_indices = #map}, {transform_indices = #map1}, {transform_indices = #map1}, {transform_indices = #map}, {transform_indices = #map1}]} {
    %mul3A = arith.constant 16 : i32
    %mul3A_0 = arith.muli %arg0, %mul3A : i32
    %add3A = arith.addi %mul3A_0, %arg1 : i32
    %mul3A_1 = arith.constant 632 : i32
    %mul3A_2 = arith.muli %arg1, %mul3A_1 : i32
    "tpu.region"() ({
      %run_scoped3A = tpu.sem_alloc : memref<!tpu.dma_semaphore, #tpu.memory_space<semaphore_mem>>
      tpu.enqueue_dma source(%arg5 : memref<128x128xf32, #tpu.memory_space<hbm>>) target(%arg9 : memref<128x128xf32, #tpu.memory_space<vmem>>) target_semaphore(%run_scoped3A : memref<!tpu.dma_semaphore, #tpu.memory_space<semaphore_mem>>)
      tpu.wait_dma2 semaphore(%run_scoped3A : memref<!tpu.dma_semaphore, #tpu.memory_space<semaphore_mem>>) src(%arg5 : memref<128x128xf32, #tpu.memory_space<hbm>>) dst(%arg9 : memref<128x128xf32, #tpu.memory_space<vmem>>)
      tpu.yield
    }) : () -> ()
    %add3A_3 = arith.constant 0 : i32
    %add3A_4 = arith.addi %mul3A_2, %add3A_3 : i32
    "tpu.region"() ({
      %run_scoped3A = tpu.sem_alloc : memref<!tpu.dma_semaphore, #tpu.memory_space<semaphore_mem>>
      %dma_start3A = arith.constant 0 : i32
      %dma_start3A_39 = arith.constant 0 : i32
      %dma_start3A_40 = tpu.memref_slice %arg9[%dma_start3A, %dma_start3A_39] : memref<128x128xf32, #tpu.memory_space<vmem>> -> memref<128x128xf32, #tpu.memory_space<vmem>>
      %dma_start3A_41 = arith.constant 0 : i32
      %dma_start3A_42 = tpu.memref_slice %arg10[%add3A_4, %dma_start3A_41] : memref<10112x128xf32, #tpu.memory_space<vmem_shared>> -> memref<128x128xf32, #tpu.memory_space<vmem_shared>>
      %dma_start3A_43 = arith.constant 0 : i32
      %dma_start3A_44 = tpu.memref_slice %arg10[%add3A_4, %dma_start3A_43] : memref<10112x128xf32, #tpu.memory_space<vmem_shared>> -> memref<128x128xf32, #tpu.memory_space<vmem_shared>>
      %dma_start3A_45 = arith.constant 0 : i32
      %dma_start3A_46 = arith.constant 0 : i32
      %dma_start3A_47 = tpu.memref_slice %arg9[%dma_start3A_45, %dma_start3A_46] : memref<128x128xf32, #tpu.memory_space<vmem>> -> memref<128x128xf32, #tpu.memory_space<vmem>>
      tpu.enqueue_dma source(%dma_start3A_47 : memref<128x128xf32, #tpu.memory_space<vmem>>) target(%dma_start3A_44 : memref<128x128xf32, #tpu.memory_space<vmem_shared>>) target_semaphore(%run_scoped3A : memref<!tpu.dma_semaphore, #tpu.memory_space<semaphore_mem>>)
      %dma_wait3A = arith.constant 0 : i32
      %dma_wait3A_48 = arith.constant 0 : i32
      %dma_wait3A_49 = tpu.memref_slice %arg9[%dma_wait3A, %dma_wait3A_48] : memref<128x128xf32, #tpu.memory_space<vmem>> -> memref<128x128xf32, #tpu.memory_space<vmem>>
      %dma_wait3A_50 = arith.constant 0 : i32
      %dma_wait3A_51 = tpu.memref_slice %arg10[%add3A_4, %dma_wait3A_50] : memref<10112x128xf32, #tpu.memory_space<vmem_shared>> -> memref<128x128xf32, #tpu.memory_space<vmem_shared>>
      %dma_wait3A_52 = arith.constant 0 : i32
      %dma_wait3A_53 = tpu.memref_slice %arg10[%add3A_4, %dma_wait3A_52] : memref<10112x128xf32, #tpu.memory_space<vmem_shared>> -> memref<128x128xf32, #tpu.memory_space<vmem_shared>>
      %dma_wait3A_54 = arith.constant 0 : i32
      %dma_wait3A_55 = arith.constant 0 : i32
      %dma_wait3A_56 = tpu.memref_slice %arg9[%dma_wait3A_54, %dma_wait3A_55] : memref<128x128xf32, #tpu.memory_space<vmem>> -> memref<128x128xf32, #tpu.memory_space<vmem>>
      tpu.wait_dma2 semaphore(%run_scoped3A : memref<!tpu.dma_semaphore, #tpu.memory_space<semaphore_mem>>) src(%dma_wait3A_56 : memref<128x128xf32, #tpu.memory_space<vmem>>) dst(%dma_wait3A_53 : memref<128x128xf32, #tpu.memory_space<vmem_shared>>)
      tpu.yield
    }) : () -> ()
    %add3A_5 = arith.constant 128 : i32
    %add3A_6 = arith.addi %mul3A_2, %add3A_5 : i32
    "tpu.region"() ({
      %run_scoped3A = tpu.sem_alloc : memref<!tpu.dma_semaphore, #tpu.memory_space<semaphore_mem>>
      %dma_start3A = arith.constant 0 : i32
      %dma_start3A_39 = arith.constant 0 : i32
      %dma_start3A_40 = tpu.memref_slice %arg9[%dma_start3A, %dma_start3A_39] : memref<128x128xf32, #tpu.memory_space<vmem>> -> memref<128x128xf32, #tpu.memory_space<vmem>>
      %dma_start3A_41 = arith.constant 0 : i32
      %dma_start3A_42 = tpu.memref_slice %arg10[%add3A_6, %dma_start3A_41] : memref<10112x128xf32, #tpu.memory_space<vmem_shared>> -> memref<128x128xf32, #tpu.memory_space<vmem_shared>>
      %dma_start3A_43 = arith.constant 0 : i32
      %dma_start3A_44 = tpu.memref_slice %arg10[%add3A_6, %dma_start3A_43] : memref<10112x128xf32, #tpu.memory_space<vmem_shared>> -> memref<128x128xf32, #tpu.memory_space<vmem_shared>>
      %dma_start3A_45 = arith.constant 0 : i32
      %dma_start3A_46 = arith.constant 0 : i32
      %dma_start3A_47 = tpu.memref_slice %arg9[%dma_start3A_45, %dma_start3A_46] : memref<128x128xf32, #tpu.memory_space<vmem>> -> memref<128x128xf32, #tpu.memory_space<vmem>>
      tpu.enqueue_dma source(%dma_start3A_47 : memref<128x128xf32, #tpu.memory_space<vmem>>) target(%dma_start3A_44 : memref<128x128xf32, #tpu.memory_space<vmem_shared>>) target_semaphore(%run_scoped3A : memref<!tpu.dma_semaphore, #tpu.memory_space<semaphore_mem>>)
      %dma_wait3A = arith.constant 0 : i32
      %dma_wait3A_48 = arith.constant 0 : i32
      %dma_wait3A_49 = tpu.memref_slice %arg9[%dma_wait3A, %dma_wait3A_48] : memref<128x128xf32, #tpu.memory_space<vmem>> -> memref<128x128xf32, #tpu.memory_space<vmem>>
      %dma_wait3A_50 = arith.constant 0 : i32
      %dma_wait3A_51 = tpu.memref_slice %arg10[%add3A_6, %dma_wait3A_50] : memref<10112x128xf32, #tpu.memory_space<vmem_shared>> -> memref<128x128xf32, #tpu.memory_space<vmem_shared>>
      %dma_wait3A_52 = arith.constant 0 : i32
      %dma_wait3A_53 = tpu.memref_slice %arg10[%add3A_6, %dma_wait3A_52] : memref<10112x128xf32, #tpu.memory_space<vmem_shared>> -> memref<128x128xf32, #tpu.memory_space<vmem_shared>>
      %dma_wait3A_54 = arith.constant 0 : i32
      %dma_wait3A_55 = arith.constant 0 : i32
      %dma_wait3A_56 = tpu.memref_slice %arg9[%dma_wait3A_54, %dma_wait3A_55] : memref<128x128xf32, #tpu.memory_space<vmem>> -> memref<128x128xf32, #tpu.memory_space<vmem>>
      tpu.wait_dma2 semaphore(%run_scoped3A : memref<!tpu.dma_semaphore, #tpu.memory_space<semaphore_mem>>) src(%dma_wait3A_56 : memref<128x128xf32, #tpu.memory_space<vmem>>) dst(%dma_wait3A_53 : memref<128x128xf32, #tpu.memory_space<vmem_shared>>)
      tpu.yield
    }) : () -> ()
    %add3A_7 = arith.constant 256 : i32
    %add3A_8 = arith.addi %mul3A_2, %add3A_7 : i32
    "tpu.region"() ({
      %run_scoped3A = tpu.sem_alloc : memref<!tpu.dma_semaphore, #tpu.memory_space<semaphore_mem>>
      %dma_start3A = arith.constant 0 : i32
      %dma_start3A_39 = arith.constant 0 : i32
      %dma_start3A_40 = tpu.memref_slice %arg9[%dma_start3A, %dma_start3A_39] : memref<128x128xf32, #tpu.memory_space<vmem>> -> memref<128x128xf32, #tpu.memory_space<vmem>>
      %dma_start3A_41 = arith.constant 0 : i32
      %dma_start3A_42 = tpu.memref_slice %arg10[%add3A_8, %dma_start3A_41] : memref<10112x128xf32, #tpu.memory_space<vmem_shared>> -> memref<128x128xf32, #tpu.memory_space<vmem_shared>>
      %dma_start3A_43 = arith.constant 0 : i32
      %dma_start3A_44 = tpu.memref_slice %arg10[%add3A_8, %dma_start3A_43] : memref<10112x128xf32, #tpu.memory_space<vmem_shared>> -> memref<128x128xf32, #tpu.memory_space<vmem_shared>>
      %dma_start3A_45 = arith.constant 0 : i32
      %dma_start3A_46 = arith.constant 0 : i32
      %dma_start3A_47 = tpu.memref_slice %arg9[%dma_start3A_45, %dma_start3A_46] : memref<128x128xf32, #tpu.memory_space<vmem>> -> memref<128x128xf32, #tpu.memory_space<vmem>>
      tpu.enqueue_dma source(%dma_start3A_47 : memref<128x128xf32, #tpu.memory_space<vmem>>) target(%dma_start3A_44 : memref<128x128xf32, #tpu.memory_space<vmem_shared>>) target_semaphore(%run_scoped3A : memref<!tpu.dma_semaphore, #tpu.memory_space<semaphore_mem>>)
      %dma_wait3A = arith.constant 0 : i32
      %dma_wait3A_48 = arith.constant 0 : i32
      %dma_wait3A_49 = tpu.memref_slice %arg9[%dma_wait3A, %dma_wait3A_48] : memref<128x128xf32, #tpu.memory_space<vmem>> -> memref<128x128xf32, #tpu.memory_space<vmem>>
      %dma_wait3A_50 = arith.constant 0 : i32
      %dma_wait3A_51 = tpu.memref_slice %arg10[%add3A_8, %dma_wait3A_50] : memref<10112x128xf32, #tpu.memory_space<vmem_shared>> -> memref<128x128xf32, #tpu.memory_space<vmem_shared>>
      %dma_wait3A_52 = arith.constant 0 : i32
      %dma_wait3A_53 = tpu.memref_slice %arg10[%add3A_8, %dma_wait3A_52] : memref<10112x128xf32, #tpu.memory_space<vmem_shared>> -> memref<128x128xf32, #tpu.memory_space<vmem_shared>>
      %dma_wait3A_54 = arith.constant 0 : i32
      %dma_wait3A_55 = arith.constant 0 : i32
      %dma_wait3A_56 = tpu.memref_slice %arg9[%dma_wait3A_54, %dma_wait3A_55] : memref<128x128xf32, #tpu.memory_space<vmem>> -> memref<128x128xf32, #tpu.memory_space<vmem>>
      tpu.wait_dma2 semaphore(%run_scoped3A : memref<!tpu.dma_semaphore, #tpu.memory_space<semaphore_mem>>) src(%dma_wait3A_56 : memref<128x128xf32, #tpu.memory_space<vmem>>) dst(%dma_wait3A_53 : memref<128x128xf32, #tpu.memory_space<vmem_shared>>)
      tpu.yield
    }) : () -> ()
    %add3A_9 = arith.constant 384 : i32
    %add3A_10 = arith.addi %mul3A_2, %add3A_9 : i32
    "tpu.region"() ({
      %run_scoped3A = tpu.sem_alloc : memref<!tpu.dma_semaphore, #tpu.memory_space<semaphore_mem>>
      %dma_start3A = arith.constant 0 : i32
      %dma_start3A_39 = arith.constant 0 : i32
      %dma_start3A_40 = tpu.memref_slice %arg9[%dma_start3A, %dma_start3A_39] : memref<128x128xf32, #tpu.memory_space<vmem>> -> memref<128x128xf32, #tpu.memory_space<vmem>>
      %dma_start3A_41 = arith.constant 0 : i32
      %dma_start3A_42 = tpu.memref_slice %arg10[%add3A_10, %dma_start3A_41] : memref<10112x128xf32, #tpu.memory_space<vmem_shared>> -> memref<128x128xf32, #tpu.memory_space<vmem_shared>>
      %dma_start3A_43 = arith.constant 0 : i32
      %dma_start3A_44 = tpu.memref_slice %arg10[%add3A_10, %dma_start3A_43] : memref<10112x128xf32, #tpu.memory_space<vmem_shared>> -> memref<128x128xf32, #tpu.memory_space<vmem_shared>>
      %dma_start3A_45 = arith.constant 0 : i32
      %dma_start3A_46 = arith.constant 0 : i32
      %dma_start3A_47 = tpu.memref_slice %arg9[%dma_start3A_45, %dma_start3A_46] : memref<128x128xf32, #tpu.memory_space<vmem>> -> memref<128x128xf32, #tpu.memory_space<vmem>>
      tpu.enqueue_dma source(%dma_start3A_47 : memref<128x128xf32, #tpu.memory_space<vmem>>) target(%dma_start3A_44 : memref<128x128xf32, #tpu.memory_space<vmem_shared>>) target_semaphore(%run_scoped3A : memref<!tpu.dma_semaphore, #tpu.memory_space<semaphore_mem>>)
      %dma_wait3A = arith.constant 0 : i32
      %dma_wait3A_48 = arith.constant 0 : i32
      %dma_wait3A_49 = tpu.memref_slice %arg9[%dma_wait3A, %dma_wait3A_48] : memref<128x128xf32, #tpu.memory_space<vmem>> -> memref<128x128xf32, #tpu.memory_space<vmem>>
      %dma_wait3A_50 = arith.constant 0 : i32
      %dma_wait3A_51 = tpu.memref_slice %arg10[%add3A_10, %dma_wait3A_50] : memref<10112x128xf32, #tpu.memory_space<vmem_shared>> -> memref<128x128xf32, #tpu.memory_space<vmem_shared>>
      %dma_wait3A_52 = arith.constant 0 : i32
      %dma_wait3A_53 = tpu.memref_slice %arg10[%add3A_10, %dma_wait3A_52] : memref<10112x128xf32, #tpu.memory_space<vmem_shared>> -> memref<128x128xf32, #tpu.memory_space<vmem_shared>>
      %dma_wait3A_54 = arith.constant 0 : i32
      %dma_wait3A_55 = arith.constant 0 : i32
      %dma_wait3A_56 = tpu.memref_slice %arg9[%dma_wait3A_54, %dma_wait3A_55] : memref<128x128xf32, #tpu.memory_space<vmem>> -> memref<128x128xf32, #tpu.memory_space<vmem>>
      tpu.wait_dma2 semaphore(%run_scoped3A : memref<!tpu.dma_semaphore, #tpu.memory_space<semaphore_mem>>) src(%dma_wait3A_56 : memref<128x128xf32, #tpu.memory_space<vmem>>) dst(%dma_wait3A_53 : memref<128x128xf32, #tpu.memory_space<vmem_shared>>)
      tpu.yield
    }) : () -> ()
    %add3A_11 = arith.constant 512 : i32
    %add3A_12 = arith.addi %mul3A_2, %add3A_11 : i32
    "tpu.region"() ({
      %run_scoped3A = tpu.sem_alloc : memref<!tpu.dma_semaphore, #tpu.memory_space<semaphore_mem>>
      %dma_start3A = arith.constant 0 : i32
      %dma_start3A_39 = arith.constant 0 : i32
      %dma_start3A_40 = tpu.memref_slice %arg9[%dma_start3A, %dma_start3A_39] : memref<128x128xf32, #tpu.memory_space<vmem>> -> memref<120x128xf32, #tpu.memory_space<vmem>>
      %dma_start3A_41 = arith.constant 0 : i32
      %dma_start3A_42 = tpu.memref_slice %arg10[%add3A_12, %dma_start3A_41] : memref<10112x128xf32, #tpu.memory_space<vmem_shared>> -> memref<120x128xf32, #tpu.memory_space<vmem_shared>>
      %dma_start3A_43 = arith.constant 0 : i32
      %dma_start3A_44 = tpu.memref_slice %arg10[%add3A_12, %dma_start3A_43] : memref<10112x128xf32, #tpu.memory_space<vmem_shared>> -> memref<120x128xf32, #tpu.memory_space<vmem_shared>>
      %dma_start3A_45 = arith.constant 0 : i32
      %dma_start3A_46 = arith.constant 0 : i32
      %dma_start3A_47 = tpu.memref_slice %arg9[%dma_start3A_45, %dma_start3A_46] : memref<128x128xf32, #tpu.memory_space<vmem>> -> memref<120x128xf32, #tpu.memory_space<vmem>>
      tpu.enqueue_dma source(%dma_start3A_47 : memref<120x128xf32, #tpu.memory_space<vmem>>) target(%dma_start3A_44 : memref<120x128xf32, #tpu.memory_space<vmem_shared>>) target_semaphore(%run_scoped3A : memref<!tpu.dma_semaphore, #tpu.memory_space<semaphore_mem>>)
      %dma_wait3A = arith.constant 0 : i32
      %dma_wait3A_48 = arith.constant 0 : i32
      %dma_wait3A_49 = tpu.memref_slice %arg9[%dma_wait3A, %dma_wait3A_48] : memref<128x128xf32, #tpu.memory_space<vmem>> -> memref<120x128xf32, #tpu.memory_space<vmem>>
      %dma_wait3A_50 = arith.constant 0 : i32
      %dma_wait3A_51 = tpu.memref_slice %arg10[%add3A_12, %dma_wait3A_50] : memref<10112x128xf32, #tpu.memory_space<vmem_shared>> -> memref<120x128xf32, #tpu.memory_space<vmem_shared>>
      %dma_wait3A_52 = arith.constant 0 : i32
      %dma_wait3A_53 = tpu.memref_slice %arg10[%add3A_12, %dma_wait3A_52] : memref<10112x128xf32, #tpu.memory_space<vmem_shared>> -> memref<120x128xf32, #tpu.memory_space<vmem_shared>>
      %dma_wait3A_54 = arith.constant 0 : i32
      %dma_wait3A_55 = arith.constant 0 : i32
      %dma_wait3A_56 = tpu.memref_slice %arg9[%dma_wait3A_54, %dma_wait3A_55] : memref<128x128xf32, #tpu.memory_space<vmem>> -> memref<120x128xf32, #tpu.memory_space<vmem>>
      tpu.wait_dma2 semaphore(%run_scoped3A : memref<!tpu.dma_semaphore, #tpu.memory_space<semaphore_mem>>) src(%dma_wait3A_56 : memref<120x128xf32, #tpu.memory_space<vmem>>) dst(%dma_wait3A_53 : memref<120x128xf32, #tpu.memory_space<vmem_shared>>)
      tpu.yield
    }) : () -> ()
    %barrier3A = arith.constant 0 : index
    tpu.barrier barrier_id(%barrier3A)
    %scan3A = arith.constant 0 : i32
    %scan3A_13 = arith.constant 0 : i32
    %scan3A_14 = arith.constant 79 : i32
    %scan3A_15 = arith.addi %scan3A_13, %scan3A_14 : i32
    %scan3A_16 = arith.constant 1 : i32
    scf.for %scan3A_39 = %scan3A_13 to %scan3A_15 step %scan3A_16  : i32 {
      "tpu.region"() ({
        %run_scoped3A = tpu.sem_alloc : memref<!tpu.dma_semaphore, #tpu.memory_space<semaphore_mem>>
        %dma_start3A_44 = arith.constant 0 : i32
        %dma_start3A_45 = tpu.memref_slice %arg3[%add3A, %scan3A_39, %dma_start3A_44] : memref<32x79x128xi32, #tpu.memory_space<hbm>> -> memref<1x1x128xi32, #tpu.memory_space<hbm>>
        %dma_start3A_46 = tpu.memref_squeeze %dma_start3A_45 : memref<1x1x128xi32, #tpu.memory_space<hbm>> -> memref<128xi32, #tpu.memory_space<hbm>>
        %dma_start3A_47 = arith.constant 0 : i32
        %dma_start3A_48 = tpu.memref_slice %arg3[%add3A, %scan3A_39, %dma_start3A_47] : memref<32x79x128xi32, #tpu.memory_space<hbm>> -> memref<1x1x128xi32, #tpu.memory_space<hbm>>
        %dma_start3A_49 = tpu.memref_squeeze %dma_start3A_48 : memref<1x1x128xi32, #tpu.memory_space<hbm>> -> memref<128xi32, #tpu.memory_space<hbm>>
        tpu.enqueue_dma source(%dma_start3A_49 : memref<128xi32, #tpu.memory_space<hbm>>) target(%arg7 : memref<128xi32, #tpu.memory_space<vmem>>) target_semaphore(%run_scoped3A : memref<!tpu.dma_semaphore, #tpu.memory_space<semaphore_mem>>)
        %dma_wait3A_50 = arith.constant 0 : i32
        %dma_wait3A_51 = tpu.memref_slice %arg3[%add3A, %scan3A_39, %dma_wait3A_50] : memref<32x79x128xi32, #tpu.memory_space<hbm>> -> memref<1x1x128xi32, #tpu.memory_space<hbm>>
        %dma_wait3A_52 = tpu.memref_squeeze %dma_wait3A_51 : memref<1x1x128xi32, #tpu.memory_space<hbm>> -> memref<128xi32, #tpu.memory_space<hbm>>
        %dma_wait3A_53 = arith.constant 0 : i32
        %dma_wait3A_54 = tpu.memref_slice %arg3[%add3A, %scan3A_39, %dma_wait3A_53] : memref<32x79x128xi32, #tpu.memory_space<hbm>> -> memref<1x1x128xi32, #tpu.memory_space<hbm>>
        %dma_wait3A_55 = tpu.memref_squeeze %dma_wait3A_54 : memref<1x1x128xi32, #tpu.memory_space<hbm>> -> memref<128xi32, #tpu.memory_space<hbm>>
        tpu.wait_dma2 semaphore(%run_scoped3A : memref<!tpu.dma_semaphore, #tpu.memory_space<semaphore_mem>>) src(%dma_wait3A_55 : memref<128xi32, #tpu.memory_space<hbm>>) dst(%arg7 : memref<128xi32, #tpu.memory_space<vmem>>)
        tpu.yield
      }) : () -> ()
      %dma_start3A = arith.constant 0 : i32
      %dma_start3A_40 = arith.constant 0 : i32
      %dma_start3A_41 = tpu.memref_slice %arg2[%dma_start3A, %dma_start3A_40] : memref<10000x128xf32, #tpu.memory_space<hbm>> -> memref<10000x128xf32, #tpu.memory_space<hbm>>
      tpu.enqueue_indirect_dma source(%dma_start3A_41 : memref<10000x128xf32, #tpu.memory_space<hbm>>) target(%arg9 : memref<128x128xf32, #tpu.memory_space<vmem>>) offsets(%arg7 : memref<128xi32, #tpu.memory_space<vmem>>) semaphore(%arg11 : memref<!tpu.dma_semaphore, #tpu.memory_space<semaphore_mem>>)
      "tpu.region"() ({
        %run_scoped3A = tpu.sem_alloc : memref<!tpu.dma_semaphore, #tpu.memory_space<semaphore_mem>>
        %dma_start3A_44 = arith.constant 0 : i32
        %dma_start3A_45 = tpu.memref_slice %arg4[%add3A, %scan3A_39, %dma_start3A_44] : memref<32x79x128xi32, #tpu.memory_space<hbm>> -> memref<1x1x128xi32, #tpu.memory_space<hbm>>
        %dma_start3A_46 = tpu.memref_squeeze %dma_start3A_45 : memref<1x1x128xi32, #tpu.memory_space<hbm>> -> memref<128xi32, #tpu.memory_space<hbm>>
        %dma_start3A_47 = arith.constant 0 : i32
        %dma_start3A_48 = tpu.memref_slice %arg4[%add3A, %scan3A_39, %dma_start3A_47] : memref<32x79x128xi32, #tpu.memory_space<hbm>> -> memref<1x1x128xi32, #tpu.memory_space<hbm>>
        %dma_start3A_49 = tpu.memref_squeeze %dma_start3A_48 : memref<1x1x128xi32, #tpu.memory_space<hbm>> -> memref<128xi32, #tpu.memory_space<hbm>>
        tpu.enqueue_dma source(%dma_start3A_49 : memref<128xi32, #tpu.memory_space<hbm>>) target(%arg8 : memref<128xi32, #tpu.memory_space<vmem>>) target_semaphore(%run_scoped3A : memref<!tpu.dma_semaphore, #tpu.memory_space<semaphore_mem>>)
        %dma_wait3A_50 = arith.constant 0 : i32
        %dma_wait3A_51 = tpu.memref_slice %arg4[%add3A, %scan3A_39, %dma_wait3A_50] : memref<32x79x128xi32, #tpu.memory_space<hbm>> -> memref<1x1x128xi32, #tpu.memory_space<hbm>>
        %dma_wait3A_52 = tpu.memref_squeeze %dma_wait3A_51 : memref<1x1x128xi32, #tpu.memory_space<hbm>> -> memref<128xi32, #tpu.memory_space<hbm>>
        %dma_wait3A_53 = arith.constant 0 : i32
        %dma_wait3A_54 = tpu.memref_slice %arg4[%add3A, %scan3A_39, %dma_wait3A_53] : memref<32x79x128xi32, #tpu.memory_space<hbm>> -> memref<1x1x128xi32, #tpu.memory_space<hbm>>
        %dma_wait3A_55 = tpu.memref_squeeze %dma_wait3A_54 : memref<1x1x128xi32, #tpu.memory_space<hbm>> -> memref<128xi32, #tpu.memory_space<hbm>>
        tpu.wait_dma2 semaphore(%run_scoped3A : memref<!tpu.dma_semaphore, #tpu.memory_space<semaphore_mem>>) src(%dma_wait3A_55 : memref<128xi32, #tpu.memory_space<hbm>>) dst(%arg8 : memref<128xi32, #tpu.memory_space<vmem>>)
        tpu.yield
      }) : () -> ()
      %dma_wait3A = arith.constant 0 : i32
      %dma_wait3A_42 = arith.constant 0 : i32
      %dma_wait3A_43 = tpu.memref_slice %arg2[%dma_wait3A, %dma_wait3A_42] : memref<10000x128xf32, #tpu.memory_space<hbm>> -> memref<10000x128xf32, #tpu.memory_space<hbm>>
      tpu.wait_indirect_dma semaphore(%arg11 : memref<!tpu.dma_semaphore, #tpu.memory_space<semaphore_mem>>) src(%dma_wait3A_43 : memref<10000x128xf32, #tpu.memory_space<hbm>>) dst(%arg9 : memref<128x128xf32, #tpu.memory_space<vmem>>)
      "tpu.region"() ({
        %run_scoped3A = tpu.sem_alloc : memref<!tpu.dma_semaphore, #tpu.memory_space<semaphore_mem>>
        %dma_start3A_44 = arith.constant 0 : i32
        %dma_start3A_45 = arith.constant 0 : i32
        %dma_start3A_46 = tpu.memref_slice %arg10[%dma_start3A_44, %dma_start3A_45] : memref<10112x128xf32, #tpu.memory_space<vmem_shared>> -> memref<10112x128xf32, #tpu.memory_space<vmem_shared>>
        tpu.enqueue_indirect_dma source(%arg9 : memref<128x128xf32, #tpu.memory_space<vmem>>) target(%dma_start3A_46 : memref<10112x128xf32, #tpu.memory_space<vmem_shared>>) offsets(%arg8 : memref<128xi32, #tpu.memory_space<vmem>>) semaphore(%run_scoped3A : memref<!tpu.dma_semaphore, #tpu.memory_space<semaphore_mem>>) {add = true}
        %dma_wait3A_47 = arith.constant 0 : i32
        %dma_wait3A_48 = arith.constant 0 : i32
        %dma_wait3A_49 = tpu.memref_slice %arg10[%dma_wait3A_47, %dma_wait3A_48] : memref<10112x128xf32, #tpu.memory_space<vmem_shared>> -> memref<10112x128xf32, #tpu.memory_space<vmem_shared>>
        tpu.wait_indirect_dma semaphore(%run_scoped3A : memref<!tpu.dma_semaphore, #tpu.memory_space<semaphore_mem>>) src(%arg9 : memref<128x128xf32, #tpu.memory_space<vmem>>) dst(%dma_wait3A_49 : memref<10112x128xf32, #tpu.memory_space<vmem_shared>>)
        tpu.yield
      }) : () -> ()
    }
    %scan3A_17 = arith.constant 79 : i32
    %barrier3A_18 = arith.constant 0 : index
    tpu.barrier barrier_id(%barrier3A_18)
    %add3A_19 = arith.constant 0 : i32
    %add3A_20 = arith.addi %mul3A_2, %add3A_19 : i32
    "tpu.region"() ({
      %run_scoped3A = tpu.sem_alloc : memref<!tpu.dma_semaphore, #tpu.memory_space<semaphore_mem>>
      %dma_start3A = arith.constant 0 : i32
      %dma_start3A_39 = arith.constant 0 : i32
      %dma_start3A_40 = tpu.memref_slice %arg9[%dma_start3A, %dma_start3A_39] : memref<128x128xf32, #tpu.memory_space<vmem>> -> memref<128x128xf32, #tpu.memory_space<vmem>>
      %dma_start3A_41 = arith.constant 0 : i32
      %dma_start3A_42 = tpu.memref_slice %arg10[%add3A_20, %dma_start3A_41] : memref<10112x128xf32, #tpu.memory_space<vmem_shared>> -> memref<128x128xf32, #tpu.memory_space<vmem_shared>>
      %dma_start3A_43 = arith.constant 0 : i32
      %dma_start3A_44 = arith.constant 0 : i32
      %dma_start3A_45 = tpu.memref_slice %arg9[%dma_start3A_43, %dma_start3A_44] : memref<128x128xf32, #tpu.memory_space<vmem>> -> memref<128x128xf32, #tpu.memory_space<vmem>>
      %dma_start3A_46 = arith.constant 0 : i32
      %dma_start3A_47 = tpu.memref_slice %arg10[%add3A_20, %dma_start3A_46] : memref<10112x128xf32, #tpu.memory_space<vmem_shared>> -> memref<128x128xf32, #tpu.memory_space<vmem_shared>>
      tpu.enqueue_dma source(%dma_start3A_47 : memref<128x128xf32, #tpu.memory_space<vmem_shared>>) target(%dma_start3A_45 : memref<128x128xf32, #tpu.memory_space<vmem>>) target_semaphore(%run_scoped3A : memref<!tpu.dma_semaphore, #tpu.memory_space<semaphore_mem>>)
      %dma_wait3A = arith.constant 0 : i32
      %dma_wait3A_48 = arith.constant 0 : i32
      %dma_wait3A_49 = tpu.memref_slice %arg9[%dma_wait3A, %dma_wait3A_48] : memref<128x128xf32, #tpu.memory_space<vmem>> -> memref<128x128xf32, #tpu.memory_space<vmem>>
      %dma_wait3A_50 = arith.constant 0 : i32
      %dma_wait3A_51 = tpu.memref_slice %arg10[%add3A_20, %dma_wait3A_50] : memref<10112x128xf32, #tpu.memory_space<vmem_shared>> -> memref<128x128xf32, #tpu.memory_space<vmem_shared>>
      %dma_wait3A_52 = arith.constant 0 : i32
      %dma_wait3A_53 = arith.constant 0 : i32
      %dma_wait3A_54 = tpu.memref_slice %arg9[%dma_wait3A_52, %dma_wait3A_53] : memref<128x128xf32, #tpu.memory_space<vmem>> -> memref<128x128xf32, #tpu.memory_space<vmem>>
      %dma_wait3A_55 = arith.constant 0 : i32
      %dma_wait3A_56 = tpu.memref_slice %arg10[%add3A_20, %dma_wait3A_55] : memref<10112x128xf32, #tpu.memory_space<vmem_shared>> -> memref<128x128xf32, #tpu.memory_space<vmem_shared>>
      tpu.wait_dma2 semaphore(%run_scoped3A : memref<!tpu.dma_semaphore, #tpu.memory_space<semaphore_mem>>) src(%dma_wait3A_56 : memref<128x128xf32, #tpu.memory_space<vmem_shared>>) dst(%dma_wait3A_54 : memref<128x128xf32, #tpu.memory_space<vmem>>)
      tpu.yield
    }) : () -> ()
    %add3A_21 = arith.constant 0 : i32
    %add3A_22 = arith.addi %mul3A_2, %add3A_21 : i32
    "tpu.region"() ({
      %run_scoped3A = tpu.sem_alloc : memref<!tpu.dma_semaphore, #tpu.memory_space<semaphore_mem>>
      %dma_start3A = arith.constant 0 : i32
      %dma_start3A_39 = arith.constant 0 : i32
      %dma_start3A_40 = tpu.memref_slice %arg9[%dma_start3A, %dma_start3A_39] : memref<128x128xf32, #tpu.memory_space<vmem>> -> memref<128x128xf32, #tpu.memory_space<vmem>>
      %dma_start3A_41 = arith.constant 0 : i32
      %dma_start3A_42 = tpu.memref_slice %arg6[%arg0, %add3A_22, %dma_start3A_41] : memref<2x10112x128xf32, #tpu.memory_space<hbm>> -> memref<1x128x128xf32, #tpu.memory_space<hbm>>
      %dma_start3A_43 = tpu.memref_squeeze %dma_start3A_42 : memref<1x128x128xf32, #tpu.memory_space<hbm>> -> memref<128x128xf32, #tpu.memory_space<hbm>>
      %dma_start3A_44 = arith.constant 0 : i32
      %dma_start3A_45 = tpu.memref_slice %arg6[%arg0, %add3A_22, %dma_start3A_44] : memref<2x10112x128xf32, #tpu.memory_space<hbm>> -> memref<1x128x128xf32, #tpu.memory_space<hbm>>
      %dma_start3A_46 = tpu.memref_squeeze %dma_start3A_45 : memref<1x128x128xf32, #tpu.memory_space<hbm>> -> memref<128x128xf32, #tpu.memory_space<hbm>>
      %dma_start3A_47 = arith.constant 0 : i32
      %dma_start3A_48 = arith.constant 0 : i32
      %dma_start3A_49 = tpu.memref_slice %arg9[%dma_start3A_47, %dma_start3A_48] : memref<128x128xf32, #tpu.memory_space<vmem>> -> memref<128x128xf32, #tpu.memory_space<vmem>>
      tpu.enqueue_dma source(%dma_start3A_49 : memref<128x128xf32, #tpu.memory_space<vmem>>) target(%dma_start3A_46 : memref<128x128xf32, #tpu.memory_space<hbm>>) target_semaphore(%run_scoped3A : memref<!tpu.dma_semaphore, #tpu.memory_space<semaphore_mem>>)
      %dma_wait3A = arith.constant 0 : i32
      %dma_wait3A_50 = arith.constant 0 : i32
      %dma_wait3A_51 = tpu.memref_slice %arg9[%dma_wait3A, %dma_wait3A_50] : memref<128x128xf32, #tpu.memory_space<vmem>> -> memref<128x128xf32, #tpu.memory_space<vmem>>
      %dma_wait3A_52 = arith.constant 0 : i32
      %dma_wait3A_53 = tpu.memref_slice %arg6[%arg0, %add3A_22, %dma_wait3A_52] : memref<2x10112x128xf32, #tpu.memory_space<hbm>> -> memref<1x128x128xf32, #tpu.memory_space<hbm>>
      %dma_wait3A_54 = tpu.memref_squeeze %dma_wait3A_53 : memref<1x128x128xf32, #tpu.memory_space<hbm>> -> memref<128x128xf32, #tpu.memory_space<hbm>>
      %dma_wait3A_55 = arith.constant 0 : i32
      %dma_wait3A_56 = tpu.memref_slice %arg6[%arg0, %add3A_22, %dma_wait3A_55] : memref<2x10112x128xf32, #tpu.memory_space<hbm>> -> memref<1x128x128xf32, #tpu.memory_space<hbm>>
      %dma_wait3A_57 = tpu.memref_squeeze %dma_wait3A_56 : memref<1x128x128xf32, #tpu.memory_space<hbm>> -> memref<128x128xf32, #tpu.memory_space<hbm>>
      %dma_wait3A_58 = arith.constant 0 : i32
      %dma_wait3A_59 = arith.constant 0 : i32
      %dma_wait3A_60 = tpu.memref_slice %arg9[%dma_wait3A_58, %dma_wait3A_59] : memref<128x128xf32, #tpu.memory_space<vmem>> -> memref<128x128xf32, #tpu.memory_space<vmem>>
      tpu.wait_dma2 semaphore(%run_scoped3A : memref<!tpu.dma_semaphore, #tpu.memory_space<semaphore_mem>>) src(%dma_wait3A_60 : memref<128x128xf32, #tpu.memory_space<vmem>>) dst(%dma_wait3A_57 : memref<128x128xf32, #tpu.memory_space<hbm>>)
      tpu.yield
    }) : () -> ()
    %add3A_23 = arith.constant 128 : i32
    %add3A_24 = arith.addi %mul3A_2, %add3A_23 : i32
    "tpu.region"() ({
      %run_scoped3A = tpu.sem_alloc : memref<!tpu.dma_semaphore, #tpu.memory_space<semaphore_mem>>
      %dma_start3A = arith.constant 0 : i32
      %dma_start3A_39 = arith.constant 0 : i32
      %dma_start3A_40 = tpu.memref_slice %arg9[%dma_start3A, %dma_start3A_39] : memref<128x128xf32, #tpu.memory_space<vmem>> -> memref<128x128xf32, #tpu.memory_space<vmem>>
      %dma_start3A_41 = arith.constant 0 : i32
      %dma_start3A_42 = tpu.memref_slice %arg10[%add3A_24, %dma_start3A_41] : memref<10112x128xf32, #tpu.memory_space<vmem_shared>> -> memref<128x128xf32, #tpu.memory_space<vmem_shared>>
      %dma_start3A_43 = arith.constant 0 : i32
      %dma_start3A_44 = arith.constant 0 : i32
      %dma_start3A_45 = tpu.memref_slice %arg9[%dma_start3A_43, %dma_start3A_44] : memref<128x128xf32, #tpu.memory_space<vmem>> -> memref<128x128xf32, #tpu.memory_space<vmem>>
      %dma_start3A_46 = arith.constant 0 : i32
      %dma_start3A_47 = tpu.memref_slice %arg10[%add3A_24, %dma_start3A_46] : memref<10112x128xf32, #tpu.memory_space<vmem_shared>> -> memref<128x128xf32, #tpu.memory_space<vmem_shared>>
      tpu.enqueue_dma source(%dma_start3A_47 : memref<128x128xf32, #tpu.memory_space<vmem_shared>>) target(%dma_start3A_45 : memref<128x128xf32, #tpu.memory_space<vmem>>) target_semaphore(%run_scoped3A : memref<!tpu.dma_semaphore, #tpu.memory_space<semaphore_mem>>)
      %dma_wait3A = arith.constant 0 : i32
      %dma_wait3A_48 = arith.constant 0 : i32
      %dma_wait3A_49 = tpu.memref_slice %arg9[%dma_wait3A, %dma_wait3A_48] : memref<128x128xf32, #tpu.memory_space<vmem>> -> memref<128x128xf32, #tpu.memory_space<vmem>>
      %dma_wait3A_50 = arith.constant 0 : i32
      %dma_wait3A_51 = tpu.memref_slice %arg10[%add3A_24, %dma_wait3A_50] : memref<10112x128xf32, #tpu.memory_space<vmem_shared>> -> memref<128x128xf32, #tpu.memory_space<vmem_shared>>
      %dma_wait3A_52 = arith.constant 0 : i32
      %dma_wait3A_53 = arith.constant 0 : i32
      %dma_wait3A_54 = tpu.memref_slice %arg9[%dma_wait3A_52, %dma_wait3A_53] : memref<128x128xf32, #tpu.memory_space<vmem>> -> memref<128x128xf32, #tpu.memory_space<vmem>>
      %dma_wait3A_55 = arith.constant 0 : i32
      %dma_wait3A_56 = tpu.memref_slice %arg10[%add3A_24, %dma_wait3A_55] : memref<10112x128xf32, #tpu.memory_space<vmem_shared>> -> memref<128x128xf32, #tpu.memory_space<vmem_shared>>
      tpu.wait_dma2 semaphore(%run_scoped3A : memref<!tpu.dma_semaphore, #tpu.memory_space<semaphore_mem>>) src(%dma_wait3A_56 : memref<128x128xf32, #tpu.memory_space<vmem_shared>>) dst(%dma_wait3A_54 : memref<128x128xf32, #tpu.memory_space<vmem>>)
      tpu.yield
    }) : () -> ()
    %add3A_25 = arith.constant 128 : i32
    %add3A_26 = arith.addi %mul3A_2, %add3A_25 : i32
    "tpu.region"() ({
      %run_scoped3A = tpu.sem_alloc : memref<!tpu.dma_semaphore, #tpu.memory_space<semaphore_mem>>
      %dma_start3A = arith.constant 0 : i32
      %dma_start3A_39 = arith.constant 0 : i32
      %dma_start3A_40 = tpu.memref_slice %arg9[%dma_start3A, %dma_start3A_39] : memref<128x128xf32, #tpu.memory_space<vmem>> -> memref<128x128xf32, #tpu.memory_space<vmem>>
      %dma_start3A_41 = arith.constant 0 : i32
      %dma_start3A_42 = tpu.memref_slice %arg6[%arg0, %add3A_26, %dma_start3A_41] : memref<2x10112x128xf32, #tpu.memory_space<hbm>> -> memref<1x128x128xf32, #tpu.memory_space<hbm>>
      %dma_start3A_43 = tpu.memref_squeeze %dma_start3A_42 : memref<1x128x128xf32, #tpu.memory_space<hbm>> -> memref<128x128xf32, #tpu.memory_space<hbm>>
      %dma_start3A_44 = arith.constant 0 : i32
      %dma_start3A_45 = tpu.memref_slice %arg6[%arg0, %add3A_26, %dma_start3A_44] : memref<2x10112x128xf32, #tpu.memory_space<hbm>> -> memref<1x128x128xf32, #tpu.memory_space<hbm>>
      %dma_start3A_46 = tpu.memref_squeeze %dma_start3A_45 : memref<1x128x128xf32, #tpu.memory_space<hbm>> -> memref<128x128xf32, #tpu.memory_space<hbm>>
      %dma_start3A_47 = arith.constant 0 : i32
      %dma_start3A_48 = arith.constant 0 : i32
      %dma_start3A_49 = tpu.memref_slice %arg9[%dma_start3A_47, %dma_start3A_48] : memref<128x128xf32, #tpu.memory_space<vmem>> -> memref<128x128xf32, #tpu.memory_space<vmem>>
      tpu.enqueue_dma source(%dma_start3A_49 : memref<128x128xf32, #tpu.memory_space<vmem>>) target(%dma_start3A_46 : memref<128x128xf32, #tpu.memory_space<hbm>>) target_semaphore(%run_scoped3A : memref<!tpu.dma_semaphore, #tpu.memory_space<semaphore_mem>>)
      %dma_wait3A = arith.constant 0 : i32
      %dma_wait3A_50 = arith.constant 0 : i32
      %dma_wait3A_51 = tpu.memref_slice %arg9[%dma_wait3A, %dma_wait3A_50] : memref<128x128xf32, #tpu.memory_space<vmem>> -> memref<128x128xf32, #tpu.memory_space<vmem>>
      %dma_wait3A_52 = arith.constant 0 : i32
      %dma_wait3A_53 = tpu.memref_slice %arg6[%arg0, %add3A_26, %dma_wait3A_52] : memref<2x10112x128xf32, #tpu.memory_space<hbm>> -> memref<1x128x128xf32, #tpu.memory_space<hbm>>
      %dma_wait3A_54 = tpu.memref_squeeze %dma_wait3A_53 : memref<1x128x128xf32, #tpu.memory_space<hbm>> -> memref<128x128xf32, #tpu.memory_space<hbm>>
      %dma_wait3A_55 = arith.constant 0 : i32
      %dma_wait3A_56 = tpu.memref_slice %arg6[%arg0, %add3A_26, %dma_wait3A_55] : memref<2x10112x128xf32, #tpu.memory_space<hbm>> -> memref<1x128x128xf32, #tpu.memory_space<hbm>>
      %dma_wait3A_57 = tpu.memref_squeeze %dma_wait3A_56 : memref<1x128x128xf32, #tpu.memory_space<hbm>> -> memref<128x128xf32, #tpu.memory_space<hbm>>
      %dma_wait3A_58 = arith.constant 0 : i32
      %dma_wait3A_59 = arith.constant 0 : i32
      %dma_wait3A_60 = tpu.memref_slice %arg9[%dma_wait3A_58, %dma_wait3A_59] : memref<128x128xf32, #tpu.memory_space<vmem>> -> memref<128x128xf32, #tpu.memory_space<vmem>>
      tpu.wait_dma2 semaphore(%run_scoped3A : memref<!tpu.dma_semaphore, #tpu.memory_space<semaphore_mem>>) src(%dma_wait3A_60 : memref<128x128xf32, #tpu.memory_space<vmem>>) dst(%dma_wait3A_57 : memref<128x128xf32, #tpu.memory_space<hbm>>)
      tpu.yield
    }) : () -> ()
    %add3A_27 = arith.constant 256 : i32
    %add3A_28 = arith.addi %mul3A_2, %add3A_27 : i32
    "tpu.region"() ({
      %run_scoped3A = tpu.sem_alloc : memref<!tpu.dma_semaphore, #tpu.memory_space<semaphore_mem>>
      %dma_start3A = arith.constant 0 : i32
      %dma_start3A_39 = arith.constant 0 : i32
      %dma_start3A_40 = tpu.memref_slice %arg9[%dma_start3A, %dma_start3A_39] : memref<128x128xf32, #tpu.memory_space<vmem>> -> memref<128x128xf32, #tpu.memory_space<vmem>>
      %dma_start3A_41 = arith.constant 0 : i32
      %dma_start3A_42 = tpu.memref_slice %arg10[%add3A_28, %dma_start3A_41] : memref<10112x128xf32, #tpu.memory_space<vmem_shared>> -> memref<128x128xf32, #tpu.memory_space<vmem_shared>>
      %dma_start3A_43 = arith.constant 0 : i32
      %dma_start3A_44 = arith.constant 0 : i32
      %dma_start3A_45 = tpu.memref_slice %arg9[%dma_start3A_43, %dma_start3A_44] : memref<128x128xf32, #tpu.memory_space<vmem>> -> memref<128x128xf32, #tpu.memory_space<vmem>>
      %dma_start3A_46 = arith.constant 0 : i32
      %dma_start3A_47 = tpu.memref_slice %arg10[%add3A_28, %dma_start3A_46] : memref<10112x128xf32, #tpu.memory_space<vmem_shared>> -> memref<128x128xf32, #tpu.memory_space<vmem_shared>>
      tpu.enqueue_dma source(%dma_start3A_47 : memref<128x128xf32, #tpu.memory_space<vmem_shared>>) target(%dma_start3A_45 : memref<128x128xf32, #tpu.memory_space<vmem>>) target_semaphore(%run_scoped3A : memref<!tpu.dma_semaphore, #tpu.memory_space<semaphore_mem>>)
      %dma_wait3A = arith.constant 0 : i32
      %dma_wait3A_48 = arith.constant 0 : i32
      %dma_wait3A_49 = tpu.memref_slice %arg9[%dma_wait3A, %dma_wait3A_48] : memref<128x128xf32, #tpu.memory_space<vmem>> -> memref<128x128xf32, #tpu.memory_space<vmem>>
      %dma_wait3A_50 = arith.constant 0 : i32
      %dma_wait3A_51 = tpu.memref_slice %arg10[%add3A_28, %dma_wait3A_50] : memref<10112x128xf32, #tpu.memory_space<vmem_shared>> -> memref<128x128xf32, #tpu.memory_space<vmem_shared>>
      %dma_wait3A_52 = arith.constant 0 : i32
      %dma_wait3A_53 = arith.constant 0 : i32
      %dma_wait3A_54 = tpu.memref_slice %arg9[%dma_wait3A_52, %dma_wait3A_53] : memref<128x128xf32, #tpu.memory_space<vmem>> -> memref<128x128xf32, #tpu.memory_space<vmem>>
      %dma_wait3A_55 = arith.constant 0 : i32
      %dma_wait3A_56 = tpu.memref_slice %arg10[%add3A_28, %dma_wait3A_55] : memref<10112x128xf32, #tpu.memory_space<vmem_shared>> -> memref<128x128xf32, #tpu.memory_space<vmem_shared>>
      tpu.wait_dma2 semaphore(%run_scoped3A : memref<!tpu.dma_semaphore, #tpu.memory_space<semaphore_mem>>) src(%dma_wait3A_56 : memref<128x128xf32, #tpu.memory_space<vmem_shared>>) dst(%dma_wait3A_54 : memref<128x128xf32, #tpu.memory_space<vmem>>)
      tpu.yield
    }) : () -> ()
    %add3A_29 = arith.constant 256 : i32
    %add3A_30 = arith.addi %mul3A_2, %add3A_29 : i32
    "tpu.region"() ({
      %run_scoped3A = tpu.sem_alloc : memref<!tpu.dma_semaphore, #tpu.memory_space<semaphore_mem>>
      %dma_start3A = arith.constant 0 : i32
      %dma_start3A_39 = arith.constant 0 : i32
      %dma_start3A_40 = tpu.memref_slice %arg9[%dma_start3A, %dma_start3A_39] : memref<128x128xf32, #tpu.memory_space<vmem>> -> memref<128x128xf32, #tpu.memory_space<vmem>>
      %dma_start3A_41 = arith.constant 0 : i32
      %dma_start3A_42 = tpu.memref_slice %arg6[%arg0, %add3A_30, %dma_start3A_41] : memref<2x10112x128xf32, #tpu.memory_space<hbm>> -> memref<1x128x128xf32, #tpu.memory_space<hbm>>
      %dma_start3A_43 = tpu.memref_squeeze %dma_start3A_42 : memref<1x128x128xf32, #tpu.memory_space<hbm>> -> memref<128x128xf32, #tpu.memory_space<hbm>>
      %dma_start3A_44 = arith.constant 0 : i32
      %dma_start3A_45 = tpu.memref_slice %arg6[%arg0, %add3A_30, %dma_start3A_44] : memref<2x10112x128xf32, #tpu.memory_space<hbm>> -> memref<1x128x128xf32, #tpu.memory_space<hbm>>
      %dma_start3A_46 = tpu.memref_squeeze %dma_start3A_45 : memref<1x128x128xf32, #tpu.memory_space<hbm>> -> memref<128x128xf32, #tpu.memory_space<hbm>>
      %dma_start3A_47 = arith.constant 0 : i32
      %dma_start3A_48 = arith.constant 0 : i32
      %dma_start3A_49 = tpu.memref_slice %arg9[%dma_start3A_47, %dma_start3A_48] : memref<128x128xf32, #tpu.memory_space<vmem>> -> memref<128x128xf32, #tpu.memory_space<vmem>>
      tpu.enqueue_dma source(%dma_start3A_49 : memref<128x128xf32, #tpu.memory_space<vmem>>) target(%dma_start3A_46 : memref<128x128xf32, #tpu.memory_space<hbm>>) target_semaphore(%run_scoped3A : memref<!tpu.dma_semaphore, #tpu.memory_space<semaphore_mem>>)
      %dma_wait3A = arith.constant 0 : i32
      %dma_wait3A_50 = arith.constant 0 : i32
      %dma_wait3A_51 = tpu.memref_slice %arg9[%dma_wait3A, %dma_wait3A_50] : memref<128x128xf32, #tpu.memory_space<vmem>> -> memref<128x128xf32, #tpu.memory_space<vmem>>
      %dma_wait3A_52 = arith.constant 0 : i32
      %dma_wait3A_53 = tpu.memref_slice %arg6[%arg0, %add3A_30, %dma_wait3A_52] : memref<2x10112x128xf32, #tpu.memory_space<hbm>> -> memref<1x128x128xf32, #tpu.memory_space<hbm>>
      %dma_wait3A_54 = tpu.memref_squeeze %dma_wait3A_53 : memref<1x128x128xf32, #tpu.memory_space<hbm>> -> memref<128x128xf32, #tpu.memory_space<hbm>>
      %dma_wait3A_55 = arith.constant 0 : i32
      %dma_wait3A_56 = tpu.memref_slice %arg6[%arg0, %add3A_30, %dma_wait3A_55] : memref<2x10112x128xf32, #tpu.memory_space<hbm>> -> memref<1x128x128xf32, #tpu.memory_space<hbm>>
      %dma_wait3A_57 = tpu.memref_squeeze %dma_wait3A_56 : memref<1x128x128xf32, #tpu.memory_space<hbm>> -> memref<128x128xf32, #tpu.memory_space<hbm>>
      %dma_wait3A_58 = arith.constant 0 : i32
      %dma_wait3A_59 = arith.constant 0 : i32
      %dma_wait3A_60 = tpu.memref_slice %arg9[%dma_wait3A_58, %dma_wait3A_59] : memref<128x128xf32, #tpu.memory_space<vmem>> -> memref<128x128xf32, #tpu.memory_space<vmem>>
      tpu.wait_dma2 semaphore(%run_scoped3A : memref<!tpu.dma_semaphore, #tpu.memory_space<semaphore_mem>>) src(%dma_wait3A_60 : memref<128x128xf32, #tpu.memory_space<vmem>>) dst(%dma_wait3A_57 : memref<128x128xf32, #tpu.memory_space<hbm>>)
      tpu.yield
    }) : () -> ()
    %add3A_31 = arith.constant 384 : i32
    %add3A_32 = arith.addi %mul3A_2, %add3A_31 : i32
    "tpu.region"() ({
      %run_scoped3A = tpu.sem_alloc : memref<!tpu.dma_semaphore, #tpu.memory_space<semaphore_mem>>
      %dma_start3A = arith.constant 0 : i32
      %dma_start3A_39 = arith.constant 0 : i32
      %dma_start3A_40 = tpu.memref_slice %arg9[%dma_start3A, %dma_start3A_39] : memref<128x128xf32, #tpu.memory_space<vmem>> -> memref<128x128xf32, #tpu.memory_space<vmem>>
      %dma_start3A_41 = arith.constant 0 : i32
      %dma_start3A_42 = tpu.memref_slice %arg10[%add3A_32, %dma_start3A_41] : memref<10112x128xf32, #tpu.memory_space<vmem_shared>> -> memref<128x128xf32, #tpu.memory_space<vmem_shared>>
      %dma_start3A_43 = arith.constant 0 : i32
      %dma_start3A_44 = arith.constant 0 : i32
      %dma_start3A_45 = tpu.memref_slice %arg9[%dma_start3A_43, %dma_start3A_44] : memref<128x128xf32, #tpu.memory_space<vmem>> -> memref<128x128xf32, #tpu.memory_space<vmem>>
      %dma_start3A_46 = arith.constant 0 : i32
      %dma_start3A_47 = tpu.memref_slice %arg10[%add3A_32, %dma_start3A_46] : memref<10112x128xf32, #tpu.memory_space<vmem_shared>> -> memref<128x128xf32, #tpu.memory_space<vmem_shared>>
      tpu.enqueue_dma source(%dma_start3A_47 : memref<128x128xf32, #tpu.memory_space<vmem_shared>>) target(%dma_start3A_45 : memref<128x128xf32, #tpu.memory_space<vmem>>) target_semaphore(%run_scoped3A : memref<!tpu.dma_semaphore, #tpu.memory_space<semaphore_mem>>)
      %dma_wait3A = arith.constant 0 : i32
      %dma_wait3A_48 = arith.constant 0 : i32
      %dma_wait3A_49 = tpu.memref_slice %arg9[%dma_wait3A, %dma_wait3A_48] : memref<128x128xf32, #tpu.memory_space<vmem>> -> memref<128x128xf32, #tpu.memory_space<vmem>>
      %dma_wait3A_50 = arith.constant 0 : i32
      %dma_wait3A_51 = tpu.memref_slice %arg10[%add3A_32, %dma_wait3A_50] : memref<10112x128xf32, #tpu.memory_space<vmem_shared>> -> memref<128x128xf32, #tpu.memory_space<vmem_shared>>
      %dma_wait3A_52 = arith.constant 0 : i32
      %dma_wait3A_53 = arith.constant 0 : i32
      %dma_wait3A_54 = tpu.memref_slice %arg9[%dma_wait3A_52, %dma_wait3A_53] : memref<128x128xf32, #tpu.memory_space<vmem>> -> memref<128x128xf32, #tpu.memory_space<vmem>>
      %dma_wait3A_55 = arith.constant 0 : i32
      %dma_wait3A_56 = tpu.memref_slice %arg10[%add3A_32, %dma_wait3A_55] : memref<10112x128xf32, #tpu.memory_space<vmem_shared>> -> memref<128x128xf32, #tpu.memory_space<vmem_shared>>
      tpu.wait_dma2 semaphore(%run_scoped3A : memref<!tpu.dma_semaphore, #tpu.memory_space<semaphore_mem>>) src(%dma_wait3A_56 : memref<128x128xf32, #tpu.memory_space<vmem_shared>>) dst(%dma_wait3A_54 : memref<128x128xf32, #tpu.memory_space<vmem>>)
      tpu.yield
    }) : () -> ()
    %add3A_33 = arith.constant 384 : i32
    %add3A_34 = arith.addi %mul3A_2, %add3A_33 : i32
    "tpu.region"() ({
      %run_scoped3A = tpu.sem_alloc : memref<!tpu.dma_semaphore, #tpu.memory_space<semaphore_mem>>
      %dma_start3A = arith.constant 0 : i32
      %dma_start3A_39 = arith.constant 0 : i32
      %dma_start3A_40 = tpu.memref_slice %arg9[%dma_start3A, %dma_start3A_39] : memref<128x128xf32, #tpu.memory_space<vmem>> -> memref<128x128xf32, #tpu.memory_space<vmem>>
      %dma_start3A_41 = arith.constant 0 : i32
      %dma_start3A_42 = tpu.memref_slice %arg6[%arg0, %add3A_34, %dma_start3A_41] : memref<2x10112x128xf32, #tpu.memory_space<hbm>> -> memref<1x128x128xf32, #tpu.memory_space<hbm>>
      %dma_start3A_43 = tpu.memref_squeeze %dma_start3A_42 : memref<1x128x128xf32, #tpu.memory_space<hbm>> -> memref<128x128xf32, #tpu.memory_space<hbm>>
      %dma_start3A_44 = arith.constant 0 : i32
      %dma_start3A_45 = tpu.memref_slice %arg6[%arg0, %add3A_34, %dma_start3A_44] : memref<2x10112x128xf32, #tpu.memory_space<hbm>> -> memref<1x128x128xf32, #tpu.memory_space<hbm>>
      %dma_start3A_46 = tpu.memref_squeeze %dma_start3A_45 : memref<1x128x128xf32, #tpu.memory_space<hbm>> -> memref<128x128xf32, #tpu.memory_space<hbm>>
      %dma_start3A_47 = arith.constant 0 : i32
      %dma_start3A_48 = arith.constant 0 : i32
      %dma_start3A_49 = tpu.memref_slice %arg9[%dma_start3A_47, %dma_start3A_48] : memref<128x128xf32, #tpu.memory_space<vmem>> -> memref<128x128xf32, #tpu.memory_space<vmem>>
      tpu.enqueue_dma source(%dma_start3A_49 : memref<128x128xf32, #tpu.memory_space<vmem>>) target(%dma_start3A_46 : memref<128x128xf32, #tpu.memory_space<hbm>>) target_semaphore(%run_scoped3A : memref<!tpu.dma_semaphore, #tpu.memory_space<semaphore_mem>>)
      %dma_wait3A = arith.constant 0 : i32
      %dma_wait3A_50 = arith.constant 0 : i32
      %dma_wait3A_51 = tpu.memref_slice %arg9[%dma_wait3A, %dma_wait3A_50] : memref<128x128xf32, #tpu.memory_space<vmem>> -> memref<128x128xf32, #tpu.memory_space<vmem>>
      %dma_wait3A_52 = arith.constant 0 : i32
      %dma_wait3A_53 = tpu.memref_slice %arg6[%arg0, %add3A_34, %dma_wait3A_52] : memref<2x10112x128xf32, #tpu.memory_space<hbm>> -> memref<1x128x128xf32, #tpu.memory_space<hbm>>
      %dma_wait3A_54 = tpu.memref_squeeze %dma_wait3A_53 : memref<1x128x128xf32, #tpu.memory_space<hbm>> -> memref<128x128xf32, #tpu.memory_space<hbm>>
      %dma_wait3A_55 = arith.constant 0 : i32
      %dma_wait3A_56 = tpu.memref_slice %arg6[%arg0, %add3A_34, %dma_wait3A_55] : memref<2x10112x128xf32, #tpu.memory_space<hbm>> -> memref<1x128x128xf32, #tpu.memory_space<hbm>>
      %dma_wait3A_57 = tpu.memref_squeeze %dma_wait3A_56 : memref<1x128x128xf32, #tpu.memory_space<hbm>> -> memref<128x128xf32, #tpu.memory_space<hbm>>
      %dma_wait3A_58 = arith.constant 0 : i32
      %dma_wait3A_59 = arith.constant 0 : i32
      %dma_wait3A_60 = tpu.memref_slice %arg9[%dma_wait3A_58, %dma_wait3A_59] : memref<128x128xf32, #tpu.memory_space<vmem>> -> memref<128x128xf32, #tpu.memory_space<vmem>>
      tpu.wait_dma2 semaphore(%run_scoped3A : memref<!tpu.dma_semaphore, #tpu.memory_space<semaphore_mem>>) src(%dma_wait3A_60 : memref<128x128xf32, #tpu.memory_space<vmem>>) dst(%dma_wait3A_57 : memref<128x128xf32, #tpu.memory_space<hbm>>)
      tpu.yield
    }) : () -> ()
    %add3A_35 = arith.constant 512 : i32
    %add3A_36 = arith.addi %mul3A_2, %add3A_35 : i32
    "tpu.region"() ({
      %run_scoped3A = tpu.sem_alloc : memref<!tpu.dma_semaphore, #tpu.memory_space<semaphore_mem>>
      %dma_start3A = arith.constant 0 : i32
      %dma_start3A_39 = arith.constant 0 : i32
      %dma_start3A_40 = tpu.memref_slice %arg9[%dma_start3A, %dma_start3A_39] : memref<128x128xf32, #tpu.memory_space<vmem>> -> memref<120x128xf32, #tpu.memory_space<vmem>>
      %dma_start3A_41 = arith.constant 0 : i32
      %dma_start3A_42 = tpu.memref_slice %arg10[%add3A_36, %dma_start3A_41] : memref<10112x128xf32, #tpu.memory_space<vmem_shared>> -> memref<120x128xf32, #tpu.memory_space<vmem_shared>>
      %dma_start3A_43 = arith.constant 0 : i32
      %dma_start3A_44 = arith.constant 0 : i32
      %dma_start3A_45 = tpu.memref_slice %arg9[%dma_start3A_43, %dma_start3A_44] : memref<128x128xf32, #tpu.memory_space<vmem>> -> memref<120x128xf32, #tpu.memory_space<vmem>>
      %dma_start3A_46 = arith.constant 0 : i32
      %dma_start3A_47 = tpu.memref_slice %arg10[%add3A_36, %dma_start3A_46] : memref<10112x128xf32, #tpu.memory_space<vmem_shared>> -> memref<120x128xf32, #tpu.memory_space<vmem_shared>>
      tpu.enqueue_dma source(%dma_start3A_47 : memref<120x128xf32, #tpu.memory_space<vmem_shared>>) target(%dma_start3A_45 : memref<120x128xf32, #tpu.memory_space<vmem>>) target_semaphore(%run_scoped3A : memref<!tpu.dma_semaphore, #tpu.memory_space<semaphore_mem>>)
      %dma_wait3A = arith.constant 0 : i32
      %dma_wait3A_48 = arith.constant 0 : i32
      %dma_wait3A_49 = tpu.memref_slice %arg9[%dma_wait3A, %dma_wait3A_48] : memref<128x128xf32, #tpu.memory_space<vmem>> -> memref<120x128xf32, #tpu.memory_space<vmem>>
      %dma_wait3A_50 = arith.constant 0 : i32
      %dma_wait3A_51 = tpu.memref_slice %arg10[%add3A_36, %dma_wait3A_50] : memref<10112x128xf32, #tpu.memory_space<vmem_shared>> -> memref<120x128xf32, #tpu.memory_space<vmem_shared>>
      %dma_wait3A_52 = arith.constant 0 : i32
      %dma_wait3A_53 = arith.constant 0 : i32
      %dma_wait3A_54 = tpu.memref_slice %arg9[%dma_wait3A_52, %dma_wait3A_53] : memref<128x128xf32, #tpu.memory_space<vmem>> -> memref<120x128xf32, #tpu.memory_space<vmem>>
      %dma_wait3A_55 = arith.constant 0 : i32
      %dma_wait3A_56 = tpu.memref_slice %arg10[%add3A_36, %dma_wait3A_55] : memref<10112x128xf32, #tpu.memory_space<vmem_shared>> -> memref<120x128xf32, #tpu.memory_space<vmem_shared>>
      tpu.wait_dma2 semaphore(%run_scoped3A : memref<!tpu.dma_semaphore, #tpu.memory_space<semaphore_mem>>) src(%dma_wait3A_56 : memref<120x128xf32, #tpu.memory_space<vmem_shared>>) dst(%dma_wait3A_54 : memref<120x128xf32, #tpu.memory_space<vmem>>)
      tpu.yield
    }) : () -> ()
    %add3A_37 = arith.constant 512 : i32
    %add3A_38 = arith.addi %mul3A_2, %add3A_37 : i32
    "tpu.region"() ({
      %run_scoped3A = tpu.sem_alloc : memref<!tpu.dma_semaphore, #tpu.memory_space<semaphore_mem>>
      %dma_start3A = arith.constant 0 : i32
      %dma_start3A_39 = arith.constant 0 : i32
      %dma_start3A_40 = tpu.memref_slice %arg9[%dma_start3A, %dma_start3A_39] : memref<128x128xf32, #tpu.memory_space<vmem>> -> memref<120x128xf32, #tpu.memory_space<vmem>>
      %dma_start3A_41 = arith.constant 0 : i32
      %dma_start3A_42 = tpu.memref_slice %arg6[%arg0, %add3A_38, %dma_start3A_41] : memref<2x10112x128xf32, #tpu.memory_space<hbm>> -> memref<1x120x128xf32, #tpu.memory_space<hbm>>
      %dma_start3A_43 = tpu.memref_squeeze %dma_start3A_42 : memref<1x120x128xf32, #tpu.memory_space<hbm>> -> memref<120x128xf32, #tpu.memory_space<hbm>>
      %dma_start3A_44 = arith.constant 0 : i32
      %dma_start3A_45 = tpu.memref_slice %arg6[%arg0, %add3A_38, %dma_start3A_44] : memref<2x10112x128xf32, #tpu.memory_space<hbm>> -> memref<1x120x128xf32, #tpu.memory_space<hbm>>
      %dma_start3A_46 = tpu.memref_squeeze %dma_start3A_45 : memref<1x120x128xf32, #tpu.memory_space<hbm>> -> memref<120x128xf32, #tpu.memory_space<hbm>>
      %dma_start3A_47 = arith.constant 0 : i32
      %dma_start3A_48 = arith.constant 0 : i32
      %dma_start3A_49 = tpu.memref_slice %arg9[%dma_start3A_47, %dma_start3A_48] : memref<128x128xf32, #tpu.memory_space<vmem>> -> memref<120x128xf32, #tpu.memory_space<vmem>>
      tpu.enqueue_dma source(%dma_start3A_49 : memref<120x128xf32, #tpu.memory_space<vmem>>) target(%dma_start3A_46 : memref<120x128xf32, #tpu.memory_space<hbm>>) target_semaphore(%run_scoped3A : memref<!tpu.dma_semaphore, #tpu.memory_space<semaphore_mem>>)
      %dma_wait3A = arith.constant 0 : i32
      %dma_wait3A_50 = arith.constant 0 : i32
      %dma_wait3A_51 = tpu.memref_slice %arg9[%dma_wait3A, %dma_wait3A_50] : memref<128x128xf32, #tpu.memory_space<vmem>> -> memref<120x128xf32, #tpu.memory_space<vmem>>
      %dma_wait3A_52 = arith.constant 0 : i32
      %dma_wait3A_53 = tpu.memref_slice %arg6[%arg0, %add3A_38, %dma_wait3A_52] : memref<2x10112x128xf32, #tpu.memory_space<hbm>> -> memref<1x120x128xf32, #tpu.memory_space<hbm>>
      %dma_wait3A_54 = tpu.memref_squeeze %dma_wait3A_53 : memref<1x120x128xf32, #tpu.memory_space<hbm>> -> memref<120x128xf32, #tpu.memory_space<hbm>>
      %dma_wait3A_55 = arith.constant 0 : i32
      %dma_wait3A_56 = tpu.memref_slice %arg6[%arg0, %add3A_38, %dma_wait3A_55] : memref<2x10112x128xf32, #tpu.memory_space<hbm>> -> memref<1x120x128xf32, #tpu.memory_space<hbm>>
      %dma_wait3A_57 = tpu.memref_squeeze %dma_wait3A_56 : memref<1x120x128xf32, #tpu.memory_space<hbm>> -> memref<120x128xf32, #tpu.memory_space<hbm>>
      %dma_wait3A_58 = arith.constant 0 : i32
      %dma_wait3A_59 = arith.constant 0 : i32
      %dma_wait3A_60 = tpu.memref_slice %arg9[%dma_wait3A_58, %dma_wait3A_59] : memref<128x128xf32, #tpu.memory_space<vmem>> -> memref<120x128xf32, #tpu.memory_space<vmem>>
      tpu.wait_dma2 semaphore(%run_scoped3A : memref<!tpu.dma_semaphore, #tpu.memory_space<semaphore_mem>>) src(%dma_wait3A_60 : memref<120x128xf32, #tpu.memory_space<vmem>>) dst(%dma_wait3A_57 : memref<120x128xf32, #tpu.memory_space<hbm>>)
      tpu.yield
    }) : () -> ()
    return
  }
}

module attributes {stable_mosaic.version = 14 : i64} {
  func.func @_ep_body(%arg0: i32, %arg1: memref<2x1000x128xf32, #tpu.memory_space<vmem>>, %arg2: memref<1000x128xf32, #tpu.memory_space<vmem>>, %arg3: memref<1x128xf32, #tpu.memory_space<vmem>>, %arg4: memref<2x1000x128xf32, #tpu.memory_space<vmem>>, %arg5: memref<128x128xf32, #tpu.memory_space<vmem>>, %arg6: memref<1000x128xf32, #tpu.memory_space<vmem>>) attributes {dimension_semantics = [#tpu.dimension_semantics<arbitrary>], iteration_bounds = array<i64: 10>, scalar_prefetch = 0 : i64, scratch_operands = 0 : i64, tpu.core_type = #tpu.core_type<tc>, window_params = [{transform_indices = @transform_0, window_bounds = array<i64: 2, 1000, 128>}, {transform_indices = @transform_1, window_bounds = array<i64: 1000, 128>}, {pipeline_mode = #tpu.pipeline_mode<synchronous>, transform_indices = @transform_2, window_bounds = array<i64: 1, 128>}, {transform_indices = @transform_3, window_bounds = array<i64: 2, 1000, 128>}, {pipeline_mode = #tpu.pipeline_mode<synchronous>, transform_indices = @transform_4, window_bounds = array<i64: 128, 128>}, {transform_indices = @transform_5, window_bounds = array<i64: 1000, 128>}]} {
    %get3A = arith.constant 0 : index
    %get3A_0 = arith.constant 0 : index
    %get3A_1 = arith.constant 0 : index
    %get3A_2 = vector.load %arg4[%get3A, %get3A_0, %get3A_1] : memref<2x1000x128xf32, #tpu.memory_space<vmem>>, vector<1x1000x1xf32>
    %get3A_3 = vector.shape_cast %get3A_2 : vector<1x1000x1xf32> to vector<1000x1xf32>
    %get3A_4 = arith.constant 1 : index
    %get3A_5 = arith.constant 0 : index
    %get3A_6 = arith.constant 0 : index
    %get3A_7 = vector.load %arg4[%get3A_4, %get3A_5, %get3A_6] : memref<2x1000x128xf32, #tpu.memory_space<vmem>>, vector<1x1000x1xf32>
    %get3A_8 = vector.shape_cast %get3A_7 : vector<1x1000x1xf32> to vector<1000x1xf32>
    %add3A = arith.addf %get3A_3, %get3A_8 : vector<1000x1xf32>
    %add3A_9 = arith.constant 1.000000e+00 : f32
    %add3A_10 = vector.broadcast %add3A_9 : f32 to vector<1000x1xf32>
    %add3A_11 = arith.addf %add3A, %add3A_10 : vector<1000x1xf32>
    %rsqrt3A = math.rsqrt %add3A_11 : vector<1000x1xf32>
    %get3A_12 = arith.constant 0 : index
    %get3A_13 = arith.constant 0 : index
    %get3A_14 = arith.constant 0 : index
    %get3A_15 = vector.load %arg1[%get3A_12, %get3A_13, %get3A_14] : memref<2x1000x128xf32, #tpu.memory_space<vmem>>, vector<1x1000x128xf32>
    %get3A_16 = vector.shape_cast %get3A_15 : vector<1x1000x128xf32> to vector<1000x128xf32>
    %get3A_17 = arith.constant 1 : index
    %get3A_18 = arith.constant 0 : index
    %get3A_19 = arith.constant 0 : index
    %get3A_20 = vector.load %arg1[%get3A_17, %get3A_18, %get3A_19] : memref<2x1000x128xf32, #tpu.memory_space<vmem>>, vector<1x1000x128xf32>
    %get3A_21 = vector.shape_cast %get3A_20 : vector<1x1000x128xf32> to vector<1000x128xf32>
    %add3A_22 = arith.addf %get3A_16, %get3A_21 : vector<1000x128xf32>
    %get3A_23 = arith.constant 0 : index
    %get3A_24 = arith.constant 0 : index
    %get3A_25 = vector.load %arg2[%get3A_23, %get3A_24] : memref<1000x128xf32, #tpu.memory_space<vmem>>, vector<1000x128xf32>
    %add3A_26 = arith.addf %add3A_22, %get3A_25 : vector<1000x128xf32>
    %mul3A = vector.broadcast %rsqrt3A : vector<1000x1xf32> to vector<1000x128xf32>
    %mul3A_27 = arith.mulf %mul3A, %add3A_26 : vector<1000x128xf32>
    %get3A_28 = arith.constant 0 : index
    %get3A_29 = arith.constant 0 : index
    %get3A_30 = vector.load %arg3[%get3A_28, %get3A_29] : memref<1x128xf32, #tpu.memory_space<vmem>>, vector<1x128xf32>
    %add3A_31 = vector.broadcast %get3A_30 : vector<1x128xf32> to vector<1000x128xf32>
    %add3A_32 = arith.addf %mul3A_27, %add3A_31 : vector<1000x128xf32>
    %max3A = arith.constant 0.000000e+00 : f32
    %max3A_33 = vector.broadcast %max3A : f32 to vector<1000x128xf32>
    %max3A_34 = arith.maximumf %add3A_32, %max3A_33 : vector<1000x128xf32>
    %get3A_35 = arith.constant 0 : index
    %get3A_36 = arith.constant 0 : index
    %get3A_37 = vector.load %arg5[%get3A_35, %get3A_36] : memref<128x128xf32, #tpu.memory_space<vmem>>, vector<128x128xf32>
    %dot_general3A = arith.constant dense<0.000000e+00> : vector<1000x128xf32>
    %dot_general3A_38 = tpu.matmul %max3A_34, %get3A_37, %dot_general3A {dimension_numbers = #tpu.dot_dimension_numbers<[1], [0], [0], [1], [0, 0, 1, 1], [], []>, transpose_lhs_hint = false} : vector<1000x128xf32>, vector<128x128xf32>, vector<1000x128xf32> -> vector<1000x128xf32>
    %mul3A_39 = vector.broadcast %rsqrt3A : vector<1000x1xf32> to vector<1000x128xf32>
    %mul3A_40 = arith.mulf %mul3A_39, %dot_general3A_38 : vector<1000x128xf32>
    %swap3A = arith.constant 0 : index
    %swap3A_41 = arith.constant 0 : index
    %swap3A_42 = vector.load %arg6[%swap3A, %swap3A_41] : memref<1000x128xf32, #tpu.memory_space<vmem>>, vector<1000x128xf32>
    tpu.vector_store %arg6[%swap3A, %swap3A_41], %mul3A_40 {strides = array<i32>} : memref<1000x128xf32, #tpu.memory_space<vmem>>, vector<1000x128xf32>,
    return
  }
  func.func @transform_0(%arg0: i32) -> (i32, i32, i32) {
    %c0_i32 = arith.constant 0 : i32
    %c0_i32_0 = arith.constant 0 : i32
    %c0_i32_1 = arith.constant 0 : i32
    return %c0_i32, %arg0, %c0_i32_0 : i32, i32, i32
  }
  func.func @transform_1(%arg0: i32) -> (i32, i32) {
    %c0_i32 = arith.constant 0 : i32
    %c0_i32_0 = arith.constant 0 : i32
    return %arg0, %c0_i32 : i32, i32
  }
  func.func @transform_2(%arg0: i32) -> (i32, i32) {
    %c0_i32 = arith.constant 0 : i32
    %c0_i32_0 = arith.constant 0 : i32
    %c0_i32_1 = arith.constant 0 : i32
    return %c0_i32, %c0_i32_0 : i32, i32
  }
  func.func @transform_3(%arg0: i32) -> (i32, i32, i32) {
    %c0_i32 = arith.constant 0 : i32
    %c0_i32_0 = arith.constant 0 : i32
    %c0_i32_1 = arith.constant 0 : i32
    return %c0_i32, %arg0, %c0_i32_0 : i32, i32, i32
  }
  func.func @transform_4(%arg0: i32) -> (i32, i32) {
    %c0_i32 = arith.constant 0 : i32
    %c0_i32_0 = arith.constant 0 : i32
    %c0_i32_1 = arith.constant 0 : i32
    return %c0_i32, %c0_i32_0 : i32, i32
  }
  func.func @transform_5(%arg0: i32) -> (i32, i32) {
    %c0_i32 = arith.constant 0 : i32
    %c0_i32_0 = arith.constant 0 : i32
    return %arg0, %c0_i32 : i32, i32
  }
}

module attributes {stable_mosaic.version = 14 : i64} {
  func.func @_mm1_body(%arg0: i32, %arg1: memref<1000x128xf32, #tpu.memory_space<vmem>>, %arg2: memref<128x128xf32, #tpu.memory_space<vmem>>, %arg3: memref<2x1000x128xf32, #tpu.memory_space<vmem>>, %arg4: memref<1000x128xf32, #tpu.memory_space<vmem>>) attributes {dimension_semantics = [#tpu.dimension_semantics<arbitrary>], iteration_bounds = array<i64: 10>, scalar_prefetch = 0 : i64, scratch_operands = 0 : i64, tpu.core_type = #tpu.core_type<tc>, window_params = [{transform_indices = @transform_0, window_bounds = array<i64: 1000, 128>}, {pipeline_mode = #tpu.pipeline_mode<synchronous>, transform_indices = @transform_1, window_bounds = array<i64: 128, 128>}, {transform_indices = @transform_2, window_bounds = array<i64: 2, 1000, 128>}, {transform_indices = @transform_3, window_bounds = array<i64: 1000, 128>}]} {
    %get3A = arith.constant 0 : index
    %get3A_0 = arith.constant 0 : index
    %get3A_1 = arith.constant 0 : index
    %get3A_2 = vector.load %arg3[%get3A, %get3A_0, %get3A_1] : memref<2x1000x128xf32, #tpu.memory_space<vmem>>, vector<1x1000x1xf32>
    %get3A_3 = vector.shape_cast %get3A_2 : vector<1x1000x1xf32> to vector<1000x1xf32>
    %get3A_4 = arith.constant 1 : index
    %get3A_5 = arith.constant 0 : index
    %get3A_6 = arith.constant 0 : index
    %get3A_7 = vector.load %arg3[%get3A_4, %get3A_5, %get3A_6] : memref<2x1000x128xf32, #tpu.memory_space<vmem>>, vector<1x1000x1xf32>
    %get3A_8 = vector.shape_cast %get3A_7 : vector<1x1000x1xf32> to vector<1000x1xf32>
    %add3A = arith.addf %get3A_3, %get3A_8 : vector<1000x1xf32>
    %add3A_9 = arith.constant 1.000000e+00 : f32
    %add3A_10 = vector.broadcast %add3A_9 : f32 to vector<1000x1xf32>
    %add3A_11 = arith.addf %add3A, %add3A_10 : vector<1000x1xf32>
    %rsqrt3A = math.rsqrt %add3A_11 : vector<1000x1xf32>
    %get3A_12 = arith.constant 0 : index
    %get3A_13 = arith.constant 0 : index
    %get3A_14 = vector.load %arg1[%get3A_12, %get3A_13] : memref<1000x128xf32, #tpu.memory_space<vmem>>, vector<1000x128xf32>
    %get3A_15 = arith.constant 0 : index
    %get3A_16 = arith.constant 0 : index
    %get3A_17 = vector.load %arg2[%get3A_15, %get3A_16] : memref<128x128xf32, #tpu.memory_space<vmem>>, vector<128x128xf32>
    %dot_general3A = arith.constant dense<0.000000e+00> : vector<1000x128xf32>
    %dot_general3A_18 = tpu.matmul %get3A_14, %get3A_17, %dot_general3A {dimension_numbers = #tpu.dot_dimension_numbers<[1], [0], [0], [1], [0, 0, 1, 1], [], []>, transpose_lhs_hint = false} : vector<1000x128xf32>, vector<128x128xf32>, vector<1000x128xf32> -> vector<1000x128xf32>
    %mul3A = vector.broadcast %rsqrt3A : vector<1000x1xf32> to vector<1000x128xf32>
    %mul3A_19 = arith.mulf %mul3A, %dot_general3A_18 : vector<1000x128xf32>
    %swap3A = arith.constant 0 : index
    %swap3A_20 = arith.constant 0 : index
    %swap3A_21 = vector.load %arg4[%swap3A, %swap3A_20] : memref<1000x128xf32, #tpu.memory_space<vmem>>, vector<1000x128xf32>
    tpu.vector_store %arg4[%swap3A, %swap3A_20], %mul3A_19 {strides = array<i32>} : memref<1000x128xf32, #tpu.memory_space<vmem>>, vector<1000x128xf32>,
    return
  }
  func.func @transform_0(%arg0: i32) -> (i32, i32) {
    %c0_i32 = arith.constant 0 : i32
    %c0_i32_0 = arith.constant 0 : i32
    return %arg0, %c0_i32 : i32, i32
  }
  func.func @transform_1(%arg0: i32) -> (i32, i32) {
    %c0_i32 = arith.constant 0 : i32
    %c0_i32_0 = arith.constant 0 : i32
    %c0_i32_1 = arith.constant 0 : i32
    return %c0_i32, %c0_i32_0 : i32, i32
  }
  func.func @transform_2(%arg0: i32) -> (i32, i32, i32) {
    %c0_i32 = arith.constant 0 : i32
    %c0_i32_0 = arith.constant 0 : i32
    %c0_i32_1 = arith.constant 0 : i32
    return %c0_i32, %arg0, %c0_i32_0 : i32, i32, i32
  }
  func.func @transform_3(%arg0: i32) -> (i32, i32) {
    %c0_i32 = arith.constant 0 : i32
    %c0_i32_0 = arith.constant 0 : i32
    return %arg0, %c0_i32 : i32, i32
  }
}

module attributes {stable_mosaic.version = 14 : i64} {
  func.func @_pool_body(%arg0: i32, %arg1: memref<2x1000x128xf32, #tpu.memory_space<vmem>>, %arg2: memref<1000x128xf32, #tpu.memory_space<vmem>>, %arg3: memref<1x128xf32, #tpu.memory_space<vmem>>, %arg4: memref<2x1000x128xf32, #tpu.memory_space<vmem>>, %arg5: memref<1x1x1000xi32, #tpu.memory_space<vmem>>, %arg6: memref<256x128xf32, #tpu.memory_space<vmem>>, %arg7: memref<256x128xf32, #tpu.memory_space<vmem>>, %arg8: memref<256x128xf32, #tpu.memory_space<vmem>>) attributes {dimension_semantics = [#tpu.dimension_semantics<arbitrary>], iteration_bounds = array<i64: 10>, scalar_prefetch = 0 : i64, scratch_operands = 2 : i64, tpu.core_type = #tpu.core_type<tc>, window_params = [{transform_indices = @transform_0, window_bounds = array<i64: 2, 1000, 128>}, {transform_indices = @transform_1, window_bounds = array<i64: 1000, 128>}, {pipeline_mode = #tpu.pipeline_mode<synchronous>, transform_indices = @transform_2, window_bounds = array<i64: 1, 128>}, {transform_indices = @transform_3, window_bounds = array<i64: 2, 1000, 128>}, {transform_indices = @transform_4, window_bounds = array<i64: 1, 1, 1000>}, {pipeline_mode = #tpu.pipeline_mode<synchronous>, transform_indices = @transform_5, window_bounds = array<i64: 256, 128>}]} {
    %get3A = arith.constant 0 : index
    %get3A_0 = arith.constant 0 : index
    %get3A_1 = arith.constant 0 : index
    %get3A_2 = vector.load %arg4[%get3A, %get3A_0, %get3A_1] : memref<2x1000x128xf32, #tpu.memory_space<vmem>>, vector<1x1000x1xf32>
    %get3A_3 = vector.shape_cast %get3A_2 : vector<1x1000x1xf32> to vector<1000x1xf32>
    %get3A_4 = arith.constant 1 : index
    %get3A_5 = arith.constant 0 : index
    %get3A_6 = arith.constant 0 : index
    %get3A_7 = vector.load %arg4[%get3A_4, %get3A_5, %get3A_6] : memref<2x1000x128xf32, #tpu.memory_space<vmem>>, vector<1x1000x1xf32>
    %get3A_8 = vector.shape_cast %get3A_7 : vector<1x1000x1xf32> to vector<1000x1xf32>
    %add3A = arith.addf %get3A_3, %get3A_8 : vector<1000x1xf32>
    %add3A_9 = arith.constant 1.000000e+00 : f32
    %add3A_10 = vector.broadcast %add3A_9 : f32 to vector<1000x1xf32>
    %add3A_11 = arith.addf %add3A, %add3A_10 : vector<1000x1xf32>
    %rsqrt3A = math.rsqrt %add3A_11 : vector<1000x1xf32>
    %get3A_12 = arith.constant 0 : index
    %get3A_13 = arith.constant 0 : index
    %get3A_14 = arith.constant 0 : index
    %get3A_15 = vector.load %arg1[%get3A_12, %get3A_13, %get3A_14] : memref<2x1000x128xf32, #tpu.memory_space<vmem>>, vector<1x1000x128xf32>
    %get3A_16 = vector.shape_cast %get3A_15 : vector<1x1000x128xf32> to vector<1000x128xf32>
    %get3A_17 = arith.constant 1 : index
    %get3A_18 = arith.constant 0 : index
    %get3A_19 = arith.constant 0 : index
    %get3A_20 = vector.load %arg1[%get3A_17, %get3A_18, %get3A_19] : memref<2x1000x128xf32, #tpu.memory_space<vmem>>, vector<1x1000x128xf32>
    %get3A_21 = vector.shape_cast %get3A_20 : vector<1x1000x128xf32> to vector<1000x128xf32>
    %add3A_22 = arith.addf %get3A_16, %get3A_21 : vector<1000x128xf32>
    %get3A_23 = arith.constant 0 : index
    %get3A_24 = arith.constant 0 : index
    %get3A_25 = vector.load %arg2[%get3A_23, %get3A_24] : memref<1000x128xf32, #tpu.memory_space<vmem>>, vector<1000x128xf32>
    %add3A_26 = arith.addf %add3A_22, %get3A_25 : vector<1000x128xf32>
    %mul3A = vector.broadcast %rsqrt3A : vector<1000x1xf32> to vector<1000x128xf32>
    %mul3A_27 = arith.mulf %mul3A, %add3A_26 : vector<1000x128xf32>
    %get3A_28 = arith.constant 0 : index
    %get3A_29 = arith.constant 0 : index
    %get3A_30 = vector.load %arg3[%get3A_28, %get3A_29] : memref<1x128xf32, #tpu.memory_space<vmem>>, vector<1x128xf32>
    %add3A_31 = vector.broadcast %get3A_30 : vector<1x128xf32> to vector<1000x128xf32>
    %add3A_32 = arith.addf %mul3A_27, %add3A_31 : vector<1000x128xf32>
    %max3A = arith.constant 0.000000e+00 : f32
    %max3A_33 = vector.broadcast %max3A : f32 to vector<1000x128xf32>
    %max3A_34 = arith.maximumf %add3A_32, %max3A_33 : vector<1000x128xf32>
    %get3A_35 = arith.constant 0 : index
    %get3A_36 = arith.constant 0 : index
    %get3A_37 = arith.constant 0 : index
    %get3A_38 = vector.load %arg5[%get3A_35, %get3A_36, %get3A_37] : memref<1x1x1000xi32, #tpu.memory_space<vmem>>, vector<1x1x1000xi32>
    %get3A_39 = vector.shape_cast %get3A_38 : vector<1x1x1000xi32> to vector<1x1000xi32>
    %iota3A = tpu.iota {dimensions = array<i32: 0>} : vector<256x1000xi32>
    %eq3A = vector.broadcast %get3A_39 : vector<1x1000xi32> to vector<256x1000xi32>
    %eq3A_40 = arith.cmpi eq, %eq3A, %iota3A : vector<256x1000xi32>
    %convert_element_type3A = arith.extui %eq3A_40 : vector<256x1000xi1> to vector<256x1000xi32>
    %convert_element_type3A_41 = arith.sitofp %convert_element_type3A : vector<256x1000xi32> to vector<256x1000xf32>
    %eq3A_42 = arith.constant 0 : i32
    %eq3A_43 = arith.cmpi eq, %arg0, %eq3A_42 : i32
    %convert_element_type3A_44 = arith.extui %eq3A_43 : i1 to i32
    %cond3A = arith.constant 0 : i32
    %cond3A_45 = arith.cmpi ne, %convert_element_type3A_44, %cond3A : i32
    scf.if %cond3A_45 {
      %broadcast_in_dim3A_67 = arith.constant 0.000000e+00 : f32
      %broadcast_in_dim3A_68 = vector.broadcast %broadcast_in_dim3A_67 : f32 to vector<256x128xf32>
      %swap3A_69 = arith.constant 0 : index
      %swap3A_70 = arith.constant 0 : index
      %swap3A_71 = vector.load %arg7[%swap3A_69, %swap3A_70] : memref<256x128xf32, #tpu.memory_space<vmem>>, vector<256x128xf32>
      tpu.vector_store %arg7[%swap3A_69, %swap3A_70], %broadcast_in_dim3A_68 {strides = array<i32>} : memref<256x128xf32, #tpu.memory_space<vmem>>, vector<256x128xf32>,
      %broadcast_in_dim3A_72 = arith.constant 0.000000e+00 : f32
      %broadcast_in_dim3A_73 = vector.broadcast %broadcast_in_dim3A_72 : f32 to vector<256x128xf32>
      %swap3A_74 = arith.constant 0 : index
      %swap3A_75 = arith.constant 0 : index
      %swap3A_76 = vector.load %arg8[%swap3A_74, %swap3A_75] : memref<256x128xf32, #tpu.memory_space<vmem>>, vector<256x128xf32>
      tpu.vector_store %arg8[%swap3A_74, %swap3A_75], %broadcast_in_dim3A_73 {strides = array<i32>} : memref<256x128xf32, #tpu.memory_space<vmem>>, vector<256x128xf32>,
    } else {
    }
    %get3A_46 = arith.constant 0 : index
    %get3A_47 = arith.constant 0 : index
    %get3A_48 = vector.load %arg7[%get3A_46, %get3A_47] : memref<256x128xf32, #tpu.memory_space<vmem>>, vector<256x128xf32>
    %dot_general3A = arith.constant dense<0.000000e+00> : vector<256x128xf32>
    %dot_general3A_49 = tpu.matmul %convert_element_type3A_41, %max3A_34, %dot_general3A {dimension_numbers = #tpu.dot_dimension_numbers<[1], [0], [0], [1], [0, 0, 1, 1], [], []>, transpose_lhs_hint = false} : vector<256x1000xf32>, vector<1000x128xf32>, vector<256x128xf32> -> vector<256x128xf32>
    %add3A_50 = arith.addf %get3A_48, %dot_general3A_49 : vector<256x128xf32>
    %swap3A = arith.constant 0 : index
    %swap3A_51 = arith.constant 0 : index
    %swap3A_52 = vector.load %arg7[%swap3A, %swap3A_51] : memref<256x128xf32, #tpu.memory_space<vmem>>, vector<256x128xf32>
    tpu.vector_store %arg7[%swap3A, %swap3A_51], %add3A_50 {strides = array<i32>} : memref<256x128xf32, #tpu.memory_space<vmem>>, vector<256x128xf32>,
    %get3A_53 = arith.constant 0 : index
    %get3A_54 = arith.constant 0 : index
    %get3A_55 = vector.load %arg8[%get3A_53, %get3A_54] : memref<256x128xf32, #tpu.memory_space<vmem>>, vector<256x128xf32>
    %reduce_sum3A = arith.constant dense<0.000000e+00> : vector<256xf32>
    %reduce_sum3A_56 = vector.multi_reduction <add>, %convert_element_type3A_41, %reduce_sum3A [1] : vector<256x1000xf32> to vector<256xf32>
    %broadcast_in_dim3A = vector.shape_cast %reduce_sum3A_56 : vector<256xf32> to vector<256x1xf32>
    %add3A_57 = vector.broadcast %broadcast_in_dim3A : vector<256x1xf32> to vector<256x128xf32>
    %add3A_58 = arith.addf %get3A_55, %add3A_57 : vector<256x128xf32>
    %swap3A_59 = arith.constant 0 : index
    %swap3A_60 = arith.constant 0 : index
    %swap3A_61 = vector.load %arg8[%swap3A_59, %swap3A_60] : memref<256x128xf32, #tpu.memory_space<vmem>>, vector<256x128xf32>
    tpu.vector_store %arg8[%swap3A_59, %swap3A_60], %add3A_58 {strides = array<i32>} : memref<256x128xf32, #tpu.memory_space<vmem>>, vector<256x128xf32>,
    %eq3A_62 = arith.constant 9 : i32
    %eq3A_63 = arith.cmpi eq, %arg0, %eq3A_62 : i32
    %convert_element_type3A_64 = arith.extui %eq3A_63 : i1 to i32
    %cond3A_65 = arith.constant 0 : i32
    %cond3A_66 = arith.cmpi ne, %convert_element_type3A_64, %cond3A_65 : i32
    scf.if %cond3A_66 {
      %get3A_67 = arith.constant 0 : index
      %get3A_68 = arith.constant 0 : index
      %get3A_69 = vector.load %arg7[%get3A_67, %get3A_68] : memref<256x128xf32, #tpu.memory_space<vmem>>, vector<256x128xf32>
      %get3A_70 = arith.constant 0 : index
      %get3A_71 = arith.constant 0 : index
      %get3A_72 = vector.load %arg8[%get3A_70, %get3A_71] : memref<256x128xf32, #tpu.memory_space<vmem>>, vector<256x128xf32>
      %max3A_73 = arith.constant 1.000000e+00 : f32
      %max3A_74 = vector.broadcast %max3A_73 : f32 to vector<256x128xf32>
      %max3A_75 = arith.maximumf %get3A_72, %max3A_74 : vector<256x128xf32>
      %div3A = arith.divf %get3A_69, %max3A_75 : vector<256x128xf32>
      %swap3A_76 = arith.constant 0 : index
      %swap3A_77 = arith.constant 0 : index
      %swap3A_78 = vector.load %arg6[%swap3A_76, %swap3A_77] : memref<256x128xf32, #tpu.memory_space<vmem>>, vector<256x128xf32>
      tpu.vector_store %arg6[%swap3A_76, %swap3A_77], %div3A {strides = array<i32>} : memref<256x128xf32, #tpu.memory_space<vmem>>, vector<256x128xf32>,
    } else {
    }
    return
  }
  func.func @transform_0(%arg0: i32) -> (i32, i32, i32) {
    %c0_i32 = arith.constant 0 : i32
    %c0_i32_0 = arith.constant 0 : i32
    %c0_i32_1 = arith.constant 0 : i32
    return %c0_i32, %arg0, %c0_i32_0 : i32, i32, i32
  }
  func.func @transform_1(%arg0: i32) -> (i32, i32) {
    %c0_i32 = arith.constant 0 : i32
    %c0_i32_0 = arith.constant 0 : i32
    return %arg0, %c0_i32 : i32, i32
  }
  func.func @transform_2(%arg0: i32) -> (i32, i32) {
    %c0_i32 = arith.constant 0 : i32
    %c0_i32_0 = arith.constant 0 : i32
    %c0_i32_1 = arith.constant 0 : i32
    return %c0_i32, %c0_i32_0 : i32, i32
  }
  func.func @transform_3(%arg0: i32) -> (i32, i32, i32) {
    %c0_i32 = arith.constant 0 : i32
    %c0_i32_0 = arith.constant 0 : i32
    %c0_i32_1 = arith.constant 0 : i32
    return %c0_i32, %arg0, %c0_i32_0 : i32, i32, i32
  }
  func.func @transform_4(%arg0: i32) -> (i32, i32, i32) {
    %c0_i32 = arith.constant 0 : i32
    %c0_i32_0 = arith.constant 0 : i32
    %c0_i32_1 = arith.constant 0 : i32
    return %arg0, %c0_i32, %c0_i32_0 : i32, i32, i32
  }
  func.func @transform_5(%arg0: i32) -> (i32, i32) {
    %c0_i32 = arith.constant 0 : i32
    %c0_i32_0 = arith.constant 0 : i32
    %c0_i32_1 = arith.constant 0 : i32
    return %c0_i32, %c0_i32_0 : i32, i32
  }
}

</mosaic_0001>

<sc_bundles>
// kernel: kernel.12.cloned.1.call-start
scs
__scs_entry_jumppad:
0x0: {  	(pc) =	sbr.rel $0x88, $3  }
0x1: {  	(tag) =	ssettag $0x0;
	lr =	simm.s32 $0x1  }
0x2: {  	[smem:$0x3F96] =	sst lr;
	_ =	strace $0xD0000000  }
0x3: {  	_ = 	snop  }
0x4: {  	_ = 	snop  }
0x5: {  	_ = 	snop  }
0x6: {  	_ = 	snop  }
0x7: {  	_ = 	snop  }
__scs_overlays_trampoline_lowered:
0x8: {  	[smem:$0x3FA5] =	sst s0  }
0x9: {  	[smem:$0x3FA6] =	sst s1  }
0xa: {  	[smem:$0x3FA7] =	sst s2  }
0xb: {  	[smem:$0x3FA8] =	sst s3  }
0xc: {  	[smem:$0x3FA9] =	sst s4  }
0xd: {  	[smem:$0x3FAA] =	sst s5  }
0xe: {  	[smem:$0x3FAB] =	sst s6  }
0xf: {  	[smem:$0x3FAC] =	sst s7  }
0x10: {  	[smem:$0x3FAD] =	sst s8  }
0x11: {  	[smem:$0x3FAE] =	sst s9;
	s0 =	simm.s32 @!p0 $0x0  }
0x12: {  	s1 =	sld [smem:$0x3F94];
	s0 =	simm.s32 @p0 $0x1  }
0x13: {  	[smem:$0x3FAF] =	sst s0;
	s0 =	simm.s32 @!p1 $0x0  }
0x14: {  	s2 =	sld [smem:$0x3F93];
	s0 =	simm.s32 @p1 $0x1  }
0x15: {  	[smem:$0x3FB0] =	sst s0;
	s0 =	simm.s32 @!p2 $0x0  }
0x16: {  	s3 =	sld [smem:$0x3FDB];
	s0 =	simm.s32 @p2 $0x1  }
0x17: {  	s4 =	simm.s32 $0x1BF5;
	[smem:$0x3FB2] =	sst s0  }
0x18: {  	s0 =	sld [smem:$0x3F95];
	_ =	swait.ge [sflag:s4], $0x0  }
0x19: {  	s7 =	sld [smem:$0x3F96]  }
0x1a: {  	s8 =	sadd.s32 $0xFFFFE003, lr  }
0x1b: {  	s9 =	sadd.s32 $0xFFFFFEF7, lr;
	s5 =	simm.s32 $0xFFFFFFFF;
	p2 =	slt.u32 s8, $0xFFFFF086  }
0x1c: {  	p1 =	slt.u32 s9, $0xF7A;
	s5 =	simm.s32 @!p2 $0x0  }
0x1d: {  	s5 =	simm.s32 @p1 $0x1;
	p0 =	seq.s32 s7, s2  }
0x1e: {  	s7 =	smul.u32 @!p0 $0xF7A, s2;
	p2 =	seq.s32 @!p0 s5, $0x0  }
0x1f: {  	s9 =	smul.u32 $0xF7A, s1;
	s8 =	simm.s32 @!p0 $0x1BF5;
	p2 =	por !p2, p0  }
0x20: {  	[sflag:s8] =	ssyncset.s32 @!p0 $0xFFFFF086;
	s6 =	sadd.s32 @!p0 s3, s7;
	s7 =	simm.s32 @!p0 $0x108  }
0x21: {  	s3 =	sadd.s32 s3, s9;
	s6 =	sadd.s32 @!p0 $0x88, s6;
	s7 =	simm.s32 @p2 $0x1082  }
0x22: {  	[simem:s7], [sflag:s8] =	dma.local @!p0 [hbm:s6], $0xF7A  }
0x23: {  	s9 =	sor.u32 $0xD0000000, s2;
	s6 =	simm.s32 $0x108;
	_ =	swait.ge @!p0 [sflag:s8], $0x0  }
0x24: {  	s3 =	sadd.s32 $0x88, s3;
	s6 =	simm.s32 @!p1 $0x1082;
	[sflag:s4] =	ssyncset.s32 $0xFFFFF086  }
0x25: {  	[simem:s6], [sflag:s4] =	dma.local [hbm:s3], $0xF7A  }
0x26: {  	[smem:$0x3F96] =	sst s1;
	(tag) =	ssettag s2;
	_ =	strace s9  }
0x27: {  	s1 =	sld [smem:$0x3FA6]  }
0x28: {  	s2 =	sld [smem:$0x3FA7]  }
0x29: {  	s4 =	sld [smem:$0x3FA9]  }
0x2a: {  	p0 =	seq.s32 s5, $0x0;
	s5 =	sld [smem:$0x3FAA]  }
0x2b: {  	s6 =	sld [smem:$0x3FAB]  }
0x2c: {  	s7 =	sld [smem:$0x3FAC]  }
0x2d: {  	s3 =	simm.s32 $0x108;
	s8 =	sld [smem:$0x3FAD]  }
0x2e: {  	s3 =	simm.s32 @!p0 $0x1082;
	s9 =	sld [smem:$0x3FAE]  }
0x2f: {  	lr =	sadd.s32 s0, s3;
	s0 =	sld [smem:$0x3FA5]  }
0x30: {  	s3 =	sld [smem:$0x3FA8]  }
0x31: {  	[smem:$0x3FB1] =	sst s10  }
0x32: {  	s10 =	sld [smem:$0x3FAF];
	_ =	sdelay $0x3  }
0x33: {  	p0 =	seq.s32 s10, $0x1;
	s10 =	sld [smem:$0x3FB1];
	_ =	sdelay $0x3  }
0x34: {  	[smem:$0x3FB1] =	sst s10  }
0x35: {  	s10 =	sld [smem:$0x3FB0];
	_ =	sdelay $0x3  }
0x36: {  	p1 =	seq.s32 s10, $0x1;
	s10 =	sld [smem:$0x3FB1];
	_ =	sdelay $0x3  }
0x37: {  	[smem:$0x3FB1] =	sst s10  }
0x38: {  	s10 =	sld [smem:$0x3FB2]  }
0x39: {  	_ = 	snop;
	(pc) =	sbr.ind lr, $3  }
0x3a: {  	_ = 	snop  }
0x3b: {  	_ = 	snop  }
0x3c: {  	p2 =	seq.s32 s10, $0x1;
	s10 =	sld [smem:$0x3FB1]  }
0x3d: {  	_ =	shalt  }
0x3e: {  	_ =	shalt  }
0x3f: {  	_ =	shalt  }
0x40: {  	_ =	shalt  }
0x41: {  	_ =	shalt  }
0x42: {  	_ =	shalt  }
0x43: {  	_ =	shalt  }
0x44: {  	_ =	shalt  }
0x45: {  	_ =	shalt  }
0x46: {  	_ =	shalt  }
0x47: {  	_ =	shalt  }
0x48: {  	_ =	shalt  }
0x49: {  	_ =	shalt  }
0x4a: {  	_ =	shalt  }
0x4b: {  	_ =	shalt  }
0x4c: {  	_ =	shalt  }
0x4d: {  	_ =	shalt  }
0x4e: {  	_ =	shalt  }
0x4f: {  	_ =	shalt  }
0x50: {  	_ =	shalt  }
0x51: {  	_ =	shalt  }
0x52: {  	_ =	shalt  }
0x53: {  	_ =	shalt  }
0x54: {  	_ =	shalt  }
0x55: {  	_ =	shalt  }
0x56: {  	_ =	shalt  }
0x57: {  	_ =	shalt  }
0x58: {  	_ =	shalt  }
0x59: {  	_ =	shalt  }
0x5a: {  	_ =	shalt  }
0x5b: {  	_ =	shalt  }
0x5c: {  	_ =	shalt  }
0x5d: {  	_ =	shalt  }
0x5e: {  	_ =	shalt  }
0x5f: {  	_ =	shalt  }
0x60: {  	_ =	shalt  }
0x61: {  	_ =	shalt  }
0x62: {  	_ =	shalt  }
0x63: {  	_ =	shalt  }
0x64: {  	_ =	shalt  }
0x65: {  	_ =	shalt  }
0x66: {  	_ =	shalt  }
0x67: {  	_ =	shalt  }
0x68: {  	_ =	shalt  }
0x69: {  	_ =	shalt  }
0x6a: {  	_ =	shalt  }
0x6b: {  	_ =	shalt  }
0x6c: {  	_ =	shalt  }
0x6d: {  	_ =	shalt  }
0x6e: {  	_ =	shalt  }
0x6f: {  	_ =	shalt  }
0x70: {  	_ =	shalt  }
0x71: {  	_ =	shalt  }
0x72: {  	_ =	shalt  }
0x73: {  	_ =	shalt  }
0x74: {  	_ =	shalt  }
0x75: {  	_ =	shalt  }
0x76: {  	_ =	shalt  }
0x77: {  	_ =	shalt  }
0x78: {  	_ =	shalt  }
0x79: {  	_ =	shalt  }
0x7a: {  	_ =	shalt  }
0x7b: {  	_ =	shalt  }
0x7c: {  	_ =	shalt  }
0x7d: {  	_ =	shalt  }
0x7e: {  	_ =	shalt  }
0x7f: {  	_ =	shalt  }
0x80: {  	_ =	shalt  }
0x81: {  	_ =	shalt  }
0x82: {  	_ =	shalt  }
0x83: {  	_ =	shalt  }
0x84: {  	_ =	shalt  }
0x85: {  	_ =	shalt  }
0x86: {  	_ =	shalt  }
0x87: {  	_ =	shalt  }
.Lfunc_end0:
.L_simem_size_0:
called_computation_lowered:
.L_overlay_start_0:
0x88: {  	s2 =	sld [smem:$0x3FD9]  }
0x89: {  	s3 =	sld [smem:$0x3FFE];
	_ =	sdelay $0x1  }
0x8a: {  	s1 =	srdreg.scid  }
0x8b: {  	s0 =	sand.u32 $0x1, s1  }
0x8c: {  	s17 =	sshll.u32 s0, $0xA;
	s2 =	sadd.s32 s3, s2  }
0x8d: {  	s2 =	sadd.s32 s2, s17  }
0x8e: {  	[smem:$0x3FBD] =	sst s2  }
0x8f: {  	_ = 	snop  }
0x90: {  	s2 =	sld [smem:$0x3FD0];
	(tm) =	ssettm $0x1  }
0x91: {  	s18 =	sld [smem:$0x3FFB];
	_ =	sdelay $0x3  }
0x92: {  	_ =	strace s18  }
0x93: {  	s3 =	sld [smem:$0x3FFC];
	_ =	sdelay $0x3  }
0x94: {  	_ =	strace s3  }
0x95: {  	s3 =	sld [smem:$0x3FFD];
	_ =	sdelay $0x3  }
0x96: {  	_ =	strace s3  }
0x97: {  	_ =	strace $0x8FFFFFFF  }
0x98: {  	s19 =	sld [smem:$0x3FDB];
	_ =	sdelay $0x1  }
0x99: {  	s4 =	simm.s32 $_scs_section_size  }
0x9a: {  	s5 =	simm.s32 $_size__tile_overlayer_lowered;
	s6 =	simm.s32 $_tile_overlayer_lowered  }
0x9b: {  	s22 =	simm.s32 $0x1BFF;
	s21 =	sshll.u32 s6, $0x1;
	s3 =	sadd.s32 s4, s19  }
0x9c: {  	s7 =	simm.s32 $0x0;
	s20 =	sshll.u32 s5, $0x1;
	s5 =	sadd.s32 s21, s3  }
0x9d: {  	[timem:s7], [sflag:s22] =	dma.local [hbm:s5], s20  }
0x9e: {  	_ =	swait.ge [sflag:s22], s20  }
0x9f: {  	s4 =	ssub.s32 $0x0, s20;
	[sflag:s22] =	ssyncset.done $0x0  }
0xa0: {  	[sflag:s22] =	ssyncadd.s32 s4;
	_ =	sdelay $0x1  }
0xa1: {  	s23 =	simm.s32 $0x1B8B  }
0xa2: {  	_ =	swait.ge [sflag:s23], $0x1  }
0xa3: {  	[sflag:s23] =	ssyncset.done $0x0  }
0xa4: {  	s25 =	simm.s32 $0x1B8E;
	s24 =	sld [smem:$0x3FFE];
	[sflag:s23] =	ssyncadd.s32 $0xFFFFFFFF  }
0xa5: {  	s26 =	simm.s32 $execute0_lowered;
	[smem:$0x3FD2] =	sst s25  }
0xa6: {  	s5 =	sshll.u32 s26, $0x1;
	_ =	strace $0x80000046;
	[dreg:$0x1] =	wrdreg $0xFFFFFFFF  }
0xa7: {  	s28 =	simm.s32 $_size_execute0_lowered;
	s3 =	sadd.s32 s3, s5;
	[dreg:$0x0] =	wrdreg $0x0  }
0xa8: {  	s5 =	sshll.u32 s28, $0x1;
	[dreg:$0x2] =	wrdreg s3  }
0xa9: {  	[dreg:$0x3] =	wrdreg s5  }
0xaa: {  	[dreg:$0x4] =	wrdreg $0xC0  }
0xab: {  	_ =	task [dreg:s7], $0x5FFFF  }
0xac: {  	[dreg:$0x1] =	wrdreg $0xFFFFFFFF  }
0xad: {  	[dreg:$0x0] =	wrdreg $0x60  }
0xae: {  	[dreg:$0x2] =	wrdreg s24  }
0xaf: {  	[dreg:$0x3] =	wrdreg s2  }
0xb0: {  	[dreg:$0x4] =	wrdreg $0x41000  }
0xb1: {  	[dreg:$0x5] =	wrdreg $0x9  }
0xb2: {  	_ =	task.clear_ibuf [dreg:s7], $0x6FFFF;
	_ =	strace $0x90000046  }
0xb3: {  	s29 =	simm.s32 $0x9;
	_ =	strace $0x80000048  }
0xb4: {  	_ =	swait.ge [sflag:s29], $0x1  }
0xb5: {  	[sflag:s29] =	ssyncadd.s32 $0xFFFFFFFF  }
0xb6: {  	_ =	strace $0x90000048  }
0xb7: {  	_ =	sfence  }
0xb8: {  	s30 =	sld [smem:$0x0];
	_ =	sdelay $0x2  }
0xb9: {  	s31 =	sshll.u32 s1, $0xD;
	s1 =	sshrl.u32 s1, $0x2  }
0xba: {  	s3 =	sand.u32 $0x4000, s31;
	s1 =	sadd.s32 s1, s30  }
0xbb: {  	s0 =	sor.u32 s3, s0;
	s1 =	sshll.u32 s1, $0x11  }
0xbc: {  	s0 =	sor.u32 s1, s0  }
0xbd: {  	s0 =	sadd.s32 $0x8F2B, s0  }
0xbe: {  	[sflag:s0] =	ssyncadd.remote.s32 $0x1  }
0xbf: {  	_ =	sfence.sel $0xFFFF  }
0xc0: {  	[dreg:$0x0] =	wrdreg $0xFFFFFFFF;
	(pc) =	sbr.abs _section_cstart, $3  }
0xc1: {  	[dreg:$0x1] =	wrdreg $0xFFFFFFFF  }
0xc2: {  	_ =	task.clear_ibuf [dreg:s7], $0x2FFFF;
	_ =	strace $0x9FFFFFFF  }
0xc3: {  	(tm) =	ssettm $0x7FFFFFFF  }
tec
execute0_lowered:
.L_overlay_start_1:
0x0: {  	(tag) =	ssettag $0x1  }
0x1: {  	s7 =	rddreg [dreg:$0x0]  }
0x2: {  	s1 =	rddreg [dreg:$0x1]  }
0x3: {  	s2 =	rddreg [dreg:$0x2]  }
0x4: {  	s0 =	rddreg [dreg:$0x3];
	s3 =	simm.s32 $0x0  }
0x5: {  	s6 =	srdreg.scid;
	s4 =	stileid.u32;
	s22 =	simm.s32 $0x1  }
0x6: {  	s23 =	simm.s32 $0x0;
	[smem:$0x7FF] =	sst s3;
	s5 =	sadd.s32 $0xE000, s7  }
0x7: {  	s8 =	sand.u32 $0x1, s6;
	s6 =	sadd.s32 $0x4000, s7;
	s10 =	smul.u32 $0x4F000, s4  }
0x8: {  	s17 =	sadd.s32 $0x35800, s7;
	s11 =	smul.u32 $0x13C00, s4;
	_ =	strace $0x80000047  }
0x9: {  	s9 =	ssub.s32 $0x2, s8;
	s30 =	sshll.u32 s8, $0x4;
	s19 =	smul.u32 $0x13C000, s8  }
0xa: {  	s29 =	sshrl.u32 s9, $0x1;
	s31 =	sshrl.u32 s10, $0x2;
	s12 =	sor.u32 s4, s30  }
0xb: {  	s13 =	sadd.s32 $0x4000, s11;
	s15 =	sadd.s32 $0x8000, s11;
	s16 =	sadd.s32 $0xC000, s11  }
0xc: {  	s20 =	sadd.s32 $0x10000, s11;
	s18 =	ssub.s32 s9, s29;
	s7 =	sadd.s32 s31, s2  }
0xd: {  	s8 =	sadd.s32 s13, s2;
	s9 =	sadd.s32 s15, s2;
	s10 =	sadd.s32 s16, s2  }
0xe: {  	s14 =	sadd.s32 s11, s19;
	s13 =	sadd.s32 s19, s13;
	s11 =	sadd.s32 s20, s2  }
0xf: {  	s12 =	smul.u32 $0x2800, s12;
	s15 =	sadd.s32 s19, s15;
	s16 =	sadd.s32 s19, s16  }
0x10: {  	s19 =	sadd.s32 s19, s20;
	s20 =	simm.s32 $0x2;
	s14 =	sshrl.u32 s14, $0x3  }
0x11: {  	s21 =	sshrl.u32 s13, $0x3;
	s15 =	sshrl.u32 s15, $0x3;
	s16 =	sshrl.u32 s16, $0x3  }
0x12: {  	s19 =	sshrl.u32 s19, $0x3;
	s18 =	smax.u32 s18, $0x1;
	s13 =	sadd.s32 s17, s14  }
0x13: {  	s14 =	sadd.s32 s17, s21;
	s15 =	sadd.s32 s17, s15;
	s16 =	sadd.s32 s17, s16  }
0x14: {  	s17 =	sadd.s32 s17, s19;
	s19 =	simm.s32 $0x100;
	s21 =	simm.s32 $0x80  }
.LBB2_1:
0x15: {  	[tilespmem:s19], [sflag:$0x2] =	stream.linear.gather [hbm4b:s1+s3], $0x4000, $0x38;
	[tilespmem:$0x17D00] =	vst v63  }
0x16: {  	_ =	swait.ge [sflag:s20], $0x4000  }
0x17: {  	[sflag:s20] =	ssyncset.done $0x0  }
0x18: {  	[sflag:s20] =	ssyncadd.s32 $0xFFFFC000  }
0x19: {  	[spmem:s7] =	stream.linear.scatter [tilespmem:s19], [sflag:$0x2], $0x4000, $0x38;
	[tilespmem:$0x17D00] =	vst v63  }
0x1a: {  	_ =	swait.ge [sflag:s20], $0x4000  }
0x1b: {  	[sflag:s20] =	ssyncset.done $0x0  }
0x1c: {  	[sflag:s20] =	ssyncadd.s32 $0xFFFFC000  }
0x1d: {  	[spmem:s8] =	stream.linear.scatter [tilespmem:s19], [sflag:$0x2], $0x4000, $0x38;
	[tilespmem:$0x17D00] =	vst v63  }
0x1e: {  	_ =	swait.ge [sflag:s20], $0x4000  }
0x1f: {  	[sflag:s20] =	ssyncset.done $0x0  }
0x20: {  	[sflag:s20] =	ssyncadd.s32 $0xFFFFC000  }
0x21: {  	[spmem:s9] =	stream.linear.scatter [tilespmem:s19], [sflag:$0x2], $0x4000, $0x38;
	[tilespmem:$0x17D00] =	vst v63  }
0x22: {  	_ =	swait.ge [sflag:s20], $0x4000  }
0x23: {  	[sflag:s20] =	ssyncset.done $0x0  }
0x24: {  	[sflag:s20] =	ssyncadd.s32 $0xFFFFC000  }
0x25: {  	[spmem:s10] =	stream.linear.scatter [tilespmem:s19], [sflag:$0x2], $0x4000, $0x38;
	[tilespmem:$0x17D00] =	vst v63  }
0x26: {  	_ =	swait.ge [sflag:s20], $0x4000  }
0x27: {  	[sflag:s20] =	ssyncset.done $0x0  }
0x28: {  	s24 =	sand.u32 $0x3C00, s3;
	[sflag:s20] =	ssyncadd.s32 $0xFFFFC000  }
0x29: {  	[spmem:s11] =	stream.linear.scatter [tilespmem:s19], [sflag:$0x2], $0x3C00, $0x38;
	[tilespmem:$0x17D00] =	vst v63  }
0x2a: {  	s25 =	sand.u32 $0x380, s3;
	s24 =	sadd.s32 s12, s24;
	_ =	swait.ge [sflag:s20], $0x3C00  }
0x2b: {  	s24 =	sor.u32 s25, s24;
	[sflag:s20] =	ssyncset.done $0x0  }
0x2c: {  	s24 =	sshrl.u32 s24, $0x3;
	[sflag:s20] =	ssyncadd.s32 $0xFFFFC400  }
0x2d: {  	s24 =	sadd.s32 s6, s24;
	[bflag:$0x0] =	sbarrier.arrive $0xFFFF  }
0x2e: {  	[tilespmem:s3], [sflag:$0x2] =	stream.linear.gather [hbm4b:s24+s3], $0x80, $0x38;
	[tilespmem:$0x17D00] =	vst v63  }
0x2f: {  	_ =	swait.ge [sflag:s20], $0x80  }
0x30: {  	[sflag:s20] =	ssyncset.done $0x0  }
0x31: {  	[sflag:s20] =	ssyncadd.s32 $0xFFFFFF80  }
0x32: {  	[tilespmem:s19], [sflag:$0x1] =	stream.indirect.gather [hbm4b:s5+s21], $0x80, s3, s21, $0xb8;
	[tilespmem:$0x17D00] =	vst v63  }
0x33: {  	_ = 	snop  }
0x34: {  	[tilespmem:s21], [sflag:$0x2] =	stream.linear.gather [hbm4b:s24+s3], $0x80, $0x38;
	[tilespmem:$0x17D00] =	vst v63  }
0x35: {  	_ =	swait.ge [sflag:s20], $0x80  }
0x36: {  	s30 =	simm.s32 $0x80;
	[sflag:s20] =	ssyncset.done $0x0  }
0x37: {  	s31 =	sand.u32 $0x3C00, s30;
	[sflag:s20] =	ssyncadd.s32 $0xFFFFFF80  }
0x38: {  	s25 =	sadd.s32 s12, s31;
	s24 =	sand.u32 $0x380, s30;
	_ =	swait.ge [sflag:s22], $0x4000  }
0x39: {  	s25 =	sor.u32 s24, s25;
	[sflag:s22] =	ssyncset.done $0x0  }
0x3a: {  	s24 =	simm.s32 $0x100;
	s25 =	sshrl.u32 s25, $0x3;
	[sflag:s22] =	ssyncadd.s32 $0xFFFFC000  }
.LBB2_2:
0x3b: {  	[spmem:s2] =	stream.indirect.scatter.add.f32 [tilespmem:s19], [sflag:$0x2], $0x80, s21, s21, $0xb8;
	[tilespmem:$0x17D00] =	vst v63  }
0x3c: {  	s26 =	smov.u32 s24  }
0x3d: {  	p0 =	sne.s32 s24, $0x2700;
	s24 =	sadd.s32 $0x80, s24;
	_ =	swait.ge [sflag:s20], $0x4000  }
0x3e: {  	[sflag:s20] =	ssyncset.done $0x0  }
0x3f: {  	s25 =	sadd.s32 s6, s25;
	[sflag:s20] =	ssyncadd.s32 $0xFFFFC000  }
0x40: {  	[tilespmem:s3], [sflag:$0x2] =	stream.linear.gather [hbm4b:s25+s3], $0x80, $0x38;
	[tilespmem:$0x17D00] =	vst v63  }
0x41: {  	_ =	swait.ge [sflag:s20], $0x80  }
0x42: {  	[sflag:s20] =	ssyncset.done $0x0  }
0x43: {  	[sflag:s20] =	ssyncadd.s32 $0xFFFFFF80  }
0x44: {  	[tilespmem:s19], [sflag:$0x1] =	stream.indirect.gather [hbm4b:s5+s21], $0x80, s3, s21, $0xb8;
	[tilespmem:$0x17D00] =	vst v63  }
0x45: {  	_ = 	snop  }
0x46: {  	[tilespmem:s21], [sflag:$0x2] =	stream.linear.gather [hbm4b:s25+s3], $0x80, $0x38;
	[tilespmem:$0x17D00] =	vst v63  }
0x47: {  	_ =	swait.ge [sflag:s20], $0x80  }
.Ltmp0:
0x48: {  	[sflag:s20] =	ssyncset.done $0x0;
	(pc) =	sbr.rel @p0 .LBB2_2-.Ltmp0, $4  }
0x49: {  	s25 =	sand.u32 $0x3C00, s26;
	[sflag:s20] =	ssyncadd.s32 $0xFFFFFF80  }
0x4a: {  	s26 =	sand.u32 $0x380, s26;
	s25 =	sadd.s32 s12, s25;
	_ =	swait.ge [sflag:s22], $0x4000  }
0x4b: {  	s25 =	sor.u32 s26, s25;
	[sflag:s22] =	ssyncset.done $0x0  }
0x4c: {  	s25 =	sshrl.u32 s25, $0x3;
	[sflag:s22] =	ssyncadd.s32 $0xFFFFC000  }
0x4d: {  	[spmem:s2] =	stream.indirect.scatter.add.f32 [tilespmem:s19], [sflag:$0x2], $0x80, s21, s21, $0xb8;
	[tilespmem:$0x17D00] =	vst v63  }
0x4e: {  	_ =	swait.ge [sflag:s20], $0x4000  }
0x4f: {  	[sflag:s20] =	ssyncset.done $0x0  }
0x50: {  	s24 =	sadd.s32 s6, s25;
	[sflag:s20] =	ssyncadd.s32 $0xFFFFC000  }
0x51: {  	[tilespmem:s3], [sflag:$0x2] =	stream.linear.gather [hbm4b:s24+s3], $0x80, $0x38;
	[tilespmem:$0x17D00] =	vst v63  }
0x52: {  	_ =	swait.ge [sflag:s20], $0x80  }
0x53: {  	[sflag:s20] =	ssyncset.done $0x0  }
0x54: {  	[sflag:s20] =	ssyncadd.s32 $0xFFFFFF80  }
0x55: {  	[tilespmem:s19], [sflag:$0x1] =	stream.indirect.gather [hbm4b:s5+s21], $0x80, s3, s21, $0xb8;
	[tilespmem:$0x17D00] =	vst v63  }
0x56: {  	_ = 	snop  }
0x57: {  	[tilespmem:s21], [sflag:$0x2] =	stream.linear.gather [hbm4b:s24+s3], $0x80, $0x38;
	[tilespmem:$0x17D00] =	vst v63  }
0x58: {  	_ =	swait.ge [sflag:s20], $0x80  }
0x59: {  	[sflag:s20] =	ssyncset.done $0x0  }
0x5a: {  	[sflag:s20] =	ssyncadd.s32 $0xFFFFFF80  }
0x5b: {  	_ =	swait.ge [sflag:s22], $0x4000  }
0x5c: {  	[sflag:s22] =	ssyncset.done $0x0  }
0x5d: {  	[sflag:s22] =	ssyncadd.s32 $0xFFFFC000  }
0x5e: {  	[spmem:s2] =	stream.indirect.scatter.add.f32 [tilespmem:s19], [sflag:$0x2], $0x80, s21, s21, $0xb8;
	[tilespmem:$0x17D00] =	vst v63  }
0x5f: {  	_ =	swait.ge [sflag:s20], $0x4000  }
0x60: {  	[sflag:s20] =	ssyncset.done $0x0  }
0x61: {  	[sflag:s20] =	ssyncadd.s32 $0xFFFFC000  }
0x62: {  	[bflag:$0x0] =	sbarrier.arrive $0xFFFF  }
0x63: {  	[tilespmem:s19], [sflag:$0x2] =	stream.linear.gather [spmem:s7], $0x4000, $0x38;
	[tilespmem:$0x17D00] =	vst v63  }
0x64: {  	_ =	swait.ge [sflag:s20], $0x4000  }
0x65: {  	[sflag:s20] =	ssyncset.done $0x0  }
0x66: {  	[sflag:s20] =	ssyncadd.s32 $0xFFFFC000  }
0x67: {  	[hbm4b:s13+s3] =	stream.linear.scatter [tilespmem:s19], [sflag:$0x2], $0x4000, $0x38;
	[tilespmem:$0x17D00] =	vst v63  }
0x68: {  	_ =	swait.ge [sflag:s20], $0x4000  }
0x69: {  	[sflag:s20] =	ssyncset.done $0x0  }
0x6a: {  	[sflag:s20] =	ssyncadd.s32 $0xFFFFC000  }
0x6b: {  	[tilespmem:s19], [sflag:$0x2] =	stream.linear.gather [spmem:s8], $0x4000, $0x38;
	[tilespmem:$0x17D00] =	vst v63  }
0x6c: {  	_ =	swait.ge [sflag:s20], $0x4000  }
0x6d: {  	[sflag:s20] =	ssyncset.done $0x0  }
0x6e: {  	[sflag:s20] =	ssyncadd.s32 $0xFFFFC000  }
0x6f: {  	[hbm4b:s14+s3] =	stream.linear.scatter [tilespmem:s19], [sflag:$0x2], $0x4000, $0x38;
	[tilespmem:$0x17D00] =	vst v63  }
0x70: {  	_ =	swait.ge [sflag:s20], $0x4000  }
0x71: {  	[sflag:s20] =	ssyncset.done $0x0  }
0x72: {  	[sflag:s20] =	ssyncadd.s32 $0xFFFFC000  }
0x73: {  	[tilespmem:s19], [sflag:$0x2] =	stream.linear.gather [spmem:s9], $0x4000, $0x38;
	[tilespmem:$0x17D00] =	vst v63  }
0x74: {  	_ =	swait.ge [sflag:s20], $0x4000  }
0x75: {  	[sflag:s20] =	ssyncset.done $0x0  }
0x76: {  	[sflag:s20] =	ssyncadd.s32 $0xFFFFC000  }
0x77: {  	[hbm4b:s15+s3] =	stream.linear.scatter [tilespmem:s19], [sflag:$0x2], $0x4000, $0x38;
	[tilespmem:$0x17D00] =	vst v63  }
0x78: {  	_ =	swait.ge [sflag:s20], $0x4000  }
0x79: {  	[sflag:s20] =	ssyncset.done $0x0  }
0x7a: {  	[sflag:s20] =	ssyncadd.s32 $0xFFFFC000  }
0x7b: {  	[tilespmem:s19], [sflag:$0x2] =	stream.linear.gather [spmem:s10], $0x4000, $0x38;
	[tilespmem:$0x17D00] =	vst v63  }
0x7c: {  	_ =	swait.ge [sflag:s20], $0x4000  }
0x7d: {  	[sflag:s20] =	ssyncset.done $0x0  }
0x7e: {  	[sflag:s20] =	ssyncadd.s32 $0xFFFFC000  }
0x7f: {  	[hbm4b:s16+s3] =	stream.linear.scatter [tilespmem:s19], [sflag:$0x2], $0x4000, $0x38;
	[tilespmem:$0x17D00] =	vst v63  }
0x80: {  	_ =	swait.ge [sflag:s20], $0x4000  }
0x81: {  	[sflag:s20] =	ssyncset.done $0x0  }
0x82: {  	[sflag:s20] =	ssyncadd.s32 $0xFFFFC000  }
0x83: {  	[tilespmem:s19], [sflag:$0x2] =	stream.linear.gather [spmem:s11], $0x3C00, $0x38;
	[tilespmem:$0x17D00] =	vst v63  }
0x84: {  	s23 =	sadd.s32 $0x1, s23;
	_ =	swait.ge [sflag:s20], $0x3C00  }
0x85: {  	p0 =	sne.s32 s23, s18;
	[sflag:s20] =	ssyncset.done $0x0  }
.Ltmp1:
0x86: {  	[sflag:s20] =	ssyncadd.s32 $0xFFFFC400;
	(pc) =	sbr.rel @p0 .LBB2_1-.Ltmp1, $4  }
0x87: {  	[hbm4b:s17+s3] =	stream.linear.scatter [tilespmem:s19], [sflag:$0x2], $0x3C00, $0x38;
	[tilespmem:$0x17D00] =	vst v63  }
0x88: {  	_ =	swait.ge [sflag:s20], $0x3C00  }
0x89: {  	[sflag:s20] =	ssyncset.done $0x0  }
0x8a: {  	[sflag:s20] =	ssyncadd.s32 $0xFFFFC400  }
0x8b: {  	_ =	sfence.sel $0x180000  }
0x8c: {  	[bflag:$0x0] =	sbarrier.arrive $0xFFFF  }
0x8d: {  	p0 =	sne.s32 s4, $0x0;
	_ =	strace $0x90000047  }
0x8e: {  	s0 =	sadd.s32 @!p0 $0x100000, s0;
	[bflag:$0x2] =	sbarrier.arrive $0xFFFF  }
0x8f: {  	[sflag:s0] =	ssyncadd.tile.s32 @!p0 $0x1;
	_ =	shalt  }
.Lfunc_end2:
_tile_overlayer_lowered:
.L_overlay_start_2:
0x90: {  	(tag) =	ssettag $0x2  }
0x91: {  	s0 =	rddreg [dreg:$0x0];
	s2 =	stileid.u32  }
0x92: {  	s1 =	rddreg [dreg:$0x1];
	p0 =	sne.s32 s2, $0x0  }
0x93: {  	s3 =	rddreg [dreg:$0x2];
	[bflag:$0x3] =	sbarrier.arrive $0xFFFF;
	s2 =	simm.s32 @!p0 $0x1C02  }
0x94: {  	[timem:s3], [sflag:s2] =	dma.local @!p0 [hbm:s0], s1  }
0x95: {  	s0 =	simm.s32 @!p0 $0x2  }
0x96: {  	_ =	swait.ge @!p0 [sflag:s0], s1  }
0x97: {  	s1 =	ssub.s32 @!p0 $0x0, s1;
	[sflag:s0] =	ssyncset.done @!p0 $0x0  }
0x98: {  	[sflag:s0] =	ssyncadd.s32 @!p0 s1  }
0x99: {  	[bflag:$0x3] =	sbarrier.arrive $0xFFFF  }
0x9a: {  	_ =	shalt  }

// kernel: kernel.15.cloned.1.call-start
scs
__scs_entry_jumppad:
0x0: {  	(pc) =	sbr.rel $0x88, $3  }
0x1: {  	(tag) =	ssettag $0x0;
	lr =	simm.s32 $0x1  }
0x2: {  	[smem:$0x3F96] =	sst lr;
	_ =	strace $0xD0000000  }
0x3: {  	_ = 	snop  }
0x4: {  	_ = 	snop  }
0x5: {  	_ = 	snop  }
0x6: {  	_ = 	snop  }
0x7: {  	_ = 	snop  }
__scs_overlays_trampoline_lowered:
0x8: {  	[smem:$0x3FA5] =	sst s0  }
0x9: {  	[smem:$0x3FA6] =	sst s1  }
0xa: {  	[smem:$0x3FA7] =	sst s2  }
0xb: {  	[smem:$0x3FA8] =	sst s3  }
0xc: {  	[smem:$0x3FA9] =	sst s4  }
0xd: {  	[smem:$0x3FAA] =	sst s5  }
0xe: {  	[smem:$0x3FAB] =	sst s6  }
0xf: {  	[smem:$0x3FAC] =	sst s7  }
0x10: {  	[smem:$0x3FAD] =	sst s8  }
0x11: {  	[smem:$0x3FAE] =	sst s9;
	s0 =	simm.s32 @!p0 $0x0  }
0x12: {  	s1 =	sld [smem:$0x3F94];
	s0 =	simm.s32 @p0 $0x1  }
0x13: {  	[smem:$0x3FAF] =	sst s0;
	s0 =	simm.s32 @!p1 $0x0  }
0x14: {  	s2 =	sld [smem:$0x3F93];
	s0 =	simm.s32 @p1 $0x1  }
0x15: {  	[smem:$0x3FB0] =	sst s0;
	s0 =	simm.s32 @!p2 $0x0  }
0x16: {  	s3 =	sld [smem:$0x3FDB];
	s0 =	simm.s32 @p2 $0x1  }
0x17: {  	s4 =	simm.s32 $0x1BF5;
	[smem:$0x3FB2] =	sst s0  }
0x18: {  	s0 =	sld [smem:$0x3F95];
	_ =	swait.ge [sflag:s4], $0x0  }
0x19: {  	s7 =	sld [smem:$0x3F96]  }
0x1a: {  	s8 =	sadd.s32 $0xFFFFE003, lr  }
0x1b: {  	s9 =	sadd.s32 $0xFFFFFEF7, lr;
	s5 =	simm.s32 $0xFFFFFFFF;
	p2 =	slt.u32 s8, $0xFFFFF086  }
0x1c: {  	p1 =	slt.u32 s9, $0xF7A;
	s5 =	simm.s32 @!p2 $0x0  }
0x1d: {  	s5 =	simm.s32 @p1 $0x1;
	p0 =	seq.s32 s7, s2  }
0x1e: {  	s7 =	smul.u32 @!p0 $0xF7A, s2;
	p2 =	seq.s32 @!p0 s5, $0x0  }
0x1f: {  	s9 =	smul.u32 $0xF7A, s1;
	s8 =	simm.s32 @!p0 $0x1BF5;
	p2 =	por !p2, p0  }
0x20: {  	[sflag:s8] =	ssyncset.s32 @!p0 $0xFFFFF086;
	s6 =	sadd.s32 @!p0 s3, s7;
	s7 =	simm.s32 @!p0 $0x108  }
0x21: {  	s3 =	sadd.s32 s3, s9;
	s6 =	sadd.s32 @!p0 $0x88, s6;
	s7 =	simm.s32 @p2 $0x1082  }
0x22: {  	[simem:s7], [sflag:s8] =	dma.local @!p0 [hbm:s6], $0xF7A  }
0x23: {  	s9 =	sor.u32 $0xD0000000, s2;
	s6 =	simm.s32 $0x108;
	_ =	swait.ge @!p0 [sflag:s8], $0x0  }
0x24: {  	s3 =	sadd.s32 $0x88, s3;
	s6 =	simm.s32 @!p1 $0x1082;
	[sflag:s4] =	ssyncset.s32 $0xFFFFF086  }
0x25: {  	[simem:s6], [sflag:s4] =	dma.local [hbm:s3], $0xF7A  }
0x26: {  	[smem:$0x3F96] =	sst s1;
	(tag) =	ssettag s2;
	_ =	strace s9  }
0x27: {  	s1 =	sld [smem:$0x3FA6]  }
0x28: {  	s2 =	sld [smem:$0x3FA7]  }
0x29: {  	s4 =	sld [smem:$0x3FA9]  }
0x2a: {  	p0 =	seq.s32 s5, $0x0;
	s5 =	sld [smem:$0x3FAA]  }
0x2b: {  	s6 =	sld [smem:$0x3FAB]  }
0x2c: {  	s7 =	sld [smem:$0x3FAC]  }
0x2d: {  	s3 =	simm.s32 $0x108;
	s8 =	sld [smem:$0x3FAD]  }
0x2e: {  	s3 =	simm.s32 @!p0 $0x1082;
	s9 =	sld [smem:$0x3FAE]  }
0x2f: {  	lr =	sadd.s32 s0, s3;
	s0 =	sld [smem:$0x3FA5]  }
0x30: {  	s3 =	sld [smem:$0x3FA8]  }
0x31: {  	[smem:$0x3FB1] =	sst s10  }
0x32: {  	s10 =	sld [smem:$0x3FAF];
	_ =	sdelay $0x3  }
0x33: {  	p0 =	seq.s32 s10, $0x1;
	s10 =	sld [smem:$0x3FB1];
	_ =	sdelay $0x3  }
0x34: {  	[smem:$0x3FB1] =	sst s10  }
0x35: {  	s10 =	sld [smem:$0x3FB0];
	_ =	sdelay $0x3  }
0x36: {  	p1 =	seq.s32 s10, $0x1;
	s10 =	sld [smem:$0x3FB1];
	_ =	sdelay $0x3  }
0x37: {  	[smem:$0x3FB1] =	sst s10  }
0x38: {  	s10 =	sld [smem:$0x3FB2]  }
0x39: {  	_ = 	snop;
	(pc) =	sbr.ind lr, $3  }
0x3a: {  	_ = 	snop  }
0x3b: {  	_ = 	snop  }
0x3c: {  	p2 =	seq.s32 s10, $0x1;
	s10 =	sld [smem:$0x3FB1]  }
0x3d: {  	_ =	shalt  }
0x3e: {  	_ =	shalt  }
0x3f: {  	_ =	shalt  }
0x40: {  	_ =	shalt  }
0x41: {  	_ =	shalt  }
0x42: {  	_ =	shalt  }
0x43: {  	_ =	shalt  }
0x44: {  	_ =	shalt  }
0x45: {  	_ =	shalt  }
0x46: {  	_ =	shalt  }
0x47: {  	_ =	shalt  }
0x48: {  	_ =	shalt  }
0x49: {  	_ =	shalt  }
0x4a: {  	_ =	shalt  }
0x4b: {  	_ =	shalt  }
0x4c: {  	_ =	shalt  }
0x4d: {  	_ =	shalt  }
0x4e: {  	_ =	shalt  }
0x4f: {  	_ =	shalt  }
0x50: {  	_ =	shalt  }
0x51: {  	_ =	shalt  }
0x52: {  	_ =	shalt  }
0x53: {  	_ =	shalt  }
0x54: {  	_ =	shalt  }
0x55: {  	_ =	shalt  }
0x56: {  	_ =	shalt  }
0x57: {  	_ =	shalt  }
0x58: {  	_ =	shalt  }
0x59: {  	_ =	shalt  }
0x5a: {  	_ =	shalt  }
0x5b: {  	_ =	shalt  }
0x5c: {  	_ =	shalt  }
0x5d: {  	_ =	shalt  }
0x5e: {  	_ =	shalt  }
0x5f: {  	_ =	shalt  }
0x60: {  	_ =	shalt  }
0x61: {  	_ =	shalt  }
0x62: {  	_ =	shalt  }
0x63: {  	_ =	shalt  }
0x64: {  	_ =	shalt  }
0x65: {  	_ =	shalt  }
0x66: {  	_ =	shalt  }
0x67: {  	_ =	shalt  }
0x68: {  	_ =	shalt  }
0x69: {  	_ =	shalt  }
0x6a: {  	_ =	shalt  }
0x6b: {  	_ =	shalt  }
0x6c: {  	_ =	shalt  }
0x6d: {  	_ =	shalt  }
0x6e: {  	_ =	shalt  }
0x6f: {  	_ =	shalt  }
0x70: {  	_ =	shalt  }
0x71: {  	_ =	shalt  }
0x72: {  	_ =	shalt  }
0x73: {  	_ =	shalt  }
0x74: {  	_ =	shalt  }
0x75: {  	_ =	shalt  }
0x76: {  	_ =	shalt  }
0x77: {  	_ =	shalt  }
0x78: {  	_ =	shalt  }
0x79: {  	_ =	shalt  }
0x7a: {  	_ =	shalt  }
0x7b: {  	_ =	shalt  }
0x7c: {  	_ =	shalt  }
0x7d: {  	_ =	shalt  }
0x7e: {  	_ =	shalt  }
0x7f: {  	_ =	shalt  }
0x80: {  	_ =	shalt  }
0x81: {  	_ =	shalt  }
0x82: {  	_ =	shalt  }
0x83: {  	_ =	shalt  }
0x84: {  	_ =	shalt  }
0x85: {  	_ =	shalt  }
0x86: {  	_ =	shalt  }
0x87: {  	_ =	shalt  }
.Lfunc_end0:
.L_simem_size_0:
called_computation.1_lowered:
.L_overlay_start_0:
0x88: {  	s2 =	sld [smem:$0x3FD9]  }
0x89: {  	s3 =	sld [smem:$0x3FFE];
	_ =	sdelay $0x1  }
0x8a: {  	s1 =	srdreg.scid  }
0x8b: {  	s0 =	sand.u32 $0x1, s1  }
0x8c: {  	s17 =	sshll.u32 s0, $0xA;
	s2 =	sadd.s32 s3, s2  }
0x8d: {  	s2 =	sadd.s32 s2, s17  }
0x8e: {  	[smem:$0x3FBD] =	sst s2  }
0x8f: {  	_ = 	snop  }
0x90: {  	s2 =	sld [smem:$0x3FD0];
	(tm) =	ssettm $0x1  }
0x91: {  	s18 =	sld [smem:$0x3FFB];
	_ =	sdelay $0x3  }
0x92: {  	_ =	strace s18  }
0x93: {  	s3 =	sld [smem:$0x3FFC];
	_ =	sdelay $0x3  }
0x94: {  	_ =	strace s3  }
0x95: {  	s3 =	sld [smem:$0x3FFD];
	_ =	sdelay $0x3  }
0x96: {  	_ =	strace s3  }
0x97: {  	_ =	strace $0x8FFFFFFF  }
0x98: {  	s19 =	sld [smem:$0x3FDB];
	_ =	sdelay $0x1  }
0x99: {  	s4 =	simm.s32 $_scs_section_size  }
0x9a: {  	s5 =	simm.s32 $_size__tile_overlayer_lowered;
	s6 =	simm.s32 $_tile_overlayer_lowered  }
0x9b: {  	s22 =	simm.s32 $0x1BFF;
	s21 =	sshll.u32 s6, $0x1;
	s3 =	sadd.s32 s4, s19  }
0x9c: {  	s7 =	simm.s32 $0x0;
	s20 =	sshll.u32 s5, $0x1;
	s5 =	sadd.s32 s21, s3  }
0x9d: {  	[timem:s7], [sflag:s22] =	dma.local [hbm:s5], s20  }
0x9e: {  	_ =	swait.ge [sflag:s22], s20  }
0x9f: {  	s4 =	ssub.s32 $0x0, s20;
	[sflag:s22] =	ssyncset.done $0x0  }
0xa0: {  	[sflag:s22] =	ssyncadd.s32 s4;
	_ =	sdelay $0x1  }
0xa1: {  	s23 =	simm.s32 $0x1B8B  }
0xa2: {  	_ =	swait.ge [sflag:s23], $0x1  }
0xa3: {  	[sflag:s23] =	ssyncset.done $0x0  }
0xa4: {  	s25 =	simm.s32 $0x1B8E;
	s24 =	sld [smem:$0x3FFE];
	[sflag:s23] =	ssyncadd.s32 $0xFFFFFFFF  }
0xa5: {  	s26 =	simm.s32 $execute0_lowered;
	[smem:$0x3FD2] =	sst s25  }
0xa6: {  	s5 =	sshll.u32 s26, $0x1;
	_ =	strace $0x80000049;
	[dreg:$0x1] =	wrdreg $0xFFFFFFFF  }
0xa7: {  	s28 =	simm.s32 $_size_execute0_lowered;
	s3 =	sadd.s32 s3, s5;
	[dreg:$0x0] =	wrdreg $0x0  }
0xa8: {  	s5 =	sshll.u32 s28, $0x1;
	[dreg:$0x2] =	wrdreg s3  }
0xa9: {  	[dreg:$0x3] =	wrdreg s5  }
0xaa: {  	[dreg:$0x4] =	wrdreg $0xC0  }
0xab: {  	_ =	task [dreg:s7], $0x5FFFF  }
0xac: {  	[dreg:$0x1] =	wrdreg $0xFFFFFFFF  }
0xad: {  	[dreg:$0x0] =	wrdreg $0x60  }
0xae: {  	[dreg:$0x2] =	wrdreg s24  }
0xaf: {  	[dreg:$0x3] =	wrdreg s2  }
0xb0: {  	[dreg:$0x4] =	wrdreg $0x41000  }
0xb1: {  	[dreg:$0x5] =	wrdreg $0x9  }
0xb2: {  	_ =	task.clear_ibuf [dreg:s7], $0x6FFFF;
	_ =	strace $0x90000049  }
0xb3: {  	s29 =	simm.s32 $0x9;
	_ =	strace $0x8000004B  }
0xb4: {  	_ =	swait.ge [sflag:s29], $0x1  }
0xb5: {  	[sflag:s29] =	ssyncadd.s32 $0xFFFFFFFF  }
0xb6: {  	_ =	strace $0x9000004B  }
0xb7: {  	_ =	sfence  }
0xb8: {  	s30 =	sld [smem:$0x0];
	_ =	sdelay $0x2  }
0xb9: {  	s31 =	sshll.u32 s1, $0xD;
	s1 =	sshrl.u32 s1, $0x2  }
0xba: {  	s3 =	sand.u32 $0x4000, s31;
	s1 =	sadd.s32 s1, s30  }
0xbb: {  	s0 =	sor.u32 s3, s0;
	s1 =	sshll.u32 s1, $0x11  }
0xbc: {  	s0 =	sor.u32 s1, s0  }
0xbd: {  	s0 =	sadd.s32 $0x8F2B, s0  }
0xbe: {  	[sflag:s0] =	ssyncadd.remote.s32 $0x1  }
0xbf: {  	_ =	sfence.sel $0xFFFF  }
0xc0: {  	[dreg:$0x0] =	wrdreg $0xFFFFFFFF;
	(pc) =	sbr.abs _section_cstart, $3  }
0xc1: {  	[dreg:$0x1] =	wrdreg $0xFFFFFFFF  }
0xc2: {  	_ =	task.clear_ibuf [dreg:s7], $0x2FFFF;
	_ =	strace $0x9FFFFFFF  }
0xc3: {  	(tm) =	ssettm $0x7FFFFFFF  }
tec
execute0_lowered:
.L_overlay_start_1:
0x0: {  	(tag) =	ssettag $0x1  }
0x1: {  	s8 =	rddreg [dreg:$0x0]  }
0x2: {  	s1 =	rddreg [dreg:$0x1]  }
0x3: {  	s2 =	rddreg [dreg:$0x2]  }
0x4: {  	s0 =	rddreg [dreg:$0x3];
	s3 =	simm.s32 $0x0;
	s7 =	srdreg.scid  }
0x5: {  	s4 =	stileid.u32;
	s23 =	simm.s32 $0x1;
	s24 =	simm.s32 $0x0  }
0x6: {  	[smem:$0x7FF] =	sst s3;
	s5 =	sadd.s32 $0xE000, s8;
	s6 =	sadd.s32 $0x84800, s8  }
0x7: {  	s9 =	sand.u32 $0x1, s7;
	s7 =	sadd.s32 $0x4000, s8;
	s11 =	smul.u32 $0x4F000, s4  }
0x8: {  	s18 =	sadd.s32 $0x8E800, s8;
	s12 =	smul.u32 $0x13C00, s4;
	_ =	strace $0x8000004A  }
0x9: {  	s10 =	ssub.s32 $0x2, s9;
	s30 =	sshll.u32 s9, $0x4;
	s20 =	smul.u32 $0x13C000, s9  }
0xa: {  	s29 =	sshrl.u32 s10, $0x1;
	s31 =	sshrl.u32 s11, $0x2;
	s13 =	sor.u32 s4, s30  }
0xb: {  	s14 =	sadd.s32 $0x4000, s12;
	s16 =	sadd.s32 $0x8000, s12;
	s17 =	sadd.s32 $0xC000, s12  }
0xc: {  	s21 =	sadd.s32 $0x10000, s12;
	s19 =	ssub.s32 s10, s29;
	s8 =	sadd.s32 s31, s2  }
0xd: {  	s9 =	sadd.s32 s14, s2;
	s10 =	sadd.s32 s16, s2;
	s11 =	sadd.s32 s17, s2  }
0xe: {  	s15 =	sadd.s32 s12, s20;
	s14 =	sadd.s32 s20, s14;
	s12 =	sadd.s32 s21, s2  }
0xf: {  	s13 =	smul.u32 $0x2800, s13;
	s16 =	sadd.s32 s20, s16;
	s17 =	sadd.s32 s20, s17  }
0x10: {  	s20 =	sadd.s32 s20, s21;
	s21 =	simm.s32 $0x2;
	s15 =	sshrl.u32 s15, $0x3  }
0x11: {  	s22 =	sshrl.u32 s14, $0x3;
	s16 =	sshrl.u32 s16, $0x3;
	s17 =	sshrl.u32 s17, $0x3  }
0x12: {  	s20 =	sshrl.u32 s20, $0x3;
	s19 =	smax.u32 s19, $0x1;
	s14 =	sadd.s32 s18, s15  }
0x13: {  	s15 =	sadd.s32 s18, s22;
	s16 =	sadd.s32 s18, s16;
	s17 =	sadd.s32 s18, s17  }
0x14: {  	s18 =	sadd.s32 s18, s20;
	s20 =	simm.s32 $0x100;
	s22 =	simm.s32 $0x80  }
.LBB2_1:
0x15: {  	[tilespmem:s20], [sflag:$0x2] =	stream.linear.gather [hbm4b:s1+s3], $0x4000, $0x38;
	[tilespmem:$0x17D00] =	vst v63  }
0x16: {  	_ =	swait.ge [sflag:s21], $0x4000  }
0x17: {  	[sflag:s21] =	ssyncset.done $0x0  }
0x18: {  	[sflag:s21] =	ssyncadd.s32 $0xFFFFC000  }
0x19: {  	[spmem:s8] =	stream.linear.scatter [tilespmem:s20], [sflag:$0x2], $0x4000, $0x38;
	[tilespmem:$0x17D00] =	vst v63  }
0x1a: {  	_ =	swait.ge [sflag:s21], $0x4000  }
0x1b: {  	[sflag:s21] =	ssyncset.done $0x0  }
0x1c: {  	[sflag:s21] =	ssyncadd.s32 $0xFFFFC000  }
0x1d: {  	[spmem:s9] =	stream.linear.scatter [tilespmem:s20], [sflag:$0x2], $0x4000, $0x38;
	[tilespmem:$0x17D00] =	vst v63  }
0x1e: {  	_ =	swait.ge [sflag:s21], $0x4000  }
0x1f: {  	[sflag:s21] =	ssyncset.done $0x0  }
0x20: {  	[sflag:s21] =	ssyncadd.s32 $0xFFFFC000  }
0x21: {  	[spmem:s10] =	stream.linear.scatter [tilespmem:s20], [sflag:$0x2], $0x4000, $0x38;
	[tilespmem:$0x17D00] =	vst v63  }
0x22: {  	_ =	swait.ge [sflag:s21], $0x4000  }
0x23: {  	[sflag:s21] =	ssyncset.done $0x0  }
0x24: {  	[sflag:s21] =	ssyncadd.s32 $0xFFFFC000  }
0x25: {  	[spmem:s11] =	stream.linear.scatter [tilespmem:s20], [sflag:$0x2], $0x4000, $0x38;
	[tilespmem:$0x17D00] =	vst v63  }
0x26: {  	_ =	swait.ge [sflag:s21], $0x4000  }
0x27: {  	[sflag:s21] =	ssyncset.done $0x0  }
0x28: {  	s25 =	sand.u32 $0x3C00, s3;
	[sflag:s21] =	ssyncadd.s32 $0xFFFFC000  }
0x29: {  	[spmem:s12] =	stream.linear.scatter [tilespmem:s20], [sflag:$0x2], $0x3C00, $0x38;
	[tilespmem:$0x17D00] =	vst v63  }
0x2a: {  	s26 =	sand.u32 $0x380, s3;
	s25 =	sadd.s32 s13, s25;
	_ =	swait.ge [sflag:s21], $0x3C00  }
0x2b: {  	s25 =	sor.u32 s26, s25;
	[sflag:s21] =	ssyncset.done $0x0  }
0x2c: {  	s25 =	sshrl.u32 s25, $0x3;
	[sflag:s21] =	ssyncadd.s32 $0xFFFFC400  }
0x2d: {  	s29 =	sadd.s32 s6, s25;
	[bflag:$0x0] =	sbarrier.arrive $0xFFFF  }
0x2e: {  	[tilespmem:s3], [sflag:$0x2] =	stream.linear.gather [hbm4b:s29+s3], $0x80, $0x38;
	[tilespmem:$0x17D00] =	vst v63  }
0x2f: {  	_ =	swait.ge [sflag:s21], $0x80  }
0x30: {  	[sflag:s21] =	ssyncset.done $0x0  }
0x31: {  	[sflag:s21] =	ssyncadd.s32 $0xFFFFFF80  }
0x32: {  	[tilespmem:s20], [sflag:$0x1] =	stream.indirect.gather [hbm4b:s5+s22], $0x80, s3, s22, $0xb8;
	[tilespmem:$0x17D00] =	vst v63  }
0x33: {  	s25 =	sadd.s32 s7, s25  }
0x34: {  	[tilespmem:s22], [sflag:$0x2] =	stream.linear.gather [hbm4b:s25+s3], $0x80, $0x38;
	[tilespmem:$0x17D00] =	vst v63  }
0x35: {  	_ =	swait.ge [sflag:s21], $0x80  }
0x36: {  	s30 =	simm.s32 $0x80;
	[sflag:s21] =	ssyncset.done $0x0  }
0x37: {  	s31 =	sand.u32 $0x3C00, s30;
	[sflag:s21] =	ssyncadd.s32 $0xFFFFFF80  }
0x38: {  	s26 =	sadd.s32 s13, s31;
	s25 =	sand.u32 $0x380, s30;
	_ =	swait.ge [sflag:s23], $0x4000  }
0x39: {  	s26 =	sor.u32 s25, s26;
	[sflag:s23] =	ssyncset.done $0x0  }
0x3a: {  	s25 =	simm.s32 $0x100;
	s26 =	sshrl.u32 s26, $0x3;
	[sflag:s23] =	ssyncadd.s32 $0xFFFFC000  }
.LBB2_2:
0x3b: {  	[spmem:s2] =	stream.indirect.scatter.add.f32 [tilespmem:s20], [sflag:$0x2], $0x80, s22, s22, $0xb8;
	[tilespmem:$0x17D00] =	vst v63  }
0x3c: {  	s28 =	smov.u32 s25  }
0x3d: {  	p0 =	sne.s32 s25, $0x2700;
	s25 =	sadd.s32 $0x80, s25;
	_ =	swait.ge [sflag:s21], $0x4000  }
0x3e: {  	[sflag:s21] =	ssyncset.done $0x0  }
0x3f: {  	s29 =	sadd.s32 s6, s26;
	[sflag:s21] =	ssyncadd.s32 $0xFFFFC000  }
0x40: {  	[tilespmem:s3], [sflag:$0x2] =	stream.linear.gather [hbm4b:s29+s3], $0x80, $0x38;
	[tilespmem:$0x17D00] =	vst v63  }
0x41: {  	_ =	swait.ge [sflag:s21], $0x80  }
0x42: {  	[sflag:s21] =	ssyncset.done $0x0  }
0x43: {  	[sflag:s21] =	ssyncadd.s32 $0xFFFFFF80  }
0x44: {  	[tilespmem:s20], [sflag:$0x1] =	stream.indirect.gather [hbm4b:s5+s22], $0x80, s3, s22, $0xb8;
	[tilespmem:$0x17D00] =	vst v63  }
0x45: {  	s26 =	sadd.s32 s7, s26  }
0x46: {  	[tilespmem:s22], [sflag:$0x2] =	stream.linear.gather [hbm4b:s26+s3], $0x80, $0x38;
	[tilespmem:$0x17D00] =	vst v63  }
0x47: {  	_ =	swait.ge [sflag:s21], $0x80  }
.Ltmp0:
0x48: {  	[sflag:s21] =	ssyncset.done $0x0;
	(pc) =	sbr.rel @p0 .LBB2_2-.Ltmp0, $4  }
0x49: {  	s26 =	sand.u32 $0x3C00, s28;
	[sflag:s21] =	ssyncadd.s32 $0xFFFFFF80  }
0x4a: {  	s28 =	sand.u32 $0x380, s28;
	s26 =	sadd.s32 s13, s26;
	_ =	swait.ge [sflag:s23], $0x4000  }
0x4b: {  	s26 =	sor.u32 s28, s26;
	[sflag:s23] =	ssyncset.done $0x0  }
0x4c: {  	s26 =	sshrl.u32 s26, $0x3;
	[sflag:s23] =	ssyncadd.s32 $0xFFFFC000  }
0x4d: {  	[spmem:s2] =	stream.indirect.scatter.add.f32 [tilespmem:s20], [sflag:$0x2], $0x80, s22, s22, $0xb8;
	[tilespmem:$0x17D00] =	vst v63  }
0x4e: {  	_ =	swait.ge [sflag:s21], $0x4000  }
0x4f: {  	[sflag:s21] =	ssyncset.done $0x0  }
0x50: {  	s25 =	sadd.s32 s6, s26;
	[sflag:s21] =	ssyncadd.s32 $0xFFFFC000  }
0x51: {  	[tilespmem:s3], [sflag:$0x2] =	stream.linear.gather [hbm4b:s25+s3], $0x80, $0x38;
	[tilespmem:$0x17D00] =	vst v63  }
0x52: {  	_ =	swait.ge [sflag:s21], $0x80  }
0x53: {  	[sflag:s21] =	ssyncset.done $0x0  }
0x54: {  	[sflag:s21] =	ssyncadd.s32 $0xFFFFFF80  }
0x55: {  	[tilespmem:s20], [sflag:$0x1] =	stream.indirect.gather [hbm4b:s5+s22], $0x80, s3, s22, $0xb8;
	[tilespmem:$0x17D00] =	vst v63  }
0x56: {  	s31 =	sadd.s32 s7, s26  }
0x57: {  	[tilespmem:s22], [sflag:$0x2] =	stream.linear.gather [hbm4b:s31+s3], $0x80, $0x38;
	[tilespmem:$0x17D00] =	vst v63  }
0x58: {  	_ =	swait.ge [sflag:s21], $0x80  }
0x59: {  	[sflag:s21] =	ssyncset.done $0x0  }
0x5a: {  	[sflag:s21] =	ssyncadd.s32 $0xFFFFFF80  }
0x5b: {  	_ =	swait.ge [sflag:s23], $0x4000  }
0x5c: {  	[sflag:s23] =	ssyncset.done $0x0  }
0x5d: {  	[sflag:s23] =	ssyncadd.s32 $0xFFFFC000  }
0x5e: {  	[spmem:s2] =	stream.indirect.scatter.add.f32 [tilespmem:s20], [sflag:$0x2], $0x80, s22, s22, $0xb8;
	[tilespmem:$0x17D00] =	vst v63  }
0x5f: {  	_ =	swait.ge [sflag:s21], $0x4000  }
0x60: {  	[sflag:s21] =	ssyncset.done $0x0  }
0x61: {  	[sflag:s21] =	ssyncadd.s32 $0xFFFFC000  }
0x62: {  	[bflag:$0x0] =	sbarrier.arrive $0xFFFF  }
0x63: {  	[tilespmem:s20], [sflag:$0x2] =	stream.linear.gather [spmem:s8], $0x4000, $0x38;
	[tilespmem:$0x17D00] =	vst v63  }
0x64: {  	_ =	swait.ge [sflag:s21], $0x4000  }
0x65: {  	[sflag:s21] =	ssyncset.done $0x0  }
0x66: {  	[sflag:s21] =	ssyncadd.s32 $0xFFFFC000  }
0x67: {  	[hbm4b:s14+s3] =	stream.linear.scatter [tilespmem:s20], [sflag:$0x2], $0x4000, $0x38;
	[tilespmem:$0x17D00] =	vst v63  }
0x68: {  	_ =	swait.ge [sflag:s21], $0x4000  }
0x69: {  	[sflag:s21] =	ssyncset.done $0x0  }
0x6a: {  	[sflag:s21] =	ssyncadd.s32 $0xFFFFC000  }
0x6b: {  	[tilespmem:s20], [sflag:$0x2] =	stream.linear.gather [spmem:s9], $0x4000, $0x38;
	[tilespmem:$0x17D00] =	vst v63  }
0x6c: {  	_ =	swait.ge [sflag:s21], $0x4000  }
0x6d: {  	[sflag:s21] =	ssyncset.done $0x0  }
0x6e: {  	[sflag:s21] =	ssyncadd.s32 $0xFFFFC000  }
0x6f: {  	[hbm4b:s15+s3] =	stream.linear.scatter [tilespmem:s20], [sflag:$0x2], $0x4000, $0x38;
	[tilespmem:$0x17D00] =	vst v63  }
0x70: {  	_ =	swait.ge [sflag:s21], $0x4000  }
0x71: {  	[sflag:s21] =	ssyncset.done $0x0  }
0x72: {  	[sflag:s21] =	ssyncadd.s32 $0xFFFFC000  }
0x73: {  	[tilespmem:s20], [sflag:$0x2] =	stream.linear.gather [spmem:s10], $0x4000, $0x38;
	[tilespmem:$0x17D00] =	vst v63  }
0x74: {  	_ =	swait.ge [sflag:s21], $0x4000  }
0x75: {  	[sflag:s21] =	ssyncset.done $0x0  }
0x76: {  	[sflag:s21] =	ssyncadd.s32 $0xFFFFC000  }
0x77: {  	[hbm4b:s16+s3] =	stream.linear.scatter [tilespmem:s20], [sflag:$0x2], $0x4000, $0x38;
	[tilespmem:$0x17D00] =	vst v63  }
0x78: {  	_ =	swait.ge [sflag:s21], $0x4000  }
0x79: {  	[sflag:s21] =	ssyncset.done $0x0  }
0x7a: {  	[sflag:s21] =	ssyncadd.s32 $0xFFFFC000  }
0x7b: {  	[tilespmem:s20], [sflag:$0x2] =	stream.linear.gather [spmem:s11], $0x4000, $0x38;
	[tilespmem:$0x17D00] =	vst v63  }
0x7c: {  	_ =	swait.ge [sflag:s21], $0x4000  }
0x7d: {  	[sflag:s21] =	ssyncset.done $0x0  }
0x7e: {  	[sflag:s21] =	ssyncadd.s32 $0xFFFFC000  }
0x7f: {  	[hbm4b:s17+s3] =	stream.linear.scatter [tilespmem:s20], [sflag:$0x2], $0x4000, $0x38;
	[tilespmem:$0x17D00] =	vst v63  }
0x80: {  	_ =	swait.ge [sflag:s21], $0x4000  }
0x81: {  	[sflag:s21] =	ssyncset.done $0x0  }
0x82: {  	[sflag:s21] =	ssyncadd.s32 $0xFFFFC000  }
0x83: {  	[tilespmem:s20], [sflag:$0x2] =	stream.linear.gather [spmem:s12], $0x3C00, $0x38;
	[tilespmem:$0x17D00] =	vst v63  }
0x84: {  	s24 =	sadd.s32 $0x1, s24;
	_ =	swait.ge [sflag:s21], $0x3C00  }
0x85: {  	p0 =	sne.s32 s24, s19;
	[sflag:s21] =	ssyncset.done $0x0  }
.Ltmp1:
0x86: {  	[sflag:s21] =	ssyncadd.s32 $0xFFFFC400;
	(pc) =	sbr.rel @p0 .LBB2_1-.Ltmp1, $4  }
0x87: {  	[hbm4b:s18+s3] =	stream.linear.scatter [tilespmem:s20], [sflag:$0x2], $0x3C00, $0x38;
	[tilespmem:$0x17D00] =	vst v63  }
0x88: {  	_ =	swait.ge [sflag:s21], $0x3C00  }
0x89: {  	[sflag:s21] =	ssyncset.done $0x0  }
0x8a: {  	[sflag:s21] =	ssyncadd.s32 $0xFFFFC400  }
0x8b: {  	_ =	sfence.sel $0x180000  }
0x8c: {  	[bflag:$0x0] =	sbarrier.arrive $0xFFFF  }
0x8d: {  	p0 =	sne.s32 s4, $0x0;
	_ =	strace $0x9000004A  }
0x8e: {  	s0 =	sadd.s32 @!p0 $0x100000, s0;
	[bflag:$0x2] =	sbarrier.arrive $0xFFFF  }
0x8f: {  	[sflag:s0] =	ssyncadd.tile.s32 @!p0 $0x1;
	_ =	shalt  }
.Lfunc_end2:
_tile_overlayer_lowered:
.L_overlay_start_2:
0x90: {  	(tag) =	ssettag $0x2  }
0x91: {  	s0 =	rddreg [dreg:$0x0];
	s2 =	stileid.u32  }
0x92: {  	s1 =	rddreg [dreg:$0x1];
	p0 =	sne.s32 s2, $0x0  }
0x93: {  	s3 =	rddreg [dreg:$0x2];
	[bflag:$0x3] =	sbarrier.arrive $0xFFFF;
	s2 =	simm.s32 @!p0 $0x1C02  }
0x94: {  	[timem:s3], [sflag:s2] =	dma.local @!p0 [hbm:s0], s1  }
0x95: {  	s0 =	simm.s32 @!p0 $0x2  }
0x96: {  	_ =	swait.ge @!p0 [sflag:s0], s1  }
0x97: {  	s1 =	ssub.s32 @!p0 $0x0, s1;
	[sflag:s0] =	ssyncset.done @!p0 $0x0  }
0x98: {  	[sflag:s0] =	ssyncadd.s32 @!p0 s1  }
0x99: {  	[bflag:$0x3] =	sbarrier.arrive $0xFFFF  }
0x9a: {  	_ =	shalt  }

// kernel: kernel.18.cloned.1.call-start
scs
__scs_entry_jumppad:
0x0: {  	(pc) =	sbr.rel $0x88, $3  }
0x1: {  	(tag) =	ssettag $0x0;
	lr =	simm.s32 $0x1  }
0x2: {  	[smem:$0x3F96] =	sst lr;
	_ =	strace $0xD0000000  }
0x3: {  	_ = 	snop  }
0x4: {  	_ = 	snop  }
0x5: {  	_ = 	snop  }
0x6: {  	_ = 	snop  }
0x7: {  	_ = 	snop  }
__scs_overlays_trampoline_lowered:
0x8: {  	[smem:$0x3FA5] =	sst s0  }
0x9: {  	[smem:$0x3FA6] =	sst s1  }
0xa: {  	[smem:$0x3FA7] =	sst s2  }
0xb: {  	[smem:$0x3FA8] =	sst s3  }
0xc: {  	[smem:$0x3FA9] =	sst s4  }
0xd: {  	[smem:$0x3FAA] =	sst s5  }
0xe: {  	[smem:$0x3FAB] =	sst s6  }
0xf: {  	[smem:$0x3FAC] =	sst s7  }
0x10: {  	[smem:$0x3FAD] =	sst s8  }
0x11: {  	[smem:$0x3FAE] =	sst s9;
	s0 =	simm.s32 @!p0 $0x0  }
0x12: {  	s1 =	sld [smem:$0x3F94];
	s0 =	simm.s32 @p0 $0x1  }
0x13: {  	[smem:$0x3FAF] =	sst s0;
	s0 =	simm.s32 @!p1 $0x0  }
0x14: {  	s2 =	sld [smem:$0x3F93];
	s0 =	simm.s32 @p1 $0x1  }
0x15: {  	[smem:$0x3FB0] =	sst s0;
	s0 =	simm.s32 @!p2 $0x0  }
0x16: {  	s3 =	sld [smem:$0x3FDB];
	s0 =	simm.s32 @p2 $0x1  }
0x17: {  	s4 =	simm.s32 $0x1BF5;
	[smem:$0x3FB2] =	sst s0  }
0x18: {  	s0 =	sld [smem:$0x3F95];
	_ =	swait.ge [sflag:s4], $0x0  }
0x19: {  	s7 =	sld [smem:$0x3F96]  }
0x1a: {  	s8 =	sadd.s32 $0xFFFFE003, lr  }
0x1b: {  	s9 =	sadd.s32 $0xFFFFFEF7, lr;
	s5 =	simm.s32 $0xFFFFFFFF;
	p2 =	slt.u32 s8, $0xFFFFF086  }
0x1c: {  	p1 =	slt.u32 s9, $0xF7A;
	s5 =	simm.s32 @!p2 $0x0  }
0x1d: {  	s5 =	simm.s32 @p1 $0x1;
	p0 =	seq.s32 s7, s2  }
0x1e: {  	s7 =	smul.u32 @!p0 $0xF7A, s2;
	p2 =	seq.s32 @!p0 s5, $0x0  }
0x1f: {  	s9 =	smul.u32 $0xF7A, s1;
	s8 =	simm.s32 @!p0 $0x1BF5;
	p2 =	por !p2, p0  }
0x20: {  	[sflag:s8] =	ssyncset.s32 @!p0 $0xFFFFF086;
	s6 =	sadd.s32 @!p0 s3, s7;
	s7 =	simm.s32 @!p0 $0x108  }
0x21: {  	s3 =	sadd.s32 s3, s9;
	s6 =	sadd.s32 @!p0 $0x88, s6;
	s7 =	simm.s32 @p2 $0x1082  }
0x22: {  	[simem:s7], [sflag:s8] =	dma.local @!p0 [hbm:s6], $0xF7A  }
0x23: {  	s9 =	sor.u32 $0xD0000000, s2;
	s6 =	simm.s32 $0x108;
	_ =	swait.ge @!p0 [sflag:s8], $0x0  }
0x24: {  	s3 =	sadd.s32 $0x88, s3;
	s6 =	simm.s32 @!p1 $0x1082;
	[sflag:s4] =	ssyncset.s32 $0xFFFFF086  }
0x25: {  	[simem:s6], [sflag:s4] =	dma.local [hbm:s3], $0xF7A  }
0x26: {  	[smem:$0x3F96] =	sst s1;
	(tag) =	ssettag s2;
	_ =	strace s9  }
0x27: {  	s1 =	sld [smem:$0x3FA6]  }
0x28: {  	s2 =	sld [smem:$0x3FA7]  }
0x29: {  	s4 =	sld [smem:$0x3FA9]  }
0x2a: {  	p0 =	seq.s32 s5, $0x0;
	s5 =	sld [smem:$0x3FAA]  }
0x2b: {  	s6 =	sld [smem:$0x3FAB]  }
0x2c: {  	s7 =	sld [smem:$0x3FAC]  }
0x2d: {  	s3 =	simm.s32 $0x108;
	s8 =	sld [smem:$0x3FAD]  }
0x2e: {  	s3 =	simm.s32 @!p0 $0x1082;
	s9 =	sld [smem:$0x3FAE]  }
0x2f: {  	lr =	sadd.s32 s0, s3;
	s0 =	sld [smem:$0x3FA5]  }
0x30: {  	s3 =	sld [smem:$0x3FA8]  }
0x31: {  	[smem:$0x3FB1] =	sst s10  }
0x32: {  	s10 =	sld [smem:$0x3FAF];
	_ =	sdelay $0x3  }
0x33: {  	p0 =	seq.s32 s10, $0x1;
	s10 =	sld [smem:$0x3FB1];
	_ =	sdelay $0x3  }
0x34: {  	[smem:$0x3FB1] =	sst s10  }
0x35: {  	s10 =	sld [smem:$0x3FB0];
	_ =	sdelay $0x3  }
0x36: {  	p1 =	seq.s32 s10, $0x1;
	s10 =	sld [smem:$0x3FB1];
	_ =	sdelay $0x3  }
0x37: {  	[smem:$0x3FB1] =	sst s10  }
0x38: {  	s10 =	sld [smem:$0x3FB2]  }
0x39: {  	_ = 	snop;
	(pc) =	sbr.ind lr, $3  }
0x3a: {  	_ = 	snop  }
0x3b: {  	_ = 	snop  }
0x3c: {  	p2 =	seq.s32 s10, $0x1;
	s10 =	sld [smem:$0x3FB1]  }
0x3d: {  	_ =	shalt  }
0x3e: {  	_ =	shalt  }
0x3f: {  	_ =	shalt  }
0x40: {  	_ =	shalt  }
0x41: {  	_ =	shalt  }
0x42: {  	_ =	shalt  }
0x43: {  	_ =	shalt  }
0x44: {  	_ =	shalt  }
0x45: {  	_ =	shalt  }
0x46: {  	_ =	shalt  }
0x47: {  	_ =	shalt  }
0x48: {  	_ =	shalt  }
0x49: {  	_ =	shalt  }
0x4a: {  	_ =	shalt  }
0x4b: {  	_ =	shalt  }
0x4c: {  	_ =	shalt  }
0x4d: {  	_ =	shalt  }
0x4e: {  	_ =	shalt  }
0x4f: {  	_ =	shalt  }
0x50: {  	_ =	shalt  }
0x51: {  	_ =	shalt  }
0x52: {  	_ =	shalt  }
0x53: {  	_ =	shalt  }
0x54: {  	_ =	shalt  }
0x55: {  	_ =	shalt  }
0x56: {  	_ =	shalt  }
0x57: {  	_ =	shalt  }
0x58: {  	_ =	shalt  }
0x59: {  	_ =	shalt  }
0x5a: {  	_ =	shalt  }
0x5b: {  	_ =	shalt  }
0x5c: {  	_ =	shalt  }
0x5d: {  	_ =	shalt  }
0x5e: {  	_ =	shalt  }
0x5f: {  	_ =	shalt  }
0x60: {  	_ =	shalt  }
0x61: {  	_ =	shalt  }
0x62: {  	_ =	shalt  }
0x63: {  	_ =	shalt  }
0x64: {  	_ =	shalt  }
0x65: {  	_ =	shalt  }
0x66: {  	_ =	shalt  }
0x67: {  	_ =	shalt  }
0x68: {  	_ =	shalt  }
0x69: {  	_ =	shalt  }
0x6a: {  	_ =	shalt  }
0x6b: {  	_ =	shalt  }
0x6c: {  	_ =	shalt  }
0x6d: {  	_ =	shalt  }
0x6e: {  	_ =	shalt  }
0x6f: {  	_ =	shalt  }
0x70: {  	_ =	shalt  }
0x71: {  	_ =	shalt  }
0x72: {  	_ =	shalt  }
0x73: {  	_ =	shalt  }
0x74: {  	_ =	shalt  }
0x75: {  	_ =	shalt  }
0x76: {  	_ =	shalt  }
0x77: {  	_ =	shalt  }
0x78: {  	_ =	shalt  }
0x79: {  	_ =	shalt  }
0x7a: {  	_ =	shalt  }
0x7b: {  	_ =	shalt  }
0x7c: {  	_ =	shalt  }
0x7d: {  	_ =	shalt  }
0x7e: {  	_ =	shalt  }
0x7f: {  	_ =	shalt  }
0x80: {  	_ =	shalt  }
0x81: {  	_ =	shalt  }
0x82: {  	_ =	shalt  }
0x83: {  	_ =	shalt  }
0x84: {  	_ =	shalt  }
0x85: {  	_ =	shalt  }
0x86: {  	_ =	shalt  }
0x87: {  	_ =	shalt  }
.Lfunc_end0:
.L_simem_size_0:
called_computation.2_lowered:
.L_overlay_start_0:
0x88: {  	s2 =	sld [smem:$0x3FD9]  }
0x89: {  	s3 =	sld [smem:$0x3FFE];
	_ =	sdelay $0x1  }
0x8a: {  	s1 =	srdreg.scid  }
0x8b: {  	s0 =	sand.u32 $0x1, s1  }
0x8c: {  	s17 =	sshll.u32 s0, $0xA;
	s2 =	sadd.s32 s3, s2  }
0x8d: {  	s2 =	sadd.s32 s2, s17  }
0x8e: {  	[smem:$0x3FBD] =	sst s2  }
0x8f: {  	_ = 	snop  }
0x90: {  	s2 =	sld [smem:$0x3FD0];
	(tm) =	ssettm $0x1  }
0x91: {  	s18 =	sld [smem:$0x3FFB];
	_ =	sdelay $0x3  }
0x92: {  	_ =	strace s18  }
0x93: {  	s3 =	sld [smem:$0x3FFC];
	_ =	sdelay $0x3  }
0x94: {  	_ =	strace s3  }
0x95: {  	s3 =	sld [smem:$0x3FFD];
	_ =	sdelay $0x3  }
0x96: {  	_ =	strace s3  }
0x97: {  	_ =	strace $0x8FFFFFFF  }
0x98: {  	s19 =	sld [smem:$0x3FDB];
	_ =	sdelay $0x1  }
0x99: {  	s4 =	simm.s32 $_scs_section_size  }
0x9a: {  	s5 =	simm.s32 $_size__tile_overlayer_lowered;
	s6 =	simm.s32 $_tile_overlayer_lowered  }
0x9b: {  	s22 =	simm.s32 $0x1BFF;
	s21 =	sshll.u32 s6, $0x1;
	s3 =	sadd.s32 s4, s19  }
0x9c: {  	s7 =	simm.s32 $0x0;
	s20 =	sshll.u32 s5, $0x1;
	s5 =	sadd.s32 s21, s3  }
0x9d: {  	[timem:s7], [sflag:s22] =	dma.local [hbm:s5], s20  }
0x9e: {  	_ =	swait.ge [sflag:s22], s20  }
0x9f: {  	s4 =	ssub.s32 $0x0, s20;
	[sflag:s22] =	ssyncset.done $0x0  }
0xa0: {  	[sflag:s22] =	ssyncadd.s32 s4;
	_ =	sdelay $0x1  }
0xa1: {  	s23 =	simm.s32 $0x1B8B  }
0xa2: {  	_ =	swait.ge [sflag:s23], $0x1  }
0xa3: {  	[sflag:s23] =	ssyncset.done $0x0  }
0xa4: {  	s25 =	simm.s32 $0x1B8E;
	s24 =	sld [smem:$0x3FFE];
	[sflag:s23] =	ssyncadd.s32 $0xFFFFFFFF  }
0xa5: {  	s26 =	simm.s32 $execute0_lowered;
	[smem:$0x3FD2] =	sst s25  }
0xa6: {  	s5 =	sshll.u32 s26, $0x1;
	_ =	strace $0x8000004C;
	[dreg:$0x1] =	wrdreg $0xFFFFFFFF  }
0xa7: {  	s28 =	simm.s32 $_size_execute0_lowered;
	s3 =	sadd.s32 s3, s5;
	[dreg:$0x0] =	wrdreg $0x0  }
0xa8: {  	s5 =	sshll.u32 s28, $0x1;
	[dreg:$0x2] =	wrdreg s3  }
0xa9: {  	[dreg:$0x3] =	wrdreg s5  }
0xaa: {  	[dreg:$0x4] =	wrdreg $0xC0  }
0xab: {  	_ =	task [dreg:s7], $0x5FFFF  }
0xac: {  	[dreg:$0x1] =	wrdreg $0xFFFFFFFF  }
0xad: {  	[dreg:$0x0] =	wrdreg $0x60  }
0xae: {  	[dreg:$0x2] =	wrdreg s24  }
0xaf: {  	[dreg:$0x3] =	wrdreg s2  }
0xb0: {  	[dreg:$0x4] =	wrdreg $0x41000  }
0xb1: {  	[dreg:$0x5] =	wrdreg $0x9  }
0xb2: {  	_ =	task.clear_ibuf [dreg:s7], $0x6FFFF;
	_ =	strace $0x9000004C  }
0xb3: {  	s29 =	simm.s32 $0x9;
	_ =	strace $0x8000004E  }
0xb4: {  	_ =	swait.ge [sflag:s29], $0x1  }
0xb5: {  	[sflag:s29] =	ssyncadd.s32 $0xFFFFFFFF  }
0xb6: {  	_ =	strace $0x9000004E  }
0xb7: {  	_ =	sfence  }
0xb8: {  	s30 =	sld [smem:$0x0];
	_ =	sdelay $0x2  }
0xb9: {  	s31 =	sshll.u32 s1, $0xD;
	s1 =	sshrl.u32 s1, $0x2  }
0xba: {  	s3 =	sand.u32 $0x4000, s31;
	s1 =	sadd.s32 s1, s30  }
0xbb: {  	s0 =	sor.u32 s3, s0;
	s1 =	sshll.u32 s1, $0x11  }
0xbc: {  	s0 =	sor.u32 s1, s0  }
0xbd: {  	s0 =	sadd.s32 $0x8F2B, s0  }
0xbe: {  	[sflag:s0] =	ssyncadd.remote.s32 $0x1  }
0xbf: {  	_ =	sfence.sel $0xFFFF  }
0xc0: {  	[dreg:$0x0] =	wrdreg $0xFFFFFFFF;
	(pc) =	sbr.abs _section_cstart, $3  }
0xc1: {  	[dreg:$0x1] =	wrdreg $0xFFFFFFFF  }
0xc2: {  	_ =	task.clear_ibuf [dreg:s7], $0x2FFFF;
	_ =	strace $0x9FFFFFFF  }
0xc3: {  	(tm) =	ssettm $0x7FFFFFFF  }
tec
execute0_lowered:
.L_overlay_start_1:
0x0: {  	(tag) =	ssettag $0x1  }
0x1: {  	s8 =	rddreg [dreg:$0x0]  }
0x2: {  	s1 =	rddreg [dreg:$0x1]  }
0x3: {  	s2 =	rddreg [dreg:$0x2]  }
0x4: {  	s0 =	rddreg [dreg:$0x3];
	s3 =	simm.s32 $0x0;
	s7 =	srdreg.scid  }
0x5: {  	s4 =	stileid.u32;
	s23 =	simm.s32 $0x1;
	s24 =	simm.s32 $0x0  }
0x6: {  	[smem:$0x7FF] =	sst s3;
	s5 =	sadd.s32 $0xE000, s8;
	s6 =	sadd.s32 $0x84800, s8  }
0x7: {  	s9 =	sand.u32 $0x1, s7;
	s7 =	sadd.s32 $0x4000, s8;
	s11 =	smul.u32 $0x4F000, s4  }
0x8: {  	s18 =	sadd.s32 $0x8E800, s8;
	s12 =	smul.u32 $0x13C00, s4;
	_ =	strace $0x8000004D  }
0x9: {  	s10 =	ssub.s32 $0x2, s9;
	s30 =	sshll.u32 s9, $0x4;
	s20 =	smul.u32 $0x13C000, s9  }
0xa: {  	s29 =	sshrl.u32 s10, $0x1;
	s31 =	sshrl.u32 s11, $0x2;
	s13 =	sor.u32 s4, s30  }
0xb: {  	s14 =	sadd.s32 $0x4000, s12;
	s16 =	sadd.s32 $0x8000, s12;
	s17 =	sadd.s32 $0xC000, s12  }
0xc: {  	s21 =	sadd.s32 $0x10000, s12;
	s19 =	ssub.s32 s10, s29;
	s8 =	sadd.s32 s31, s2  }
0xd: {  	s9 =	sadd.s32 s14, s2;
	s10 =	sadd.s32 s16, s2;
	s11 =	sadd.s32 s17, s2  }
0xe: {  	s15 =	sadd.s32 s12, s20;
	s14 =	sadd.s32 s20, s14;
	s12 =	sadd.s32 s21, s2  }
0xf: {  	s13 =	smul.u32 $0x2800, s13;
	s16 =	sadd.s32 s20, s16;
	s17 =	sadd.s32 s20, s17  }
0x10: {  	s20 =	sadd.s32 s20, s21;
	s21 =	simm.s32 $0x2;
	s15 =	sshrl.u32 s15, $0x3  }
0x11: {  	s22 =	sshrl.u32 s14, $0x3;
	s16 =	sshrl.u32 s16, $0x3;
	s17 =	sshrl.u32 s17, $0x3  }
0x12: {  	s20 =	sshrl.u32 s20, $0x3;
	s19 =	smax.u32 s19, $0x1;
	s14 =	sadd.s32 s18, s15  }
0x13: {  	s15 =	sadd.s32 s18, s22;
	s16 =	sadd.s32 s18, s16;
	s17 =	sadd.s32 s18, s17  }
0x14: {  	s18 =	sadd.s32 s18, s20;
	s20 =	simm.s32 $0x100;
	s22 =	simm.s32 $0x80  }
.LBB2_1:
0x15: {  	[tilespmem:s20], [sflag:$0x2] =	stream.linear.gather [hbm4b:s1+s3], $0x4000, $0x38;
	[tilespmem:$0x17D00] =	vst v63  }
0x16: {  	_ =	swait.ge [sflag:s21], $0x4000  }
0x17: {  	[sflag:s21] =	ssyncset.done $0x0  }
0x18: {  	[sflag:s21] =	ssyncadd.s32 $0xFFFFC000  }
0x19: {  	[spmem:s8] =	stream.linear.scatter [tilespmem:s20], [sflag:$0x2], $0x4000, $0x38;
	[tilespmem:$0x17D00] =	vst v63  }
0x1a: {  	_ =	swait.ge [sflag:s21], $0x4000  }
0x1b: {  	[sflag:s21] =	ssyncset.done $0x0  }
0x1c: {  	[sflag:s21] =	ssyncadd.s32 $0xFFFFC000  }
0x1d: {  	[spmem:s9] =	stream.linear.scatter [tilespmem:s20], [sflag:$0x2], $0x4000, $0x38;
	[tilespmem:$0x17D00] =	vst v63  }
0x1e: {  	_ =	swait.ge [sflag:s21], $0x4000  }
0x1f: {  	[sflag:s21] =	ssyncset.done $0x0  }
0x20: {  	[sflag:s21] =	ssyncadd.s32 $0xFFFFC000  }
0x21: {  	[spmem:s10] =	stream.linear.scatter [tilespmem:s20], [sflag:$0x2], $0x4000, $0x38;
	[tilespmem:$0x17D00] =	vst v63  }
0x22: {  	_ =	swait.ge [sflag:s21], $0x4000  }
0x23: {  	[sflag:s21] =	ssyncset.done $0x0  }
0x24: {  	[sflag:s21] =	ssyncadd.s32 $0xFFFFC000  }
0x25: {  	[spmem:s11] =	stream.linear.scatter [tilespmem:s20], [sflag:$0x2], $0x4000, $0x38;
	[tilespmem:$0x17D00] =	vst v63  }
0x26: {  	_ =	swait.ge [sflag:s21], $0x4000  }
0x27: {  	[sflag:s21] =	ssyncset.done $0x0  }
0x28: {  	s25 =	sand.u32 $0x3C00, s3;
	[sflag:s21] =	ssyncadd.s32 $0xFFFFC000  }
0x29: {  	[spmem:s12] =	stream.linear.scatter [tilespmem:s20], [sflag:$0x2], $0x3C00, $0x38;
	[tilespmem:$0x17D00] =	vst v63  }
0x2a: {  	s26 =	sand.u32 $0x380, s3;
	s25 =	sadd.s32 s13, s25;
	_ =	swait.ge [sflag:s21], $0x3C00  }
0x2b: {  	s25 =	sor.u32 s26, s25;
	[sflag:s21] =	ssyncset.done $0x0  }
0x2c: {  	s25 =	sshrl.u32 s25, $0x3;
	[sflag:s21] =	ssyncadd.s32 $0xFFFFC400  }
0x2d: {  	s29 =	sadd.s32 s6, s25;
	[bflag:$0x0] =	sbarrier.arrive $0xFFFF  }
0x2e: {  	[tilespmem:s3], [sflag:$0x2] =	stream.linear.gather [hbm4b:s29+s3], $0x80, $0x38;
	[tilespmem:$0x17D00] =	vst v63  }
0x2f: {  	_ =	swait.ge [sflag:s21], $0x80  }
0x30: {  	[sflag:s21] =	ssyncset.done $0x0  }
0x31: {  	[sflag:s21] =	ssyncadd.s32 $0xFFFFFF80  }
0x32: {  	[tilespmem:s20], [sflag:$0x1] =	stream.indirect.gather [hbm4b:s5+s22], $0x80, s3, s22, $0xb8;
	[tilespmem:$0x17D00] =	vst v63  }
0x33: {  	s25 =	sadd.s32 s7, s25  }
0x34: {  	[tilespmem:s22], [sflag:$0x2] =	stream.linear.gather [hbm4b:s25+s3], $0x80, $0x38;
	[tilespmem:$0x17D00] =	vst v63  }
0x35: {  	_ =	swait.ge [sflag:s21], $0x80  }
0x36: {  	s30 =	simm.s32 $0x80;
	[sflag:s21] =	ssyncset.done $0x0  }
0x37: {  	s31 =	sand.u32 $0x3C00, s30;
	[sflag:s21] =	ssyncadd.s32 $0xFFFFFF80  }
0x38: {  	s26 =	sadd.s32 s13, s31;
	s25 =	sand.u32 $0x380, s30;
	_ =	swait.ge [sflag:s23], $0x4000  }
0x39: {  	s26 =	sor.u32 s25, s26;
	[sflag:s23] =	ssyncset.done $0x0  }
0x3a: {  	s25 =	simm.s32 $0x100;
	s26 =	sshrl.u32 s26, $0x3;
	[sflag:s23] =	ssyncadd.s32 $0xFFFFC000  }
.LBB2_2:
0x3b: {  	[spmem:s2] =	stream.indirect.scatter.add.f32 [tilespmem:s20], [sflag:$0x2], $0x80, s22, s22, $0xb8;
	[tilespmem:$0x17D00] =	vst v63  }
0x3c: {  	s28 =	smov.u32 s25  }
0x3d: {  	p0 =	sne.s32 s25, $0x2700;
	s25 =	sadd.s32 $0x80, s25;
	_ =	swait.ge [sflag:s21], $0x4000  }
0x3e: {  	[sflag:s21] =	ssyncset.done $0x0  }
0x3f: {  	s29 =	sadd.s32 s6, s26;
	[sflag:s21] =	ssyncadd.s32 $0xFFFFC000  }
0x40: {  	[tilespmem:s3], [sflag:$0x2] =	stream.linear.gather [hbm4b:s29+s3], $0x80, $0x38;
	[tilespmem:$0x17D00] =	vst v63  }
0x41: {  	_ =	swait.ge [sflag:s21], $0x80  }
0x42: {  	[sflag:s21] =	ssyncset.done $0x0  }
0x43: {  	[sflag:s21] =	ssyncadd.s32 $0xFFFFFF80  }
0x44: {  	[tilespmem:s20], [sflag:$0x1] =	stream.indirect.gather [hbm4b:s5+s22], $0x80, s3, s22, $0xb8;
	[tilespmem:$0x17D00] =	vst v63  }
0x45: {  	s26 =	sadd.s32 s7, s26  }
0x46: {  	[tilespmem:s22], [sflag:$0x2] =	stream.linear.gather [hbm4b:s26+s3], $0x80, $0x38;
	[tilespmem:$0x17D00] =	vst v63  }
0x47: {  	_ =	swait.ge [sflag:s21], $0x80  }
.Ltmp0:
0x48: {  	[sflag:s21] =	ssyncset.done $0x0;
	(pc) =	sbr.rel @p0 .LBB2_2-.Ltmp0, $4  }
0x49: {  	s26 =	sand.u32 $0x3C00, s28;
	[sflag:s21] =	ssyncadd.s32 $0xFFFFFF80  }
0x4a: {  	s28 =	sand.u32 $0x380, s28;
	s26 =	sadd.s32 s13, s26;
	_ =	swait.ge [sflag:s23], $0x4000  }
0x4b: {  	s26 =	sor.u32 s28, s26;
	[sflag:s23] =	ssyncset.done $0x0  }
0x4c: {  	s26 =	sshrl.u32 s26, $0x3;
	[sflag:s23] =	ssyncadd.s32 $0xFFFFC000  }
0x4d: {  	[spmem:s2] =	stream.indirect.scatter.add.f32 [tilespmem:s20], [sflag:$0x2], $0x80, s22, s22, $0xb8;
	[tilespmem:$0x17D00] =	vst v63  }
0x4e: {  	_ =	swait.ge [sflag:s21], $0x4000  }
0x4f: {  	[sflag:s21] =	ssyncset.done $0x0  }
0x50: {  	s25 =	sadd.s32 s6, s26;
	[sflag:s21] =	ssyncadd.s32 $0xFFFFC000  }
0x51: {  	[tilespmem:s3], [sflag:$0x2] =	stream.linear.gather [hbm4b:s25+s3], $0x80, $0x38;
	[tilespmem:$0x17D00] =	vst v63  }
0x52: {  	_ =	swait.ge [sflag:s21], $0x80  }
0x53: {  	[sflag:s21] =	ssyncset.done $0x0  }
0x54: {  	[sflag:s21] =	ssyncadd.s32 $0xFFFFFF80  }
0x55: {  	[tilespmem:s20], [sflag:$0x1] =	stream.indirect.gather [hbm4b:s5+s22], $0x80, s3, s22, $0xb8;
	[tilespmem:$0x17D00] =	vst v63  }
0x56: {  	s31 =	sadd.s32 s7, s26  }
0x57: {  	[tilespmem:s22], [sflag:$0x2] =	stream.linear.gather [hbm4b:s31+s3], $0x80, $0x38;
	[tilespmem:$0x17D00] =	vst v63  }
0x58: {  	_ =	swait.ge [sflag:s21], $0x80  }
0x59: {  	[sflag:s21] =	ssyncset.done $0x0  }
0x5a: {  	[sflag:s21] =	ssyncadd.s32 $0xFFFFFF80  }
0x5b: {  	_ =	swait.ge [sflag:s23], $0x4000  }
0x5c: {  	[sflag:s23] =	ssyncset.done $0x0  }
0x5d: {  	[sflag:s23] =	ssyncadd.s32 $0xFFFFC000  }
0x5e: {  	[spmem:s2] =	stream.indirect.scatter.add.f32 [tilespmem:s20], [sflag:$0x2], $0x80, s22, s22, $0xb8;
	[tilespmem:$0x17D00] =	vst v63  }
0x5f: {  	_ =	swait.ge [sflag:s21], $0x4000  }
0x60: {  	[sflag:s21] =	ssyncset.done $0x0  }
0x61: {  	[sflag:s21] =	ssyncadd.s32 $0xFFFFC000  }
0x62: {  	[bflag:$0x0] =	sbarrier.arrive $0xFFFF  }
0x63: {  	[tilespmem:s20], [sflag:$0x2] =	stream.linear.gather [spmem:s8], $0x4000, $0x38;
	[tilespmem:$0x17D00] =	vst v63  }
0x64: {  	_ =	swait.ge [sflag:s21], $0x4000  }
0x65: {  	[sflag:s21] =	ssyncset.done $0x0  }
0x66: {  	[sflag:s21] =	ssyncadd.s32 $0xFFFFC000  }
0x67: {  	[hbm4b:s14+s3] =	stream.linear.scatter [tilespmem:s20], [sflag:$0x2], $0x4000, $0x38;
	[tilespmem:$0x17D00] =	vst v63  }
0x68: {  	_ =	swait.ge [sflag:s21], $0x4000  }
0x69: {  	[sflag:s21] =	ssyncset.done $0x0  }
0x6a: {  	[sflag:s21] =	ssyncadd.s32 $0xFFFFC000  }
0x6b: {  	[tilespmem:s20], [sflag:$0x2] =	stream.linear.gather [spmem:s9], $0x4000, $0x38;
	[tilespmem:$0x17D00] =	vst v63  }
0x6c: {  	_ =	swait.ge [sflag:s21], $0x4000  }
0x6d: {  	[sflag:s21] =	ssyncset.done $0x0  }
0x6e: {  	[sflag:s21] =	ssyncadd.s32 $0xFFFFC000  }
0x6f: {  	[hbm4b:s15+s3] =	stream.linear.scatter [tilespmem:s20], [sflag:$0x2], $0x4000, $0x38;
	[tilespmem:$0x17D00] =	vst v63  }
0x70: {  	_ =	swait.ge [sflag:s21], $0x4000  }
0x71: {  	[sflag:s21] =	ssyncset.done $0x0  }
0x72: {  	[sflag:s21] =	ssyncadd.s32 $0xFFFFC000  }
0x73: {  	[tilespmem:s20], [sflag:$0x2] =	stream.linear.gather [spmem:s10], $0x4000, $0x38;
	[tilespmem:$0x17D00] =	vst v63  }
0x74: {  	_ =	swait.ge [sflag:s21], $0x4000  }
0x75: {  	[sflag:s21] =	ssyncset.done $0x0  }
0x76: {  	[sflag:s21] =	ssyncadd.s32 $0xFFFFC000  }
0x77: {  	[hbm4b:s16+s3] =	stream.linear.scatter [tilespmem:s20], [sflag:$0x2], $0x4000, $0x38;
	[tilespmem:$0x17D00] =	vst v63  }
0x78: {  	_ =	swait.ge [sflag:s21], $0x4000  }
0x79: {  	[sflag:s21] =	ssyncset.done $0x0  }
0x7a: {  	[sflag:s21] =	ssyncadd.s32 $0xFFFFC000  }
0x7b: {  	[tilespmem:s20], [sflag:$0x2] =	stream.linear.gather [spmem:s11], $0x4000, $0x38;
	[tilespmem:$0x17D00] =	vst v63  }
0x7c: {  	_ =	swait.ge [sflag:s21], $0x4000  }
0x7d: {  	[sflag:s21] =	ssyncset.done $0x0  }
0x7e: {  	[sflag:s21] =	ssyncadd.s32 $0xFFFFC000  }
0x7f: {  	[hbm4b:s17+s3] =	stream.linear.scatter [tilespmem:s20], [sflag:$0x2], $0x4000, $0x38;
	[tilespmem:$0x17D00] =	vst v63  }
0x80: {  	_ =	swait.ge [sflag:s21], $0x4000  }
0x81: {  	[sflag:s21] =	ssyncset.done $0x0  }
0x82: {  	[sflag:s21] =	ssyncadd.s32 $0xFFFFC000  }
0x83: {  	[tilespmem:s20], [sflag:$0x2] =	stream.linear.gather [spmem:s12], $0x3C00, $0x38;
	[tilespmem:$0x17D00] =	vst v63  }
0x84: {  	s24 =	sadd.s32 $0x1, s24;
	_ =	swait.ge [sflag:s21], $0x3C00  }
0x85: {  	p0 =	sne.s32 s24, s19;
	[sflag:s21] =	ssyncset.done $0x0  }
.Ltmp1:
0x86: {  	[sflag:s21] =	ssyncadd.s32 $0xFFFFC400;
	(pc) =	sbr.rel @p0 .LBB2_1-.Ltmp1, $4  }
0x87: {  	[hbm4b:s18+s3] =	stream.linear.scatter [tilespmem:s20], [sflag:$0x2], $0x3C00, $0x38;
	[tilespmem:$0x17D00] =	vst v63  }
0x88: {  	_ =	swait.ge [sflag:s21], $0x3C00  }
0x89: {  	[sflag:s21] =	ssyncset.done $0x0  }
0x8a: {  	[sflag:s21] =	ssyncadd.s32 $0xFFFFC400  }
0x8b: {  	_ =	sfence.sel $0x180000  }
0x8c: {  	[bflag:$0x0] =	sbarrier.arrive $0xFFFF  }
0x8d: {  	p0 =	sne.s32 s4, $0x0;
	_ =	strace $0x9000004D  }
0x8e: {  	s0 =	sadd.s32 @!p0 $0x100000, s0;
	[bflag:$0x2] =	sbarrier.arrive $0xFFFF  }
0x8f: {  	[sflag:s0] =	ssyncadd.tile.s32 @!p0 $0x1;
	_ =	shalt  }
.Lfunc_end2:
_tile_overlayer_lowered:
.L_overlay_start_2:
0x90: {  	(tag) =	ssettag $0x2  }
0x91: {  	s0 =	rddreg [dreg:$0x0];
	s2 =	stileid.u32  }
0x92: {  	s1 =	rddreg [dreg:$0x1];
	p0 =	sne.s32 s2, $0x0  }
0x93: {  	s3 =	rddreg [dreg:$0x2];
	[bflag:$0x3] =	sbarrier.arrive $0xFFFF;
	s2 =	simm.s32 @!p0 $0x1C02  }
0x94: {  	[timem:s3], [sflag:s2] =	dma.local @!p0 [hbm:s0], s1  }
0x95: {  	s0 =	simm.s32 @!p0 $0x2  }
0x96: {  	_ =	swait.ge @!p0 [sflag:s0], s1  }
0x97: {  	s1 =	ssub.s32 @!p0 $0x0, s1;
	[sflag:s0] =	ssyncset.done @!p0 $0x0  }
0x98: {  	[sflag:s0] =	ssyncadd.s32 @!p0 s1  }
0x99: {  	[bflag:$0x3] =	sbarrier.arrive $0xFFFF  }
0x9a: {  	_ =	shalt  }

// kernel: kernel.21.cloned.1.call-start
scs
__scs_entry_jumppad:
0x0: {  	(pc) =	sbr.rel $0x88, $3  }
0x1: {  	(tag) =	ssettag $0x0;
	lr =	simm.s32 $0x1  }
0x2: {  	[smem:$0x3F96] =	sst lr;
	_ =	strace $0xD0000000  }
0x3: {  	_ = 	snop  }
0x4: {  	_ = 	snop  }
0x5: {  	_ = 	snop  }
0x6: {  	_ = 	snop  }
0x7: {  	_ = 	snop  }
__scs_overlays_trampoline_lowered:
0x8: {  	[smem:$0x3FA5] =	sst s0  }
0x9: {  	[smem:$0x3FA6] =	sst s1  }
0xa: {  	[smem:$0x3FA7] =	sst s2  }
0xb: {  	[smem:$0x3FA8] =	sst s3  }
0xc: {  	[smem:$0x3FA9] =	sst s4  }
0xd: {  	[smem:$0x3FAA] =	sst s5  }
0xe: {  	[smem:$0x3FAB] =	sst s6  }
0xf: {  	[smem:$0x3FAC] =	sst s7  }
0x10: {  	[smem:$0x3FAD] =	sst s8  }
0x11: {  	[smem:$0x3FAE] =	sst s9;
	s0 =	simm.s32 @!p0 $0x0  }
0x12: {  	s1 =	sld [smem:$0x3F94];
	s0 =	simm.s32 @p0 $0x1  }
0x13: {  	[smem:$0x3FAF] =	sst s0;
	s0 =	simm.s32 @!p1 $0x0  }
0x14: {  	s2 =	sld [smem:$0x3F93];
	s0 =	simm.s32 @p1 $0x1  }
0x15: {  	[smem:$0x3FB0] =	sst s0;
	s0 =	simm.s32 @!p2 $0x0  }
0x16: {  	s3 =	sld [smem:$0x3FDB];
	s0 =	simm.s32 @p2 $0x1  }
0x17: {  	s4 =	simm.s32 $0x1BF5;
	[smem:$0x3FB2] =	sst s0  }
0x18: {  	s0 =	sld [smem:$0x3F95];
	_ =	swait.ge [sflag:s4], $0x0  }
0x19: {  	s7 =	sld [smem:$0x3F96]  }
0x1a: {  	s8 =	sadd.s32 $0xFFFFE003, lr  }
0x1b: {  	s9 =	sadd.s32 $0xFFFFFEF7, lr;
	s5 =	simm.s32 $0xFFFFFFFF;
	p2 =	slt.u32 s8, $0xFFFFF086  }
0x1c: {  	p1 =	slt.u32 s9, $0xF7A;
	s5 =	simm.s32 @!p2 $0x0  }
0x1d: {  	s5 =	simm.s32 @p1 $0x1;
	p0 =	seq.s32 s7, s2  }
0x1e: {  	s7 =	smul.u32 @!p0 $0xF7A, s2;
	p2 =	seq.s32 @!p0 s5, $0x0  }
0x1f: {  	s9 =	smul.u32 $0xF7A, s1;
	s8 =	simm.s32 @!p0 $0x1BF5;
	p2 =	por !p2, p0  }
0x20: {  	[sflag:s8] =	ssyncset.s32 @!p0 $0xFFFFF086;
	s6 =	sadd.s32 @!p0 s3, s7;
	s7 =	simm.s32 @!p0 $0x108  }
0x21: {  	s3 =	sadd.s32 s3, s9;
	s6 =	sadd.s32 @!p0 $0x88, s6;
	s7 =	simm.s32 @p2 $0x1082  }
0x22: {  	[simem:s7], [sflag:s8] =	dma.local @!p0 [hbm:s6], $0xF7A  }
0x23: {  	s9 =	sor.u32 $0xD0000000, s2;
	s6 =	simm.s32 $0x108;
	_ =	swait.ge @!p0 [sflag:s8], $0x0  }
0x24: {  	s3 =	sadd.s32 $0x88, s3;
	s6 =	simm.s32 @!p1 $0x1082;
	[sflag:s4] =	ssyncset.s32 $0xFFFFF086  }
0x25: {  	[simem:s6], [sflag:s4] =	dma.local [hbm:s3], $0xF7A  }
0x26: {  	[smem:$0x3F96] =	sst s1;
	(tag) =	ssettag s2;
	_ =	strace s9  }
0x27: {  	s1 =	sld [smem:$0x3FA6]  }
0x28: {  	s2 =	sld [smem:$0x3FA7]  }
0x29: {  	s4 =	sld [smem:$0x3FA9]  }
0x2a: {  	p0 =	seq.s32 s5, $0x0;
	s5 =	sld [smem:$0x3FAA]  }
0x2b: {  	s6 =	sld [smem:$0x3FAB]  }
0x2c: {  	s7 =	sld [smem:$0x3FAC]  }
0x2d: {  	s3 =	simm.s32 $0x108;
	s8 =	sld [smem:$0x3FAD]  }
0x2e: {  	s3 =	simm.s32 @!p0 $0x1082;
	s9 =	sld [smem:$0x3FAE]  }
0x2f: {  	lr =	sadd.s32 s0, s3;
	s0 =	sld [smem:$0x3FA5]  }
0x30: {  	s3 =	sld [smem:$0x3FA8]  }
0x31: {  	[smem:$0x3FB1] =	sst s10  }
0x32: {  	s10 =	sld [smem:$0x3FAF];
	_ =	sdelay $0x3  }
0x33: {  	p0 =	seq.s32 s10, $0x1;
	s10 =	sld [smem:$0x3FB1];
	_ =	sdelay $0x3  }
0x34: {  	[smem:$0x3FB1] =	sst s10  }
0x35: {  	s10 =	sld [smem:$0x3FB0];
	_ =	sdelay $0x3  }
0x36: {  	p1 =	seq.s32 s10, $0x1;
	s10 =	sld [smem:$0x3FB1];
	_ =	sdelay $0x3  }
0x37: {  	[smem:$0x3FB1] =	sst s10  }
0x38: {  	s10 =	sld [smem:$0x3FB2]  }
0x39: {  	_ = 	snop;
	(pc) =	sbr.ind lr, $3  }
0x3a: {  	_ = 	snop  }
0x3b: {  	_ = 	snop  }
0x3c: {  	p2 =	seq.s32 s10, $0x1;
	s10 =	sld [smem:$0x3FB1]  }
0x3d: {  	_ =	shalt  }
0x3e: {  	_ =	shalt  }
0x3f: {  	_ =	shalt  }
0x40: {  	_ =	shalt  }
0x41: {  	_ =	shalt  }
0x42: {  	_ =	shalt  }
0x43: {  	_ =	shalt  }
0x44: {  	_ =	shalt  }
0x45: {  	_ =	shalt  }
0x46: {  	_ =	shalt  }
0x47: {  	_ =	shalt  }
0x48: {  	_ =	shalt  }
0x49: {  	_ =	shalt  }
0x4a: {  	_ =	shalt  }
0x4b: {  	_ =	shalt  }
0x4c: {  	_ =	shalt  }
0x4d: {  	_ =	shalt  }
0x4e: {  	_ =	shalt  }
0x4f: {  	_ =	shalt  }
0x50: {  	_ =	shalt  }
0x51: {  	_ =	shalt  }
0x52: {  	_ =	shalt  }
0x53: {  	_ =	shalt  }
0x54: {  	_ =	shalt  }
0x55: {  	_ =	shalt  }
0x56: {  	_ =	shalt  }
0x57: {  	_ =	shalt  }
0x58: {  	_ =	shalt  }
0x59: {  	_ =	shalt  }
0x5a: {  	_ =	shalt  }
0x5b: {  	_ =	shalt  }
0x5c: {  	_ =	shalt  }
0x5d: {  	_ =	shalt  }
0x5e: {  	_ =	shalt  }
0x5f: {  	_ =	shalt  }
0x60: {  	_ =	shalt  }
0x61: {  	_ =	shalt  }
0x62: {  	_ =	shalt  }
0x63: {  	_ =	shalt  }
0x64: {  	_ =	shalt  }
0x65: {  	_ =	shalt  }
0x66: {  	_ =	shalt  }
0x67: {  	_ =	shalt  }
0x68: {  	_ =	shalt  }
0x69: {  	_ =	shalt  }
0x6a: {  	_ =	shalt  }
0x6b: {  	_ =	shalt  }
0x6c: {  	_ =	shalt  }
0x6d: {  	_ =	shalt  }
0x6e: {  	_ =	shalt  }
0x6f: {  	_ =	shalt  }
0x70: {  	_ =	shalt  }
0x71: {  	_ =	shalt  }
0x72: {  	_ =	shalt  }
0x73: {  	_ =	shalt  }
0x74: {  	_ =	shalt  }
0x75: {  	_ =	shalt  }
0x76: {  	_ =	shalt  }
0x77: {  	_ =	shalt  }
0x78: {  	_ =	shalt  }
0x79: {  	_ =	shalt  }
0x7a: {  	_ =	shalt  }
0x7b: {  	_ =	shalt  }
0x7c: {  	_ =	shalt  }
0x7d: {  	_ =	shalt  }
0x7e: {  	_ =	shalt  }
0x7f: {  	_ =	shalt  }
0x80: {  	_ =	shalt  }
0x81: {  	_ =	shalt  }
0x82: {  	_ =	shalt  }
0x83: {  	_ =	shalt  }
0x84: {  	_ =	shalt  }
0x85: {  	_ =	shalt  }
0x86: {  	_ =	shalt  }
0x87: {  	_ =	shalt  }
.Lfunc_end0:
.L_simem_size_0:
called_computation.3_lowered:
.L_overlay_start_0:
0x88: {  	s2 =	sld [smem:$0x3FD9]  }
0x89: {  	s3 =	sld [smem:$0x3FFE];
	_ =	sdelay $0x1  }
0x8a: {  	s1 =	srdreg.scid  }
0x8b: {  	s0 =	sand.u32 $0x1, s1  }
0x8c: {  	s17 =	sshll.u32 s0, $0xA;
	s2 =	sadd.s32 s3, s2  }
0x8d: {  	s2 =	sadd.s32 s2, s17  }
0x8e: {  	[smem:$0x3FBD] =	sst s2  }
0x8f: {  	_ = 	snop  }
0x90: {  	s2 =	sld [smem:$0x3FD0];
	(tm) =	ssettm $0x1  }
0x91: {  	s18 =	sld [smem:$0x3FFB];
	_ =	sdelay $0x3  }
0x92: {  	_ =	strace s18  }
0x93: {  	s3 =	sld [smem:$0x3FFC];
	_ =	sdelay $0x3  }
0x94: {  	_ =	strace s3  }
0x95: {  	s3 =	sld [smem:$0x3FFD];
	_ =	sdelay $0x3  }
0x96: {  	_ =	strace s3  }
0x97: {  	_ =	strace $0x8FFFFFFF  }
0x98: {  	s19 =	sld [smem:$0x3FDB];
	_ =	sdelay $0x1  }
0x99: {  	s4 =	simm.s32 $_scs_section_size  }
0x9a: {  	s5 =	simm.s32 $_size__tile_overlayer_lowered;
	s6 =	simm.s32 $_tile_overlayer_lowered  }
0x9b: {  	s22 =	simm.s32 $0x1BFF;
	s21 =	sshll.u32 s6, $0x1;
	s3 =	sadd.s32 s4, s19  }
0x9c: {  	s7 =	simm.s32 $0x0;
	s20 =	sshll.u32 s5, $0x1;
	s5 =	sadd.s32 s21, s3  }
0x9d: {  	[timem:s7], [sflag:s22] =	dma.local [hbm:s5], s20  }
0x9e: {  	_ =	swait.ge [sflag:s22], s20  }
0x9f: {  	s4 =	ssub.s32 $0x0, s20;
	[sflag:s22] =	ssyncset.done $0x0  }
0xa0: {  	[sflag:s22] =	ssyncadd.s32 s4;
	_ =	sdelay $0x1  }
0xa1: {  	s23 =	simm.s32 $0x1B8B  }
0xa2: {  	_ =	swait.ge [sflag:s23], $0x1  }
0xa3: {  	[sflag:s23] =	ssyncset.done $0x0  }
0xa4: {  	s25 =	simm.s32 $0x1B8E;
	s24 =	sld [smem:$0x3FFE];
	[sflag:s23] =	ssyncadd.s32 $0xFFFFFFFF  }
0xa5: {  	s26 =	simm.s32 $execute0_lowered;
	[smem:$0x3FD2] =	sst s25  }
0xa6: {  	s5 =	sshll.u32 s26, $0x1;
	_ =	strace $0x8000004F;
	[dreg:$0x1] =	wrdreg $0xFFFFFFFF  }
0xa7: {  	s28 =	simm.s32 $_size_execute0_lowered;
	s3 =	sadd.s32 s3, s5;
	[dreg:$0x0] =	wrdreg $0x0  }
0xa8: {  	s5 =	sshll.u32 s28, $0x1;
	[dreg:$0x2] =	wrdreg s3  }
0xa9: {  	[dreg:$0x3] =	wrdreg s5  }
0xaa: {  	[dreg:$0x4] =	wrdreg $0xC0  }
0xab: {  	_ =	task [dreg:s7], $0x5FFFF  }
0xac: {  	[dreg:$0x1] =	wrdreg $0xFFFFFFFF  }
0xad: {  	[dreg:$0x0] =	wrdreg $0x60  }
0xae: {  	[dreg:$0x2] =	wrdreg s24  }
0xaf: {  	[dreg:$0x3] =	wrdreg s2  }
0xb0: {  	[dreg:$0x4] =	wrdreg $0x41000  }
0xb1: {  	[dreg:$0x5] =	wrdreg $0x9  }
0xb2: {  	_ =	task.clear_ibuf [dreg:s7], $0x6FFFF;
	_ =	strace $0x9000004F  }
0xb3: {  	s29 =	simm.s32 $0x9;
	_ =	strace $0x80000051  }
0xb4: {  	_ =	swait.ge [sflag:s29], $0x1  }
0xb5: {  	[sflag:s29] =	ssyncadd.s32 $0xFFFFFFFF  }
0xb6: {  	_ =	strace $0x90000051  }
0xb7: {  	_ =	sfence  }
0xb8: {  	s30 =	sld [smem:$0x0];
	_ =	sdelay $0x2  }
0xb9: {  	s31 =	sshll.u32 s1, $0xD;
	s1 =	sshrl.u32 s1, $0x2  }
0xba: {  	s3 =	sand.u32 $0x4000, s31;
	s1 =	sadd.s32 s1, s30  }
0xbb: {  	s0 =	sor.u32 s3, s0;
	s1 =	sshll.u32 s1, $0x11  }
0xbc: {  	s0 =	sor.u32 s1, s0  }
0xbd: {  	s0 =	sadd.s32 $0x8F2B, s0  }
0xbe: {  	[sflag:s0] =	ssyncadd.remote.s32 $0x1  }
0xbf: {  	_ =	sfence.sel $0xFFFF  }
0xc0: {  	[dreg:$0x0] =	wrdreg $0xFFFFFFFF;
	(pc) =	sbr.abs _section_cstart, $3  }
0xc1: {  	[dreg:$0x1] =	wrdreg $0xFFFFFFFF  }
0xc2: {  	_ =	task.clear_ibuf [dreg:s7], $0x2FFFF;
	_ =	strace $0x9FFFFFFF  }
0xc3: {  	(tm) =	ssettm $0x7FFFFFFF  }
tec
execute0_lowered:
.L_overlay_start_1:
0x0: {  	(tag) =	ssettag $0x1  }
0x1: {  	s8 =	rddreg [dreg:$0x0]  }
0x2: {  	s1 =	rddreg [dreg:$0x1]  }
0x3: {  	s2 =	rddreg [dreg:$0x2]  }
0x4: {  	s0 =	rddreg [dreg:$0x3];
	s3 =	simm.s32 $0x0;
	s7 =	srdreg.scid  }
0x5: {  	s4 =	stileid.u32;
	s23 =	simm.s32 $0x1;
	s24 =	simm.s32 $0x0  }
0x6: {  	[smem:$0x7FF] =	sst s3;
	s5 =	sadd.s32 $0xE000, s8;
	s6 =	sadd.s32 $0x84800, s8  }
0x7: {  	s9 =	sand.u32 $0x1, s7;
	s7 =	sadd.s32 $0x4000, s8;
	s11 =	smul.u32 $0x4F000, s4  }
0x8: {  	s18 =	sadd.s32 $0x8E800, s8;
	s12 =	smul.u32 $0x13C00, s4;
	_ =	strace $0x80000050  }
0x9: {  	s10 =	ssub.s32 $0x2, s9;
	s30 =	sshll.u32 s9, $0x4;
	s20 =	smul.u32 $0x13C000, s9  }
0xa: {  	s29 =	sshrl.u32 s10, $0x1;
	s31 =	sshrl.u32 s11, $0x2;
	s13 =	sor.u32 s4, s30  }
0xb: {  	s14 =	sadd.s32 $0x4000, s12;
	s16 =	sadd.s32 $0x8000, s12;
	s17 =	sadd.s32 $0xC000, s12  }
0xc: {  	s21 =	sadd.s32 $0x10000, s12;
	s19 =	ssub.s32 s10, s29;
	s8 =	sadd.s32 s31, s2  }
0xd: {  	s9 =	sadd.s32 s14, s2;
	s10 =	sadd.s32 s16, s2;
	s11 =	sadd.s32 s17, s2  }
0xe: {  	s15 =	sadd.s32 s12, s20;
	s14 =	sadd.s32 s20, s14;
	s12 =	sadd.s32 s21, s2  }
0xf: {  	s13 =	smul.u32 $0x2800, s13;
	s16 =	sadd.s32 s20, s16;
	s17 =	sadd.s32 s20, s17  }
0x10: {  	s20 =	sadd.s32 s20, s21;
	s21 =	simm.s32 $0x2;
	s15 =	sshrl.u32 s15, $0x3  }
0x11: {  	s22 =	sshrl.u32 s14, $0x3;
	s16 =	sshrl.u32 s16, $0x3;
	s17 =	sshrl.u32 s17, $0x3  }
0x12: {  	s20 =	sshrl.u32 s20, $0x3;
	s19 =	smax.u32 s19, $0x1;
	s14 =	sadd.s32 s18, s15  }
0x13: {  	s15 =	sadd.s32 s18, s22;
	s16 =	sadd.s32 s18, s16;
	s17 =	sadd.s32 s18, s17  }
0x14: {  	s18 =	sadd.s32 s18, s20;
	s20 =	simm.s32 $0x100;
	s22 =	simm.s32 $0x80  }
.LBB2_1:
0x15: {  	[tilespmem:s20], [sflag:$0x2] =	stream.linear.gather [hbm4b:s1+s3], $0x4000, $0x38;
	[tilespmem:$0x17D00] =	vst v63  }
0x16: {  	_ =	swait.ge [sflag:s21], $0x4000  }
0x17: {  	[sflag:s21] =	ssyncset.done $0x0  }
0x18: {  	[sflag:s21] =	ssyncadd.s32 $0xFFFFC000  }
0x19: {  	[spmem:s8] =	stream.linear.scatter [tilespmem:s20], [sflag:$0x2], $0x4000, $0x38;
	[tilespmem:$0x17D00] =	vst v63  }
0x1a: {  	_ =	swait.ge [sflag:s21], $0x4000  }
0x1b: {  	[sflag:s21] =	ssyncset.done $0x0  }
0x1c: {  	[sflag:s21] =	ssyncadd.s32 $0xFFFFC000  }
0x1d: {  	[spmem:s9] =	stream.linear.scatter [tilespmem:s20], [sflag:$0x2], $0x4000, $0x38;
	[tilespmem:$0x17D00] =	vst v63  }
0x1e: {  	_ =	swait.ge [sflag:s21], $0x4000  }
0x1f: {  	[sflag:s21] =	ssyncset.done $0x0  }
0x20: {  	[sflag:s21] =	ssyncadd.s32 $0xFFFFC000  }
0x21: {  	[spmem:s10] =	stream.linear.scatter [tilespmem:s20], [sflag:$0x2], $0x4000, $0x38;
	[tilespmem:$0x17D00] =	vst v63  }
0x22: {  	_ =	swait.ge [sflag:s21], $0x4000  }
0x23: {  	[sflag:s21] =	ssyncset.done $0x0  }
0x24: {  	[sflag:s21] =	ssyncadd.s32 $0xFFFFC000  }
0x25: {  	[spmem:s11] =	stream.linear.scatter [tilespmem:s20], [sflag:$0x2], $0x4000, $0x38;
	[tilespmem:$0x17D00] =	vst v63  }
0x26: {  	_ =	swait.ge [sflag:s21], $0x4000  }
0x27: {  	[sflag:s21] =	ssyncset.done $0x0  }
0x28: {  	s25 =	sand.u32 $0x3C00, s3;
	[sflag:s21] =	ssyncadd.s32 $0xFFFFC000  }
0x29: {  	[spmem:s12] =	stream.linear.scatter [tilespmem:s20], [sflag:$0x2], $0x3C00, $0x38;
	[tilespmem:$0x17D00] =	vst v63  }
0x2a: {  	s26 =	sand.u32 $0x380, s3;
	s25 =	sadd.s32 s13, s25;
	_ =	swait.ge [sflag:s21], $0x3C00  }
0x2b: {  	s25 =	sor.u32 s26, s25;
	[sflag:s21] =	ssyncset.done $0x0  }
0x2c: {  	s25 =	sshrl.u32 s25, $0x3;
	[sflag:s21] =	ssyncadd.s32 $0xFFFFC400  }
0x2d: {  	s29 =	sadd.s32 s6, s25;
	[bflag:$0x0] =	sbarrier.arrive $0xFFFF  }
0x2e: {  	[tilespmem:s3], [sflag:$0x2] =	stream.linear.gather [hbm4b:s29+s3], $0x80, $0x38;
	[tilespmem:$0x17D00] =	vst v63  }
0x2f: {  	_ =	swait.ge [sflag:s21], $0x80  }
0x30: {  	[sflag:s21] =	ssyncset.done $0x0  }
0x31: {  	[sflag:s21] =	ssyncadd.s32 $0xFFFFFF80  }
0x32: {  	[tilespmem:s20], [sflag:$0x1] =	stream.indirect.gather [hbm4b:s5+s22], $0x80, s3, s22, $0xb8;
	[tilespmem:$0x17D00] =	vst v63  }
0x33: {  	s25 =	sadd.s32 s7, s25  }
0x34: {  	[tilespmem:s22], [sflag:$0x2] =	stream.linear.gather [hbm4b:s25+s3], $0x80, $0x38;
	[tilespmem:$0x17D00] =	vst v63  }
0x35: {  	_ =	swait.ge [sflag:s21], $0x80  }
0x36: {  	s30 =	simm.s32 $0x80;
	[sflag:s21] =	ssyncset.done $0x0  }
0x37: {  	s31 =	sand.u32 $0x3C00, s30;
	[sflag:s21] =	ssyncadd.s32 $0xFFFFFF80  }
0x38: {  	s26 =	sadd.s32 s13, s31;
	s25 =	sand.u32 $0x380, s30;
	_ =	swait.ge [sflag:s23], $0x4000  }
0x39: {  	s26 =	sor.u32 s25, s26;
	[sflag:s23] =	ssyncset.done $0x0  }
0x3a: {  	s25 =	simm.s32 $0x100;
	s26 =	sshrl.u32 s26, $0x3;
	[sflag:s23] =	ssyncadd.s32 $0xFFFFC000  }
.LBB2_2:
0x3b: {  	[spmem:s2] =	stream.indirect.scatter.add.f32 [tilespmem:s20], [sflag:$0x2], $0x80, s22, s22, $0xb8;
	[tilespmem:$0x17D00] =	vst v63  }
0x3c: {  	s28 =	smov.u32 s25  }
0x3d: {  	p0 =	sne.s32 s25, $0x2700;
	s25 =	sadd.s32 $0x80, s25;
	_ =	swait.ge [sflag:s21], $0x4000  }
0x3e: {  	[sflag:s21] =	ssyncset.done $0x0  }
0x3f: {  	s29 =	sadd.s32 s6, s26;
	[sflag:s21] =	ssyncadd.s32 $0xFFFFC000  }
0x40: {  	[tilespmem:s3], [sflag:$0x2] =	stream.linear.gather [hbm4b:s29+s3], $0x80, $0x38;
	[tilespmem:$0x17D00] =	vst v63  }
0x41: {  	_ =	swait.ge [sflag:s21], $0x80  }
0x42: {  	[sflag:s21] =	ssyncset.done $0x0  }
0x43: {  	[sflag:s21] =	ssyncadd.s32 $0xFFFFFF80  }
0x44: {  	[tilespmem:s20], [sflag:$0x1] =	stream.indirect.gather [hbm4b:s5+s22], $0x80, s3, s22, $0xb8;
	[tilespmem:$0x17D00] =	vst v63  }
0x45: {  	s26 =	sadd.s32 s7, s26  }
0x46: {  	[tilespmem:s22], [sflag:$0x2] =	stream.linear.gather [hbm4b:s26+s3], $0x80, $0x38;
	[tilespmem:$0x17D00] =	vst v63  }
0x47: {  	_ =	swait.ge [sflag:s21], $0x80  }
.Ltmp0:
0x48: {  	[sflag:s21] =	ssyncset.done $0x0;
	(pc) =	sbr.rel @p0 .LBB2_2-.Ltmp0, $4  }
0x49: {  	s26 =	sand.u32 $0x3C00, s28;
	[sflag:s21] =	ssyncadd.s32 $0xFFFFFF80  }
0x4a: {  	s28 =	sand.u32 $0x380, s28;
	s26 =	sadd.s32 s13, s26;
	_ =	swait.ge [sflag:s23], $0x4000  }
0x4b: {  	s26 =	sor.u32 s28, s26;
	[sflag:s23] =	ssyncset.done $0x0  }
0x4c: {  	s26 =	sshrl.u32 s26, $0x3;
	[sflag:s23] =	ssyncadd.s32 $0xFFFFC000  }
0x4d: {  	[spmem:s2] =	stream.indirect.scatter.add.f32 [tilespmem:s20], [sflag:$0x2], $0x80, s22, s22, $0xb8;
	[tilespmem:$0x17D00] =	vst v63  }
0x4e: {  	_ =	swait.ge [sflag:s21], $0x4000  }
0x4f: {  	[sflag:s21] =	ssyncset.done $0x0  }
0x50: {  	s25 =	sadd.s32 s6, s26;
	[sflag:s21] =	ssyncadd.s32 $0xFFFFC000  }
0x51: {  	[tilespmem:s3], [sflag:$0x2] =	stream.linear.gather [hbm4b:s25+s3], $0x80, $0x38;
	[tilespmem:$0x17D00] =	vst v63  }
0x52: {  	_ =	swait.ge [sflag:s21], $0x80  }
0x53: {  	[sflag:s21] =	ssyncset.done $0x0  }
0x54: {  	[sflag:s21] =	ssyncadd.s32 $0xFFFFFF80  }
0x55: {  	[tilespmem:s20], [sflag:$0x1] =	stream.indirect.gather [hbm4b:s5+s22], $0x80, s3, s22, $0xb8;
	[tilespmem:$0x17D00] =	vst v63  }
0x56: {  	s31 =	sadd.s32 s7, s26  }
0x57: {  	[tilespmem:s22], [sflag:$0x2] =	stream.linear.gather [hbm4b:s31+s3], $0x80, $0x38;
	[tilespmem:$0x17D00] =	vst v63  }
0x58: {  	_ =	swait.ge [sflag:s21], $0x80  }
0x59: {  	[sflag:s21] =	ssyncset.done $0x0  }
0x5a: {  	[sflag:s21] =	ssyncadd.s32 $0xFFFFFF80  }
0x5b: {  	_ =	swait.ge [sflag:s23], $0x4000  }
0x5c: {  	[sflag:s23] =	ssyncset.done $0x0  }
0x5d: {  	[sflag:s23] =	ssyncadd.s32 $0xFFFFC000  }
0x5e: {  	[spmem:s2] =	stream.indirect.scatter.add.f32 [tilespmem:s20], [sflag:$0x2], $0x80, s22, s22, $0xb8;
	[tilespmem:$0x17D00] =	vst v63  }
0x5f: {  	_ =	swait.ge [sflag:s21], $0x4000  }
0x60: {  	[sflag:s21] =	ssyncset.done $0x0  }
0x61: {  	[sflag:s21] =	ssyncadd.s32 $0xFFFFC000  }
0x62: {  	[bflag:$0x0] =	sbarrier.arrive $0xFFFF  }
0x63: {  	[tilespmem:s20], [sflag:$0x2] =	stream.linear.gather [spmem:s8], $0x4000, $0x38;
	[tilespmem:$0x17D00] =	vst v63  }
0x64: {  	_ =	swait.ge [sflag:s21], $0x4000  }
0x65: {  	[sflag:s21] =	ssyncset.done $0x0  }
0x66: {  	[sflag:s21] =	ssyncadd.s32 $0xFFFFC000  }
0x67: {  	[hbm4b:s14+s3] =	stream.linear.scatter [tilespmem:s20], [sflag:$0x2], $0x4000, $0x38;
	[tilespmem:$0x17D00] =	vst v63  }
0x68: {  	_ =	swait.ge [sflag:s21], $0x4000  }
0x69: {  	[sflag:s21] =	ssyncset.done $0x0  }
0x6a: {  	[sflag:s21] =	ssyncadd.s32 $0xFFFFC000  }
0x6b: {  	[tilespmem:s20], [sflag:$0x2] =	stream.linear.gather [spmem:s9], $0x4000, $0x38;
	[tilespmem:$0x17D00] =	vst v63  }
0x6c: {  	_ =	swait.ge [sflag:s21], $0x4000  }
0x6d: {  	[sflag:s21] =	ssyncset.done $0x0  }
0x6e: {  	[sflag:s21] =	ssyncadd.s32 $0xFFFFC000  }
0x6f: {  	[hbm4b:s15+s3] =	stream.linear.scatter [tilespmem:s20], [sflag:$0x2], $0x4000, $0x38;
	[tilespmem:$0x17D00] =	vst v63  }
0x70: {  	_ =	swait.ge [sflag:s21], $0x4000  }
0x71: {  	[sflag:s21] =	ssyncset.done $0x0  }
0x72: {  	[sflag:s21] =	ssyncadd.s32 $0xFFFFC000  }
0x73: {  	[tilespmem:s20], [sflag:$0x2] =	stream.linear.gather [spmem:s10], $0x4000, $0x38;
	[tilespmem:$0x17D00] =	vst v63  }
0x74: {  	_ =	swait.ge [sflag:s21], $0x4000  }
0x75: {  	[sflag:s21] =	ssyncset.done $0x0  }
0x76: {  	[sflag:s21] =	ssyncadd.s32 $0xFFFFC000  }
0x77: {  	[hbm4b:s16+s3] =	stream.linear.scatter [tilespmem:s20], [sflag:$0x2], $0x4000, $0x38;
	[tilespmem:$0x17D00] =	vst v63  }
0x78: {  	_ =	swait.ge [sflag:s21], $0x4000  }
0x79: {  	[sflag:s21] =	ssyncset.done $0x0  }
0x7a: {  	[sflag:s21] =	ssyncadd.s32 $0xFFFFC000  }
0x7b: {  	[tilespmem:s20], [sflag:$0x2] =	stream.linear.gather [spmem:s11], $0x4000, $0x38;
	[tilespmem:$0x17D00] =	vst v63  }
0x7c: {  	_ =	swait.ge [sflag:s21], $0x4000  }
0x7d: {  	[sflag:s21] =	ssyncset.done $0x0  }
0x7e: {  	[sflag:s21] =	ssyncadd.s32 $0xFFFFC000  }
0x7f: {  	[hbm4b:s17+s3] =	stream.linear.scatter [tilespmem:s20], [sflag:$0x2], $0x4000, $0x38;
	[tilespmem:$0x17D00] =	vst v63  }
0x80: {  	_ =	swait.ge [sflag:s21], $0x4000  }
0x81: {  	[sflag:s21] =	ssyncset.done $0x0  }
0x82: {  	[sflag:s21] =	ssyncadd.s32 $0xFFFFC000  }
0x83: {  	[tilespmem:s20], [sflag:$0x2] =	stream.linear.gather [spmem:s12], $0x3C00, $0x38;
	[tilespmem:$0x17D00] =	vst v63  }
0x84: {  	s24 =	sadd.s32 $0x1, s24;
	_ =	swait.ge [sflag:s21], $0x3C00  }
0x85: {  	p0 =	sne.s32 s24, s19;
	[sflag:s21] =	ssyncset.done $0x0  }
.Ltmp1:
0x86: {  	[sflag:s21] =	ssyncadd.s32 $0xFFFFC400;
	(pc) =	sbr.rel @p0 .LBB2_1-.Ltmp1, $4  }
0x87: {  	[hbm4b:s18+s3] =	stream.linear.scatter [tilespmem:s20], [sflag:$0x2], $0x3C00, $0x38;
	[tilespmem:$0x17D00] =	vst v63  }
0x88: {  	_ =	swait.ge [sflag:s21], $0x3C00  }
0x89: {  	[sflag:s21] =	ssyncset.done $0x0  }
0x8a: {  	[sflag:s21] =	ssyncadd.s32 $0xFFFFC400  }
0x8b: {  	_ =	sfence.sel $0x180000  }
0x8c: {  	[bflag:$0x0] =	sbarrier.arrive $0xFFFF  }
0x8d: {  	p0 =	sne.s32 s4, $0x0;
	_ =	strace $0x90000050  }
0x8e: {  	s0 =	sadd.s32 @!p0 $0x100000, s0;
	[bflag:$0x2] =	sbarrier.arrive $0xFFFF  }
0x8f: {  	[sflag:s0] =	ssyncadd.tile.s32 @!p0 $0x1;
	_ =	shalt  }
.Lfunc_end2:
_tile_overlayer_lowered:
.L_overlay_start_2:
0x90: {  	(tag) =	ssettag $0x2  }
0x91: {  	s0 =	rddreg [dreg:$0x0];
	s2 =	stileid.u32  }
0x92: {  	s1 =	rddreg [dreg:$0x1];
	p0 =	sne.s32 s2, $0x0  }
0x93: {  	s3 =	rddreg [dreg:$0x2];
	[bflag:$0x3] =	sbarrier.arrive $0xFFFF;
	s2 =	simm.s32 @!p0 $0x1C02  }
0x94: {  	[timem:s3], [sflag:s2] =	dma.local @!p0 [hbm:s0], s1  }
0x95: {  	s0 =	simm.s32 @!p0 $0x2  }
0x96: {  	_ =	swait.ge @!p0 [sflag:s0], s1  }
0x97: {  	s1 =	ssub.s32 @!p0 $0x0, s1;
	[sflag:s0] =	ssyncset.done @!p0 $0x0  }
0x98: {  	[sflag:s0] =	ssyncadd.s32 @!p0 s1  }
0x99: {  	[bflag:$0x3] =	sbarrier.arrive $0xFFFF  }
0x9a: {  	_ =	shalt  }

// kernel: kernel.24.cloned.1.call-start
scs
__scs_entry_jumppad:
0x0: {  	(pc) =	sbr.rel $0x88, $3  }
0x1: {  	(tag) =	ssettag $0x0;
	lr =	simm.s32 $0x1  }
0x2: {  	[smem:$0x3F96] =	sst lr;
	_ =	strace $0xD0000000  }
0x3: {  	_ = 	snop  }
0x4: {  	_ = 	snop  }
0x5: {  	_ = 	snop  }
0x6: {  	_ = 	snop  }
0x7: {  	_ = 	snop  }
__scs_overlays_trampoline_lowered:
0x8: {  	[smem:$0x3FA5] =	sst s0  }
0x9: {  	[smem:$0x3FA6] =	sst s1  }
0xa: {  	[smem:$0x3FA7] =	sst s2  }
0xb: {  	[smem:$0x3FA8] =	sst s3  }
0xc: {  	[smem:$0x3FA9] =	sst s4  }
0xd: {  	[smem:$0x3FAA] =	sst s5  }
0xe: {  	[smem:$0x3FAB] =	sst s6  }
0xf: {  	[smem:$0x3FAC] =	sst s7  }
0x10: {  	[smem:$0x3FAD] =	sst s8  }
0x11: {  	[smem:$0x3FAE] =	sst s9;
	s0 =	simm.s32 @!p0 $0x0  }
0x12: {  	s1 =	sld [smem:$0x3F94];
	s0 =	simm.s32 @p0 $0x1  }
0x13: {  	[smem:$0x3FAF] =	sst s0;
	s0 =	simm.s32 @!p1 $0x0  }
0x14: {  	s2 =	sld [smem:$0x3F93];
	s0 =	simm.s32 @p1 $0x1  }
0x15: {  	[smem:$0x3FB0] =	sst s0;
	s0 =	simm.s32 @!p2 $0x0  }
0x16: {  	s3 =	sld [smem:$0x3FDB];
	s0 =	simm.s32 @p2 $0x1  }
0x17: {  	s4 =	simm.s32 $0x1BF5;
	[smem:$0x3FB2] =	sst s0  }
0x18: {  	s0 =	sld [smem:$0x3F95];
	_ =	swait.ge [sflag:s4], $0x0  }
0x19: {  	s7 =	sld [smem:$0x3F96]  }
0x1a: {  	s8 =	sadd.s32 $0xFFFFE003, lr  }
0x1b: {  	s9 =	sadd.s32 $0xFFFFFEF7, lr;
	s5 =	simm.s32 $0xFFFFFFFF;
	p2 =	slt.u32 s8, $0xFFFFF086  }
0x1c: {  	p1 =	slt.u32 s9, $0xF7A;
	s5 =	simm.s32 @!p2 $0x0  }
0x1d: {  	s5 =	simm.s32 @p1 $0x1;
	p0 =	seq.s32 s7, s2  }
0x1e: {  	s7 =	smul.u32 @!p0 $0xF7A, s2;
	p2 =	seq.s32 @!p0 s5, $0x0  }
0x1f: {  	s9 =	smul.u32 $0xF7A, s1;
	s8 =	simm.s32 @!p0 $0x1BF5;
	p2 =	por !p2, p0  }
0x20: {  	[sflag:s8] =	ssyncset.s32 @!p0 $0xFFFFF086;
	s6 =	sadd.s32 @!p0 s3, s7;
	s7 =	simm.s32 @!p0 $0x108  }
0x21: {  	s3 =	sadd.s32 s3, s9;
	s6 =	sadd.s32 @!p0 $0x88, s6;
	s7 =	simm.s32 @p2 $0x1082  }
0x22: {  	[simem:s7], [sflag:s8] =	dma.local @!p0 [hbm:s6], $0xF7A  }
0x23: {  	s9 =	sor.u32 $0xD0000000, s2;
	s6 =	simm.s32 $0x108;
	_ =	swait.ge @!p0 [sflag:s8], $0x0  }
0x24: {  	s3 =	sadd.s32 $0x88, s3;
	s6 =	simm.s32 @!p1 $0x1082;
	[sflag:s4] =	ssyncset.s32 $0xFFFFF086  }
0x25: {  	[simem:s6], [sflag:s4] =	dma.local [hbm:s3], $0xF7A  }
0x26: {  	[smem:$0x3F96] =	sst s1;
	(tag) =	ssettag s2;
	_ =	strace s9  }
0x27: {  	s1 =	sld [smem:$0x3FA6]  }
0x28: {  	s2 =	sld [smem:$0x3FA7]  }
0x29: {  	s4 =	sld [smem:$0x3FA9]  }
0x2a: {  	p0 =	seq.s32 s5, $0x0;
	s5 =	sld [smem:$0x3FAA]  }
0x2b: {  	s6 =	sld [smem:$0x3FAB]  }
0x2c: {  	s7 =	sld [smem:$0x3FAC]  }
0x2d: {  	s3 =	simm.s32 $0x108;
	s8 =	sld [smem:$0x3FAD]  }
0x2e: {  	s3 =	simm.s32 @!p0 $0x1082;
	s9 =	sld [smem:$0x3FAE]  }
0x2f: {  	lr =	sadd.s32 s0, s3;
	s0 =	sld [smem:$0x3FA5]  }
0x30: {  	s3 =	sld [smem:$0x3FA8]  }
0x31: {  	[smem:$0x3FB1] =	sst s10  }
0x32: {  	s10 =	sld [smem:$0x3FAF];
	_ =	sdelay $0x3  }
0x33: {  	p0 =	seq.s32 s10, $0x1;
	s10 =	sld [smem:$0x3FB1];
	_ =	sdelay $0x3  }
0x34: {  	[smem:$0x3FB1] =	sst s10  }
0x35: {  	s10 =	sld [smem:$0x3FB0];
	_ =	sdelay $0x3  }
0x36: {  	p1 =	seq.s32 s10, $0x1;
	s10 =	sld [smem:$0x3FB1];
	_ =	sdelay $0x3  }
0x37: {  	[smem:$0x3FB1] =	sst s10  }
0x38: {  	s10 =	sld [smem:$0x3FB2]  }
0x39: {  	_ = 	snop;
	(pc) =	sbr.ind lr, $3  }
0x3a: {  	_ = 	snop  }
0x3b: {  	_ = 	snop  }
0x3c: {  	p2 =	seq.s32 s10, $0x1;
	s10 =	sld [smem:$0x3FB1]  }
0x3d: {  	_ =	shalt  }
0x3e: {  	_ =	shalt  }
0x3f: {  	_ =	shalt  }
0x40: {  	_ =	shalt  }
0x41: {  	_ =	shalt  }
0x42: {  	_ =	shalt  }
0x43: {  	_ =	shalt  }
0x44: {  	_ =	shalt  }
0x45: {  	_ =	shalt  }
0x46: {  	_ =	shalt  }
0x47: {  	_ =	shalt  }
0x48: {  	_ =	shalt  }
0x49: {  	_ =	shalt  }
0x4a: {  	_ =	shalt  }
0x4b: {  	_ =	shalt  }
0x4c: {  	_ =	shalt  }
0x4d: {  	_ =	shalt  }
0x4e: {  	_ =	shalt  }
0x4f: {  	_ =	shalt  }
0x50: {  	_ =	shalt  }
0x51: {  	_ =	shalt  }
0x52: {  	_ =	shalt  }
0x53: {  	_ =	shalt  }
0x54: {  	_ =	shalt  }
0x55: {  	_ =	shalt  }
0x56: {  	_ =	shalt  }
0x57: {  	_ =	shalt  }
0x58: {  	_ =	shalt  }
0x59: {  	_ =	shalt  }
0x5a: {  	_ =	shalt  }
0x5b: {  	_ =	shalt  }
0x5c: {  	_ =	shalt  }
0x5d: {  	_ =	shalt  }
0x5e: {  	_ =	shalt  }
0x5f: {  	_ =	shalt  }
0x60: {  	_ =	shalt  }
0x61: {  	_ =	shalt  }
0x62: {  	_ =	shalt  }
0x63: {  	_ =	shalt  }
0x64: {  	_ =	shalt  }
0x65: {  	_ =	shalt  }
0x66: {  	_ =	shalt  }
0x67: {  	_ =	shalt  }
0x68: {  	_ =	shalt  }
0x69: {  	_ =	shalt  }
0x6a: {  	_ =	shalt  }
0x6b: {  	_ =	shalt  }
0x6c: {  	_ =	shalt  }
0x6d: {  	_ =	shalt  }
0x6e: {  	_ =	shalt  }
0x6f: {  	_ =	shalt  }
0x70: {  	_ =	shalt  }
0x71: {  	_ =	shalt  }
0x72: {  	_ =	shalt  }
0x73: {  	_ =	shalt  }
0x74: {  	_ =	shalt  }
0x75: {  	_ =	shalt  }
0x76: {  	_ =	shalt  }
0x77: {  	_ =	shalt  }
0x78: {  	_ =	shalt  }
0x79: {  	_ =	shalt  }
0x7a: {  	_ =	shalt  }
0x7b: {  	_ =	shalt  }
0x7c: {  	_ =	shalt  }
0x7d: {  	_ =	shalt  }
0x7e: {  	_ =	shalt  }
0x7f: {  	_ =	shalt  }
0x80: {  	_ =	shalt  }
0x81: {  	_ =	shalt  }
0x82: {  	_ =	shalt  }
0x83: {  	_ =	shalt  }
0x84: {  	_ =	shalt  }
0x85: {  	_ =	shalt  }
0x86: {  	_ =	shalt  }
0x87: {  	_ =	shalt  }
.Lfunc_end0:
.L_simem_size_0:
called_computation.4_lowered:
.L_overlay_start_0:
0x88: {  	s2 =	sld [smem:$0x3FD9]  }
0x89: {  	s3 =	sld [smem:$0x3FFE];
	_ =	sdelay $0x1  }
0x8a: {  	s1 =	srdreg.scid  }
0x8b: {  	s0 =	sand.u32 $0x1, s1  }
0x8c: {  	s17 =	sshll.u32 s0, $0xA;
	s2 =	sadd.s32 s3, s2  }
0x8d: {  	s2 =	sadd.s32 s2, s17  }
0x8e: {  	[smem:$0x3FBD] =	sst s2  }
0x8f: {  	_ = 	snop  }
0x90: {  	s2 =	sld [smem:$0x3FD0];
	(tm) =	ssettm $0x1  }
0x91: {  	s18 =	sld [smem:$0x3FFB];
	_ =	sdelay $0x3  }
0x92: {  	_ =	strace s18  }
0x93: {  	s3 =	sld [smem:$0x3FFC];
	_ =	sdelay $0x3  }
0x94: {  	_ =	strace s3  }
0x95: {  	s3 =	sld [smem:$0x3FFD];
	_ =	sdelay $0x3  }
0x96: {  	_ =	strace s3  }
0x97: {  	_ =	strace $0x8FFFFFFF  }
0x98: {  	s19 =	sld [smem:$0x3FDB];
	_ =	sdelay $0x1  }
0x99: {  	s4 =	simm.s32 $_scs_section_size  }
0x9a: {  	s5 =	simm.s32 $_size__tile_overlayer_lowered;
	s6 =	simm.s32 $_tile_overlayer_lowered  }
0x9b: {  	s22 =	simm.s32 $0x1BFF;
	s21 =	sshll.u32 s6, $0x1;
	s3 =	sadd.s32 s4, s19  }
0x9c: {  	s7 =	simm.s32 $0x0;
	s20 =	sshll.u32 s5, $0x1;
	s5 =	sadd.s32 s21, s3  }
0x9d: {  	[timem:s7], [sflag:s22] =	dma.local [hbm:s5], s20  }
0x9e: {  	_ =	swait.ge [sflag:s22], s20  }
0x9f: {  	s4 =	ssub.s32 $0x0, s20;
	[sflag:s22] =	ssyncset.done $0x0  }
0xa0: {  	[sflag:s22] =	ssyncadd.s32 s4;
	_ =	sdelay $0x1  }
0xa1: {  	s23 =	simm.s32 $0x1B8B  }
0xa2: {  	_ =	swait.ge [sflag:s23], $0x1  }
0xa3: {  	[sflag:s23] =	ssyncset.done $0x0  }
0xa4: {  	s25 =	simm.s32 $0x1B8E;
	s24 =	sld [smem:$0x3FFE];
	[sflag:s23] =	ssyncadd.s32 $0xFFFFFFFF  }
0xa5: {  	s26 =	simm.s32 $execute0_lowered;
	[smem:$0x3FD2] =	sst s25  }
0xa6: {  	s5 =	sshll.u32 s26, $0x1;
	_ =	strace $0x80000052;
	[dreg:$0x1] =	wrdreg $0xFFFFFFFF  }
0xa7: {  	s28 =	simm.s32 $_size_execute0_lowered;
	s3 =	sadd.s32 s3, s5;
	[dreg:$0x0] =	wrdreg $0x0  }
0xa8: {  	s5 =	sshll.u32 s28, $0x1;
	[dreg:$0x2] =	wrdreg s3  }
0xa9: {  	[dreg:$0x3] =	wrdreg s5  }
0xaa: {  	[dreg:$0x4] =	wrdreg $0xC0  }
0xab: {  	_ =	task [dreg:s7], $0x5FFFF  }
0xac: {  	[dreg:$0x1] =	wrdreg $0xFFFFFFFF  }
0xad: {  	[dreg:$0x0] =	wrdreg $0x60  }
0xae: {  	[dreg:$0x2] =	wrdreg s24  }
0xaf: {  	[dreg:$0x3] =	wrdreg s2  }
0xb0: {  	[dreg:$0x4] =	wrdreg $0x41000  }
0xb1: {  	[dreg:$0x5] =	wrdreg $0x9  }
0xb2: {  	_ =	task.clear_ibuf [dreg:s7], $0x6FFFF;
	_ =	strace $0x90000052  }
0xb3: {  	s29 =	simm.s32 $0x9;
	_ =	strace $0x80000054  }
0xb4: {  	_ =	swait.ge [sflag:s29], $0x1  }
0xb5: {  	[sflag:s29] =	ssyncadd.s32 $0xFFFFFFFF  }
0xb6: {  	_ =	strace $0x90000054  }
0xb7: {  	_ =	sfence  }
0xb8: {  	s30 =	sld [smem:$0x0];
	_ =	sdelay $0x2  }
0xb9: {  	s31 =	sshll.u32 s1, $0xD;
	s1 =	sshrl.u32 s1, $0x2  }
0xba: {  	s3 =	sand.u32 $0x4000, s31;
	s1 =	sadd.s32 s1, s30  }
0xbb: {  	s0 =	sor.u32 s3, s0;
	s1 =	sshll.u32 s1, $0x11  }
0xbc: {  	s0 =	sor.u32 s1, s0  }
0xbd: {  	s0 =	sadd.s32 $0x8F2B, s0  }
0xbe: {  	[sflag:s0] =	ssyncadd.remote.s32 $0x1  }
0xbf: {  	_ =	sfence.sel $0xFFFF  }
0xc0: {  	[dreg:$0x0] =	wrdreg $0xFFFFFFFF;
	(pc) =	sbr.abs _section_cstart, $3  }
0xc1: {  	[dreg:$0x1] =	wrdreg $0xFFFFFFFF  }
0xc2: {  	_ =	task.clear_ibuf [dreg:s7], $0x2FFFF;
	_ =	strace $0x9FFFFFFF  }
0xc3: {  	(tm) =	ssettm $0x7FFFFFFF  }
tec
execute0_lowered:
.L_overlay_start_1:
0x0: {  	(tag) =	ssettag $0x1  }
0x1: {  	s8 =	rddreg [dreg:$0x0]  }
0x2: {  	s1 =	rddreg [dreg:$0x1]  }
0x3: {  	s2 =	rddreg [dreg:$0x2]  }
0x4: {  	s0 =	rddreg [dreg:$0x3];
	s3 =	simm.s32 $0x0;
	s7 =	srdreg.scid  }
0x5: {  	s4 =	stileid.u32;
	s23 =	simm.s32 $0x1;
	s24 =	simm.s32 $0x0  }
0x6: {  	[smem:$0x7FF] =	sst s3;
	s5 =	sadd.s32 $0xE000, s8;
	s6 =	sadd.s32 $0x84800, s8  }
0x7: {  	s9 =	sand.u32 $0x1, s7;
	s7 =	sadd.s32 $0x4000, s8;
	s11 =	smul.u32 $0x4F000, s4  }
0x8: {  	s18 =	sadd.s32 $0x8E800, s8;
	s12 =	smul.u32 $0x13C00, s4;
	_ =	strace $0x80000053  }
0x9: {  	s10 =	ssub.s32 $0x2, s9;
	s30 =	sshll.u32 s9, $0x4;
	s20 =	smul.u32 $0x13C000, s9  }
0xa: {  	s29 =	sshrl.u32 s10, $0x1;
	s31 =	sshrl.u32 s11, $0x2;
	s13 =	sor.u32 s4, s30  }
0xb: {  	s14 =	sadd.s32 $0x4000, s12;
	s16 =	sadd.s32 $0x8000, s12;
	s17 =	sadd.s32 $0xC000, s12  }
0xc: {  	s21 =	sadd.s32 $0x10000, s12;
	s19 =	ssub.s32 s10, s29;
	s8 =	sadd.s32 s31, s2  }
0xd: {  	s9 =	sadd.s32 s14, s2;
	s10 =	sadd.s32 s16, s2;
	s11 =	sadd.s32 s17, s2  }
0xe: {  	s15 =	sadd.s32 s12, s20;
	s14 =	sadd.s32 s20, s14;
	s12 =	sadd.s32 s21, s2  }
0xf: {  	s13 =	smul.u32 $0x2800, s13;
	s16 =	sadd.s32 s20, s16;
	s17 =	sadd.s32 s20, s17  }
0x10: {  	s20 =	sadd.s32 s20, s21;
	s21 =	simm.s32 $0x2;
	s15 =	sshrl.u32 s15, $0x3  }
0x11: {  	s22 =	sshrl.u32 s14, $0x3;
	s16 =	sshrl.u32 s16, $0x3;
	s17 =	sshrl.u32 s17, $0x3  }
0x12: {  	s20 =	sshrl.u32 s20, $0x3;
	s19 =	smax.u32 s19, $0x1;
	s14 =	sadd.s32 s18, s15  }
0x13: {  	s15 =	sadd.s32 s18, s22;
	s16 =	sadd.s32 s18, s16;
	s17 =	sadd.s32 s18, s17  }
0x14: {  	s18 =	sadd.s32 s18, s20;
	s20 =	simm.s32 $0x100;
	s22 =	simm.s32 $0x80  }
.LBB2_1:
0x15: {  	[tilespmem:s20], [sflag:$0x2] =	stream.linear.gather [hbm4b:s1+s3], $0x4000, $0x38;
	[tilespmem:$0x17D00] =	vst v63  }
0x16: {  	_ =	swait.ge [sflag:s21], $0x4000  }
0x17: {  	[sflag:s21] =	ssyncset.done $0x0  }
0x18: {  	[sflag:s21] =	ssyncadd.s32 $0xFFFFC000  }
0x19: {  	[spmem:s8] =	stream.linear.scatter [tilespmem:s20], [sflag:$0x2], $0x4000, $0x38;
	[tilespmem:$0x17D00] =	vst v63  }
0x1a: {  	_ =	swait.ge [sflag:s21], $0x4000  }
0x1b: {  	[sflag:s21] =	ssyncset.done $0x0  }
0x1c: {  	[sflag:s21] =	ssyncadd.s32 $0xFFFFC000  }
0x1d: {  	[spmem:s9] =	stream.linear.scatter [tilespmem:s20], [sflag:$0x2], $0x4000, $0x38;
	[tilespmem:$0x17D00] =	vst v63  }
0x1e: {  	_ =	swait.ge [sflag:s21], $0x4000  }
0x1f: {  	[sflag:s21] =	ssyncset.done $0x0  }
0x20: {  	[sflag:s21] =	ssyncadd.s32 $0xFFFFC000  }
0x21: {  	[spmem:s10] =	stream.linear.scatter [tilespmem:s20], [sflag:$0x2], $0x4000, $0x38;
	[tilespmem:$0x17D00] =	vst v63  }
0x22: {  	_ =	swait.ge [sflag:s21], $0x4000  }
0x23: {  	[sflag:s21] =	ssyncset.done $0x0  }
0x24: {  	[sflag:s21] =	ssyncadd.s32 $0xFFFFC000  }
0x25: {  	[spmem:s11] =	stream.linear.scatter [tilespmem:s20], [sflag:$0x2], $0x4000, $0x38;
	[tilespmem:$0x17D00] =	vst v63  }
0x26: {  	_ =	swait.ge [sflag:s21], $0x4000  }
0x27: {  	[sflag:s21] =	ssyncset.done $0x0  }
0x28: {  	s25 =	sand.u32 $0x3C00, s3;
	[sflag:s21] =	ssyncadd.s32 $0xFFFFC000  }
0x29: {  	[spmem:s12] =	stream.linear.scatter [tilespmem:s20], [sflag:$0x2], $0x3C00, $0x38;
	[tilespmem:$0x17D00] =	vst v63  }
0x2a: {  	s26 =	sand.u32 $0x380, s3;
	s25 =	sadd.s32 s13, s25;
	_ =	swait.ge [sflag:s21], $0x3C00  }
0x2b: {  	s25 =	sor.u32 s26, s25;
	[sflag:s21] =	ssyncset.done $0x0  }
0x2c: {  	s25 =	sshrl.u32 s25, $0x3;
	[sflag:s21] =	ssyncadd.s32 $0xFFFFC400  }
0x2d: {  	s29 =	sadd.s32 s6, s25;
	[bflag:$0x0] =	sbarrier.arrive $0xFFFF  }
0x2e: {  	[tilespmem:s3], [sflag:$0x2] =	stream.linear.gather [hbm4b:s29+s3], $0x80, $0x38;
	[tilespmem:$0x17D00] =	vst v63  }
0x2f: {  	_ =	swait.ge [sflag:s21], $0x80  }
0x30: {  	[sflag:s21] =	ssyncset.done $0x0  }
0x31: {  	[sflag:s21] =	ssyncadd.s32 $0xFFFFFF80  }
0x32: {  	[tilespmem:s20], [sflag:$0x1] =	stream.indirect.gather [hbm4b:s5+s22], $0x80, s3, s22, $0xb8;
	[tilespmem:$0x17D00] =	vst v63  }
0x33: {  	s25 =	sadd.s32 s7, s25  }
0x34: {  	[tilespmem:s22], [sflag:$0x2] =	stream.linear.gather [hbm4b:s25+s3], $0x80, $0x38;
	[tilespmem:$0x17D00] =	vst v63  }
0x35: {  	_ =	swait.ge [sflag:s21], $0x80  }
0x36: {  	s30 =	simm.s32 $0x80;
	[sflag:s21] =	ssyncset.done $0x0  }
0x37: {  	s31 =	sand.u32 $0x3C00, s30;
	[sflag:s21] =	ssyncadd.s32 $0xFFFFFF80  }
0x38: {  	s26 =	sadd.s32 s13, s31;
	s25 =	sand.u32 $0x380, s30;
	_ =	swait.ge [sflag:s23], $0x4000  }
0x39: {  	s26 =	sor.u32 s25, s26;
	[sflag:s23] =	ssyncset.done $0x0  }
0x3a: {  	s25 =	simm.s32 $0x100;
	s26 =	sshrl.u32 s26, $0x3;
	[sflag:s23] =	ssyncadd.s32 $0xFFFFC000  }
.LBB2_2:
0x3b: {  	[spmem:s2] =	stream.indirect.scatter.add.f32 [tilespmem:s20], [sflag:$0x2], $0x80, s22, s22, $0xb8;
	[tilespmem:$0x17D00] =	vst v63  }
0x3c: {  	s28 =	smov.u32 s25  }
0x3d: {  	p0 =	sne.s32 s25, $0x2700;
	s25 =	sadd.s32 $0x80, s25;
	_ =	swait.ge [sflag:s21], $0x4000  }
0x3e: {  	[sflag:s21] =	ssyncset.done $0x0  }
0x3f: {  	s29 =	sadd.s32 s6, s26;
	[sflag:s21] =	ssyncadd.s32 $0xFFFFC000  }
0x40: {  	[tilespmem:s3], [sflag:$0x2] =	stream.linear.gather [hbm4b:s29+s3], $0x80, $0x38;
	[tilespmem:$0x17D00] =	vst v63  }
0x41: {  	_ =	swait.ge [sflag:s21], $0x80  }
0x42: {  	[sflag:s21] =	ssyncset.done $0x0  }
0x43: {  	[sflag:s21] =	ssyncadd.s32 $0xFFFFFF80  }
0x44: {  	[tilespmem:s20], [sflag:$0x1] =	stream.indirect.gather [hbm4b:s5+s22], $0x80, s3, s22, $0xb8;
	[tilespmem:$0x17D00] =	vst v63  }
0x45: {  	s26 =	sadd.s32 s7, s26  }
0x46: {  	[tilespmem:s22], [sflag:$0x2] =	stream.linear.gather [hbm4b:s26+s3], $0x80, $0x38;
	[tilespmem:$0x17D00] =	vst v63  }
0x47: {  	_ =	swait.ge [sflag:s21], $0x80  }
.Ltmp0:
0x48: {  	[sflag:s21] =	ssyncset.done $0x0;
	(pc) =	sbr.rel @p0 .LBB2_2-.Ltmp0, $4  }
0x49: {  	s26 =	sand.u32 $0x3C00, s28;
	[sflag:s21] =	ssyncadd.s32 $0xFFFFFF80  }
0x4a: {  	s28 =	sand.u32 $0x380, s28;
	s26 =	sadd.s32 s13, s26;
	_ =	swait.ge [sflag:s23], $0x4000  }
0x4b: {  	s26 =	sor.u32 s28, s26;
	[sflag:s23] =	ssyncset.done $0x0  }
0x4c: {  	s26 =	sshrl.u32 s26, $0x3;
	[sflag:s23] =	ssyncadd.s32 $0xFFFFC000  }
0x4d: {  	[spmem:s2] =	stream.indirect.scatter.add.f32 [tilespmem:s20], [sflag:$0x2], $0x80, s22, s22, $0xb8;
	[tilespmem:$0x17D00] =	vst v63  }
0x4e: {  	_ =	swait.ge [sflag:s21], $0x4000  }
0x4f: {  	[sflag:s21] =	ssyncset.done $0x0  }
0x50: {  	s25 =	sadd.s32 s6, s26;
	[sflag:s21] =	ssyncadd.s32 $0xFFFFC000  }
0x51: {  	[tilespmem:s3], [sflag:$0x2] =	stream.linear.gather [hbm4b:s25+s3], $0x80, $0x38;
	[tilespmem:$0x17D00] =	vst v63  }
0x52: {  	_ =	swait.ge [sflag:s21], $0x80  }
0x53: {  	[sflag:s21] =	ssyncset.done $0x0  }
0x54: {  	[sflag:s21] =	ssyncadd.s32 $0xFFFFFF80  }
0x55: {  	[tilespmem:s20], [sflag:$0x1] =	stream.indirect.gather [hbm4b:s5+s22], $0x80, s3, s22, $0xb8;
	[tilespmem:$0x17D00] =	vst v63  }
0x56: {  	s31 =	sadd.s32 s7, s26  }
0x57: {  	[tilespmem:s22], [sflag:$0x2] =	stream.linear.gather [hbm4b:s31+s3], $0x80, $0x38;
	[tilespmem:$0x17D00] =	vst v63  }
0x58: {  	_ =	swait.ge [sflag:s21], $0x80  }
0x59: {  	[sflag:s21] =	ssyncset.done $0x0  }
0x5a: {  	[sflag:s21] =	ssyncadd.s32 $0xFFFFFF80  }
0x5b: {  	_ =	swait.ge [sflag:s23], $0x4000  }
0x5c: {  	[sflag:s23] =	ssyncset.done $0x0  }
0x5d: {  	[sflag:s23] =	ssyncadd.s32 $0xFFFFC000  }
0x5e: {  	[spmem:s2] =	stream.indirect.scatter.add.f32 [tilespmem:s20], [sflag:$0x2], $0x80, s22, s22, $0xb8;
	[tilespmem:$0x17D00] =	vst v63  }
0x5f: {  	_ =	swait.ge [sflag:s21], $0x4000  }
0x60: {  	[sflag:s21] =	ssyncset.done $0x0  }
0x61: {  	[sflag:s21] =	ssyncadd.s32 $0xFFFFC000  }
0x62: {  	[bflag:$0x0] =	sbarrier.arrive $0xFFFF  }
0x63: {  	[tilespmem:s20], [sflag:$0x2] =	stream.linear.gather [spmem:s8], $0x4000, $0x38;
	[tilespmem:$0x17D00] =	vst v63  }
0x64: {  	_ =	swait.ge [sflag:s21], $0x4000  }
0x65: {  	[sflag:s21] =	ssyncset.done $0x0  }
0x66: {  	[sflag:s21] =	ssyncadd.s32 $0xFFFFC000  }
0x67: {  	[hbm4b:s14+s3] =	stream.linear.scatter [tilespmem:s20], [sflag:$0x2], $0x4000, $0x38;
	[tilespmem:$0x17D00] =	vst v63  }
0x68: {  	_ =	swait.ge [sflag:s21], $0x4000  }
0x69: {  	[sflag:s21] =	ssyncset.done $0x0  }
0x6a: {  	[sflag:s21] =	ssyncadd.s32 $0xFFFFC000  }
0x6b: {  	[tilespmem:s20], [sflag:$0x2] =	stream.linear.gather [spmem:s9], $0x4000, $0x38;
	[tilespmem:$0x17D00] =	vst v63  }
0x6c: {  	_ =	swait.ge [sflag:s21], $0x4000  }
0x6d: {  	[sflag:s21] =	ssyncset.done $0x0  }
0x6e: {  	[sflag:s21] =	ssyncadd.s32 $0xFFFFC000  }
0x6f: {  	[hbm4b:s15+s3] =	stream.linear.scatter [tilespmem:s20], [sflag:$0x2], $0x4000, $0x38;
	[tilespmem:$0x17D00] =	vst v63  }
0x70: {  	_ =	swait.ge [sflag:s21], $0x4000  }
0x71: {  	[sflag:s21] =	ssyncset.done $0x0  }
0x72: {  	[sflag:s21] =	ssyncadd.s32 $0xFFFFC000  }
0x73: {  	[tilespmem:s20], [sflag:$0x2] =	stream.linear.gather [spmem:s10], $0x4000, $0x38;
	[tilespmem:$0x17D00] =	vst v63  }
0x74: {  	_ =	swait.ge [sflag:s21], $0x4000  }
0x75: {  	[sflag:s21] =	ssyncset.done $0x0  }
0x76: {  	[sflag:s21] =	ssyncadd.s32 $0xFFFFC000  }
0x77: {  	[hbm4b:s16+s3] =	stream.linear.scatter [tilespmem:s20], [sflag:$0x2], $0x4000, $0x38;
	[tilespmem:$0x17D00] =	vst v63  }
0x78: {  	_ =	swait.ge [sflag:s21], $0x4000  }
0x79: {  	[sflag:s21] =	ssyncset.done $0x0  }
0x7a: {  	[sflag:s21] =	ssyncadd.s32 $0xFFFFC000  }
0x7b: {  	[tilespmem:s20], [sflag:$0x2] =	stream.linear.gather [spmem:s11], $0x4000, $0x38;
	[tilespmem:$0x17D00] =	vst v63  }
0x7c: {  	_ =	swait.ge [sflag:s21], $0x4000  }
0x7d: {  	[sflag:s21] =	ssyncset.done $0x0  }
0x7e: {  	[sflag:s21] =	ssyncadd.s32 $0xFFFFC000  }
0x7f: {  	[hbm4b:s17+s3] =	stream.linear.scatter [tilespmem:s20], [sflag:$0x2], $0x4000, $0x38;
	[tilespmem:$0x17D00] =	vst v63  }
0x80: {  	_ =	swait.ge [sflag:s21], $0x4000  }
0x81: {  	[sflag:s21] =	ssyncset.done $0x0  }
0x82: {  	[sflag:s21] =	ssyncadd.s32 $0xFFFFC000  }
0x83: {  	[tilespmem:s20], [sflag:$0x2] =	stream.linear.gather [spmem:s12], $0x3C00, $0x38;
	[tilespmem:$0x17D00] =	vst v63  }
0x84: {  	s24 =	sadd.s32 $0x1, s24;
	_ =	swait.ge [sflag:s21], $0x3C00  }
0x85: {  	p0 =	sne.s32 s24, s19;
	[sflag:s21] =	ssyncset.done $0x0  }
.Ltmp1:
0x86: {  	[sflag:s21] =	ssyncadd.s32 $0xFFFFC400;
	(pc) =	sbr.rel @p0 .LBB2_1-.Ltmp1, $4  }
0x87: {  	[hbm4b:s18+s3] =	stream.linear.scatter [tilespmem:s20], [sflag:$0x2], $0x3C00, $0x38;
	[tilespmem:$0x17D00] =	vst v63  }
0x88: {  	_ =	swait.ge [sflag:s21], $0x3C00  }
0x89: {  	[sflag:s21] =	ssyncset.done $0x0  }
0x8a: {  	[sflag:s21] =	ssyncadd.s32 $0xFFFFC400  }
0x8b: {  	_ =	sfence.sel $0x180000  }
0x8c: {  	[bflag:$0x0] =	sbarrier.arrive $0xFFFF  }
0x8d: {  	p0 =	sne.s32 s4, $0x0;
	_ =	strace $0x90000053  }
0x8e: {  	s0 =	sadd.s32 @!p0 $0x100000, s0;
	[bflag:$0x2] =	sbarrier.arrive $0xFFFF  }
0x8f: {  	[sflag:s0] =	ssyncadd.tile.s32 @!p0 $0x1;
	_ =	shalt  }
.Lfunc_end2:
_tile_overlayer_lowered:
.L_overlay_start_2:
0x90: {  	(tag) =	ssettag $0x2  }
0x91: {  	s0 =	rddreg [dreg:$0x0];
	s2 =	stileid.u32  }
0x92: {  	s1 =	rddreg [dreg:$0x1];
	p0 =	sne.s32 s2, $0x0  }
0x93: {  	s3 =	rddreg [dreg:$0x2];
	[bflag:$0x3] =	sbarrier.arrive $0xFFFF;
	s2 =	simm.s32 @!p0 $0x1C02  }
0x94: {  	[timem:s3], [sflag:s2] =	dma.local @!p0 [hbm:s0], s1  }
0x95: {  	s0 =	simm.s32 @!p0 $0x2  }
0x96: {  	_ =	swait.ge @!p0 [sflag:s0], s1  }
0x97: {  	s1 =	ssub.s32 @!p0 $0x0, s1;
	[sflag:s0] =	ssyncset.done @!p0 $0x0  }
0x98: {  	[sflag:s0] =	ssyncadd.s32 @!p0 s1  }
0x99: {  	[bflag:$0x3] =	sbarrier.arrive $0xFFFF  }
0x9a: {  	_ =	shalt  }

</sc_bundles>
